<compile_context>
chip_gen: v7x
topology: tpu7x:2x2x1
jax: 0.10.2.dev20260603
libtpu: 0.0.44.dev20260713+nightly
codegen_flags: <defaults>
</compile_context>

<pallas_src>
import jax
import jax.numpy as jnp
from jax import lax
from jax.experimental import pallas as pl
from jax.experimental.pallas import tpu as pltpu
from jax.experimental.pallas import tpu_sc as plsc

BATCH = 4096
SEQ = 200
DIM = 32
OD = 2 * DIM
N = BATCH * SEQ
NC, NS = 2, 16
NW = NC * NS
CHUNK = 128
IDX_BLK = 8
RING = 8
SB_PER_W = SEQ // IDX_BLK


def _body(idx_hbm, wr_hbm, wi_hbm, out_hbm, idx_v, real_v, imag_v, stage_v,
          sem_i, sem_g, sem_o):
    wid = lax.axis_index("s") * NC + lax.axis_index("c")
    b0 = wid * CHUNK

    iota = lax.iota(jnp.int32, 16)
    dvec = [iota, iota + 16]

    def fetch_idx(sb, slot):
        return pltpu.async_copy(
            idx_hbm.at[pl.ds(sb * IDX_BLK, IDX_BLK), pl.ds(b0, CHUNK)],
            idx_v.at[slot], sem_i.at[slot])

    def gather(sb_slot, j):
        pltpu.async_copy(wr_hbm.at[idx_v.at[sb_slot, j]],
                         real_v.at[j], sem_g.at[j])
        pltpu.async_copy(wi_hbm.at[idx_v.at[sb_slot, j]],
                         imag_v.at[j], sem_g.at[j])

    def wait_gather(sb_slot, j):
        pltpu.make_async_copy(wr_hbm.at[idx_v.at[sb_slot, j]],
                              real_v.at[j], sem_g.at[j]).wait()
        pltpu.make_async_copy(wi_hbm.at[idx_v.at[sb_slot, j]],
                              imag_v.at[j], sem_g.at[j]).wait()

    def interleave(j, oslot):
        def toks(bg, _):
            for k in range(2):
                bl = bg * 2 + k
                c0 = jnp.full((16,), 0, jnp.int32) + bl
                c1 = c0 + 128
                for h in range(2):
                    ra = real_v[j, bl, pl.ds(16 * h, 16)]
                    ia = imag_v[j, bl, pl.ds(16 * h, 16)]
                    plsc.store_scatter(stage_v.at[oslot], [dvec[h], c0], ra)
                    plsc.store_scatter(stage_v.at[oslot], [dvec[h], c1], ia)
            return 0
        lax.fori_loop(0, CHUNK // 2, toks, 0, unroll=2)

    def out_slab(s):
        return out_hbm.at[s, :, wid, :]

    def stage_slab(oslot):
        return stage_v.at[oslot, :, pl.ds(0, 2 * CHUNK)]

    def drain_out(s, oslot):
        pltpu.make_async_copy(stage_slab(oslot), out_slab(s),
                              sem_o.at[oslot]).wait()

    fetch_idx(0, 0).wait()
    for j in range(IDX_BLK):
        gather(0, j)
    fetch_idx(1, 1)

    def superblock(sb, _):
        sb_slot = sb & 1
        for j in range(IDX_BLK):
            wait_gather(sb_slot, j)
            oslot = j & 1
            @pl.when(jnp.logical_or(sb > 0, j >= 2))
            def _():
                jm2 = (j - 2) % IDX_BLK
                sbm = jnp.where(j >= 2, sb, sb - 1)
                drain_out(sbm * IDX_BLK + jm2, oslot)

            interleave(j, oslot)

            @pl.when(sb + 1 < SB_PER_W)
            def _():
                if j == 0:
                    pltpu.make_async_copy(
                        idx_hbm.at[pl.ds(0, IDX_BLK), pl.ds(b0, CHUNK)],
                        idx_v.at[1 - sb_slot], sem_i.at[1 - sb_slot]).wait()
                gather(1 - sb_slot, j)

            @pl.when(sb + 2 < SB_PER_W)
            def _():
                if j == IDX_BLK - 1:
                    fetch_idx(sb + 2, sb_slot)

            s = sb * IDX_BLK + j
            pltpu.async_copy(stage_slab(oslot), out_slab(s), sem_o.at[oslot])
        return 0

    lax.fori_loop(0, SB_PER_W, superblock, 0)

    for j in (IDX_BLK - 2, IDX_BLK - 1):
        drain_out((SB_PER_W - 1) * IDX_BLK + j, j & 1)


@jax.jit
def _dembed(idst, w_real, w_imag):
    mesh = plsc.VectorSubcoreMesh(core_axis_name="c", subcore_axis_name="s")
    f = pl.kernel(
        _body,
        out_type=jax.ShapeDtypeStruct((SEQ, DIM, NW, 2 * CHUNK), jnp.float32),
        mesh=mesh,
        scratch_types=[
            pltpu.VMEM((2, IDX_BLK, CHUNK), jnp.int32),
            pltpu.VMEM((RING, CHUNK, DIM), jnp.float32),
            pltpu.VMEM((RING, CHUNK, DIM), jnp.float32),
            pltpu.VMEM((2, DIM, 2 * CHUNK + 1), jnp.float32),
            pltpu.SemaphoreType.DMA((2,)),
            pltpu.SemaphoreType.DMA((RING,)),
            pltpu.SemaphoreType.DMA((2,)),
        ],
        compiler_params=pltpu.CompilerParams(
            needs_layout_passes=False, use_tc_tiling_on_sc=False),
    )
    return f(idst, w_real, w_imag)


def kernel(token_ids, W_real, W_imag):
    idst = jnp.transpose(token_ids)
    x = _dembed(idst, W_real, W_imag)
    x = x.reshape(SEQ, DIM, NW, 2, CHUNK)
    x = x.transpose(2, 4, 0, 1, 3)
    return x.reshape(BATCH, SEQ, DIM, 2)

# --- scband reference (transcript-rebuilt; emitter-appended) ---
"""Pipeline reference for scband-phase2-dembed-30975304139607 (READ-ONLY COPY).

The authoritative reference and input builder live on the scoring server;
editing this copy changes nothing except your own understanding.
"""

import jax, jax.numpy as jnp
import numpy as np

VOCAB = 1000000
DIM = 32
BATCH = 4096
SEQ = 200

def setup_inputs(seed: int = 0) -> dict:
    key = jax.random.key(seed)
    k_ids, k_real, k_imag = jax.random.split(key, 3)
    token_ids = jax.random.randint(k_ids, (BATCH, SEQ), 0, VOCAB, dtype=jnp.int64 if jax.config.jax_enable_x64 else jnp.int32)
    W_real = jax.random.normal(k_real, (VOCAB, DIM), dtype=jnp.float32) * 0.02
    W_imag = jax.random.normal(k_imag, (VOCAB, DIM), dtype=jnp.float32) * 0.01
    return {"token_ids": token_ids, "W_real": W_real, "W_imag": W_imag}

def reference(token_ids, W_real, W_imag):
    # real/imag embedding lookups (gather rows)
    real = jnp.take(W_real, token_ids, axis=0)  # [B, S, D]
    imag = jnp.take(W_imag, token_ids, axis=0)  # [B, S, D]
    # stack into Phase2D: [B, S, D, 2]
    return jnp.stack([real, imag], axis=-1)

if __name__ == "__main__":
    import jax
    _d = setup_inputs()
    print(jax.jit(kernel)(*tuple(_d.values())))

</pallas_src>

<mosaic_0001>
#map = affine_map<(d0, d1) -> (0, 0)>
#map1 = affine_map<(d0, d1) -> (0, 0, 0, 0)>
module attributes {stable_mosaic.version = 14 : i64} {
  func.func @_body(%arg0: i32, %arg1: i32, %arg2: memref<200x4096xi32, #tpu.memory_space<hbm>>, %arg3: memref<1000000x32xf32, #tpu.memory_space<hbm>>, %arg4: memref<1000000x32xf32, #tpu.memory_space<hbm>>, %arg5: memref<200x32x32x256xf32, #tpu.memory_space<hbm>>, %arg6: memref<2x8x128xi32, #tpu.memory_space<vmem>>, %arg7: memref<8x128x32xf32, #tpu.memory_space<vmem>>, %arg8: memref<8x128x32xf32, #tpu.memory_space<vmem>>, %arg9: memref<2x32x257xf32, #tpu.memory_space<vmem>>, %arg10: memref<2x!tpu.dma_semaphore, #tpu.memory_space<semaphore_mem>>, %arg11: memref<8x!tpu.dma_semaphore, #tpu.memory_space<semaphore_mem>>, %arg12: memref<2x!tpu.dma_semaphore, #tpu.memory_space<semaphore_mem>>) attributes {dimension_semantics = [#tpu.dimension_semantics<core_parallel>, #tpu.dimension_semantics<subcore_parallel>], iteration_bounds = array<i64: 2, 16>, scalar_prefetch = 0 : i64, scratch_operands = 7 : i64, tpu.core_type = #tpu.core_type<sc_vector_subcore>, window_params = [{transform_indices = #map}, {transform_indices = #map}, {transform_indices = #map}, {transform_indices = #map1}]} {
    %mul3A = arith.constant 2 : i32
    %mul3A_0 = arith.muli %arg1, %mul3A : i32
    %add3A = arith.addi %mul3A_0, %arg0 : i32
    %mul3A_1 = arith.constant 128 : i32
    %mul3A_2 = arith.muli %add3A, %mul3A_1 : i32
    %iota3A = tpu.iota {dimensions = array<i32: 0>} : vector<16xi32>
    %add3A_3 = arith.constant 16 : i32
    %add3A_4 = vector.broadcast %add3A_3 : i32 to vector<16xi32>
    %add3A_5 = arith.addi %iota3A, %add3A_4 : vector<16xi32>
    %dma_start3A = arith.constant 0 : i32
    %dma_start3A_6 = arith.constant 0 : i32
    %dma_start3A_7 = arith.constant 0 : i32
    %dma_start3A_8 = arith.constant 0 : i32
    %dma_start3A_9 = tpu.memref_slice %arg6[%dma_start3A, %dma_start3A_7, %dma_start3A_8] : memref<2x8x128xi32, #tpu.memory_space<vmem>> -> memref<1x8x128xi32, #tpu.memory_space<vmem>>
    %dma_start3A_10 = tpu.memref_squeeze %dma_start3A_9 : memref<1x8x128xi32, #tpu.memory_space<vmem>> -> memref<8x128xi32, #tpu.memory_space<vmem>>
    %dma_start3A_11 = arith.constant 0 : i32
    %dma_start3A_12 = tpu.memref_slice %arg2[%dma_start3A_11, %mul3A_2] : memref<200x4096xi32, #tpu.memory_space<hbm>> -> memref<8x128xi32, #tpu.memory_space<hbm>>
    %dma_start3A_13 = tpu.memref_slice %arg10[%dma_start3A_6] : memref<2x!tpu.dma_semaphore, #tpu.memory_space<semaphore_mem>> -> memref<1x!tpu.dma_semaphore, #tpu.memory_space<semaphore_mem>>
    %dma_start3A_14 = tpu.memref_squeeze %dma_start3A_13 : memref<1x!tpu.dma_semaphore, #tpu.memory_space<semaphore_mem>> -> memref<!tpu.dma_semaphore, #tpu.memory_space<semaphore_mem>>
    %dma_start3A_15 = arith.constant 0 : i32
    %dma_start3A_16 = arith.constant 0 : i32
    %dma_start3A_17 = tpu.memref_slice %arg6[%dma_start3A, %dma_start3A_15, %dma_start3A_16] : memref<2x8x128xi32, #tpu.memory_space<vmem>> -> memref<1x8x128xi32, #tpu.memory_space<vmem>>
    %dma_start3A_18 = tpu.memref_squeeze %dma_start3A_17 : memref<1x8x128xi32, #tpu.memory_space<vmem>> -> memref<8x128xi32, #tpu.memory_space<vmem>>
    %dma_start3A_19 = arith.constant 0 : i32
    %dma_start3A_20 = tpu.memref_slice %arg2[%dma_start3A_19, %mul3A_2] : memref<200x4096xi32, #tpu.memory_space<hbm>> -> memref<8x128xi32, #tpu.memory_space<hbm>>
    tpu.enqueue_dma source(%dma_start3A_20 : memref<8x128xi32, #tpu.memory_space<hbm>>) target(%dma_start3A_18 : memref<8x128xi32, #tpu.memory_space<vmem>>) target_semaphore(%dma_start3A_14 : memref<!tpu.dma_semaphore, #tpu.memory_space<semaphore_mem>>)
    %dma_wait3A = arith.constant 0 : i32
    %dma_wait3A_21 = arith.constant 0 : i32
    %dma_wait3A_22 = arith.constant 0 : i32
    %dma_wait3A_23 = arith.constant 0 : i32
    %dma_wait3A_24 = tpu.memref_slice %arg6[%dma_wait3A, %dma_wait3A_22, %dma_wait3A_23] : memref<2x8x128xi32, #tpu.memory_space<vmem>> -> memref<1x8x128xi32, #tpu.memory_space<vmem>>
    %dma_wait3A_25 = tpu.memref_squeeze %dma_wait3A_24 : memref<1x8x128xi32, #tpu.memory_space<vmem>> -> memref<8x128xi32, #tpu.memory_space<vmem>>
    %dma_wait3A_26 = arith.constant 0 : i32
    %dma_wait3A_27 = tpu.memref_slice %arg2[%dma_wait3A_26, %mul3A_2] : memref<200x4096xi32, #tpu.memory_space<hbm>> -> memref<8x128xi32, #tpu.memory_space<hbm>>
    %dma_wait3A_28 = tpu.memref_slice %arg10[%dma_wait3A_21] : memref<2x!tpu.dma_semaphore, #tpu.memory_space<semaphore_mem>> -> memref<1x!tpu.dma_semaphore, #tpu.memory_space<semaphore_mem>>
    %dma_wait3A_29 = tpu.memref_squeeze %dma_wait3A_28 : memref<1x!tpu.dma_semaphore, #tpu.memory_space<semaphore_mem>> -> memref<!tpu.dma_semaphore, #tpu.memory_space<semaphore_mem>>
    %dma_wait3A_30 = arith.constant 0 : i32
    %dma_wait3A_31 = arith.constant 0 : i32
    %dma_wait3A_32 = tpu.memref_slice %arg6[%dma_wait3A, %dma_wait3A_30, %dma_wait3A_31] : memref<2x8x128xi32, #tpu.memory_space<vmem>> -> memref<1x8x128xi32, #tpu.memory_space<vmem>>
    %dma_wait3A_33 = tpu.memref_squeeze %dma_wait3A_32 : memref<1x8x128xi32, #tpu.memory_space<vmem>> -> memref<8x128xi32, #tpu.memory_space<vmem>>
    %dma_wait3A_34 = arith.constant 0 : i32
    %dma_wait3A_35 = tpu.memref_slice %arg2[%dma_wait3A_34, %mul3A_2] : memref<200x4096xi32, #tpu.memory_space<hbm>> -> memref<8x128xi32, #tpu.memory_space<hbm>>
    tpu.wait_dma2 semaphore(%dma_wait3A_29 : memref<!tpu.dma_semaphore, #tpu.memory_space<semaphore_mem>>) src(%dma_wait3A_35 : memref<8x128xi32, #tpu.memory_space<hbm>>) dst(%dma_wait3A_33 : memref<8x128xi32, #tpu.memory_space<vmem>>)
    %dma_start3A_36 = arith.constant 0 : i32
    %dma_start3A_37 = arith.constant 0 : i32
    %dma_start3A_38 = arith.constant 0 : i32
    %dma_start3A_39 = arith.constant 0 : i32
    %dma_start3A_40 = arith.constant 0 : i32
    %dma_start3A_41 = arith.constant 0 : i32
    %dma_start3A_42 = tpu.memref_slice %arg7[%dma_start3A_38, %dma_start3A_40, %dma_start3A_41] : memref<8x128x32xf32, #tpu.memory_space<vmem>> -> memref<1x128x32xf32, #tpu.memory_space<vmem>>
    %dma_start3A_43 = tpu.memref_squeeze %dma_start3A_42 : memref<1x128x32xf32, #tpu.memory_space<vmem>> -> memref<128x32xf32, #tpu.memory_space<vmem>>
    %dma_start3A_44 = arith.constant 0 : i32
    %dma_start3A_45 = tpu.memref_slice %arg6[%dma_start3A_36, %dma_start3A_37, %dma_start3A_44] : memref<2x8x128xi32, #tpu.memory_space<vmem>> -> memref<1x1x128xi32, #tpu.memory_space<vmem>>
    %dma_start3A_46 = tpu.memref_squeeze %dma_start3A_45 : memref<1x1x128xi32, #tpu.memory_space<vmem>> -> memref<128xi32, #tpu.memory_space<vmem>>
    %dma_start3A_47 = arith.constant 0 : i32
    %dma_start3A_48 = arith.constant 0 : i32
    %dma_start3A_49 = tpu.memref_slice %arg3[%dma_start3A_47, %dma_start3A_48] : memref<1000000x32xf32, #tpu.memory_space<hbm>> -> memref<1000000x32xf32, #tpu.memory_space<hbm>>
    %dma_start3A_50 = tpu.memref_slice %arg11[%dma_start3A_39] : memref<8x!tpu.dma_semaphore, #tpu.memory_space<semaphore_mem>> -> memref<1x!tpu.dma_semaphore, #tpu.memory_space<semaphore_mem>>
    %dma_start3A_51 = tpu.memref_squeeze %dma_start3A_50 : memref<1x!tpu.dma_semaphore, #tpu.memory_space<semaphore_mem>> -> memref<!tpu.dma_semaphore, #tpu.memory_space<semaphore_mem>>
    tpu.enqueue_indirect_dma source(%dma_start3A_49 : memref<1000000x32xf32, #tpu.memory_space<hbm>>) target(%dma_start3A_43 : memref<128x32xf32, #tpu.memory_space<vmem>>) offsets(%dma_start3A_46 : memref<128xi32, #tpu.memory_space<vmem>>) semaphore(%dma_start3A_51 : memref<!tpu.dma_semaphore, #tpu.memory_space<semaphore_mem>>)
    %dma_start3A_52 = arith.constant 0 : i32
    %dma_start3A_53 = arith.constant 0 : i32
    %dma_start3A_54 = arith.constant 0 : i32
    %dma_start3A_55 = arith.constant 0 : i32
    %dma_start3A_56 = arith.constant 0 : i32
    %dma_start3A_57 = arith.constant 0 : i32
    %dma_start3A_58 = tpu.memref_slice %arg8[%dma_start3A_54, %dma_start3A_56, %dma_start3A_57] : memref<8x128x32xf32, #tpu.memory_space<vmem>> -> memref<1x128x32xf32, #tpu.memory_space<vmem>>
    %dma_start3A_59 = tpu.memref_squeeze %dma_start3A_58 : memref<1x128x32xf32, #tpu.memory_space<vmem>> -> memref<128x32xf32, #tpu.memory_space<vmem>>
    %dma_start3A_60 = arith.constant 0 : i32
    %dma_start3A_61 = tpu.memref_slice %arg6[%dma_start3A_52, %dma_start3A_53, %dma_start3A_60] : memref<2x8x128xi32, #tpu.memory_space<vmem>> -> memref<1x1x128xi32, #tpu.memory_space<vmem>>
    %dma_start3A_62 = tpu.memref_squeeze %dma_start3A_61 : memref<1x1x128xi32, #tpu.memory_space<vmem>> -> memref<128xi32, #tpu.memory_space<vmem>>
    %dma_start3A_63 = arith.constant 0 : i32
    %dma_start3A_64 = arith.constant 0 : i32
    %dma_start3A_65 = tpu.memref_slice %arg4[%dma_start3A_63, %dma_start3A_64] : memref<1000000x32xf32, #tpu.memory_space<hbm>> -> memref<1000000x32xf32, #tpu.memory_space<hbm>>
    %dma_start3A_66 = tpu.memref_slice %arg11[%dma_start3A_55] : memref<8x!tpu.dma_semaphore, #tpu.memory_space<semaphore_mem>> -> memref<1x!tpu.dma_semaphore, #tpu.memory_space<semaphore_mem>>
    %dma_start3A_67 = tpu.memref_squeeze %dma_start3A_66 : memref<1x!tpu.dma_semaphore, #tpu.memory_space<semaphore_mem>> -> memref<!tpu.dma_semaphore, #tpu.memory_space<semaphore_mem>>
    tpu.enqueue_indirect_dma source(%dma_start3A_65 : memref<1000000x32xf32, #tpu.memory_space<hbm>>) target(%dma_start3A_59 : memref<128x32xf32, #tpu.memory_space<vmem>>) offsets(%dma_start3A_62 : memref<128xi32, #tpu.memory_space<vmem>>) semaphore(%dma_start3A_67 : memref<!tpu.dma_semaphore, #tpu.memory_space<semaphore_mem>>)
    %dma_start3A_68 = arith.constant 0 : i32
    %dma_start3A_69 = arith.constant 1 : i32
    %dma_start3A_70 = arith.constant 1 : i32
    %dma_start3A_71 = arith.constant 1 : i32
    %dma_start3A_72 = arith.constant 0 : i32
    %dma_start3A_73 = arith.constant 0 : i32
    %dma_start3A_74 = tpu.memref_slice %arg7[%dma_start3A_70, %dma_start3A_72, %dma_start3A_73] : memref<8x128x32xf32, #tpu.memory_space<vmem>> -> memref<1x128x32xf32, #tpu.memory_space<vmem>>
    %dma_start3A_75 = tpu.memref_squeeze %dma_start3A_74 : memref<1x128x32xf32, #tpu.memory_space<vmem>> -> memref<128x32xf32, #tpu.memory_space<vmem>>
    %dma_start3A_76 = arith.constant 0 : i32
    %dma_start3A_77 = tpu.memref_slice %arg6[%dma_start3A_68, %dma_start3A_69, %dma_start3A_76] : memref<2x8x128xi32, #tpu.memory_space<vmem>> -> memref<1x1x128xi32, #tpu.memory_space<vmem>>
    %dma_start3A_78 = tpu.memref_squeeze %dma_start3A_77 : memref<1x1x128xi32, #tpu.memory_space<vmem>> -> memref<128xi32, #tpu.memory_space<vmem>>
    %dma_start3A_79 = arith.constant 0 : i32
    %dma_start3A_80 = arith.constant 0 : i32
    %dma_start3A_81 = tpu.memref_slice %arg3[%dma_start3A_79, %dma_start3A_80] : memref<1000000x32xf32, #tpu.memory_space<hbm>> -> memref<1000000x32xf32, #tpu.memory_space<hbm>>
    %dma_start3A_82 = tpu.memref_slice %arg11[%dma_start3A_71] : memref<8x!tpu.dma_semaphore, #tpu.memory_space<semaphore_mem>> -> memref<1x!tpu.dma_semaphore, #tpu.memory_space<semaphore_mem>>
    %dma_start3A_83 = tpu.memref_squeeze %dma_start3A_82 : memref<1x!tpu.dma_semaphore, #tpu.memory_space<semaphore_mem>> -> memref<!tpu.dma_semaphore, #tpu.memory_space<semaphore_mem>>
    tpu.enqueue_indirect_dma source(%dma_start3A_81 : memref<1000000x32xf32, #tpu.memory_space<hbm>>) target(%dma_start3A_75 : memref<128x32xf32, #tpu.memory_space<vmem>>) offsets(%dma_start3A_78 : memref<128xi32, #tpu.memory_space<vmem>>) semaphore(%dma_start3A_83 : memref<!tpu.dma_semaphore, #tpu.memory_space<semaphore_mem>>)
    %dma_start3A_84 = arith.constant 0 : i32
    %dma_start3A_85 = arith.constant 1 : i32
    %dma_start3A_86 = arith.constant 1 : i32
    %dma_start3A_87 = arith.constant 1 : i32
    %dma_start3A_88 = arith.constant 0 : i32
    %dma_start3A_89 = arith.constant 0 : i32
    %dma_start3A_90 = tpu.memref_slice %arg8[%dma_start3A_86, %dma_start3A_88, %dma_start3A_89] : memref<8x128x32xf32, #tpu.memory_space<vmem>> -> memref<1x128x32xf32, #tpu.memory_space<vmem>>
    %dma_start3A_91 = tpu.memref_squeeze %dma_start3A_90 : memref<1x128x32xf32, #tpu.memory_space<vmem>> -> memref<128x32xf32, #tpu.memory_space<vmem>>
    %dma_start3A_92 = arith.constant 0 : i32
    %dma_start3A_93 = tpu.memref_slice %arg6[%dma_start3A_84, %dma_start3A_85, %dma_start3A_92] : memref<2x8x128xi32, #tpu.memory_space<vmem>> -> memref<1x1x128xi32, #tpu.memory_space<vmem>>
    %dma_start3A_94 = tpu.memref_squeeze %dma_start3A_93 : memref<1x1x128xi32, #tpu.memory_space<vmem>> -> memref<128xi32, #tpu.memory_space<vmem>>
    %dma_start3A_95 = arith.constant 0 : i32
    %dma_start3A_96 = arith.constant 0 : i32
    %dma_start3A_97 = tpu.memref_slice %arg4[%dma_start3A_95, %dma_start3A_96] : memref<1000000x32xf32, #tpu.memory_space<hbm>> -> memref<1000000x32xf32, #tpu.memory_space<hbm>>
    %dma_start3A_98 = tpu.memref_slice %arg11[%dma_start3A_87] : memref<8x!tpu.dma_semaphore, #tpu.memory_space<semaphore_mem>> -> memref<1x!tpu.dma_semaphore, #tpu.memory_space<semaphore_mem>>
    %dma_start3A_99 = tpu.memref_squeeze %dma_start3A_98 : memref<1x!tpu.dma_semaphore, #tpu.memory_space<semaphore_mem>> -> memref<!tpu.dma_semaphore, #tpu.memory_space<semaphore_mem>>
    tpu.enqueue_indirect_dma source(%dma_start3A_97 : memref<1000000x32xf32, #tpu.memory_space<hbm>>) target(%dma_start3A_91 : memref<128x32xf32, #tpu.memory_space<vmem>>) offsets(%dma_start3A_94 : memref<128xi32, #tpu.memory_space<vmem>>) semaphore(%dma_start3A_99 : memref<!tpu.dma_semaphore, #tpu.memory_space<semaphore_mem>>)
    %dma_start3A_100 = arith.constant 0 : i32
    %dma_start3A_101 = arith.constant 2 : i32
    %dma_start3A_102 = arith.constant 2 : i32
    %dma_start3A_103 = arith.constant 2 : i32
    %dma_start3A_104 = arith.constant 0 : i32
    %dma_start3A_105 = arith.constant 0 : i32
    %dma_start3A_106 = tpu.memref_slice %arg7[%dma_start3A_102, %dma_start3A_104, %dma_start3A_105] : memref<8x128x32xf32, #tpu.memory_space<vmem>> -> memref<1x128x32xf32, #tpu.memory_space<vmem>>
    %dma_start3A_107 = tpu.memref_squeeze %dma_start3A_106 : memref<1x128x32xf32, #tpu.memory_space<vmem>> -> memref<128x32xf32, #tpu.memory_space<vmem>>
    %dma_start3A_108 = arith.constant 0 : i32
    %dma_start3A_109 = tpu.memref_slice %arg6[%dma_start3A_100, %dma_start3A_101, %dma_start3A_108] : memref<2x8x128xi32, #tpu.memory_space<vmem>> -> memref<1x1x128xi32, #tpu.memory_space<vmem>>
    %dma_start3A_110 = tpu.memref_squeeze %dma_start3A_109 : memref<1x1x128xi32, #tpu.memory_space<vmem>> -> memref<128xi32, #tpu.memory_space<vmem>>
    %dma_start3A_111 = arith.constant 0 : i32
    %dma_start3A_112 = arith.constant 0 : i32
    %dma_start3A_113 = tpu.memref_slice %arg3[%dma_start3A_111, %dma_start3A_112] : memref<1000000x32xf32, #tpu.memory_space<hbm>> -> memref<1000000x32xf32, #tpu.memory_space<hbm>>
    %dma_start3A_114 = tpu.memref_slice %arg11[%dma_start3A_103] : memref<8x!tpu.dma_semaphore, #tpu.memory_space<semaphore_mem>> -> memref<1x!tpu.dma_semaphore, #tpu.memory_space<semaphore_mem>>
    %dma_start3A_115 = tpu.memref_squeeze %dma_start3A_114 : memref<1x!tpu.dma_semaphore, #tpu.memory_space<semaphore_mem>> -> memref<!tpu.dma_semaphore, #tpu.memory_space<semaphore_mem>>
    tpu.enqueue_indirect_dma source(%dma_start3A_113 : memref<1000000x32xf32, #tpu.memory_space<hbm>>) target(%dma_start3A_107 : memref<128x32xf32, #tpu.memory_space<vmem>>) offsets(%dma_start3A_110 : memref<128xi32, #tpu.memory_space<vmem>>) semaphore(%dma_start3A_115 : memref<!tpu.dma_semaphore, #tpu.memory_space<semaphore_mem>>)
    %dma_start3A_116 = arith.constant 0 : i32
    %dma_start3A_117 = arith.constant 2 : i32
    %dma_start3A_118 = arith.constant 2 : i32
    %dma_start3A_119 = arith.constant 2 : i32
    %dma_start3A_120 = arith.constant 0 : i32
    %dma_start3A_121 = arith.constant 0 : i32
    %dma_start3A_122 = tpu.memref_slice %arg8[%dma_start3A_118, %dma_start3A_120, %dma_start3A_121] : memref<8x128x32xf32, #tpu.memory_space<vmem>> -> memref<1x128x32xf32, #tpu.memory_space<vmem>>
    %dma_start3A_123 = tpu.memref_squeeze %dma_start3A_122 : memref<1x128x32xf32, #tpu.memory_space<vmem>> -> memref<128x32xf32, #tpu.memory_space<vmem>>
    %dma_start3A_124 = arith.constant 0 : i32
    %dma_start3A_125 = tpu.memref_slice %arg6[%dma_start3A_116, %dma_start3A_117, %dma_start3A_124] : memref<2x8x128xi32, #tpu.memory_space<vmem>> -> memref<1x1x128xi32, #tpu.memory_space<vmem>>
    %dma_start3A_126 = tpu.memref_squeeze %dma_start3A_125 : memref<1x1x128xi32, #tpu.memory_space<vmem>> -> memref<128xi32, #tpu.memory_space<vmem>>
    %dma_start3A_127 = arith.constant 0 : i32
    %dma_start3A_128 = arith.constant 0 : i32
    %dma_start3A_129 = tpu.memref_slice %arg4[%dma_start3A_127, %dma_start3A_128] : memref<1000000x32xf32, #tpu.memory_space<hbm>> -> memref<1000000x32xf32, #tpu.memory_space<hbm>>
    %dma_start3A_130 = tpu.memref_slice %arg11[%dma_start3A_119] : memref<8x!tpu.dma_semaphore, #tpu.memory_space<semaphore_mem>> -> memref<1x!tpu.dma_semaphore, #tpu.memory_space<semaphore_mem>>
    %dma_start3A_131 = tpu.memref_squeeze %dma_start3A_130 : memref<1x!tpu.dma_semaphore, #tpu.memory_space<semaphore_mem>> -> memref<!tpu.dma_semaphore, #tpu.memory_space<semaphore_mem>>
    tpu.enqueue_indirect_dma source(%dma_start3A_129 : memref<1000000x32xf32, #tpu.memory_space<hbm>>) target(%dma_start3A_123 : memref<128x32xf32, #tpu.memory_space<vmem>>) offsets(%dma_start3A_126 : memref<128xi32, #tpu.memory_space<vmem>>) semaphore(%dma_start3A_131 : memref<!tpu.dma_semaphore, #tpu.memory_space<semaphore_mem>>)
    %dma_start3A_132 = arith.constant 0 : i32
    %dma_start3A_133 = arith.constant 3 : i32
    %dma_start3A_134 = arith.constant 3 : i32
    %dma_start3A_135 = arith.constant 3 : i32
    %dma_start3A_136 = arith.constant 0 : i32
    %dma_start3A_137 = arith.constant 0 : i32
    %dma_start3A_138 = tpu.memref_slice %arg7[%dma_start3A_134, %dma_start3A_136, %dma_start3A_137] : memref<8x128x32xf32, #tpu.memory_space<vmem>> -> memref<1x128x32xf32, #tpu.memory_space<vmem>>
    %dma_start3A_139 = tpu.memref_squeeze %dma_start3A_138 : memref<1x128x32xf32, #tpu.memory_space<vmem>> -> memref<128x32xf32, #tpu.memory_space<vmem>>
    %dma_start3A_140 = arith.constant 0 : i32
    %dma_start3A_141 = tpu.memref_slice %arg6[%dma_start3A_132, %dma_start3A_133, %dma_start3A_140] : memref<2x8x128xi32, #tpu.memory_space<vmem>> -> memref<1x1x128xi32, #tpu.memory_space<vmem>>
    %dma_start3A_142 = tpu.memref_squeeze %dma_start3A_141 : memref<1x1x128xi32, #tpu.memory_space<vmem>> -> memref<128xi32, #tpu.memory_space<vmem>>
    %dma_start3A_143 = arith.constant 0 : i32
    %dma_start3A_144 = arith.constant 0 : i32
    %dma_start3A_145 = tpu.memref_slice %arg3[%dma_start3A_143, %dma_start3A_144] : memref<1000000x32xf32, #tpu.memory_space<hbm>> -> memref<1000000x32xf32, #tpu.memory_space<hbm>>
    %dma_start3A_146 = tpu.memref_slice %arg11[%dma_start3A_135] : memref<8x!tpu.dma_semaphore, #tpu.memory_space<semaphore_mem>> -> memref<1x!tpu.dma_semaphore, #tpu.memory_space<semaphore_mem>>
    %dma_start3A_147 = tpu.memref_squeeze %dma_start3A_146 : memref<1x!tpu.dma_semaphore, #tpu.memory_space<semaphore_mem>> -> memref<!tpu.dma_semaphore, #tpu.memory_space<semaphore_mem>>
    tpu.enqueue_indirect_dma source(%dma_start3A_145 : memref<1000000x32xf32, #tpu.memory_space<hbm>>) target(%dma_start3A_139 : memref<128x32xf32, #tpu.memory_space<vmem>>) offsets(%dma_start3A_142 : memref<128xi32, #tpu.memory_space<vmem>>) semaphore(%dma_start3A_147 : memref<!tpu.dma_semaphore, #tpu.memory_space<semaphore_mem>>)
    %dma_start3A_148 = arith.constant 0 : i32
    %dma_start3A_149 = arith.constant 3 : i32
    %dma_start3A_150 = arith.constant 3 : i32
    %dma_start3A_151 = arith.constant 3 : i32
    %dma_start3A_152 = arith.constant 0 : i32
    %dma_start3A_153 = arith.constant 0 : i32
    %dma_start3A_154 = tpu.memref_slice %arg8[%dma_start3A_150, %dma_start3A_152, %dma_start3A_153] : memref<8x128x32xf32, #tpu.memory_space<vmem>> -> memref<1x128x32xf32, #tpu.memory_space<vmem>>
    %dma_start3A_155 = tpu.memref_squeeze %dma_start3A_154 : memref<1x128x32xf32, #tpu.memory_space<vmem>> -> memref<128x32xf32, #tpu.memory_space<vmem>>
    %dma_start3A_156 = arith.constant 0 : i32
    %dma_start3A_157 = tpu.memref_slice %arg6[%dma_start3A_148, %dma_start3A_149, %dma_start3A_156] : memref<2x8x128xi32, #tpu.memory_space<vmem>> -> memref<1x1x128xi32, #tpu.memory_space<vmem>>
    %dma_start3A_158 = tpu.memref_squeeze %dma_start3A_157 : memref<1x1x128xi32, #tpu.memory_space<vmem>> -> memref<128xi32, #tpu.memory_space<vmem>>
    %dma_start3A_159 = arith.constant 0 : i32
    %dma_start3A_160 = arith.constant 0 : i32
    %dma_start3A_161 = tpu.memref_slice %arg4[%dma_start3A_159, %dma_start3A_160] : memref<1000000x32xf32, #tpu.memory_space<hbm>> -> memref<1000000x32xf32, #tpu.memory_space<hbm>>
    %dma_start3A_162 = tpu.memref_slice %arg11[%dma_start3A_151] : memref<8x!tpu.dma_semaphore, #tpu.memory_space<semaphore_mem>> -> memref<1x!tpu.dma_semaphore, #tpu.memory_space<semaphore_mem>>
    %dma_start3A_163 = tpu.memref_squeeze %dma_start3A_162 : memref<1x!tpu.dma_semaphore, #tpu.memory_space<semaphore_mem>> -> memref<!tpu.dma_semaphore, #tpu.memory_space<semaphore_mem>>
    tpu.enqueue_indirect_dma source(%dma_start3A_161 : memref<1000000x32xf32, #tpu.memory_space<hbm>>) target(%dma_start3A_155 : memref<128x32xf32, #tpu.memory_space<vmem>>) offsets(%dma_start3A_158 : memref<128xi32, #tpu.memory_space<vmem>>) semaphore(%dma_start3A_163 : memref<!tpu.dma_semaphore, #tpu.memory_space<semaphore_mem>>)
    %dma_start3A_164 = arith.constant 0 : i32
    %dma_start3A_165 = arith.constant 4 : i32
    %dma_start3A_166 = arith.constant 4 : i32
    %dma_start3A_167 = arith.constant 4 : i32
    %dma_start3A_168 = arith.constant 0 : i32
    %dma_start3A_169 = arith.constant 0 : i32
    %dma_start3A_170 = tpu.memref_slice %arg7[%dma_start3A_166, %dma_start3A_168, %dma_start3A_169] : memref<8x128x32xf32, #tpu.memory_space<vmem>> -> memref<1x128x32xf32, #tpu.memory_space<vmem>>
    %dma_start3A_171 = tpu.memref_squeeze %dma_start3A_170 : memref<1x128x32xf32, #tpu.memory_space<vmem>> -> memref<128x32xf32, #tpu.memory_space<vmem>>
    %dma_start3A_172 = arith.constant 0 : i32
    %dma_start3A_173 = tpu.memref_slice %arg6[%dma_start3A_164, %dma_start3A_165, %dma_start3A_172] : memref<2x8x128xi32, #tpu.memory_space<vmem>> -> memref<1x1x128xi32, #tpu.memory_space<vmem>>
    %dma_start3A_174 = tpu.memref_squeeze %dma_start3A_173 : memref<1x1x128xi32, #tpu.memory_space<vmem>> -> memref<128xi32, #tpu.memory_space<vmem>>
    %dma_start3A_175 = arith.constant 0 : i32
    %dma_start3A_176 = arith.constant 0 : i32
    %dma_start3A_177 = tpu.memref_slice %arg3[%dma_start3A_175, %dma_start3A_176] : memref<1000000x32xf32, #tpu.memory_space<hbm>> -> memref<1000000x32xf32, #tpu.memory_space<hbm>>
    %dma_start3A_178 = tpu.memref_slice %arg11[%dma_start3A_167] : memref<8x!tpu.dma_semaphore, #tpu.memory_space<semaphore_mem>> -> memref<1x!tpu.dma_semaphore, #tpu.memory_space<semaphore_mem>>
    %dma_start3A_179 = tpu.memref_squeeze %dma_start3A_178 : memref<1x!tpu.dma_semaphore, #tpu.memory_space<semaphore_mem>> -> memref<!tpu.dma_semaphore, #tpu.memory_space<semaphore_mem>>
    tpu.enqueue_indirect_dma source(%dma_start3A_177 : memref<1000000x32xf32, #tpu.memory_space<hbm>>) target(%dma_start3A_171 : memref<128x32xf32, #tpu.memory_space<vmem>>) offsets(%dma_start3A_174 : memref<128xi32, #tpu.memory_space<vmem>>) semaphore(%dma_start3A_179 : memref<!tpu.dma_semaphore, #tpu.memory_space<semaphore_mem>>)
    %dma_start3A_180 = arith.constant 0 : i32
    %dma_start3A_181 = arith.constant 4 : i32
    %dma_start3A_182 = arith.constant 4 : i32
    %dma_start3A_183 = arith.constant 4 : i32
    %dma_start3A_184 = arith.constant 0 : i32
    %dma_start3A_185 = arith.constant 0 : i32
    %dma_start3A_186 = tpu.memref_slice %arg8[%dma_start3A_182, %dma_start3A_184, %dma_start3A_185] : memref<8x128x32xf32, #tpu.memory_space<vmem>> -> memref<1x128x32xf32, #tpu.memory_space<vmem>>
    %dma_start3A_187 = tpu.memref_squeeze %dma_start3A_186 : memref<1x128x32xf32, #tpu.memory_space<vmem>> -> memref<128x32xf32, #tpu.memory_space<vmem>>
    %dma_start3A_188 = arith.constant 0 : i32
    %dma_start3A_189 = tpu.memref_slice %arg6[%dma_start3A_180, %dma_start3A_181, %dma_start3A_188] : memref<2x8x128xi32, #tpu.memory_space<vmem>> -> memref<1x1x128xi32, #tpu.memory_space<vmem>>
    %dma_start3A_190 = tpu.memref_squeeze %dma_start3A_189 : memref<1x1x128xi32, #tpu.memory_space<vmem>> -> memref<128xi32, #tpu.memory_space<vmem>>
    %dma_start3A_191 = arith.constant 0 : i32
    %dma_start3A_192 = arith.constant 0 : i32
    %dma_start3A_193 = tpu.memref_slice %arg4[%dma_start3A_191, %dma_start3A_192] : memref<1000000x32xf32, #tpu.memory_space<hbm>> -> memref<1000000x32xf32, #tpu.memory_space<hbm>>
    %dma_start3A_194 = tpu.memref_slice %arg11[%dma_start3A_183] : memref<8x!tpu.dma_semaphore, #tpu.memory_space<semaphore_mem>> -> memref<1x!tpu.dma_semaphore, #tpu.memory_space<semaphore_mem>>
    %dma_start3A_195 = tpu.memref_squeeze %dma_start3A_194 : memref<1x!tpu.dma_semaphore, #tpu.memory_space<semaphore_mem>> -> memref<!tpu.dma_semaphore, #tpu.memory_space<semaphore_mem>>
    tpu.enqueue_indirect_dma source(%dma_start3A_193 : memref<1000000x32xf32, #tpu.memory_space<hbm>>) target(%dma_start3A_187 : memref<128x32xf32, #tpu.memory_space<vmem>>) offsets(%dma_start3A_190 : memref<128xi32, #tpu.memory_space<vmem>>) semaphore(%dma_start3A_195 : memref<!tpu.dma_semaphore, #tpu.memory_space<semaphore_mem>>)
    %dma_start3A_196 = arith.constant 0 : i32
    %dma_start3A_197 = arith.constant 5 : i32
    %dma_start3A_198 = arith.constant 5 : i32
    %dma_start3A_199 = arith.constant 5 : i32
    %dma_start3A_200 = arith.constant 0 : i32
    %dma_start3A_201 = arith.constant 0 : i32
    %dma_start3A_202 = tpu.memref_slice %arg7[%dma_start3A_198, %dma_start3A_200, %dma_start3A_201] : memref<8x128x32xf32, #tpu.memory_space<vmem>> -> memref<1x128x32xf32, #tpu.memory_space<vmem>>
    %dma_start3A_203 = tpu.memref_squeeze %dma_start3A_202 : memref<1x128x32xf32, #tpu.memory_space<vmem>> -> memref<128x32xf32, #tpu.memory_space<vmem>>
    %dma_start3A_204 = arith.constant 0 : i32
    %dma_start3A_205 = tpu.memref_slice %arg6[%dma_start3A_196, %dma_start3A_197, %dma_start3A_204] : memref<2x8x128xi32, #tpu.memory_space<vmem>> -> memref<1x1x128xi32, #tpu.memory_space<vmem>>
    %dma_start3A_206 = tpu.memref_squeeze %dma_start3A_205 : memref<1x1x128xi32, #tpu.memory_space<vmem>> -> memref<128xi32, #tpu.memory_space<vmem>>
    %dma_start3A_207 = arith.constant 0 : i32
    %dma_start3A_208 = arith.constant 0 : i32
    %dma_start3A_209 = tpu.memref_slice %arg3[%dma_start3A_207, %dma_start3A_208] : memref<1000000x32xf32, #tpu.memory_space<hbm>> -> memref<1000000x32xf32, #tpu.memory_space<hbm>>
    %dma_start3A_210 = tpu.memref_slice %arg11[%dma_start3A_199] : memref<8x!tpu.dma_semaphore, #tpu.memory_space<semaphore_mem>> -> memref<1x!tpu.dma_semaphore, #tpu.memory_space<semaphore_mem>>
    %dma_start3A_211 = tpu.memref_squeeze %dma_start3A_210 : memref<1x!tpu.dma_semaphore, #tpu.memory_space<semaphore_mem>> -> memref<!tpu.dma_semaphore, #tpu.memory_space<semaphore_mem>>
    tpu.enqueue_indirect_dma source(%dma_start3A_209 : memref<1000000x32xf32, #tpu.memory_space<hbm>>) target(%dma_start3A_203 : memref<128x32xf32, #tpu.memory_space<vmem>>) offsets(%dma_start3A_206 : memref<128xi32, #tpu.memory_space<vmem>>) semaphore(%dma_start3A_211 : memref<!tpu.dma_semaphore, #tpu.memory_space<semaphore_mem>>)
    %dma_start3A_212 = arith.constant 0 : i32
    %dma_start3A_213 = arith.constant 5 : i32
    %dma_start3A_214 = arith.constant 5 : i32
    %dma_start3A_215 = arith.constant 5 : i32
    %dma_start3A_216 = arith.constant 0 : i32
    %dma_start3A_217 = arith.constant 0 : i32
    %dma_start3A_218 = tpu.memref_slice %arg8[%dma_start3A_214, %dma_start3A_216, %dma_start3A_217] : memref<8x128x32xf32, #tpu.memory_space<vmem>> -> memref<1x128x32xf32, #tpu.memory_space<vmem>>
    %dma_start3A_219 = tpu.memref_squeeze %dma_start3A_218 : memref<1x128x32xf32, #tpu.memory_space<vmem>> -> memref<128x32xf32, #tpu.memory_space<vmem>>
    %dma_start3A_220 = arith.constant 0 : i32
    %dma_start3A_221 = tpu.memref_slice %arg6[%dma_start3A_212, %dma_start3A_213, %dma_start3A_220] : memref<2x8x128xi32, #tpu.memory_space<vmem>> -> memref<1x1x128xi32, #tpu.memory_space<vmem>>
    %dma_start3A_222 = tpu.memref_squeeze %dma_start3A_221 : memref<1x1x128xi32, #tpu.memory_space<vmem>> -> memref<128xi32, #tpu.memory_space<vmem>>
    %dma_start3A_223 = arith.constant 0 : i32
    %dma_start3A_224 = arith.constant 0 : i32
    %dma_start3A_225 = tpu.memref_slice %arg4[%dma_start3A_223, %dma_start3A_224] : memref<1000000x32xf32, #tpu.memory_space<hbm>> -> memref<1000000x32xf32, #tpu.memory_space<hbm>>
    %dma_start3A_226 = tpu.memref_slice %arg11[%dma_start3A_215] : memref<8x!tpu.dma_semaphore, #tpu.memory_space<semaphore_mem>> -> memref<1x!tpu.dma_semaphore, #tpu.memory_space<semaphore_mem>>
    %dma_start3A_227 = tpu.memref_squeeze %dma_start3A_226 : memref<1x!tpu.dma_semaphore, #tpu.memory_space<semaphore_mem>> -> memref<!tpu.dma_semaphore, #tpu.memory_space<semaphore_mem>>
    tpu.enqueue_indirect_dma source(%dma_start3A_225 : memref<1000000x32xf32, #tpu.memory_space<hbm>>) target(%dma_start3A_219 : memref<128x32xf32, #tpu.memory_space<vmem>>) offsets(%dma_start3A_222 : memref<128xi32, #tpu.memory_space<vmem>>) semaphore(%dma_start3A_227 : memref<!tpu.dma_semaphore, #tpu.memory_space<semaphore_mem>>)
    %dma_start3A_228 = arith.constant 0 : i32
    %dma_start3A_229 = arith.constant 6 : i32
    %dma_start3A_230 = arith.constant 6 : i32
    %dma_start3A_231 = arith.constant 6 : i32
    %dma_start3A_232 = arith.constant 0 : i32
    %dma_start3A_233 = arith.constant 0 : i32
    %dma_start3A_234 = tpu.memref_slice %arg7[%dma_start3A_230, %dma_start3A_232, %dma_start3A_233] : memref<8x128x32xf32, #tpu.memory_space<vmem>> -> memref<1x128x32xf32, #tpu.memory_space<vmem>>
    %dma_start3A_235 = tpu.memref_squeeze %dma_start3A_234 : memref<1x128x32xf32, #tpu.memory_space<vmem>> -> memref<128x32xf32, #tpu.memory_space<vmem>>
    %dma_start3A_236 = arith.constant 0 : i32
    %dma_start3A_237 = tpu.memref_slice %arg6[%dma_start3A_228, %dma_start3A_229, %dma_start3A_236] : memref<2x8x128xi32, #tpu.memory_space<vmem>> -> memref<1x1x128xi32, #tpu.memory_space<vmem>>
    %dma_start3A_238 = tpu.memref_squeeze %dma_start3A_237 : memref<1x1x128xi32, #tpu.memory_space<vmem>> -> memref<128xi32, #tpu.memory_space<vmem>>
    %dma_start3A_239 = arith.constant 0 : i32
    %dma_start3A_240 = arith.constant 0 : i32
    %dma_start3A_241 = tpu.memref_slice %arg3[%dma_start3A_239, %dma_start3A_240] : memref<1000000x32xf32, #tpu.memory_space<hbm>> -> memref<1000000x32xf32, #tpu.memory_space<hbm>>
    %dma_start3A_242 = tpu.memref_slice %arg11[%dma_start3A_231] : memref<8x!tpu.dma_semaphore, #tpu.memory_space<semaphore_mem>> -> memref<1x!tpu.dma_semaphore, #tpu.memory_space<semaphore_mem>>
    %dma_start3A_243 = tpu.memref_squeeze %dma_start3A_242 : memref<1x!tpu.dma_semaphore, #tpu.memory_space<semaphore_mem>> -> memref<!tpu.dma_semaphore, #tpu.memory_space<semaphore_mem>>
    tpu.enqueue_indirect_dma source(%dma_start3A_241 : memref<1000000x32xf32, #tpu.memory_space<hbm>>) target(%dma_start3A_235 : memref<128x32xf32, #tpu.memory_space<vmem>>) offsets(%dma_start3A_238 : memref<128xi32, #tpu.memory_space<vmem>>) semaphore(%dma_start3A_243 : memref<!tpu.dma_semaphore, #tpu.memory_space<semaphore_mem>>)
    %dma_start3A_244 = arith.constant 0 : i32
    %dma_start3A_245 = arith.constant 6 : i32
    %dma_start3A_246 = arith.constant 6 : i32
    %dma_start3A_247 = arith.constant 6 : i32
    %dma_start3A_248 = arith.constant 0 : i32
    %dma_start3A_249 = arith.constant 0 : i32
    %dma_start3A_250 = tpu.memref_slice %arg8[%dma_start3A_246, %dma_start3A_248, %dma_start3A_249] : memref<8x128x32xf32, #tpu.memory_space<vmem>> -> memref<1x128x32xf32, #tpu.memory_space<vmem>>
    %dma_start3A_251 = tpu.memref_squeeze %dma_start3A_250 : memref<1x128x32xf32, #tpu.memory_space<vmem>> -> memref<128x32xf32, #tpu.memory_space<vmem>>
    %dma_start3A_252 = arith.constant 0 : i32
    %dma_start3A_253 = tpu.memref_slice %arg6[%dma_start3A_244, %dma_start3A_245, %dma_start3A_252] : memref<2x8x128xi32, #tpu.memory_space<vmem>> -> memref<1x1x128xi32, #tpu.memory_space<vmem>>
    %dma_start3A_254 = tpu.memref_squeeze %dma_start3A_253 : memref<1x1x128xi32, #tpu.memory_space<vmem>> -> memref<128xi32, #tpu.memory_space<vmem>>
    %dma_start3A_255 = arith.constant 0 : i32
    %dma_start3A_256 = arith.constant 0 : i32
    %dma_start3A_257 = tpu.memref_slice %arg4[%dma_start3A_255, %dma_start3A_256] : memref<1000000x32xf32, #tpu.memory_space<hbm>> -> memref<1000000x32xf32, #tpu.memory_space<hbm>>
    %dma_start3A_258 = tpu.memref_slice %arg11[%dma_start3A_247] : memref<8x!tpu.dma_semaphore, #tpu.memory_space<semaphore_mem>> -> memref<1x!tpu.dma_semaphore, #tpu.memory_space<semaphore_mem>>
    %dma_start3A_259 = tpu.memref_squeeze %dma_start3A_258 : memref<1x!tpu.dma_semaphore, #tpu.memory_space<semaphore_mem>> -> memref<!tpu.dma_semaphore, #tpu.memory_space<semaphore_mem>>
    tpu.enqueue_indirect_dma source(%dma_start3A_257 : memref<1000000x32xf32, #tpu.memory_space<hbm>>) target(%dma_start3A_251 : memref<128x32xf32, #tpu.memory_space<vmem>>) offsets(%dma_start3A_254 : memref<128xi32, #tpu.memory_space<vmem>>) semaphore(%dma_start3A_259 : memref<!tpu.dma_semaphore, #tpu.memory_space<semaphore_mem>>)
    %dma_start3A_260 = arith.constant 0 : i32
    %dma_start3A_261 = arith.constant 7 : i32
    %dma_start3A_262 = arith.constant 7 : i32
    %dma_start3A_263 = arith.constant 7 : i32
    %dma_start3A_264 = arith.constant 0 : i32
    %dma_start3A_265 = arith.constant 0 : i32
    %dma_start3A_266 = tpu.memref_slice %arg7[%dma_start3A_262, %dma_start3A_264, %dma_start3A_265] : memref<8x128x32xf32, #tpu.memory_space<vmem>> -> memref<1x128x32xf32, #tpu.memory_space<vmem>>
    %dma_start3A_267 = tpu.memref_squeeze %dma_start3A_266 : memref<1x128x32xf32, #tpu.memory_space<vmem>> -> memref<128x32xf32, #tpu.memory_space<vmem>>
    %dma_start3A_268 = arith.constant 0 : i32
    %dma_start3A_269 = tpu.memref_slice %arg6[%dma_start3A_260, %dma_start3A_261, %dma_start3A_268] : memref<2x8x128xi32, #tpu.memory_space<vmem>> -> memref<1x1x128xi32, #tpu.memory_space<vmem>>
    %dma_start3A_270 = tpu.memref_squeeze %dma_start3A_269 : memref<1x1x128xi32, #tpu.memory_space<vmem>> -> memref<128xi32, #tpu.memory_space<vmem>>
    %dma_start3A_271 = arith.constant 0 : i32
    %dma_start3A_272 = arith.constant 0 : i32
    %dma_start3A_273 = tpu.memref_slice %arg3[%dma_start3A_271, %dma_start3A_272] : memref<1000000x32xf32, #tpu.memory_space<hbm>> -> memref<1000000x32xf32, #tpu.memory_space<hbm>>
    %dma_start3A_274 = tpu.memref_slice %arg11[%dma_start3A_263] : memref<8x!tpu.dma_semaphore, #tpu.memory_space<semaphore_mem>> -> memref<1x!tpu.dma_semaphore, #tpu.memory_space<semaphore_mem>>
    %dma_start3A_275 = tpu.memref_squeeze %dma_start3A_274 : memref<1x!tpu.dma_semaphore, #tpu.memory_space<semaphore_mem>> -> memref<!tpu.dma_semaphore, #tpu.memory_space<semaphore_mem>>
    tpu.enqueue_indirect_dma source(%dma_start3A_273 : memref<1000000x32xf32, #tpu.memory_space<hbm>>) target(%dma_start3A_267 : memref<128x32xf32, #tpu.memory_space<vmem>>) offsets(%dma_start3A_270 : memref<128xi32, #tpu.memory_space<vmem>>) semaphore(%dma_start3A_275 : memref<!tpu.dma_semaphore, #tpu.memory_space<semaphore_mem>>)
    %dma_start3A_276 = arith.constant 0 : i32
    %dma_start3A_277 = arith.constant 7 : i32
    %dma_start3A_278 = arith.constant 7 : i32
    %dma_start3A_279 = arith.constant 7 : i32
    %dma_start3A_280 = arith.constant 0 : i32
    %dma_start3A_281 = arith.constant 0 : i32
    %dma_start3A_282 = tpu.memref_slice %arg8[%dma_start3A_278, %dma_start3A_280, %dma_start3A_281] : memref<8x128x32xf32, #tpu.memory_space<vmem>> -> memref<1x128x32xf32, #tpu.memory_space<vmem>>
    %dma_start3A_283 = tpu.memref_squeeze %dma_start3A_282 : memref<1x128x32xf32, #tpu.memory_space<vmem>> -> memref<128x32xf32, #tpu.memory_space<vmem>>
    %dma_start3A_284 = arith.constant 0 : i32
    %dma_start3A_285 = tpu.memref_slice %arg6[%dma_start3A_276, %dma_start3A_277, %dma_start3A_284] : memref<2x8x128xi32, #tpu.memory_space<vmem>> -> memref<1x1x128xi32, #tpu.memory_space<vmem>>
    %dma_start3A_286 = tpu.memref_squeeze %dma_start3A_285 : memref<1x1x128xi32, #tpu.memory_space<vmem>> -> memref<128xi32, #tpu.memory_space<vmem>>
    %dma_start3A_287 = arith.constant 0 : i32
    %dma_start3A_288 = arith.constant 0 : i32
    %dma_start3A_289 = tpu.memref_slice %arg4[%dma_start3A_287, %dma_start3A_288] : memref<1000000x32xf32, #tpu.memory_space<hbm>> -> memref<1000000x32xf32, #tpu.memory_space<hbm>>
    %dma_start3A_290 = tpu.memref_slice %arg11[%dma_start3A_279] : memref<8x!tpu.dma_semaphore, #tpu.memory_space<semaphore_mem>> -> memref<1x!tpu.dma_semaphore, #tpu.memory_space<semaphore_mem>>
    %dma_start3A_291 = tpu.memref_squeeze %dma_start3A_290 : memref<1x!tpu.dma_semaphore, #tpu.memory_space<semaphore_mem>> -> memref<!tpu.dma_semaphore, #tpu.memory_space<semaphore_mem>>
    tpu.enqueue_indirect_dma source(%dma_start3A_289 : memref<1000000x32xf32, #tpu.memory_space<hbm>>) target(%dma_start3A_283 : memref<128x32xf32, #tpu.memory_space<vmem>>) offsets(%dma_start3A_286 : memref<128xi32, #tpu.memory_space<vmem>>) semaphore(%dma_start3A_291 : memref<!tpu.dma_semaphore, #tpu.memory_space<semaphore_mem>>)
    %dma_start3A_292 = arith.constant 1 : i32
    %dma_start3A_293 = arith.constant 1 : i32
    %dma_start3A_294 = arith.constant 0 : i32
    %dma_start3A_295 = arith.constant 0 : i32
    %dma_start3A_296 = tpu.memref_slice %arg6[%dma_start3A_292, %dma_start3A_294, %dma_start3A_295] : memref<2x8x128xi32, #tpu.memory_space<vmem>> -> memref<1x8x128xi32, #tpu.memory_space<vmem>>
    %dma_start3A_297 = tpu.memref_squeeze %dma_start3A_296 : memref<1x8x128xi32, #tpu.memory_space<vmem>> -> memref<8x128xi32, #tpu.memory_space<vmem>>
    %dma_start3A_298 = arith.constant 8 : i32
    %dma_start3A_299 = tpu.memref_slice %arg2[%dma_start3A_298, %mul3A_2] : memref<200x4096xi32, #tpu.memory_space<hbm>> -> memref<8x128xi32, #tpu.memory_space<hbm>>
    %dma_start3A_300 = tpu.memref_slice %arg10[%dma_start3A_293] : memref<2x!tpu.dma_semaphore, #tpu.memory_space<semaphore_mem>> -> memref<1x!tpu.dma_semaphore, #tpu.memory_space<semaphore_mem>>
    %dma_start3A_301 = tpu.memref_squeeze %dma_start3A_300 : memref<1x!tpu.dma_semaphore, #tpu.memory_space<semaphore_mem>> -> memref<!tpu.dma_semaphore, #tpu.memory_space<semaphore_mem>>
    %dma_start3A_302 = arith.constant 0 : i32
    %dma_start3A_303 = arith.constant 0 : i32
    %dma_start3A_304 = tpu.memref_slice %arg6[%dma_start3A_292, %dma_start3A_302, %dma_start3A_303] : memref<2x8x128xi32, #tpu.memory_space<vmem>> -> memref<1x8x128xi32, #tpu.memory_space<vmem>>
    %dma_start3A_305 = tpu.memref_squeeze %dma_start3A_304 : memref<1x8x128xi32, #tpu.memory_space<vmem>> -> memref<8x128xi32, #tpu.memory_space<vmem>>
    %dma_start3A_306 = arith.constant 8 : i32
    %dma_start3A_307 = tpu.memref_slice %arg2[%dma_start3A_306, %mul3A_2] : memref<200x4096xi32, #tpu.memory_space<hbm>> -> memref<8x128xi32, #tpu.memory_space<hbm>>
    tpu.enqueue_dma source(%dma_start3A_307 : memref<8x128xi32, #tpu.memory_space<hbm>>) target(%dma_start3A_305 : memref<8x128xi32, #tpu.memory_space<vmem>>) target_semaphore(%dma_start3A_301 : memref<!tpu.dma_semaphore, #tpu.memory_space<semaphore_mem>>)
    %scan3A = arith.constant 0 : i32
    %scan3A_308 = arith.constant 0 : i32
    %scan3A_309 = arith.constant 25 : i32
    %scan3A_310 = arith.addi %scan3A_308, %scan3A_309 : i32
    %scan3A_311 = arith.constant 1 : i32
    %scan3A_312 = scf.for %scan3A_356 = %scan3A_308 to %scan3A_310 step %scan3A_311 iter_args(%scan3A_357 = %scan3A) -> (i32)  : i32 {
      %and3A = arith.constant 1 : i32
      %and3A_358 = arith.andi %scan3A_356, %and3A : i32
      %dma_wait3A_359 = arith.constant 0 : i32
      %dma_wait3A_360 = arith.constant 0 : i32
      %dma_wait3A_361 = arith.constant 0 : i32
      %dma_wait3A_362 = arith.constant 0 : i32
      %dma_wait3A_363 = arith.constant 0 : i32
      %dma_wait3A_364 = tpu.memref_slice %arg7[%dma_wait3A_360, %dma_wait3A_362, %dma_wait3A_363] : memref<8x128x32xf32, #tpu.memory_space<vmem>> -> memref<1x128x32xf32, #tpu.memory_space<vmem>>
      %dma_wait3A_365 = tpu.memref_squeeze %dma_wait3A_364 : memref<1x128x32xf32, #tpu.memory_space<vmem>> -> memref<128x32xf32, #tpu.memory_space<vmem>>
      %dma_wait3A_366 = arith.constant 0 : i32
      %dma_wait3A_367 = tpu.memref_slice %arg6[%and3A_358, %dma_wait3A_359, %dma_wait3A_366] : memref<2x8x128xi32, #tpu.memory_space<vmem>> -> memref<1x1x128xi32, #tpu.memory_space<vmem>>
      %dma_wait3A_368 = tpu.memref_squeeze %dma_wait3A_367 : memref<1x1x128xi32, #tpu.memory_space<vmem>> -> memref<128xi32, #tpu.memory_space<vmem>>
      %dma_wait3A_369 = arith.constant 0 : i32
      %dma_wait3A_370 = arith.constant 0 : i32
      %dma_wait3A_371 = tpu.memref_slice %arg3[%dma_wait3A_369, %dma_wait3A_370] : memref<1000000x32xf32, #tpu.memory_space<hbm>> -> memref<1000000x32xf32, #tpu.memory_space<hbm>>
      %dma_wait3A_372 = tpu.memref_slice %arg11[%dma_wait3A_361] : memref<8x!tpu.dma_semaphore, #tpu.memory_space<semaphore_mem>> -> memref<1x!tpu.dma_semaphore, #tpu.memory_space<semaphore_mem>>
      %dma_wait3A_373 = tpu.memref_squeeze %dma_wait3A_372 : memref<1x!tpu.dma_semaphore, #tpu.memory_space<semaphore_mem>> -> memref<!tpu.dma_semaphore, #tpu.memory_space<semaphore_mem>>
      tpu.wait_indirect_dma semaphore(%dma_wait3A_373 : memref<!tpu.dma_semaphore, #tpu.memory_space<semaphore_mem>>) src(%dma_wait3A_371 : memref<1000000x32xf32, #tpu.memory_space<hbm>>) dst(%dma_wait3A_365 : memref<128x32xf32, #tpu.memory_space<vmem>>)
      %dma_wait3A_374 = arith.constant 0 : i32
      %dma_wait3A_375 = arith.constant 0 : i32
      %dma_wait3A_376 = arith.constant 0 : i32
      %dma_wait3A_377 = arith.constant 0 : i32
      %dma_wait3A_378 = arith.constant 0 : i32
      %dma_wait3A_379 = tpu.memref_slice %arg8[%dma_wait3A_375, %dma_wait3A_377, %dma_wait3A_378] : memref<8x128x32xf32, #tpu.memory_space<vmem>> -> memref<1x128x32xf32, #tpu.memory_space<vmem>>
      %dma_wait3A_380 = tpu.memref_squeeze %dma_wait3A_379 : memref<1x128x32xf32, #tpu.memory_space<vmem>> -> memref<128x32xf32, #tpu.memory_space<vmem>>
      %dma_wait3A_381 = arith.constant 0 : i32
      %dma_wait3A_382 = tpu.memref_slice %arg6[%and3A_358, %dma_wait3A_374, %dma_wait3A_381] : memref<2x8x128xi32, #tpu.memory_space<vmem>> -> memref<1x1x128xi32, #tpu.memory_space<vmem>>
      %dma_wait3A_383 = tpu.memref_squeeze %dma_wait3A_382 : memref<1x1x128xi32, #tpu.memory_space<vmem>> -> memref<128xi32, #tpu.memory_space<vmem>>
      %dma_wait3A_384 = arith.constant 0 : i32
      %dma_wait3A_385 = arith.constant 0 : i32
      %dma_wait3A_386 = tpu.memref_slice %arg4[%dma_wait3A_384, %dma_wait3A_385] : memref<1000000x32xf32, #tpu.memory_space<hbm>> -> memref<1000000x32xf32, #tpu.memory_space<hbm>>
      %dma_wait3A_387 = tpu.memref_slice %arg11[%dma_wait3A_376] : memref<8x!tpu.dma_semaphore, #tpu.memory_space<semaphore_mem>> -> memref<1x!tpu.dma_semaphore, #tpu.memory_space<semaphore_mem>>
      %dma_wait3A_388 = tpu.memref_squeeze %dma_wait3A_387 : memref<1x!tpu.dma_semaphore, #tpu.memory_space<semaphore_mem>> -> memref<!tpu.dma_semaphore, #tpu.memory_space<semaphore_mem>>
      tpu.wait_indirect_dma semaphore(%dma_wait3A_388 : memref<!tpu.dma_semaphore, #tpu.memory_space<semaphore_mem>>) src(%dma_wait3A_386 : memref<1000000x32xf32, #tpu.memory_space<hbm>>) dst(%dma_wait3A_380 : memref<128x32xf32, #tpu.memory_space<vmem>>)
      %gt3A = arith.constant 0 : i32
      %gt3A_389 = arith.cmpi sgt, %scan3A_356, %gt3A : i32
      %or3A = arith.constant false
      %or3A_390 = arith.ori %gt3A_389, %or3A : i1
      %convert_element_type3A = arith.extui %or3A_390 : i1 to i32
      %cond3A = arith.constant 0 : i32
      %cond3A_391 = arith.cmpi ne, %convert_element_type3A, %cond3A : i32
      scf.if %cond3A_391 {
        %sub3A = arith.constant 1 : i32
        %sub3A_1011 = arith.subi %scan3A_356, %sub3A : i32
        %jit3A = arith.constant false
        %select_n3A = arith.select %jit3A, %scan3A_356, %sub3A_1011 : i32
        %mul3A_1012 = arith.constant 8 : i32
        %mul3A_1013 = arith.muli %select_n3A, %mul3A_1012 : i32
        %add3A_1014 = arith.constant 6 : i32
        %add3A_1015 = arith.addi %mul3A_1013, %add3A_1014 : i32
        %dma_wait3A_1016 = arith.constant 0 : i32
        %dma_wait3A_1017 = arith.constant 0 : i32
        %dma_wait3A_1018 = arith.constant 0 : i32
        %dma_wait3A_1019 = arith.constant 0 : i32
        %dma_wait3A_1020 = tpu.memref_slice %arg9[%dma_wait3A_1016, %dma_wait3A_1018, %dma_wait3A_1019] : memref<2x32x257xf32, #tpu.memory_space<vmem>> -> memref<1x32x256xf32, #tpu.memory_space<vmem>>
        %dma_wait3A_1021 = tpu.memref_squeeze %dma_wait3A_1020 : memref<1x32x256xf32, #tpu.memory_space<vmem>> -> memref<32x256xf32, #tpu.memory_space<vmem>>
        %dma_wait3A_1022 = arith.constant 0 : i32
        %dma_wait3A_1023 = arith.constant 0 : i32
        %dma_wait3A_1024 = tpu.memref_slice %arg5[%add3A_1015, %dma_wait3A_1022, %add3A, %dma_wait3A_1023] : memref<200x32x32x256xf32, #tpu.memory_space<hbm>> -> memref<1x32x1x256xf32, #tpu.memory_space<hbm>>
        %dma_wait3A_1025 = tpu.memref_squeeze %dma_wait3A_1024 : memref<1x32x1x256xf32, #tpu.memory_space<hbm>> -> memref<32x256xf32, #tpu.memory_space<hbm>>
        %dma_wait3A_1026 = tpu.memref_slice %arg12[%dma_wait3A_1017] : memref<2x!tpu.dma_semaphore, #tpu.memory_space<semaphore_mem>> -> memref<1x!tpu.dma_semaphore, #tpu.memory_space<semaphore_mem>>
        %dma_wait3A_1027 = tpu.memref_squeeze %dma_wait3A_1026 : memref<1x!tpu.dma_semaphore, #tpu.memory_space<semaphore_mem>> -> memref<!tpu.dma_semaphore, #tpu.memory_space<semaphore_mem>>
        %dma_wait3A_1028 = arith.constant 0 : i32
        %dma_wait3A_1029 = arith.constant 0 : i32
        %dma_wait3A_1030 = tpu.memref_slice %arg5[%add3A_1015, %dma_wait3A_1028, %add3A, %dma_wait3A_1029] : memref<200x32x32x256xf32, #tpu.memory_space<hbm>> -> memref<1x32x1x256xf32, #tpu.memory_space<hbm>>
        %dma_wait3A_1031 = tpu.memref_squeeze %dma_wait3A_1030 : memref<1x32x1x256xf32, #tpu.memory_space<hbm>> -> memref<32x256xf32, #tpu.memory_space<hbm>>
        %dma_wait3A_1032 = arith.constant 0 : i32
        %dma_wait3A_1033 = arith.constant 0 : i32
        %dma_wait3A_1034 = tpu.memref_slice %arg9[%dma_wait3A_1016, %dma_wait3A_1032, %dma_wait3A_1033] : memref<2x32x257xf32, #tpu.memory_space<vmem>> -> memref<1x32x256xf32, #tpu.memory_space<vmem>>
        %dma_wait3A_1035 = tpu.memref_squeeze %dma_wait3A_1034 : memref<1x32x256xf32, #tpu.memory_space<vmem>> -> memref<32x256xf32, #tpu.memory_space<vmem>>
        tpu.wait_dma2 semaphore(%dma_wait3A_1027 : memref<!tpu.dma_semaphore, #tpu.memory_space<semaphore_mem>>) src(%dma_wait3A_1035 : memref<32x256xf32, #tpu.memory_space<vmem>>) dst(%dma_wait3A_1031 : memref<32x256xf32, #tpu.memory_space<hbm>>)
      } else {
      }
      %scan3A_392 = arith.constant 0 : i32
      %scan3A_393 = arith.constant 0 : i32
      %scan3A_394 = arith.constant 64 : i32
      %scan3A_395 = arith.addi %scan3A_393, %scan3A_394 : i32
      %scan3A_396 = arith.constant 2 : i32
      %scan3A_397 = scf.for %scan3A_1011 = %scan3A_393 to %scan3A_395 step %scan3A_396 iter_args(%scan3A_1012 = %scan3A_392) -> (i32)  : i32 {
        %mul3A_1013 = arith.constant 2 : i32
        %mul3A_1014 = arith.muli %scan3A_1011, %mul3A_1013 : i32
        %add3A_1015 = arith.constant 0 : i32
        %add3A_1016 = arith.addi %mul3A_1014, %add3A_1015 : i32
        %broadcast_in_dim3A = arith.constant 0 : i32
        %broadcast_in_dim3A_1017 = vector.broadcast %broadcast_in_dim3A : i32 to vector<16xi32>
        %add3A_1018 = vector.broadcast %add3A_1016 : i32 to vector<16xi32>
        %add3A_1019 = arith.addi %broadcast_in_dim3A_1017, %add3A_1018 : vector<16xi32>
        %add3A_1020 = arith.constant 128 : i32
        %add3A_1021 = vector.broadcast %add3A_1020 : i32 to vector<16xi32>
        %add3A_1022 = arith.addi %add3A_1019, %add3A_1021 : vector<16xi32>
        %get3A = arith.constant 0 : i32
        %get3A_1023 = arith.index_cast %get3A : i32 to index
        %get3A_1024 = arith.index_cast %add3A_1016 : i32 to index
        %get3A_1025 = arith.constant 0 : index
        %get3A_1026 = tpu.vector_load %arg7[%get3A_1023, %get3A_1024, %get3A_1025] {strides = array<i32>} : memref<8x128x32xf32, #tpu.memory_space<vmem>>, vector<16xf32>,
        %get3A_1027 = arith.constant 0 : i32
        %get3A_1028 = arith.index_cast %get3A_1027 : i32 to index
        %get3A_1029 = arith.index_cast %add3A_1016 : i32 to index
        %get3A_1030 = arith.constant 0 : index
        %get3A_1031 = tpu.vector_load %arg8[%get3A_1028, %get3A_1029, %get3A_1030] {strides = array<i32>} : memref<8x128x32xf32, #tpu.memory_space<vmem>>, vector<16xf32>,
        %scatter3A = arith.constant 0 : i32
        %scatter3A_1032 = arith.constant 0 : i32
        %scatter3A_1033 = arith.constant 0 : i32
        %scatter3A_1034 = tpu.memref_slice %arg9[%scatter3A, %scatter3A_1032, %scatter3A_1033] : memref<2x32x257xf32, #tpu.memory_space<vmem>> -> memref<1x32x257xf32, #tpu.memory_space<vmem>>
        %scatter3A_1035 = tpu.memref_squeeze %scatter3A_1034 : memref<1x32x257xf32, #tpu.memory_space<vmem>> -> memref<32x257xf32, #tpu.memory_space<vmem>>
        tpu.vector_store_idx %scatter3A_1035[%iota3A, %add3A_1019], %get3A_1026 : memref<32x257xf32, #tpu.memory_space<vmem>>[vector<16xi32>, vector<16xi32>], vector<16xf32>,
        %scatter3A_1036 = arith.constant 0 : i32
        %scatter3A_1037 = arith.constant 0 : i32
        %scatter3A_1038 = arith.constant 0 : i32
        %scatter3A_1039 = tpu.memref_slice %arg9[%scatter3A_1036, %scatter3A_1037, %scatter3A_1038] : memref<2x32x257xf32, #tpu.memory_space<vmem>> -> memref<1x32x257xf32, #tpu.memory_space<vmem>>
        %scatter3A_1040 = tpu.memref_squeeze %scatter3A_1039 : memref<1x32x257xf32, #tpu.memory_space<vmem>> -> memref<32x257xf32, #tpu.memory_space<vmem>>
        tpu.vector_store_idx %scatter3A_1040[%iota3A, %add3A_1022], %get3A_1031 : memref<32x257xf32, #tpu.memory_space<vmem>>[vector<16xi32>, vector<16xi32>], vector<16xf32>,
        %get3A_1041 = arith.constant 0 : i32
        %get3A_1042 = arith.index_cast %get3A_1041 : i32 to index
        %get3A_1043 = arith.index_cast %add3A_1016 : i32 to index
        %get3A_1044 = arith.constant 16 : index
        %get3A_1045 = tpu.vector_load %arg7[%get3A_1042, %get3A_1043, %get3A_1044] {strides = array<i32>} : memref<8x128x32xf32, #tpu.memory_space<vmem>>, vector<16xf32>,
        %get3A_1046 = arith.constant 0 : i32
        %get3A_1047 = arith.index_cast %get3A_1046 : i32 to index
        %get3A_1048 = arith.index_cast %add3A_1016 : i32 to index
        %get3A_1049 = arith.constant 16 : index
        %get3A_1050 = tpu.vector_load %arg8[%get3A_1047, %get3A_1048, %get3A_1049] {strides = array<i32>} : memref<8x128x32xf32, #tpu.memory_space<vmem>>, vector<16xf32>,
        %scatter3A_1051 = arith.constant 0 : i32
        %scatter3A_1052 = arith.constant 0 : i32
        %scatter3A_1053 = arith.constant 0 : i32
        %scatter3A_1054 = tpu.memref_slice %arg9[%scatter3A_1051, %scatter3A_1052, %scatter3A_1053] : memref<2x32x257xf32, #tpu.memory_space<vmem>> -> memref<1x32x257xf32, #tpu.memory_space<vmem>>
        %scatter3A_1055 = tpu.memref_squeeze %scatter3A_1054 : memref<1x32x257xf32, #tpu.memory_space<vmem>> -> memref<32x257xf32, #tpu.memory_space<vmem>>
        tpu.vector_store_idx %scatter3A_1055[%add3A_5, %add3A_1019], %get3A_1045 : memref<32x257xf32, #tpu.memory_space<vmem>>[vector<16xi32>, vector<16xi32>], vector<16xf32>,
        %scatter3A_1056 = arith.constant 0 : i32
        %scatter3A_1057 = arith.constant 0 : i32
        %scatter3A_1058 = arith.constant 0 : i32
        %scatter3A_1059 = tpu.memref_slice %arg9[%scatter3A_1056, %scatter3A_1057, %scatter3A_1058] : memref<2x32x257xf32, #tpu.memory_space<vmem>> -> memref<1x32x257xf32, #tpu.memory_space<vmem>>
        %scatter3A_1060 = tpu.memref_squeeze %scatter3A_1059 : memref<1x32x257xf32, #tpu.memory_space<vmem>> -> memref<32x257xf32, #tpu.memory_space<vmem>>
        tpu.vector_store_idx %scatter3A_1060[%add3A_5, %add3A_1022], %get3A_1050 : memref<32x257xf32, #tpu.memory_space<vmem>>[vector<16xi32>, vector<16xi32>], vector<16xf32>,
        %mul3A_1061 = arith.constant 2 : i32
        %mul3A_1062 = arith.muli %scan3A_1011, %mul3A_1061 : i32
        %add3A_1063 = arith.constant 1 : i32
        %add3A_1064 = arith.addi %mul3A_1062, %add3A_1063 : i32
        %broadcast_in_dim3A_1065 = arith.constant 0 : i32
        %broadcast_in_dim3A_1066 = vector.broadcast %broadcast_in_dim3A_1065 : i32 to vector<16xi32>
        %add3A_1067 = vector.broadcast %add3A_1064 : i32 to vector<16xi32>
        %add3A_1068 = arith.addi %broadcast_in_dim3A_1066, %add3A_1067 : vector<16xi32>
        %add3A_1069 = arith.constant 128 : i32
        %add3A_1070 = vector.broadcast %add3A_1069 : i32 to vector<16xi32>
        %add3A_1071 = arith.addi %add3A_1068, %add3A_1070 : vector<16xi32>
        %get3A_1072 = arith.constant 0 : i32
        %get3A_1073 = arith.index_cast %get3A_1072 : i32 to index
        %get3A_1074 = arith.index_cast %add3A_1064 : i32 to index
        %get3A_1075 = arith.constant 0 : index
        %get3A_1076 = tpu.vector_load %arg7[%get3A_1073, %get3A_1074, %get3A_1075] {strides = array<i32>} : memref<8x128x32xf32, #tpu.memory_space<vmem>>, vector<16xf32>,
        %get3A_1077 = arith.constant 0 : i32
        %get3A_1078 = arith.index_cast %get3A_1077 : i32 to index
        %get3A_1079 = arith.index_cast %add3A_1064 : i32 to index
        %get3A_1080 = arith.constant 0 : index
        %get3A_1081 = tpu.vector_load %arg8[%get3A_1078, %get3A_1079, %get3A_1080] {strides = array<i32>} : memref<8x128x32xf32, #tpu.memory_space<vmem>>, vector<16xf32>,
        %scatter3A_1082 = arith.constant 0 : i32
        %scatter3A_1083 = arith.constant 0 : i32
        %scatter3A_1084 = arith.constant 0 : i32
        %scatter3A_1085 = tpu.memref_slice %arg9[%scatter3A_1082, %scatter3A_1083, %scatter3A_1084] : memref<2x32x257xf32, #tpu.memory_space<vmem>> -> memref<1x32x257xf32, #tpu.memory_space<vmem>>
        %scatter3A_1086 = tpu.memref_squeeze %scatter3A_1085 : memref<1x32x257xf32, #tpu.memory_space<vmem>> -> memref<32x257xf32, #tpu.memory_space<vmem>>
        tpu.vector_store_idx %scatter3A_1086[%iota3A, %add3A_1068], %get3A_1076 : memref<32x257xf32, #tpu.memory_space<vmem>>[vector<16xi32>, vector<16xi32>], vector<16xf32>,
        %scatter3A_1087 = arith.constant 0 : i32
        %scatter3A_1088 = arith.constant 0 : i32
        %scatter3A_1089 = arith.constant 0 : i32
        %scatter3A_1090 = tpu.memref_slice %arg9[%scatter3A_1087, %scatter3A_1088, %scatter3A_1089] : memref<2x32x257xf32, #tpu.memory_space<vmem>> -> memref<1x32x257xf32, #tpu.memory_space<vmem>>
        %scatter3A_1091 = tpu.memref_squeeze %scatter3A_1090 : memref<1x32x257xf32, #tpu.memory_space<vmem>> -> memref<32x257xf32, #tpu.memory_space<vmem>>
        tpu.vector_store_idx %scatter3A_1091[%iota3A, %add3A_1071], %get3A_1081 : memref<32x257xf32, #tpu.memory_space<vmem>>[vector<16xi32>, vector<16xi32>], vector<16xf32>,
        %get3A_1092 = arith.constant 0 : i32
        %get3A_1093 = arith.index_cast %get3A_1092 : i32 to index
        %get3A_1094 = arith.index_cast %add3A_1064 : i32 to index
        %get3A_1095 = arith.constant 16 : index
        %get3A_1096 = tpu.vector_load %arg7[%get3A_1093, %get3A_1094, %get3A_1095] {strides = array<i32>} : memref<8x128x32xf32, #tpu.memory_space<vmem>>, vector<16xf32>,
        %get3A_1097 = arith.constant 0 : i32
        %get3A_1098 = arith.index_cast %get3A_1097 : i32 to index
        %get3A_1099 = arith.index_cast %add3A_1064 : i32 to index
        %get3A_1100 = arith.constant 16 : index
        %get3A_1101 = tpu.vector_load %arg8[%get3A_1098, %get3A_1099, %get3A_1100] {strides = array<i32>} : memref<8x128x32xf32, #tpu.memory_space<vmem>>, vector<16xf32>,
        %scatter3A_1102 = arith.constant 0 : i32
        %scatter3A_1103 = arith.constant 0 : i32
        %scatter3A_1104 = arith.constant 0 : i32
        %scatter3A_1105 = tpu.memref_slice %arg9[%scatter3A_1102, %scatter3A_1103, %scatter3A_1104] : memref<2x32x257xf32, #tpu.memory_space<vmem>> -> memref<1x32x257xf32, #tpu.memory_space<vmem>>
        %scatter3A_1106 = tpu.memref_squeeze %scatter3A_1105 : memref<1x32x257xf32, #tpu.memory_space<vmem>> -> memref<32x257xf32, #tpu.memory_space<vmem>>
        tpu.vector_store_idx %scatter3A_1106[%add3A_5, %add3A_1068], %get3A_1096 : memref<32x257xf32, #tpu.memory_space<vmem>>[vector<16xi32>, vector<16xi32>], vector<16xf32>,
        %scatter3A_1107 = arith.constant 0 : i32
        %scatter3A_1108 = arith.constant 0 : i32
        %scatter3A_1109 = arith.constant 0 : i32
        %scatter3A_1110 = tpu.memref_slice %arg9[%scatter3A_1107, %scatter3A_1108, %scatter3A_1109] : memref<2x32x257xf32, #tpu.memory_space<vmem>> -> memref<1x32x257xf32, #tpu.memory_space<vmem>>
        %scatter3A_1111 = tpu.memref_squeeze %scatter3A_1110 : memref<1x32x257xf32, #tpu.memory_space<vmem>> -> memref<32x257xf32, #tpu.memory_space<vmem>>
        tpu.vector_store_idx %scatter3A_1111[%add3A_5, %add3A_1071], %get3A_1101 : memref<32x257xf32, #tpu.memory_space<vmem>>[vector<16xi32>, vector<16xi32>], vector<16xf32>,
        %scan3A_1112 = arith.constant 0 : i32
        %scan3A_1113 = arith.constant 1 : i32
        %scan3A_1114 = arith.addi %scan3A_1011, %scan3A_1113 : i32
        %mul3A_1115 = arith.constant 2 : i32
        %mul3A_1116 = arith.muli %scan3A_1114, %mul3A_1115 : i32
        %add3A_1117 = arith.constant 0 : i32
        %add3A_1118 = arith.addi %mul3A_1116, %add3A_1117 : i32
        %broadcast_in_dim3A_1119 = arith.constant 0 : i32
        %broadcast_in_dim3A_1120 = vector.broadcast %broadcast_in_dim3A_1119 : i32 to vector<16xi32>
        %add3A_1121 = vector.broadcast %add3A_1118 : i32 to vector<16xi32>
        %add3A_1122 = arith.addi %broadcast_in_dim3A_1120, %add3A_1121 : vector<16xi32>
        %add3A_1123 = arith.constant 128 : i32
        %add3A_1124 = vector.broadcast %add3A_1123 : i32 to vector<16xi32>
        %add3A_1125 = arith.addi %add3A_1122, %add3A_1124 : vector<16xi32>
        %get3A_1126 = arith.constant 0 : i32
        %get3A_1127 = arith.index_cast %get3A_1126 : i32 to index
        %get3A_1128 = arith.index_cast %add3A_1118 : i32 to index
        %get3A_1129 = arith.constant 0 : index
        %get3A_1130 = tpu.vector_load %arg7[%get3A_1127, %get3A_1128, %get3A_1129] {strides = array<i32>} : memref<8x128x32xf32, #tpu.memory_space<vmem>>, vector<16xf32>,
        %get3A_1131 = arith.constant 0 : i32
        %get3A_1132 = arith.index_cast %get3A_1131 : i32 to index
        %get3A_1133 = arith.index_cast %add3A_1118 : i32 to index
        %get3A_1134 = arith.constant 0 : index
        %get3A_1135 = tpu.vector_load %arg8[%get3A_1132, %get3A_1133, %get3A_1134] {strides = array<i32>} : memref<8x128x32xf32, #tpu.memory_space<vmem>>, vector<16xf32>,
        %scatter3A_1136 = arith.constant 0 : i32
        %scatter3A_1137 = arith.constant 0 : i32
        %scatter3A_1138 = arith.constant 0 : i32
        %scatter3A_1139 = tpu.memref_slice %arg9[%scatter3A_1136, %scatter3A_1137, %scatter3A_1138] : memref<2x32x257xf32, #tpu.memory_space<vmem>> -> memref<1x32x257xf32, #tpu.memory_space<vmem>>
        %scatter3A_1140 = tpu.memref_squeeze %scatter3A_1139 : memref<1x32x257xf32, #tpu.memory_space<vmem>> -> memref<32x257xf32, #tpu.memory_space<vmem>>
        tpu.vector_store_idx %scatter3A_1140[%iota3A, %add3A_1122], %get3A_1130 : memref<32x257xf32, #tpu.memory_space<vmem>>[vector<16xi32>, vector<16xi32>], vector<16xf32>,
        %scatter3A_1141 = arith.constant 0 : i32
        %scatter3A_1142 = arith.constant 0 : i32
        %scatter3A_1143 = arith.constant 0 : i32
        %scatter3A_1144 = tpu.memref_slice %arg9[%scatter3A_1141, %scatter3A_1142, %scatter3A_1143] : memref<2x32x257xf32, #tpu.memory_space<vmem>> -> memref<1x32x257xf32, #tpu.memory_space<vmem>>
        %scatter3A_1145 = tpu.memref_squeeze %scatter3A_1144 : memref<1x32x257xf32, #tpu.memory_space<vmem>> -> memref<32x257xf32, #tpu.memory_space<vmem>>
        tpu.vector_store_idx %scatter3A_1145[%iota3A, %add3A_1125], %get3A_1135 : memref<32x257xf32, #tpu.memory_space<vmem>>[vector<16xi32>, vector<16xi32>], vector<16xf32>,
        %get3A_1146 = arith.constant 0 : i32
        %get3A_1147 = arith.index_cast %get3A_1146 : i32 to index
        %get3A_1148 = arith.index_cast %add3A_1118 : i32 to index
        %get3A_1149 = arith.constant 16 : index
        %get3A_1150 = tpu.vector_load %arg7[%get3A_1147, %get3A_1148, %get3A_1149] {strides = array<i32>} : memref<8x128x32xf32, #tpu.memory_space<vmem>>, vector<16xf32>,
        %get3A_1151 = arith.constant 0 : i32
        %get3A_1152 = arith.index_cast %get3A_1151 : i32 to index
        %get3A_1153 = arith.index_cast %add3A_1118 : i32 to index
        %get3A_1154 = arith.constant 16 : index
        %get3A_1155 = tpu.vector_load %arg8[%get3A_1152, %get3A_1153, %get3A_1154] {strides = array<i32>} : memref<8x128x32xf32, #tpu.memory_space<vmem>>, vector<16xf32>,
        %scatter3A_1156 = arith.constant 0 : i32
        %scatter3A_1157 = arith.constant 0 : i32
        %scatter3A_1158 = arith.constant 0 : i32
        %scatter3A_1159 = tpu.memref_slice %arg9[%scatter3A_1156, %scatter3A_1157, %scatter3A_1158] : memref<2x32x257xf32, #tpu.memory_space<vmem>> -> memref<1x32x257xf32, #tpu.memory_space<vmem>>
        %scatter3A_1160 = tpu.memref_squeeze %scatter3A_1159 : memref<1x32x257xf32, #tpu.memory_space<vmem>> -> memref<32x257xf32, #tpu.memory_space<vmem>>
        tpu.vector_store_idx %scatter3A_1160[%add3A_5, %add3A_1122], %get3A_1150 : memref<32x257xf32, #tpu.memory_space<vmem>>[vector<16xi32>, vector<16xi32>], vector<16xf32>,
        %scatter3A_1161 = arith.constant 0 : i32
        %scatter3A_1162 = arith.constant 0 : i32
        %scatter3A_1163 = arith.constant 0 : i32
        %scatter3A_1164 = tpu.memref_slice %arg9[%scatter3A_1161, %scatter3A_1162, %scatter3A_1163] : memref<2x32x257xf32, #tpu.memory_space<vmem>> -> memref<1x32x257xf32, #tpu.memory_space<vmem>>
        %scatter3A_1165 = tpu.memref_squeeze %scatter3A_1164 : memref<1x32x257xf32, #tpu.memory_space<vmem>> -> memref<32x257xf32, #tpu.memory_space<vmem>>
        tpu.vector_store_idx %scatter3A_1165[%add3A_5, %add3A_1125], %get3A_1155 : memref<32x257xf32, #tpu.memory_space<vmem>>[vector<16xi32>, vector<16xi32>], vector<16xf32>,
        %mul3A_1166 = arith.constant 2 : i32
        %mul3A_1167 = arith.muli %scan3A_1114, %mul3A_1166 : i32
        %add3A_1168 = arith.constant 1 : i32
        %add3A_1169 = arith.addi %mul3A_1167, %add3A_1168 : i32
        %broadcast_in_dim3A_1170 = arith.constant 0 : i32
        %broadcast_in_dim3A_1171 = vector.broadcast %broadcast_in_dim3A_1170 : i32 to vector<16xi32>
        %add3A_1172 = vector.broadcast %add3A_1169 : i32 to vector<16xi32>
        %add3A_1173 = arith.addi %broadcast_in_dim3A_1171, %add3A_1172 : vector<16xi32>
        %add3A_1174 = arith.constant 128 : i32
        %add3A_1175 = vector.broadcast %add3A_1174 : i32 to vector<16xi32>
        %add3A_1176 = arith.addi %add3A_1173, %add3A_1175 : vector<16xi32>
        %get3A_1177 = arith.constant 0 : i32
        %get3A_1178 = arith.index_cast %get3A_1177 : i32 to index
        %get3A_1179 = arith.index_cast %add3A_1169 : i32 to index
        %get3A_1180 = arith.constant 0 : index
        %get3A_1181 = tpu.vector_load %arg7[%get3A_1178, %get3A_1179, %get3A_1180] {strides = array<i32>} : memref<8x128x32xf32, #tpu.memory_space<vmem>>, vector<16xf32>,
        %get3A_1182 = arith.constant 0 : i32
        %get3A_1183 = arith.index_cast %get3A_1182 : i32 to index
        %get3A_1184 = arith.index_cast %add3A_1169 : i32 to index
        %get3A_1185 = arith.constant 0 : index
        %get3A_1186 = tpu.vector_load %arg8[%get3A_1183, %get3A_1184, %get3A_1185] {strides = array<i32>} : memref<8x128x32xf32, #tpu.memory_space<vmem>>, vector<16xf32>,
        %scatter3A_1187 = arith.constant 0 : i32
        %scatter3A_1188 = arith.constant 0 : i32
        %scatter3A_1189 = arith.constant 0 : i32
        %scatter3A_1190 = tpu.memref_slice %arg9[%scatter3A_1187, %scatter3A_1188, %scatter3A_1189] : memref<2x32x257xf32, #tpu.memory_space<vmem>> -> memref<1x32x257xf32, #tpu.memory_space<vmem>>
        %scatter3A_1191 = tpu.memref_squeeze %scatter3A_1190 : memref<1x32x257xf32, #tpu.memory_space<vmem>> -> memref<32x257xf32, #tpu.memory_space<vmem>>
        tpu.vector_store_idx %scatter3A_1191[%iota3A, %add3A_1173], %get3A_1181 : memref<32x257xf32, #tpu.memory_space<vmem>>[vector<16xi32>, vector<16xi32>], vector<16xf32>,
        %scatter3A_1192 = arith.constant 0 : i32
        %scatter3A_1193 = arith.constant 0 : i32
        %scatter3A_1194 = arith.constant 0 : i32
        %scatter3A_1195 = tpu.memref_slice %arg9[%scatter3A_1192, %scatter3A_1193, %scatter3A_1194] : memref<2x32x257xf32, #tpu.memory_space<vmem>> -> memref<1x32x257xf32, #tpu.memory_space<vmem>>
        %scatter3A_1196 = tpu.memref_squeeze %scatter3A_1195 : memref<1x32x257xf32, #tpu.memory_space<vmem>> -> memref<32x257xf32, #tpu.memory_space<vmem>>
        tpu.vector_store_idx %scatter3A_1196[%iota3A, %add3A_1176], %get3A_1186 : memref<32x257xf32, #tpu.memory_space<vmem>>[vector<16xi32>, vector<16xi32>], vector<16xf32>,
        %get3A_1197 = arith.constant 0 : i32
        %get3A_1198 = arith.index_cast %get3A_1197 : i32 to index
        %get3A_1199 = arith.index_cast %add3A_1169 : i32 to index
        %get3A_1200 = arith.constant 16 : index
        %get3A_1201 = tpu.vector_load %arg7[%get3A_1198, %get3A_1199, %get3A_1200] {strides = array<i32>} : memref<8x128x32xf32, #tpu.memory_space<vmem>>, vector<16xf32>,
        %get3A_1202 = arith.constant 0 : i32
        %get3A_1203 = arith.index_cast %get3A_1202 : i32 to index
        %get3A_1204 = arith.index_cast %add3A_1169 : i32 to index
        %get3A_1205 = arith.constant 16 : index
        %get3A_1206 = tpu.vector_load %arg8[%get3A_1203, %get3A_1204, %get3A_1205] {strides = array<i32>} : memref<8x128x32xf32, #tpu.memory_space<vmem>>, vector<16xf32>,
        %scatter3A_1207 = arith.constant 0 : i32
        %scatter3A_1208 = arith.constant 0 : i32
        %scatter3A_1209 = arith.constant 0 : i32
        %scatter3A_1210 = tpu.memref_slice %arg9[%scatter3A_1207, %scatter3A_1208, %scatter3A_1209] : memref<2x32x257xf32, #tpu.memory_space<vmem>> -> memref<1x32x257xf32, #tpu.memory_space<vmem>>
        %scatter3A_1211 = tpu.memref_squeeze %scatter3A_1210 : memref<1x32x257xf32, #tpu.memory_space<vmem>> -> memref<32x257xf32, #tpu.memory_space<vmem>>
        tpu.vector_store_idx %scatter3A_1211[%add3A_5, %add3A_1173], %get3A_1201 : memref<32x257xf32, #tpu.memory_space<vmem>>[vector<16xi32>, vector<16xi32>], vector<16xf32>,
        %scatter3A_1212 = arith.constant 0 : i32
        %scatter3A_1213 = arith.constant 0 : i32
        %scatter3A_1214 = arith.constant 0 : i32
        %scatter3A_1215 = tpu.memref_slice %arg9[%scatter3A_1212, %scatter3A_1213, %scatter3A_1214] : memref<2x32x257xf32, #tpu.memory_space<vmem>> -> memref<1x32x257xf32, #tpu.memory_space<vmem>>
        %scatter3A_1216 = tpu.memref_squeeze %scatter3A_1215 : memref<1x32x257xf32, #tpu.memory_space<vmem>> -> memref<32x257xf32, #tpu.memory_space<vmem>>
        tpu.vector_store_idx %scatter3A_1216[%add3A_5, %add3A_1176], %get3A_1206 : memref<32x257xf32, #tpu.memory_space<vmem>>[vector<16xi32>, vector<16xi32>], vector<16xf32>,
        %scan3A_1217 = arith.constant 0 : i32
        scf.yield %scan3A_1217 : i32
      }
      %scan3A_398 = arith.constant 64 : i32
      %add3A_399 = arith.constant 1 : i32
      %add3A_400 = arith.addi %scan3A_356, %add3A_399 : i32
      %lt3A = arith.constant 25 : i32
      %lt3A_401 = arith.cmpi slt, %add3A_400, %lt3A : i32
      %convert_element_type3A_402 = arith.extui %lt3A_401 : i1 to i32
      %cond3A_403 = arith.constant 0 : i32
      %cond3A_404 = arith.cmpi ne, %convert_element_type3A_402, %cond3A_403 : i32
      scf.if %cond3A_404 {
        %sub3A = arith.constant 1 : i32
        %sub3A_1011 = arith.subi %sub3A, %and3A_358 : i32
        %sub3A_1012 = arith.constant 1 : i32
        %sub3A_1013 = arith.subi %sub3A_1012, %and3A_358 : i32
        %dma_wait3A_1014 = arith.constant 0 : i32
        %dma_wait3A_1015 = arith.constant 0 : i32
        %dma_wait3A_1016 = tpu.memref_slice %arg6[%sub3A_1011, %dma_wait3A_1014, %dma_wait3A_1015] : memref<2x8x128xi32, #tpu.memory_space<vmem>> -> memref<1x8x128xi32, #tpu.memory_space<vmem>>
        %dma_wait3A_1017 = tpu.memref_squeeze %dma_wait3A_1016 : memref<1x8x128xi32, #tpu.memory_space<vmem>> -> memref<8x128xi32, #tpu.memory_space<vmem>>
        %dma_wait3A_1018 = arith.constant 0 : i32
        %dma_wait3A_1019 = tpu.memref_slice %arg2[%dma_wait3A_1018, %mul3A_2] : memref<200x4096xi32, #tpu.memory_space<hbm>> -> memref<8x128xi32, #tpu.memory_space<hbm>>
        %dma_wait3A_1020 = tpu.memref_slice %arg10[%sub3A_1013] : memref<2x!tpu.dma_semaphore, #tpu.memory_space<semaphore_mem>> -> memref<1x!tpu.dma_semaphore, #tpu.memory_space<semaphore_mem>>
        %dma_wait3A_1021 = tpu.memref_squeeze %dma_wait3A_1020 : memref<1x!tpu.dma_semaphore, #tpu.memory_space<semaphore_mem>> -> memref<!tpu.dma_semaphore, #tpu.memory_space<semaphore_mem>>
        %dma_wait3A_1022 = arith.constant 0 : i32
        %dma_wait3A_1023 = arith.constant 0 : i32
        %dma_wait3A_1024 = tpu.memref_slice %arg6[%sub3A_1011, %dma_wait3A_1022, %dma_wait3A_1023] : memref<2x8x128xi32, #tpu.memory_space<vmem>> -> memref<1x8x128xi32, #tpu.memory_space<vmem>>
        %dma_wait3A_1025 = tpu.memref_squeeze %dma_wait3A_1024 : memref<1x8x128xi32, #tpu.memory_space<vmem>> -> memref<8x128xi32, #tpu.memory_space<vmem>>
        %dma_wait3A_1026 = arith.constant 0 : i32
        %dma_wait3A_1027 = tpu.memref_slice %arg2[%dma_wait3A_1026, %mul3A_2] : memref<200x4096xi32, #tpu.memory_space<hbm>> -> memref<8x128xi32, #tpu.memory_space<hbm>>
        tpu.wait_dma2 semaphore(%dma_wait3A_1021 : memref<!tpu.dma_semaphore, #tpu.memory_space<semaphore_mem>>) src(%dma_wait3A_1027 : memref<8x128xi32, #tpu.memory_space<hbm>>) dst(%dma_wait3A_1025 : memref<8x128xi32, #tpu.memory_space<vmem>>)
        %sub3A_1028 = arith.constant 1 : i32
        %sub3A_1029 = arith.subi %sub3A_1028, %and3A_358 : i32
        %dma_start3A_1030 = arith.constant 0 : i32
        %dma_start3A_1031 = arith.constant 0 : i32
        %dma_start3A_1032 = arith.constant 0 : i32
        %dma_start3A_1033 = arith.constant 0 : i32
        %dma_start3A_1034 = arith.constant 0 : i32
        %dma_start3A_1035 = tpu.memref_slice %arg7[%dma_start3A_1031, %dma_start3A_1033, %dma_start3A_1034] : memref<8x128x32xf32, #tpu.memory_space<vmem>> -> memref<1x128x32xf32, #tpu.memory_space<vmem>>
        %dma_start3A_1036 = tpu.memref_squeeze %dma_start3A_1035 : memref<1x128x32xf32, #tpu.memory_space<vmem>> -> memref<128x32xf32, #tpu.memory_space<vmem>>
        %dma_start3A_1037 = arith.constant 0 : i32
        %dma_start3A_1038 = tpu.memref_slice %arg6[%sub3A_1029, %dma_start3A_1030, %dma_start3A_1037] : memref<2x8x128xi32, #tpu.memory_space<vmem>> -> memref<1x1x128xi32, #tpu.memory_space<vmem>>
        %dma_start3A_1039 = tpu.memref_squeeze %dma_start3A_1038 : memref<1x1x128xi32, #tpu.memory_space<vmem>> -> memref<128xi32, #tpu.memory_space<vmem>>
        %dma_start3A_1040 = arith.constant 0 : i32
        %dma_start3A_1041 = arith.constant 0 : i32
        %dma_start3A_1042 = tpu.memref_slice %arg3[%dma_start3A_1040, %dma_start3A_1041] : memref<1000000x32xf32, #tpu.memory_space<hbm>> -> memref<1000000x32xf32, #tpu.memory_space<hbm>>
        %dma_start3A_1043 = tpu.memref_slice %arg11[%dma_start3A_1032] : memref<8x!tpu.dma_semaphore, #tpu.memory_space<semaphore_mem>> -> memref<1x!tpu.dma_semaphore, #tpu.memory_space<semaphore_mem>>
        %dma_start3A_1044 = tpu.memref_squeeze %dma_start3A_1043 : memref<1x!tpu.dma_semaphore, #tpu.memory_space<semaphore_mem>> -> memref<!tpu.dma_semaphore, #tpu.memory_space<semaphore_mem>>
        tpu.enqueue_indirect_dma source(%dma_start3A_1042 : memref<1000000x32xf32, #tpu.memory_space<hbm>>) target(%dma_start3A_1036 : memref<128x32xf32, #tpu.memory_space<vmem>>) offsets(%dma_start3A_1039 : memref<128xi32, #tpu.memory_space<vmem>>) semaphore(%dma_start3A_1044 : memref<!tpu.dma_semaphore, #tpu.memory_space<semaphore_mem>>)
        %dma_start3A_1045 = arith.constant 0 : i32
        %dma_start3A_1046 = arith.constant 0 : i32
        %dma_start3A_1047 = arith.constant 0 : i32
        %dma_start3A_1048 = arith.constant 0 : i32
        %dma_start3A_1049 = arith.constant 0 : i32
        %dma_start3A_1050 = tpu.memref_slice %arg8[%dma_start3A_1046, %dma_start3A_1048, %dma_start3A_1049] : memref<8x128x32xf32, #tpu.memory_space<vmem>> -> memref<1x128x32xf32, #tpu.memory_space<vmem>>
        %dma_start3A_1051 = tpu.memref_squeeze %dma_start3A_1050 : memref<1x128x32xf32, #tpu.memory_space<vmem>> -> memref<128x32xf32, #tpu.memory_space<vmem>>
        %dma_start3A_1052 = arith.constant 0 : i32
        %dma_start3A_1053 = tpu.memref_slice %arg6[%sub3A_1029, %dma_start3A_1045, %dma_start3A_1052] : memref<2x8x128xi32, #tpu.memory_space<vmem>> -> memref<1x1x128xi32, #tpu.memory_space<vmem>>
        %dma_start3A_1054 = tpu.memref_squeeze %dma_start3A_1053 : memref<1x1x128xi32, #tpu.memory_space<vmem>> -> memref<128xi32, #tpu.memory_space<vmem>>
        %dma_start3A_1055 = arith.constant 0 : i32
        %dma_start3A_1056 = arith.constant 0 : i32
        %dma_start3A_1057 = tpu.memref_slice %arg4[%dma_start3A_1055, %dma_start3A_1056] : memref<1000000x32xf32, #tpu.memory_space<hbm>> -> memref<1000000x32xf32, #tpu.memory_space<hbm>>
        %dma_start3A_1058 = tpu.memref_slice %arg11[%dma_start3A_1047] : memref<8x!tpu.dma_semaphore, #tpu.memory_space<semaphore_mem>> -> memref<1x!tpu.dma_semaphore, #tpu.memory_space<semaphore_mem>>
        %dma_start3A_1059 = tpu.memref_squeeze %dma_start3A_1058 : memref<1x!tpu.dma_semaphore, #tpu.memory_space<semaphore_mem>> -> memref<!tpu.dma_semaphore, #tpu.memory_space<semaphore_mem>>
        tpu.enqueue_indirect_dma source(%dma_start3A_1057 : memref<1000000x32xf32, #tpu.memory_space<hbm>>) target(%dma_start3A_1051 : memref<128x32xf32, #tpu.memory_space<vmem>>) offsets(%dma_start3A_1054 : memref<128xi32, #tpu.memory_space<vmem>>) semaphore(%dma_start3A_1059 : memref<!tpu.dma_semaphore, #tpu.memory_space<semaphore_mem>>)
      } else {
      }
      %add3A_405 = arith.constant 2 : i32
      %add3A_406 = arith.addi %scan3A_356, %add3A_405 : i32
      %lt3A_407 = arith.constant 25 : i32
      %lt3A_408 = arith.cmpi slt, %add3A_406, %lt3A_407 : i32
      %convert_element_type3A_409 = arith.extui %lt3A_408 : i1 to i32
      %cond3A_410 = arith.constant 0 : i32
      %cond3A_411 = arith.cmpi ne, %convert_element_type3A_409, %cond3A_410 : i32
      scf.if %cond3A_411 {
      } else {
      }
      %mul3A_412 = arith.constant 8 : i32
      %mul3A_413 = arith.muli %scan3A_356, %mul3A_412 : i32
      %add3A_414 = arith.constant 0 : i32
      %add3A_415 = arith.addi %mul3A_413, %add3A_414 : i32
      %dma_start3A_416 = arith.constant 0 : i32
      %dma_start3A_417 = arith.constant 0 : i32
      %dma_start3A_418 = arith.constant 0 : i32
      %dma_start3A_419 = arith.constant 0 : i32
      %dma_start3A_420 = tpu.memref_slice %arg9[%dma_start3A_416, %dma_start3A_418, %dma_start3A_419] : memref<2x32x257xf32, #tpu.memory_space<vmem>> -> memref<1x32x256xf32, #tpu.memory_space<vmem>>
      %dma_start3A_421 = tpu.memref_squeeze %dma_start3A_420 : memref<1x32x256xf32, #tpu.memory_space<vmem>> -> memref<32x256xf32, #tpu.memory_space<vmem>>
      %dma_start3A_422 = arith.constant 0 : i32
      %dma_start3A_423 = arith.constant 0 : i32
      %dma_start3A_424 = tpu.memref_slice %arg5[%add3A_415, %dma_start3A_422, %add3A, %dma_start3A_423] : memref<200x32x32x256xf32, #tpu.memory_space<hbm>> -> memref<1x32x1x256xf32, #tpu.memory_space<hbm>>
      %dma_start3A_425 = tpu.memref_squeeze %dma_start3A_424 : memref<1x32x1x256xf32, #tpu.memory_space<hbm>> -> memref<32x256xf32, #tpu.memory_space<hbm>>
      %dma_start3A_426 = tpu.memref_slice %arg12[%dma_start3A_417] : memref<2x!tpu.dma_semaphore, #tpu.memory_space<semaphore_mem>> -> memref<1x!tpu.dma_semaphore, #tpu.memory_space<semaphore_mem>>
      %dma_start3A_427 = tpu.memref_squeeze %dma_start3A_426 : memref<1x!tpu.dma_semaphore, #tpu.memory_space<semaphore_mem>> -> memref<!tpu.dma_semaphore, #tpu.memory_space<semaphore_mem>>
      %dma_start3A_428 = arith.constant 0 : i32
      %dma_start3A_429 = arith.constant 0 : i32
      %dma_start3A_430 = tpu.memref_slice %arg5[%add3A_415, %dma_start3A_428, %add3A, %dma_start3A_429] : memref<200x32x32x256xf32, #tpu.memory_space<hbm>> -> memref<1x32x1x256xf32, #tpu.memory_space<hbm>>
      %dma_start3A_431 = tpu.memref_squeeze %dma_start3A_430 : memref<1x32x1x256xf32, #tpu.memory_space<hbm>> -> memref<32x256xf32, #tpu.memory_space<hbm>>
      %dma_start3A_432 = arith.constant 0 : i32
      %dma_start3A_433 = arith.constant 0 : i32
      %dma_start3A_434 = tpu.memref_slice %arg9[%dma_start3A_416, %dma_start3A_432, %dma_start3A_433] : memref<2x32x257xf32, #tpu.memory_space<vmem>> -> memref<1x32x256xf32, #tpu.memory_space<vmem>>
      %dma_start3A_435 = tpu.memref_squeeze %dma_start3A_434 : memref<1x32x256xf32, #tpu.memory_space<vmem>> -> memref<32x256xf32, #tpu.memory_space<vmem>>
      tpu.enqueue_dma source(%dma_start3A_435 : memref<32x256xf32, #tpu.memory_space<vmem>>) target(%dma_start3A_431 : memref<32x256xf32, #tpu.memory_space<hbm>>) target_semaphore(%dma_start3A_427 : memref<!tpu.dma_semaphore, #tpu.memory_space<semaphore_mem>>)
      %dma_wait3A_436 = arith.constant 1 : i32
      %dma_wait3A_437 = arith.constant 1 : i32
      %dma_wait3A_438 = arith.constant 1 : i32
      %dma_wait3A_439 = arith.constant 0 : i32
      %dma_wait3A_440 = arith.constant 0 : i32
      %dma_wait3A_441 = tpu.memref_slice %arg7[%dma_wait3A_437, %dma_wait3A_439, %dma_wait3A_440] : memref<8x128x32xf32, #tpu.memory_space<vmem>> -> memref<1x128x32xf32, #tpu.memory_space<vmem>>
      %dma_wait3A_442 = tpu.memref_squeeze %dma_wait3A_441 : memref<1x128x32xf32, #tpu.memory_space<vmem>> -> memref<128x32xf32, #tpu.memory_space<vmem>>
      %dma_wait3A_443 = arith.constant 0 : i32
      %dma_wait3A_444 = tpu.memref_slice %arg6[%and3A_358, %dma_wait3A_436, %dma_wait3A_443] : memref<2x8x128xi32, #tpu.memory_space<vmem>> -> memref<1x1x128xi32, #tpu.memory_space<vmem>>
      %dma_wait3A_445 = tpu.memref_squeeze %dma_wait3A_444 : memref<1x1x128xi32, #tpu.memory_space<vmem>> -> memref<128xi32, #tpu.memory_space<vmem>>
      %dma_wait3A_446 = arith.constant 0 : i32
      %dma_wait3A_447 = arith.constant 0 : i32
      %dma_wait3A_448 = tpu.memref_slice %arg3[%dma_wait3A_446, %dma_wait3A_447] : memref<1000000x32xf32, #tpu.memory_space<hbm>> -> memref<1000000x32xf32, #tpu.memory_space<hbm>>
      %dma_wait3A_449 = tpu.memref_slice %arg11[%dma_wait3A_438] : memref<8x!tpu.dma_semaphore, #tpu.memory_space<semaphore_mem>> -> memref<1x!tpu.dma_semaphore, #tpu.memory_space<semaphore_mem>>
      %dma_wait3A_450 = tpu.memref_squeeze %dma_wait3A_449 : memref<1x!tpu.dma_semaphore, #tpu.memory_space<semaphore_mem>> -> memref<!tpu.dma_semaphore, #tpu.memory_space<semaphore_mem>>
      tpu.wait_indirect_dma semaphore(%dma_wait3A_450 : memref<!tpu.dma_semaphore, #tpu.memory_space<semaphore_mem>>) src(%dma_wait3A_448 : memref<1000000x32xf32, #tpu.memory_space<hbm>>) dst(%dma_wait3A_442 : memref<128x32xf32, #tpu.memory_space<vmem>>)
      %dma_wait3A_451 = arith.constant 1 : i32
      %dma_wait3A_452 = arith.constant 1 : i32
      %dma_wait3A_453 = arith.constant 1 : i32
      %dma_wait3A_454 = arith.constant 0 : i32
      %dma_wait3A_455 = arith.constant 0 : i32
      %dma_wait3A_456 = tpu.memref_slice %arg8[%dma_wait3A_452, %dma_wait3A_454, %dma_wait3A_455] : memref<8x128x32xf32, #tpu.memory_space<vmem>> -> memref<1x128x32xf32, #tpu.memory_space<vmem>>
      %dma_wait3A_457 = tpu.memref_squeeze %dma_wait3A_456 : memref<1x128x32xf32, #tpu.memory_space<vmem>> -> memref<128x32xf32, #tpu.memory_space<vmem>>
      %dma_wait3A_458 = arith.constant 0 : i32
      %dma_wait3A_459 = tpu.memref_slice %arg6[%and3A_358, %dma_wait3A_451, %dma_wait3A_458] : memref<2x8x128xi32, #tpu.memory_space<vmem>> -> memref<1x1x128xi32, #tpu.memory_space<vmem>>
      %dma_wait3A_460 = tpu.memref_squeeze %dma_wait3A_459 : memref<1x1x128xi32, #tpu.memory_space<vmem>> -> memref<128xi32, #tpu.memory_space<vmem>>
      %dma_wait3A_461 = arith.constant 0 : i32
      %dma_wait3A_462 = arith.constant 0 : i32
      %dma_wait3A_463 = tpu.memref_slice %arg4[%dma_wait3A_461, %dma_wait3A_462] : memref<1000000x32xf32, #tpu.memory_space<hbm>> -> memref<1000000x32xf32, #tpu.memory_space<hbm>>
      %dma_wait3A_464 = tpu.memref_slice %arg11[%dma_wait3A_453] : memref<8x!tpu.dma_semaphore, #tpu.memory_space<semaphore_mem>> -> memref<1x!tpu.dma_semaphore, #tpu.memory_space<semaphore_mem>>
      %dma_wait3A_465 = tpu.memref_squeeze %dma_wait3A_464 : memref<1x!tpu.dma_semaphore, #tpu.memory_space<semaphore_mem>> -> memref<!tpu.dma_semaphore, #tpu.memory_space<semaphore_mem>>
      tpu.wait_indirect_dma semaphore(%dma_wait3A_465 : memref<!tpu.dma_semaphore, #tpu.memory_space<semaphore_mem>>) src(%dma_wait3A_463 : memref<1000000x32xf32, #tpu.memory_space<hbm>>) dst(%dma_wait3A_457 : memref<128x32xf32, #tpu.memory_space<vmem>>)
      %gt3A_466 = arith.constant 0 : i32
      %gt3A_467 = arith.cmpi sgt, %scan3A_356, %gt3A_466 : i32
      %or3A_468 = arith.constant false
      %or3A_469 = arith.ori %gt3A_467, %or3A_468 : i1
      %convert_element_type3A_470 = arith.extui %or3A_469 : i1 to i32
      %cond3A_471 = arith.constant 0 : i32
      %cond3A_472 = arith.cmpi ne, %convert_element_type3A_470, %cond3A_471 : i32
      scf.if %cond3A_472 {
        %sub3A = arith.constant 1 : i32
        %sub3A_1011 = arith.subi %scan3A_356, %sub3A : i32
        %jit3A = arith.constant false
        %select_n3A = arith.select %jit3A, %scan3A_356, %sub3A_1011 : i32
        %mul3A_1012 = arith.constant 8 : i32
        %mul3A_1013 = arith.muli %select_n3A, %mul3A_1012 : i32
        %add3A_1014 = arith.constant 7 : i32
        %add3A_1015 = arith.addi %mul3A_1013, %add3A_1014 : i32
        %dma_wait3A_1016 = arith.constant 1 : i32
        %dma_wait3A_1017 = arith.constant 1 : i32
        %dma_wait3A_1018 = arith.constant 0 : i32
        %dma_wait3A_1019 = arith.constant 0 : i32
        %dma_wait3A_1020 = tpu.memref_slice %arg9[%dma_wait3A_1016, %dma_wait3A_1018, %dma_wait3A_1019] : memref<2x32x257xf32, #tpu.memory_space<vmem>> -> memref<1x32x256xf32, #tpu.memory_space<vmem>>
        %dma_wait3A_1021 = tpu.memref_squeeze %dma_wait3A_1020 : memref<1x32x256xf32, #tpu.memory_space<vmem>> -> memref<32x256xf32, #tpu.memory_space<vmem>>
        %dma_wait3A_1022 = arith.constant 0 : i32
        %dma_wait3A_1023 = arith.constant 0 : i32
        %dma_wait3A_1024 = tpu.memref_slice %arg5[%add3A_1015, %dma_wait3A_1022, %add3A, %dma_wait3A_1023] : memref<200x32x32x256xf32, #tpu.memory_space<hbm>> -> memref<1x32x1x256xf32, #tpu.memory_space<hbm>>
        %dma_wait3A_1025 = tpu.memref_squeeze %dma_wait3A_1024 : memref<1x32x1x256xf32, #tpu.memory_space<hbm>> -> memref<32x256xf32, #tpu.memory_space<hbm>>
        %dma_wait3A_1026 = tpu.memref_slice %arg12[%dma_wait3A_1017] : memref<2x!tpu.dma_semaphore, #tpu.memory_space<semaphore_mem>> -> memref<1x!tpu.dma_semaphore, #tpu.memory_space<semaphore_mem>>
        %dma_wait3A_1027 = tpu.memref_squeeze %dma_wait3A_1026 : memref<1x!tpu.dma_semaphore, #tpu.memory_space<semaphore_mem>> -> memref<!tpu.dma_semaphore, #tpu.memory_space<semaphore_mem>>
        %dma_wait3A_1028 = arith.constant 0 : i32
        %dma_wait3A_1029 = arith.constant 0 : i32
        %dma_wait3A_1030 = tpu.memref_slice %arg5[%add3A_1015, %dma_wait3A_1028, %add3A, %dma_wait3A_1029] : memref<200x32x32x256xf32, #tpu.memory_space<hbm>> -> memref<1x32x1x256xf32, #tpu.memory_space<hbm>>
        %dma_wait3A_1031 = tpu.memref_squeeze %dma_wait3A_1030 : memref<1x32x1x256xf32, #tpu.memory_space<hbm>> -> memref<32x256xf32, #tpu.memory_space<hbm>>
        %dma_wait3A_1032 = arith.constant 0 : i32
        %dma_wait3A_1033 = arith.constant 0 : i32
        %dma_wait3A_1034 = tpu.memref_slice %arg9[%dma_wait3A_1016, %dma_wait3A_1032, %dma_wait3A_1033] : memref<2x32x257xf32, #tpu.memory_space<vmem>> -> memref<1x32x256xf32, #tpu.memory_space<vmem>>
        %dma_wait3A_1035 = tpu.memref_squeeze %dma_wait3A_1034 : memref<1x32x256xf32, #tpu.memory_space<vmem>> -> memref<32x256xf32, #tpu.memory_space<vmem>>
        tpu.wait_dma2 semaphore(%dma_wait3A_1027 : memref<!tpu.dma_semaphore, #tpu.memory_space<semaphore_mem>>) src(%dma_wait3A_1035 : memref<32x256xf32, #tpu.memory_space<vmem>>) dst(%dma_wait3A_1031 : memref<32x256xf32, #tpu.memory_space<hbm>>)
      } else {
      }
      %scan3A_473 = arith.constant 0 : i32
      %scan3A_474 = arith.constant 0 : i32
      %scan3A_475 = arith.constant 64 : i32
      %scan3A_476 = arith.addi %scan3A_474, %scan3A_475 : i32
      %scan3A_477 = arith.constant 2 : i32
      %scan3A_478 = scf.for %scan3A_1011 = %scan3A_474 to %scan3A_476 step %scan3A_477 iter_args(%scan3A_1012 = %scan3A_473) -> (i32)  : i32 {
        %mul3A_1013 = arith.constant 2 : i32
        %mul3A_1014 = arith.muli %scan3A_1011, %mul3A_1013 : i32
        %add3A_1015 = arith.constant 0 : i32
        %add3A_1016 = arith.addi %mul3A_1014, %add3A_1015 : i32
        %broadcast_in_dim3A = arith.constant 0 : i32
        %broadcast_in_dim3A_1017 = vector.broadcast %broadcast_in_dim3A : i32 to vector<16xi32>
        %add3A_1018 = vector.broadcast %add3A_1016 : i32 to vector<16xi32>
        %add3A_1019 = arith.addi %broadcast_in_dim3A_1017, %add3A_1018 : vector<16xi32>
        %add3A_1020 = arith.constant 128 : i32
        %add3A_1021 = vector.broadcast %add3A_1020 : i32 to vector<16xi32>
        %add3A_1022 = arith.addi %add3A_1019, %add3A_1021 : vector<16xi32>
        %get3A = arith.constant 1 : i32
        %get3A_1023 = arith.index_cast %get3A : i32 to index
        %get3A_1024 = arith.index_cast %add3A_1016 : i32 to index
        %get3A_1025 = arith.constant 0 : index
        %get3A_1026 = tpu.vector_load %arg7[%get3A_1023, %get3A_1024, %get3A_1025] {strides = array<i32>} : memref<8x128x32xf32, #tpu.memory_space<vmem>>, vector<16xf32>,
        %get3A_1027 = arith.constant 1 : i32
        %get3A_1028 = arith.index_cast %get3A_1027 : i32 to index
        %get3A_1029 = arith.index_cast %add3A_1016 : i32 to index
        %get3A_1030 = arith.constant 0 : index
        %get3A_1031 = tpu.vector_load %arg8[%get3A_1028, %get3A_1029, %get3A_1030] {strides = array<i32>} : memref<8x128x32xf32, #tpu.memory_space<vmem>>, vector<16xf32>,
        %scatter3A = arith.constant 1 : i32
        %scatter3A_1032 = arith.constant 0 : i32
        %scatter3A_1033 = arith.constant 0 : i32
        %scatter3A_1034 = tpu.memref_slice %arg9[%scatter3A, %scatter3A_1032, %scatter3A_1033] : memref<2x32x257xf32, #tpu.memory_space<vmem>> -> memref<1x32x257xf32, #tpu.memory_space<vmem>>
        %scatter3A_1035 = tpu.memref_squeeze %scatter3A_1034 : memref<1x32x257xf32, #tpu.memory_space<vmem>> -> memref<32x257xf32, #tpu.memory_space<vmem>>
        tpu.vector_store_idx %scatter3A_1035[%iota3A, %add3A_1019], %get3A_1026 : memref<32x257xf32, #tpu.memory_space<vmem>>[vector<16xi32>, vector<16xi32>], vector<16xf32>,
        %scatter3A_1036 = arith.constant 1 : i32
        %scatter3A_1037 = arith.constant 0 : i32
        %scatter3A_1038 = arith.constant 0 : i32
        %scatter3A_1039 = tpu.memref_slice %arg9[%scatter3A_1036, %scatter3A_1037, %scatter3A_1038] : memref<2x32x257xf32, #tpu.memory_space<vmem>> -> memref<1x32x257xf32, #tpu.memory_space<vmem>>
        %scatter3A_1040 = tpu.memref_squeeze %scatter3A_1039 : memref<1x32x257xf32, #tpu.memory_space<vmem>> -> memref<32x257xf32, #tpu.memory_space<vmem>>
        tpu.vector_store_idx %scatter3A_1040[%iota3A, %add3A_1022], %get3A_1031 : memref<32x257xf32, #tpu.memory_space<vmem>>[vector<16xi32>, vector<16xi32>], vector<16xf32>,
        %get3A_1041 = arith.constant 1 : i32
        %get3A_1042 = arith.index_cast %get3A_1041 : i32 to index
        %get3A_1043 = arith.index_cast %add3A_1016 : i32 to index
        %get3A_1044 = arith.constant 16 : index
        %get3A_1045 = tpu.vector_load %arg7[%get3A_1042, %get3A_1043, %get3A_1044] {strides = array<i32>} : memref<8x128x32xf32, #tpu.memory_space<vmem>>, vector<16xf32>,
        %get3A_1046 = arith.constant 1 : i32
        %get3A_1047 = arith.index_cast %get3A_1046 : i32 to index
        %get3A_1048 = arith.index_cast %add3A_1016 : i32 to index
        %get3A_1049 = arith.constant 16 : index
        %get3A_1050 = tpu.vector_load %arg8[%get3A_1047, %get3A_1048, %get3A_1049] {strides = array<i32>} : memref<8x128x32xf32, #tpu.memory_space<vmem>>, vector<16xf32>,
        %scatter3A_1051 = arith.constant 1 : i32
        %scatter3A_1052 = arith.constant 0 : i32
        %scatter3A_1053 = arith.constant 0 : i32
        %scatter3A_1054 = tpu.memref_slice %arg9[%scatter3A_1051, %scatter3A_1052, %scatter3A_1053] : memref<2x32x257xf32, #tpu.memory_space<vmem>> -> memref<1x32x257xf32, #tpu.memory_space<vmem>>
        %scatter3A_1055 = tpu.memref_squeeze %scatter3A_1054 : memref<1x32x257xf32, #tpu.memory_space<vmem>> -> memref<32x257xf32, #tpu.memory_space<vmem>>
        tpu.vector_store_idx %scatter3A_1055[%add3A_5, %add3A_1019], %get3A_1045 : memref<32x257xf32, #tpu.memory_space<vmem>>[vector<16xi32>, vector<16xi32>], vector<16xf32>,
        %scatter3A_1056 = arith.constant 1 : i32
        %scatter3A_1057 = arith.constant 0 : i32
        %scatter3A_1058 = arith.constant 0 : i32
        %scatter3A_1059 = tpu.memref_slice %arg9[%scatter3A_1056, %scatter3A_1057, %scatter3A_1058] : memref<2x32x257xf32, #tpu.memory_space<vmem>> -> memref<1x32x257xf32, #tpu.memory_space<vmem>>
        %scatter3A_1060 = tpu.memref_squeeze %scatter3A_1059 : memref<1x32x257xf32, #tpu.memory_space<vmem>> -> memref<32x257xf32, #tpu.memory_space<vmem>>
        tpu.vector_store_idx %scatter3A_1060[%add3A_5, %add3A_1022], %get3A_1050 : memref<32x257xf32, #tpu.memory_space<vmem>>[vector<16xi32>, vector<16xi32>], vector<16xf32>,
        %mul3A_1061 = arith.constant 2 : i32
        %mul3A_1062 = arith.muli %scan3A_1011, %mul3A_1061 : i32
        %add3A_1063 = arith.constant 1 : i32
        %add3A_1064 = arith.addi %mul3A_1062, %add3A_1063 : i32
        %broadcast_in_dim3A_1065 = arith.constant 0 : i32
        %broadcast_in_dim3A_1066 = vector.broadcast %broadcast_in_dim3A_1065 : i32 to vector<16xi32>
        %add3A_1067 = vector.broadcast %add3A_1064 : i32 to vector<16xi32>
        %add3A_1068 = arith.addi %broadcast_in_dim3A_1066, %add3A_1067 : vector<16xi32>
        %add3A_1069 = arith.constant 128 : i32
        %add3A_1070 = vector.broadcast %add3A_1069 : i32 to vector<16xi32>
        %add3A_1071 = arith.addi %add3A_1068, %add3A_1070 : vector<16xi32>
        %get3A_1072 = arith.constant 1 : i32
        %get3A_1073 = arith.index_cast %get3A_1072 : i32 to index
        %get3A_1074 = arith.index_cast %add3A_1064 : i32 to index
        %get3A_1075 = arith.constant 0 : index
        %get3A_1076 = tpu.vector_load %arg7[%get3A_1073, %get3A_1074, %get3A_1075] {strides = array<i32>} : memref<8x128x32xf32, #tpu.memory_space<vmem>>, vector<16xf32>,
        %get3A_1077 = arith.constant 1 : i32
        %get3A_1078 = arith.index_cast %get3A_1077 : i32 to index
        %get3A_1079 = arith.index_cast %add3A_1064 : i32 to index
        %get3A_1080 = arith.constant 0 : index
        %get3A_1081 = tpu.vector_load %arg8[%get3A_1078, %get3A_1079, %get3A_1080] {strides = array<i32>} : memref<8x128x32xf32, #tpu.memory_space<vmem>>, vector<16xf32>,
        %scatter3A_1082 = arith.constant 1 : i32
        %scatter3A_1083 = arith.constant 0 : i32
        %scatter3A_1084 = arith.constant 0 : i32
        %scatter3A_1085 = tpu.memref_slice %arg9[%scatter3A_1082, %scatter3A_1083, %scatter3A_1084] : memref<2x32x257xf32, #tpu.memory_space<vmem>> -> memref<1x32x257xf32, #tpu.memory_space<vmem>>
        %scatter3A_1086 = tpu.memref_squeeze %scatter3A_1085 : memref<1x32x257xf32, #tpu.memory_space<vmem>> -> memref<32x257xf32, #tpu.memory_space<vmem>>
        tpu.vector_store_idx %scatter3A_1086[%iota3A, %add3A_1068], %get3A_1076 : memref<32x257xf32, #tpu.memory_space<vmem>>[vector<16xi32>, vector<16xi32>], vector<16xf32>,
        %scatter3A_1087 = arith.constant 1 : i32
        %scatter3A_1088 = arith.constant 0 : i32
        %scatter3A_1089 = arith.constant 0 : i32
        %scatter3A_1090 = tpu.memref_slice %arg9[%scatter3A_1087, %scatter3A_1088, %scatter3A_1089] : memref<2x32x257xf32, #tpu.memory_space<vmem>> -> memref<1x32x257xf32, #tpu.memory_space<vmem>>
        %scatter3A_1091 = tpu.memref_squeeze %scatter3A_1090 : memref<1x32x257xf32, #tpu.memory_space<vmem>> -> memref<32x257xf32, #tpu.memory_space<vmem>>
        tpu.vector_store_idx %scatter3A_1091[%iota3A, %add3A_1071], %get3A_1081 : memref<32x257xf32, #tpu.memory_space<vmem>>[vector<16xi32>, vector<16xi32>], vector<16xf32>,
        %get3A_1092 = arith.constant 1 : i32
        %get3A_1093 = arith.index_cast %get3A_1092 : i32 to index
        %get3A_1094 = arith.index_cast %add3A_1064 : i32 to index
        %get3A_1095 = arith.constant 16 : index
        %get3A_1096 = tpu.vector_load %arg7[%get3A_1093, %get3A_1094, %get3A_1095] {strides = array<i32>} : memref<8x128x32xf32, #tpu.memory_space<vmem>>, vector<16xf32>,
        %get3A_1097 = arith.constant 1 : i32
        %get3A_1098 = arith.index_cast %get3A_1097 : i32 to index
        %get3A_1099 = arith.index_cast %add3A_1064 : i32 to index
        %get3A_1100 = arith.constant 16 : index
        %get3A_1101 = tpu.vector_load %arg8[%get3A_1098, %get3A_1099, %get3A_1100] {strides = array<i32>} : memref<8x128x32xf32, #tpu.memory_space<vmem>>, vector<16xf32>,
        %scatter3A_1102 = arith.constant 1 : i32
        %scatter3A_1103 = arith.constant 0 : i32
        %scatter3A_1104 = arith.constant 0 : i32
        %scatter3A_1105 = tpu.memref_slice %arg9[%scatter3A_1102, %scatter3A_1103, %scatter3A_1104] : memref<2x32x257xf32, #tpu.memory_space<vmem>> -> memref<1x32x257xf32, #tpu.memory_space<vmem>>
        %scatter3A_1106 = tpu.memref_squeeze %scatter3A_1105 : memref<1x32x257xf32, #tpu.memory_space<vmem>> -> memref<32x257xf32, #tpu.memory_space<vmem>>
        tpu.vector_store_idx %scatter3A_1106[%add3A_5, %add3A_1068], %get3A_1096 : memref<32x257xf32, #tpu.memory_space<vmem>>[vector<16xi32>, vector<16xi32>], vector<16xf32>,
        %scatter3A_1107 = arith.constant 1 : i32
        %scatter3A_1108 = arith.constant 0 : i32
        %scatter3A_1109 = arith.constant 0 : i32
        %scatter3A_1110 = tpu.memref_slice %arg9[%scatter3A_1107, %scatter3A_1108, %scatter3A_1109] : memref<2x32x257xf32, #tpu.memory_space<vmem>> -> memref<1x32x257xf32, #tpu.memory_space<vmem>>
        %scatter3A_1111 = tpu.memref_squeeze %scatter3A_1110 : memref<1x32x257xf32, #tpu.memory_space<vmem>> -> memref<32x257xf32, #tpu.memory_space<vmem>>
        tpu.vector_store_idx %scatter3A_1111[%add3A_5, %add3A_1071], %get3A_1101 : memref<32x257xf32, #tpu.memory_space<vmem>>[vector<16xi32>, vector<16xi32>], vector<16xf32>,
        %scan3A_1112 = arith.constant 0 : i32
        %scan3A_1113 = arith.constant 1 : i32
        %scan3A_1114 = arith.addi %scan3A_1011, %scan3A_1113 : i32
        %mul3A_1115 = arith.constant 2 : i32
        %mul3A_1116 = arith.muli %scan3A_1114, %mul3A_1115 : i32
        %add3A_1117 = arith.constant 0 : i32
        %add3A_1118 = arith.addi %mul3A_1116, %add3A_1117 : i32
        %broadcast_in_dim3A_1119 = arith.constant 0 : i32
        %broadcast_in_dim3A_1120 = vector.broadcast %broadcast_in_dim3A_1119 : i32 to vector<16xi32>
        %add3A_1121 = vector.broadcast %add3A_1118 : i32 to vector<16xi32>
        %add3A_1122 = arith.addi %broadcast_in_dim3A_1120, %add3A_1121 : vector<16xi32>
        %add3A_1123 = arith.constant 128 : i32
        %add3A_1124 = vector.broadcast %add3A_1123 : i32 to vector<16xi32>
        %add3A_1125 = arith.addi %add3A_1122, %add3A_1124 : vector<16xi32>
        %get3A_1126 = arith.constant 1 : i32
        %get3A_1127 = arith.index_cast %get3A_1126 : i32 to index
        %get3A_1128 = arith.index_cast %add3A_1118 : i32 to index
        %get3A_1129 = arith.constant 0 : index
        %get3A_1130 = tpu.vector_load %arg7[%get3A_1127, %get3A_1128, %get3A_1129] {strides = array<i32>} : memref<8x128x32xf32, #tpu.memory_space<vmem>>, vector<16xf32>,
        %get3A_1131 = arith.constant 1 : i32
        %get3A_1132 = arith.index_cast %get3A_1131 : i32 to index
        %get3A_1133 = arith.index_cast %add3A_1118 : i32 to index
        %get3A_1134 = arith.constant 0 : index
        %get3A_1135 = tpu.vector_load %arg8[%get3A_1132, %get3A_1133, %get3A_1134] {strides = array<i32>} : memref<8x128x32xf32, #tpu.memory_space<vmem>>, vector<16xf32>,
        %scatter3A_1136 = arith.constant 1 : i32
        %scatter3A_1137 = arith.constant 0 : i32
        %scatter3A_1138 = arith.constant 0 : i32
        %scatter3A_1139 = tpu.memref_slice %arg9[%scatter3A_1136, %scatter3A_1137, %scatter3A_1138] : memref<2x32x257xf32, #tpu.memory_space<vmem>> -> memref<1x32x257xf32, #tpu.memory_space<vmem>>
        %scatter3A_1140 = tpu.memref_squeeze %scatter3A_1139 : memref<1x32x257xf32, #tpu.memory_space<vmem>> -> memref<32x257xf32, #tpu.memory_space<vmem>>
        tpu.vector_store_idx %scatter3A_1140[%iota3A, %add3A_1122], %get3A_1130 : memref<32x257xf32, #tpu.memory_space<vmem>>[vector<16xi32>, vector<16xi32>], vector<16xf32>,
        %scatter3A_1141 = arith.constant 1 : i32
        %scatter3A_1142 = arith.constant 0 : i32
        %scatter3A_1143 = arith.constant 0 : i32
        %scatter3A_1144 = tpu.memref_slice %arg9[%scatter3A_1141, %scatter3A_1142, %scatter3A_1143] : memref<2x32x257xf32, #tpu.memory_space<vmem>> -> memref<1x32x257xf32, #tpu.memory_space<vmem>>
        %scatter3A_1145 = tpu.memref_squeeze %scatter3A_1144 : memref<1x32x257xf32, #tpu.memory_space<vmem>> -> memref<32x257xf32, #tpu.memory_space<vmem>>
        tpu.vector_store_idx %scatter3A_1145[%iota3A, %add3A_1125], %get3A_1135 : memref<32x257xf32, #tpu.memory_space<vmem>>[vector<16xi32>, vector<16xi32>], vector<16xf32>,
        %get3A_1146 = arith.constant 1 : i32
        %get3A_1147 = arith.index_cast %get3A_1146 : i32 to index
        %get3A_1148 = arith.index_cast %add3A_1118 : i32 to index
        %get3A_1149 = arith.constant 16 : index
        %get3A_1150 = tpu.vector_load %arg7[%get3A_1147, %get3A_1148, %get3A_1149] {strides = array<i32>} : memref<8x128x32xf32, #tpu.memory_space<vmem>>, vector<16xf32>,
        %get3A_1151 = arith.constant 1 : i32
        %get3A_1152 = arith.index_cast %get3A_1151 : i32 to index
        %get3A_1153 = arith.index_cast %add3A_1118 : i32 to index
        %get3A_1154 = arith.constant 16 : index
        %get3A_1155 = tpu.vector_load %arg8[%get3A_1152, %get3A_1153, %get3A_1154] {strides = array<i32>} : memref<8x128x32xf32, #tpu.memory_space<vmem>>, vector<16xf32>,
        %scatter3A_1156 = arith.constant 1 : i32
        %scatter3A_1157 = arith.constant 0 : i32
        %scatter3A_1158 = arith.constant 0 : i32
        %scatter3A_1159 = tpu.memref_slice %arg9[%scatter3A_1156, %scatter3A_1157, %scatter3A_1158] : memref<2x32x257xf32, #tpu.memory_space<vmem>> -> memref<1x32x257xf32, #tpu.memory_space<vmem>>
        %scatter3A_1160 = tpu.memref_squeeze %scatter3A_1159 : memref<1x32x257xf32, #tpu.memory_space<vmem>> -> memref<32x257xf32, #tpu.memory_space<vmem>>
        tpu.vector_store_idx %scatter3A_1160[%add3A_5, %add3A_1122], %get3A_1150 : memref<32x257xf32, #tpu.memory_space<vmem>>[vector<16xi32>, vector<16xi32>], vector<16xf32>,
        %scatter3A_1161 = arith.constant 1 : i32
        %scatter3A_1162 = arith.constant 0 : i32
        %scatter3A_1163 = arith.constant 0 : i32
        %scatter3A_1164 = tpu.memref_slice %arg9[%scatter3A_1161, %scatter3A_1162, %scatter3A_1163] : memref<2x32x257xf32, #tpu.memory_space<vmem>> -> memref<1x32x257xf32, #tpu.memory_space<vmem>>
        %scatter3A_1165 = tpu.memref_squeeze %scatter3A_1164 : memref<1x32x257xf32, #tpu.memory_space<vmem>> -> memref<32x257xf32, #tpu.memory_space<vmem>>
        tpu.vector_store_idx %scatter3A_1165[%add3A_5, %add3A_1125], %get3A_1155 : memref<32x257xf32, #tpu.memory_space<vmem>>[vector<16xi32>, vector<16xi32>], vector<16xf32>,
        %mul3A_1166 = arith.constant 2 : i32
        %mul3A_1167 = arith.muli %scan3A_1114, %mul3A_1166 : i32
        %add3A_1168 = arith.constant 1 : i32
        %add3A_1169 = arith.addi %mul3A_1167, %add3A_1168 : i32
        %broadcast_in_dim3A_1170 = arith.constant 0 : i32
        %broadcast_in_dim3A_1171 = vector.broadcast %broadcast_in_dim3A_1170 : i32 to vector<16xi32>
        %add3A_1172 = vector.broadcast %add3A_1169 : i32 to vector<16xi32>
        %add3A_1173 = arith.addi %broadcast_in_dim3A_1171, %add3A_1172 : vector<16xi32>
        %add3A_1174 = arith.constant 128 : i32
        %add3A_1175 = vector.broadcast %add3A_1174 : i32 to vector<16xi32>
        %add3A_1176 = arith.addi %add3A_1173, %add3A_1175 : vector<16xi32>
        %get3A_1177 = arith.constant 1 : i32
        %get3A_1178 = arith.index_cast %get3A_1177 : i32 to index
        %get3A_1179 = arith.index_cast %add3A_1169 : i32 to index
        %get3A_1180 = arith.constant 0 : index
        %get3A_1181 = tpu.vector_load %arg7[%get3A_1178, %get3A_1179, %get3A_1180] {strides = array<i32>} : memref<8x128x32xf32, #tpu.memory_space<vmem>>, vector<16xf32>,
        %get3A_1182 = arith.constant 1 : i32
        %get3A_1183 = arith.index_cast %get3A_1182 : i32 to index
        %get3A_1184 = arith.index_cast %add3A_1169 : i32 to index
        %get3A_1185 = arith.constant 0 : index
        %get3A_1186 = tpu.vector_load %arg8[%get3A_1183, %get3A_1184, %get3A_1185] {strides = array<i32>} : memref<8x128x32xf32, #tpu.memory_space<vmem>>, vector<16xf32>,
        %scatter3A_1187 = arith.constant 1 : i32
        %scatter3A_1188 = arith.constant 0 : i32
        %scatter3A_1189 = arith.constant 0 : i32
        %scatter3A_1190 = tpu.memref_slice %arg9[%scatter3A_1187, %scatter3A_1188, %scatter3A_1189] : memref<2x32x257xf32, #tpu.memory_space<vmem>> -> memref<1x32x257xf32, #tpu.memory_space<vmem>>
        %scatter3A_1191 = tpu.memref_squeeze %scatter3A_1190 : memref<1x32x257xf32, #tpu.memory_space<vmem>> -> memref<32x257xf32, #tpu.memory_space<vmem>>
        tpu.vector_store_idx %scatter3A_1191[%iota3A, %add3A_1173], %get3A_1181 : memref<32x257xf32, #tpu.memory_space<vmem>>[vector<16xi32>, vector<16xi32>], vector<16xf32>,
        %scatter3A_1192 = arith.constant 1 : i32
        %scatter3A_1193 = arith.constant 0 : i32
        %scatter3A_1194 = arith.constant 0 : i32
        %scatter3A_1195 = tpu.memref_slice %arg9[%scatter3A_1192, %scatter3A_1193, %scatter3A_1194] : memref<2x32x257xf32, #tpu.memory_space<vmem>> -> memref<1x32x257xf32, #tpu.memory_space<vmem>>
        %scatter3A_1196 = tpu.memref_squeeze %scatter3A_1195 : memref<1x32x257xf32, #tpu.memory_space<vmem>> -> memref<32x257xf32, #tpu.memory_space<vmem>>
        tpu.vector_store_idx %scatter3A_1196[%iota3A, %add3A_1176], %get3A_1186 : memref<32x257xf32, #tpu.memory_space<vmem>>[vector<16xi32>, vector<16xi32>], vector<16xf32>,
        %get3A_1197 = arith.constant 1 : i32
        %get3A_1198 = arith.index_cast %get3A_1197 : i32 to index
        %get3A_1199 = arith.index_cast %add3A_1169 : i32 to index
        %get3A_1200 = arith.constant 16 : index
        %get3A_1201 = tpu.vector_load %arg7[%get3A_1198, %get3A_1199, %get3A_1200] {strides = array<i32>} : memref<8x128x32xf32, #tpu.memory_space<vmem>>, vector<16xf32>,
        %get3A_1202 = arith.constant 1 : i32
        %get3A_1203 = arith.index_cast %get3A_1202 : i32 to index
        %get3A_1204 = arith.index_cast %add3A_1169 : i32 to index
        %get3A_1205 = arith.constant 16 : index
        %get3A_1206 = tpu.vector_load %arg8[%get3A_1203, %get3A_1204, %get3A_1205] {strides = array<i32>} : memref<8x128x32xf32, #tpu.memory_space<vmem>>, vector<16xf32>,
        %scatter3A_1207 = arith.constant 1 : i32
        %scatter3A_1208 = arith.constant 0 : i32
        %scatter3A_1209 = arith.constant 0 : i32
        %scatter3A_1210 = tpu.memref_slice %arg9[%scatter3A_1207, %scatter3A_1208, %scatter3A_1209] : memref<2x32x257xf32, #tpu.memory_space<vmem>> -> memref<1x32x257xf32, #tpu.memory_space<vmem>>
        %scatter3A_1211 = tpu.memref_squeeze %scatter3A_1210 : memref<1x32x257xf32, #tpu.memory_space<vmem>> -> memref<32x257xf32, #tpu.memory_space<vmem>>
        tpu.vector_store_idx %scatter3A_1211[%add3A_5, %add3A_1173], %get3A_1201 : memref<32x257xf32, #tpu.memory_space<vmem>>[vector<16xi32>, vector<16xi32>], vector<16xf32>,
        %scatter3A_1212 = arith.constant 1 : i32
        %scatter3A_1213 = arith.constant 0 : i32
        %scatter3A_1214 = arith.constant 0 : i32
        %scatter3A_1215 = tpu.memref_slice %arg9[%scatter3A_1212, %scatter3A_1213, %scatter3A_1214] : memref<2x32x257xf32, #tpu.memory_space<vmem>> -> memref<1x32x257xf32, #tpu.memory_space<vmem>>
        %scatter3A_1216 = tpu.memref_squeeze %scatter3A_1215 : memref<1x32x257xf32, #tpu.memory_space<vmem>> -> memref<32x257xf32, #tpu.memory_space<vmem>>
        tpu.vector_store_idx %scatter3A_1216[%add3A_5, %add3A_1176], %get3A_1206 : memref<32x257xf32, #tpu.memory_space<vmem>>[vector<16xi32>, vector<16xi32>], vector<16xf32>,
        %scan3A_1217 = arith.constant 0 : i32
        scf.yield %scan3A_1217 : i32
      }
      %scan3A_479 = arith.constant 64 : i32
      %add3A_480 = arith.constant 1 : i32
      %add3A_481 = arith.addi %scan3A_356, %add3A_480 : i32
      %lt3A_482 = arith.constant 25 : i32
      %lt3A_483 = arith.cmpi slt, %add3A_481, %lt3A_482 : i32
      %convert_element_type3A_484 = arith.extui %lt3A_483 : i1 to i32
      %cond3A_485 = arith.constant 0 : i32
      %cond3A_486 = arith.cmpi ne, %convert_element_type3A_484, %cond3A_485 : i32
      scf.if %cond3A_486 {
        %sub3A = arith.constant 1 : i32
        %sub3A_1011 = arith.subi %sub3A, %and3A_358 : i32
        %dma_start3A_1012 = arith.constant 1 : i32
        %dma_start3A_1013 = arith.constant 1 : i32
        %dma_start3A_1014 = arith.constant 1 : i32
        %dma_start3A_1015 = arith.constant 0 : i32
        %dma_start3A_1016 = arith.constant 0 : i32
        %dma_start3A_1017 = tpu.memref_slice %arg7[%dma_start3A_1013, %dma_start3A_1015, %dma_start3A_1016] : memref<8x128x32xf32, #tpu.memory_space<vmem>> -> memref<1x128x32xf32, #tpu.memory_space<vmem>>
        %dma_start3A_1018 = tpu.memref_squeeze %dma_start3A_1017 : memref<1x128x32xf32, #tpu.memory_space<vmem>> -> memref<128x32xf32, #tpu.memory_space<vmem>>
        %dma_start3A_1019 = arith.constant 0 : i32
        %dma_start3A_1020 = tpu.memref_slice %arg6[%sub3A_1011, %dma_start3A_1012, %dma_start3A_1019] : memref<2x8x128xi32, #tpu.memory_space<vmem>> -> memref<1x1x128xi32, #tpu.memory_space<vmem>>
        %dma_start3A_1021 = tpu.memref_squeeze %dma_start3A_1020 : memref<1x1x128xi32, #tpu.memory_space<vmem>> -> memref<128xi32, #tpu.memory_space<vmem>>
        %dma_start3A_1022 = arith.constant 0 : i32
        %dma_start3A_1023 = arith.constant 0 : i32
        %dma_start3A_1024 = tpu.memref_slice %arg3[%dma_start3A_1022, %dma_start3A_1023] : memref<1000000x32xf32, #tpu.memory_space<hbm>> -> memref<1000000x32xf32, #tpu.memory_space<hbm>>
        %dma_start3A_1025 = tpu.memref_slice %arg11[%dma_start3A_1014] : memref<8x!tpu.dma_semaphore, #tpu.memory_space<semaphore_mem>> -> memref<1x!tpu.dma_semaphore, #tpu.memory_space<semaphore_mem>>
        %dma_start3A_1026 = tpu.memref_squeeze %dma_start3A_1025 : memref<1x!tpu.dma_semaphore, #tpu.memory_space<semaphore_mem>> -> memref<!tpu.dma_semaphore, #tpu.memory_space<semaphore_mem>>
        tpu.enqueue_indirect_dma source(%dma_start3A_1024 : memref<1000000x32xf32, #tpu.memory_space<hbm>>) target(%dma_start3A_1018 : memref<128x32xf32, #tpu.memory_space<vmem>>) offsets(%dma_start3A_1021 : memref<128xi32, #tpu.memory_space<vmem>>) semaphore(%dma_start3A_1026 : memref<!tpu.dma_semaphore, #tpu.memory_space<semaphore_mem>>)
        %dma_start3A_1027 = arith.constant 1 : i32
        %dma_start3A_1028 = arith.constant 1 : i32
        %dma_start3A_1029 = arith.constant 1 : i32
        %dma_start3A_1030 = arith.constant 0 : i32
        %dma_start3A_1031 = arith.constant 0 : i32
        %dma_start3A_1032 = tpu.memref_slice %arg8[%dma_start3A_1028, %dma_start3A_1030, %dma_start3A_1031] : memref<8x128x32xf32, #tpu.memory_space<vmem>> -> memref<1x128x32xf32, #tpu.memory_space<vmem>>
        %dma_start3A_1033 = tpu.memref_squeeze %dma_start3A_1032 : memref<1x128x32xf32, #tpu.memory_space<vmem>> -> memref<128x32xf32, #tpu.memory_space<vmem>>
        %dma_start3A_1034 = arith.constant 0 : i32
        %dma_start3A_1035 = tpu.memref_slice %arg6[%sub3A_1011, %dma_start3A_1027, %dma_start3A_1034] : memref<2x8x128xi32, #tpu.memory_space<vmem>> -> memref<1x1x128xi32, #tpu.memory_space<vmem>>
        %dma_start3A_1036 = tpu.memref_squeeze %dma_start3A_1035 : memref<1x1x128xi32, #tpu.memory_space<vmem>> -> memref<128xi32, #tpu.memory_space<vmem>>
        %dma_start3A_1037 = arith.constant 0 : i32
        %dma_start3A_1038 = arith.constant 0 : i32
        %dma_start3A_1039 = tpu.memref_slice %arg4[%dma_start3A_1037, %dma_start3A_1038] : memref<1000000x32xf32, #tpu.memory_space<hbm>> -> memref<1000000x32xf32, #tpu.memory_space<hbm>>
        %dma_start3A_1040 = tpu.memref_slice %arg11[%dma_start3A_1029] : memref<8x!tpu.dma_semaphore, #tpu.memory_space<semaphore_mem>> -> memref<1x!tpu.dma_semaphore, #tpu.memory_space<semaphore_mem>>
        %dma_start3A_1041 = tpu.memref_squeeze %dma_start3A_1040 : memref<1x!tpu.dma_semaphore, #tpu.memory_space<semaphore_mem>> -> memref<!tpu.dma_semaphore, #tpu.memory_space<semaphore_mem>>
        tpu.enqueue_indirect_dma source(%dma_start3A_1039 : memref<1000000x32xf32, #tpu.memory_space<hbm>>) target(%dma_start3A_1033 : memref<128x32xf32, #tpu.memory_space<vmem>>) offsets(%dma_start3A_1036 : memref<128xi32, #tpu.memory_space<vmem>>) semaphore(%dma_start3A_1041 : memref<!tpu.dma_semaphore, #tpu.memory_space<semaphore_mem>>)
      } else {
      }
      %add3A_487 = arith.constant 2 : i32
      %add3A_488 = arith.addi %scan3A_356, %add3A_487 : i32
      %lt3A_489 = arith.constant 25 : i32
      %lt3A_490 = arith.cmpi slt, %add3A_488, %lt3A_489 : i32
      %convert_element_type3A_491 = arith.extui %lt3A_490 : i1 to i32
      %cond3A_492 = arith.constant 0 : i32
      %cond3A_493 = arith.cmpi ne, %convert_element_type3A_491, %cond3A_492 : i32
      scf.if %cond3A_493 {
      } else {
      }
      %mul3A_494 = arith.constant 8 : i32
      %mul3A_495 = arith.muli %scan3A_356, %mul3A_494 : i32
      %add3A_496 = arith.constant 1 : i32
      %add3A_497 = arith.addi %mul3A_495, %add3A_496 : i32
      %dma_start3A_498 = arith.constant 1 : i32
      %dma_start3A_499 = arith.constant 1 : i32
      %dma_start3A_500 = arith.constant 0 : i32
      %dma_start3A_501 = arith.constant 0 : i32
      %dma_start3A_502 = tpu.memref_slice %arg9[%dma_start3A_498, %dma_start3A_500, %dma_start3A_501] : memref<2x32x257xf32, #tpu.memory_space<vmem>> -> memref<1x32x256xf32, #tpu.memory_space<vmem>>
      %dma_start3A_503 = tpu.memref_squeeze %dma_start3A_502 : memref<1x32x256xf32, #tpu.memory_space<vmem>> -> memref<32x256xf32, #tpu.memory_space<vmem>>
      %dma_start3A_504 = arith.constant 0 : i32
      %dma_start3A_505 = arith.constant 0 : i32
      %dma_start3A_506 = tpu.memref_slice %arg5[%add3A_497, %dma_start3A_504, %add3A, %dma_start3A_505] : memref<200x32x32x256xf32, #tpu.memory_space<hbm>> -> memref<1x32x1x256xf32, #tpu.memory_space<hbm>>
      %dma_start3A_507 = tpu.memref_squeeze %dma_start3A_506 : memref<1x32x1x256xf32, #tpu.memory_space<hbm>> -> memref<32x256xf32, #tpu.memory_space<hbm>>
      %dma_start3A_508 = tpu.memref_slice %arg12[%dma_start3A_499] : memref<2x!tpu.dma_semaphore, #tpu.memory_space<semaphore_mem>> -> memref<1x!tpu.dma_semaphore, #tpu.memory_space<semaphore_mem>>
      %dma_start3A_509 = tpu.memref_squeeze %dma_start3A_508 : memref<1x!tpu.dma_semaphore, #tpu.memory_space<semaphore_mem>> -> memref<!tpu.dma_semaphore, #tpu.memory_space<semaphore_mem>>
      %dma_start3A_510 = arith.constant 0 : i32
      %dma_start3A_511 = arith.constant 0 : i32
      %dma_start3A_512 = tpu.memref_slice %arg5[%add3A_497, %dma_start3A_510, %add3A, %dma_start3A_511] : memref<200x32x32x256xf32, #tpu.memory_space<hbm>> -> memref<1x32x1x256xf32, #tpu.memory_space<hbm>>
      %dma_start3A_513 = tpu.memref_squeeze %dma_start3A_512 : memref<1x32x1x256xf32, #tpu.memory_space<hbm>> -> memref<32x256xf32, #tpu.memory_space<hbm>>
      %dma_start3A_514 = arith.constant 0 : i32
      %dma_start3A_515 = arith.constant 0 : i32
      %dma_start3A_516 = tpu.memref_slice %arg9[%dma_start3A_498, %dma_start3A_514, %dma_start3A_515] : memref<2x32x257xf32, #tpu.memory_space<vmem>> -> memref<1x32x256xf32, #tpu.memory_space<vmem>>
      %dma_start3A_517 = tpu.memref_squeeze %dma_start3A_516 : memref<1x32x256xf32, #tpu.memory_space<vmem>> -> memref<32x256xf32, #tpu.memory_space<vmem>>
      tpu.enqueue_dma source(%dma_start3A_517 : memref<32x256xf32, #tpu.memory_space<vmem>>) target(%dma_start3A_513 : memref<32x256xf32, #tpu.memory_space<hbm>>) target_semaphore(%dma_start3A_509 : memref<!tpu.dma_semaphore, #tpu.memory_space<semaphore_mem>>)
      %dma_wait3A_518 = arith.constant 2 : i32
      %dma_wait3A_519 = arith.constant 2 : i32
      %dma_wait3A_520 = arith.constant 2 : i32
      %dma_wait3A_521 = arith.constant 0 : i32
      %dma_wait3A_522 = arith.constant 0 : i32
      %dma_wait3A_523 = tpu.memref_slice %arg7[%dma_wait3A_519, %dma_wait3A_521, %dma_wait3A_522] : memref<8x128x32xf32, #tpu.memory_space<vmem>> -> memref<1x128x32xf32, #tpu.memory_space<vmem>>
      %dma_wait3A_524 = tpu.memref_squeeze %dma_wait3A_523 : memref<1x128x32xf32, #tpu.memory_space<vmem>> -> memref<128x32xf32, #tpu.memory_space<vmem>>
      %dma_wait3A_525 = arith.constant 0 : i32
      %dma_wait3A_526 = tpu.memref_slice %arg6[%and3A_358, %dma_wait3A_518, %dma_wait3A_525] : memref<2x8x128xi32, #tpu.memory_space<vmem>> -> memref<1x1x128xi32, #tpu.memory_space<vmem>>
      %dma_wait3A_527 = tpu.memref_squeeze %dma_wait3A_526 : memref<1x1x128xi32, #tpu.memory_space<vmem>> -> memref<128xi32, #tpu.memory_space<vmem>>
      %dma_wait3A_528 = arith.constant 0 : i32
      %dma_wait3A_529 = arith.constant 0 : i32
      %dma_wait3A_530 = tpu.memref_slice %arg3[%dma_wait3A_528, %dma_wait3A_529] : memref<1000000x32xf32, #tpu.memory_space<hbm>> -> memref<1000000x32xf32, #tpu.memory_space<hbm>>
      %dma_wait3A_531 = tpu.memref_slice %arg11[%dma_wait3A_520] : memref<8x!tpu.dma_semaphore, #tpu.memory_space<semaphore_mem>> -> memref<1x!tpu.dma_semaphore, #tpu.memory_space<semaphore_mem>>
      %dma_wait3A_532 = tpu.memref_squeeze %dma_wait3A_531 : memref<1x!tpu.dma_semaphore, #tpu.memory_space<semaphore_mem>> -> memref<!tpu.dma_semaphore, #tpu.memory_space<semaphore_mem>>
      tpu.wait_indirect_dma semaphore(%dma_wait3A_532 : memref<!tpu.dma_semaphore, #tpu.memory_space<semaphore_mem>>) src(%dma_wait3A_530 : memref<1000000x32xf32, #tpu.memory_space<hbm>>) dst(%dma_wait3A_524 : memref<128x32xf32, #tpu.memory_space<vmem>>)
      %dma_wait3A_533 = arith.constant 2 : i32
      %dma_wait3A_534 = arith.constant 2 : i32
      %dma_wait3A_535 = arith.constant 2 : i32
      %dma_wait3A_536 = arith.constant 0 : i32
      %dma_wait3A_537 = arith.constant 0 : i32
      %dma_wait3A_538 = tpu.memref_slice %arg8[%dma_wait3A_534, %dma_wait3A_536, %dma_wait3A_537] : memref<8x128x32xf32, #tpu.memory_space<vmem>> -> memref<1x128x32xf32, #tpu.memory_space<vmem>>
      %dma_wait3A_539 = tpu.memref_squeeze %dma_wait3A_538 : memref<1x128x32xf32, #tpu.memory_space<vmem>> -> memref<128x32xf32, #tpu.memory_space<vmem>>
      %dma_wait3A_540 = arith.constant 0 : i32
      %dma_wait3A_541 = tpu.memref_slice %arg6[%and3A_358, %dma_wait3A_533, %dma_wait3A_540] : memref<2x8x128xi32, #tpu.memory_space<vmem>> -> memref<1x1x128xi32, #tpu.memory_space<vmem>>
      %dma_wait3A_542 = tpu.memref_squeeze %dma_wait3A_541 : memref<1x1x128xi32, #tpu.memory_space<vmem>> -> memref<128xi32, #tpu.memory_space<vmem>>
      %dma_wait3A_543 = arith.constant 0 : i32
      %dma_wait3A_544 = arith.constant 0 : i32
      %dma_wait3A_545 = tpu.memref_slice %arg4[%dma_wait3A_543, %dma_wait3A_544] : memref<1000000x32xf32, #tpu.memory_space<hbm>> -> memref<1000000x32xf32, #tpu.memory_space<hbm>>
      %dma_wait3A_546 = tpu.memref_slice %arg11[%dma_wait3A_535] : memref<8x!tpu.dma_semaphore, #tpu.memory_space<semaphore_mem>> -> memref<1x!tpu.dma_semaphore, #tpu.memory_space<semaphore_mem>>
      %dma_wait3A_547 = tpu.memref_squeeze %dma_wait3A_546 : memref<1x!tpu.dma_semaphore, #tpu.memory_space<semaphore_mem>> -> memref<!tpu.dma_semaphore, #tpu.memory_space<semaphore_mem>>
      tpu.wait_indirect_dma semaphore(%dma_wait3A_547 : memref<!tpu.dma_semaphore, #tpu.memory_space<semaphore_mem>>) src(%dma_wait3A_545 : memref<1000000x32xf32, #tpu.memory_space<hbm>>) dst(%dma_wait3A_539 : memref<128x32xf32, #tpu.memory_space<vmem>>)
      %gt3A_548 = arith.constant 0 : i32
      %gt3A_549 = arith.cmpi sgt, %scan3A_356, %gt3A_548 : i32
      %or3A_550 = arith.constant true
      %or3A_551 = arith.ori %gt3A_549, %or3A_550 : i1
      %convert_element_type3A_552 = arith.extui %or3A_551 : i1 to i32
      %cond3A_553 = arith.constant 0 : i32
      %cond3A_554 = arith.cmpi ne, %convert_element_type3A_552, %cond3A_553 : i32
      scf.if %cond3A_554 {
        %sub3A = arith.constant 1 : i32
        %sub3A_1011 = arith.subi %scan3A_356, %sub3A : i32
        %jit3A = arith.constant true
        %select_n3A = arith.select %jit3A, %scan3A_356, %sub3A_1011 : i32
        %mul3A_1012 = arith.constant 8 : i32
        %mul3A_1013 = arith.muli %select_n3A, %mul3A_1012 : i32
        %add3A_1014 = arith.constant 0 : i32
        %add3A_1015 = arith.addi %mul3A_1013, %add3A_1014 : i32
        %dma_wait3A_1016 = arith.constant 0 : i32
        %dma_wait3A_1017 = arith.constant 0 : i32
        %dma_wait3A_1018 = arith.constant 0 : i32
        %dma_wait3A_1019 = arith.constant 0 : i32
        %dma_wait3A_1020 = tpu.memref_slice %arg9[%dma_wait3A_1016, %dma_wait3A_1018, %dma_wait3A_1019] : memref<2x32x257xf32, #tpu.memory_space<vmem>> -> memref<1x32x256xf32, #tpu.memory_space<vmem>>
        %dma_wait3A_1021 = tpu.memref_squeeze %dma_wait3A_1020 : memref<1x32x256xf32, #tpu.memory_space<vmem>> -> memref<32x256xf32, #tpu.memory_space<vmem>>
        %dma_wait3A_1022 = arith.constant 0 : i32
        %dma_wait3A_1023 = arith.constant 0 : i32
        %dma_wait3A_1024 = tpu.memref_slice %arg5[%add3A_1015, %dma_wait3A_1022, %add3A, %dma_wait3A_1023] : memref<200x32x32x256xf32, #tpu.memory_space<hbm>> -> memref<1x32x1x256xf32, #tpu.memory_space<hbm>>
        %dma_wait3A_1025 = tpu.memref_squeeze %dma_wait3A_1024 : memref<1x32x1x256xf32, #tpu.memory_space<hbm>> -> memref<32x256xf32, #tpu.memory_space<hbm>>
        %dma_wait3A_1026 = tpu.memref_slice %arg12[%dma_wait3A_1017] : memref<2x!tpu.dma_semaphore, #tpu.memory_space<semaphore_mem>> -> memref<1x!tpu.dma_semaphore, #tpu.memory_space<semaphore_mem>>
        %dma_wait3A_1027 = tpu.memref_squeeze %dma_wait3A_1026 : memref<1x!tpu.dma_semaphore, #tpu.memory_space<semaphore_mem>> -> memref<!tpu.dma_semaphore, #tpu.memory_space<semaphore_mem>>
        %dma_wait3A_1028 = arith.constant 0 : i32
        %dma_wait3A_1029 = arith.constant 0 : i32
        %dma_wait3A_1030 = tpu.memref_slice %arg5[%add3A_1015, %dma_wait3A_1028, %add3A, %dma_wait3A_1029] : memref<200x32x32x256xf32, #tpu.memory_space<hbm>> -> memref<1x32x1x256xf32, #tpu.memory_space<hbm>>
        %dma_wait3A_1031 = tpu.memref_squeeze %dma_wait3A_1030 : memref<1x32x1x256xf32, #tpu.memory_space<hbm>> -> memref<32x256xf32, #tpu.memory_space<hbm>>
        %dma_wait3A_1032 = arith.constant 0 : i32
        %dma_wait3A_1033 = arith.constant 0 : i32
        %dma_wait3A_1034 = tpu.memref_slice %arg9[%dma_wait3A_1016, %dma_wait3A_1032, %dma_wait3A_1033] : memref<2x32x257xf32, #tpu.memory_space<vmem>> -> memref<1x32x256xf32, #tpu.memory_space<vmem>>
        %dma_wait3A_1035 = tpu.memref_squeeze %dma_wait3A_1034 : memref<1x32x256xf32, #tpu.memory_space<vmem>> -> memref<32x256xf32, #tpu.memory_space<vmem>>
        tpu.wait_dma2 semaphore(%dma_wait3A_1027 : memref<!tpu.dma_semaphore, #tpu.memory_space<semaphore_mem>>) src(%dma_wait3A_1035 : memref<32x256xf32, #tpu.memory_space<vmem>>) dst(%dma_wait3A_1031 : memref<32x256xf32, #tpu.memory_space<hbm>>)
      } else {
      }
      %scan3A_555 = arith.constant 0 : i32
      %scan3A_556 = arith.constant 0 : i32
      %scan3A_557 = arith.constant 64 : i32
      %scan3A_558 = arith.addi %scan3A_556, %scan3A_557 : i32
      %scan3A_559 = arith.constant 2 : i32
      %scan3A_560 = scf.for %scan3A_1011 = %scan3A_556 to %scan3A_558 step %scan3A_559 iter_args(%scan3A_1012 = %scan3A_555) -> (i32)  : i32 {
        %mul3A_1013 = arith.constant 2 : i32
        %mul3A_1014 = arith.muli %scan3A_1011, %mul3A_1013 : i32
        %add3A_1015 = arith.constant 0 : i32
        %add3A_1016 = arith.addi %mul3A_1014, %add3A_1015 : i32
        %broadcast_in_dim3A = arith.constant 0 : i32
        %broadcast_in_dim3A_1017 = vector.broadcast %broadcast_in_dim3A : i32 to vector<16xi32>
        %add3A_1018 = vector.broadcast %add3A_1016 : i32 to vector<16xi32>
        %add3A_1019 = arith.addi %broadcast_in_dim3A_1017, %add3A_1018 : vector<16xi32>
        %add3A_1020 = arith.constant 128 : i32
        %add3A_1021 = vector.broadcast %add3A_1020 : i32 to vector<16xi32>
        %add3A_1022 = arith.addi %add3A_1019, %add3A_1021 : vector<16xi32>
        %get3A = arith.constant 2 : i32
        %get3A_1023 = arith.index_cast %get3A : i32 to index
        %get3A_1024 = arith.index_cast %add3A_1016 : i32 to index
        %get3A_1025 = arith.constant 0 : index
        %get3A_1026 = tpu.vector_load %arg7[%get3A_1023, %get3A_1024, %get3A_1025] {strides = array<i32>} : memref<8x128x32xf32, #tpu.memory_space<vmem>>, vector<16xf32>,
        %get3A_1027 = arith.constant 2 : i32
        %get3A_1028 = arith.index_cast %get3A_1027 : i32 to index
        %get3A_1029 = arith.index_cast %add3A_1016 : i32 to index
        %get3A_1030 = arith.constant 0 : index
        %get3A_1031 = tpu.vector_load %arg8[%get3A_1028, %get3A_1029, %get3A_1030] {strides = array<i32>} : memref<8x128x32xf32, #tpu.memory_space<vmem>>, vector<16xf32>,
        %scatter3A = arith.constant 0 : i32
        %scatter3A_1032 = arith.constant 0 : i32
        %scatter3A_1033 = arith.constant 0 : i32
        %scatter3A_1034 = tpu.memref_slice %arg9[%scatter3A, %scatter3A_1032, %scatter3A_1033] : memref<2x32x257xf32, #tpu.memory_space<vmem>> -> memref<1x32x257xf32, #tpu.memory_space<vmem>>
        %scatter3A_1035 = tpu.memref_squeeze %scatter3A_1034 : memref<1x32x257xf32, #tpu.memory_space<vmem>> -> memref<32x257xf32, #tpu.memory_space<vmem>>
        tpu.vector_store_idx %scatter3A_1035[%iota3A, %add3A_1019], %get3A_1026 : memref<32x257xf32, #tpu.memory_space<vmem>>[vector<16xi32>, vector<16xi32>], vector<16xf32>,
        %scatter3A_1036 = arith.constant 0 : i32
        %scatter3A_1037 = arith.constant 0 : i32
        %scatter3A_1038 = arith.constant 0 : i32
        %scatter3A_1039 = tpu.memref_slice %arg9[%scatter3A_1036, %scatter3A_1037, %scatter3A_1038] : memref<2x32x257xf32, #tpu.memory_space<vmem>> -> memref<1x32x257xf32, #tpu.memory_space<vmem>>
        %scatter3A_1040 = tpu.memref_squeeze %scatter3A_1039 : memref<1x32x257xf32, #tpu.memory_space<vmem>> -> memref<32x257xf32, #tpu.memory_space<vmem>>
        tpu.vector_store_idx %scatter3A_1040[%iota3A, %add3A_1022], %get3A_1031 : memref<32x257xf32, #tpu.memory_space<vmem>>[vector<16xi32>, vector<16xi32>], vector<16xf32>,
        %get3A_1041 = arith.constant 2 : i32
        %get3A_1042 = arith.index_cast %get3A_1041 : i32 to index
        %get3A_1043 = arith.index_cast %add3A_1016 : i32 to index
        %get3A_1044 = arith.constant 16 : index
        %get3A_1045 = tpu.vector_load %arg7[%get3A_1042, %get3A_1043, %get3A_1044] {strides = array<i32>} : memref<8x128x32xf32, #tpu.memory_space<vmem>>, vector<16xf32>,
        %get3A_1046 = arith.constant 2 : i32
        %get3A_1047 = arith.index_cast %get3A_1046 : i32 to index
        %get3A_1048 = arith.index_cast %add3A_1016 : i32 to index
        %get3A_1049 = arith.constant 16 : index
        %get3A_1050 = tpu.vector_load %arg8[%get3A_1047, %get3A_1048, %get3A_1049] {strides = array<i32>} : memref<8x128x32xf32, #tpu.memory_space<vmem>>, vector<16xf32>,
        %scatter3A_1051 = arith.constant 0 : i32
        %scatter3A_1052 = arith.constant 0 : i32
        %scatter3A_1053 = arith.constant 0 : i32
        %scatter3A_1054 = tpu.memref_slice %arg9[%scatter3A_1051, %scatter3A_1052, %scatter3A_1053] : memref<2x32x257xf32, #tpu.memory_space<vmem>> -> memref<1x32x257xf32, #tpu.memory_space<vmem>>
        %scatter3A_1055 = tpu.memref_squeeze %scatter3A_1054 : memref<1x32x257xf32, #tpu.memory_space<vmem>> -> memref<32x257xf32, #tpu.memory_space<vmem>>
        tpu.vector_store_idx %scatter3A_1055[%add3A_5, %add3A_1019], %get3A_1045 : memref<32x257xf32, #tpu.memory_space<vmem>>[vector<16xi32>, vector<16xi32>], vector<16xf32>,
        %scatter3A_1056 = arith.constant 0 : i32
        %scatter3A_1057 = arith.constant 0 : i32
        %scatter3A_1058 = arith.constant 0 : i32
        %scatter3A_1059 = tpu.memref_slice %arg9[%scatter3A_1056, %scatter3A_1057, %scatter3A_1058] : memref<2x32x257xf32, #tpu.memory_space<vmem>> -> memref<1x32x257xf32, #tpu.memory_space<vmem>>
        %scatter3A_1060 = tpu.memref_squeeze %scatter3A_1059 : memref<1x32x257xf32, #tpu.memory_space<vmem>> -> memref<32x257xf32, #tpu.memory_space<vmem>>
        tpu.vector_store_idx %scatter3A_1060[%add3A_5, %add3A_1022], %get3A_1050 : memref<32x257xf32, #tpu.memory_space<vmem>>[vector<16xi32>, vector<16xi32>], vector<16xf32>,
        %mul3A_1061 = arith.constant 2 : i32
        %mul3A_1062 = arith.muli %scan3A_1011, %mul3A_1061 : i32
        %add3A_1063 = arith.constant 1 : i32
        %add3A_1064 = arith.addi %mul3A_1062, %add3A_1063 : i32
        %broadcast_in_dim3A_1065 = arith.constant 0 : i32
        %broadcast_in_dim3A_1066 = vector.broadcast %broadcast_in_dim3A_1065 : i32 to vector<16xi32>
        %add3A_1067 = vector.broadcast %add3A_1064 : i32 to vector<16xi32>
        %add3A_1068 = arith.addi %broadcast_in_dim3A_1066, %add3A_1067 : vector<16xi32>
        %add3A_1069 = arith.constant 128 : i32
        %add3A_1070 = vector.broadcast %add3A_1069 : i32 to vector<16xi32>
        %add3A_1071 = arith.addi %add3A_1068, %add3A_1070 : vector<16xi32>
        %get3A_1072 = arith.constant 2 : i32
        %get3A_1073 = arith.index_cast %get3A_1072 : i32 to index
        %get3A_1074 = arith.index_cast %add3A_1064 : i32 to index
        %get3A_1075 = arith.constant 0 : index
        %get3A_1076 = tpu.vector_load %arg7[%get3A_1073, %get3A_1074, %get3A_1075] {strides = array<i32>} : memref<8x128x32xf32, #tpu.memory_space<vmem>>, vector<16xf32>,
        %get3A_1077 = arith.constant 2 : i32
        %get3A_1078 = arith.index_cast %get3A_1077 : i32 to index
        %get3A_1079 = arith.index_cast %add3A_1064 : i32 to index
        %get3A_1080 = arith.constant 0 : index
        %get3A_1081 = tpu.vector_load %arg8[%get3A_1078, %get3A_1079, %get3A_1080] {strides = array<i32>} : memref<8x128x32xf32, #tpu.memory_space<vmem>>, vector<16xf32>,
        %scatter3A_1082 = arith.constant 0 : i32
        %scatter3A_1083 = arith.constant 0 : i32
        %scatter3A_1084 = arith.constant 0 : i32
        %scatter3A_1085 = tpu.memref_slice %arg9[%scatter3A_1082, %scatter3A_1083, %scatter3A_1084] : memref<2x32x257xf32, #tpu.memory_space<vmem>> -> memref<1x32x257xf32, #tpu.memory_space<vmem>>
        %scatter3A_1086 = tpu.memref_squeeze %scatter3A_1085 : memref<1x32x257xf32, #tpu.memory_space<vmem>> -> memref<32x257xf32, #tpu.memory_space<vmem>>
        tpu.vector_store_idx %scatter3A_1086[%iota3A, %add3A_1068], %get3A_1076 : memref<32x257xf32, #tpu.memory_space<vmem>>[vector<16xi32>, vector<16xi32>], vector<16xf32>,
        %scatter3A_1087 = arith.constant 0 : i32
        %scatter3A_1088 = arith.constant 0 : i32
        %scatter3A_1089 = arith.constant 0 : i32
        %scatter3A_1090 = tpu.memref_slice %arg9[%scatter3A_1087, %scatter3A_1088, %scatter3A_1089] : memref<2x32x257xf32, #tpu.memory_space<vmem>> -> memref<1x32x257xf32, #tpu.memory_space<vmem>>
        %scatter3A_1091 = tpu.memref_squeeze %scatter3A_1090 : memref<1x32x257xf32, #tpu.memory_space<vmem>> -> memref<32x257xf32, #tpu.memory_space<vmem>>
        tpu.vector_store_idx %scatter3A_1091[%iota3A, %add3A_1071], %get3A_1081 : memref<32x257xf32, #tpu.memory_space<vmem>>[vector<16xi32>, vector<16xi32>], vector<16xf32>,
        %get3A_1092 = arith.constant 2 : i32
        %get3A_1093 = arith.index_cast %get3A_1092 : i32 to index
        %get3A_1094 = arith.index_cast %add3A_1064 : i32 to index
        %get3A_1095 = arith.constant 16 : index
        %get3A_1096 = tpu.vector_load %arg7[%get3A_1093, %get3A_1094, %get3A_1095] {strides = array<i32>} : memref<8x128x32xf32, #tpu.memory_space<vmem>>, vector<16xf32>,
        %get3A_1097 = arith.constant 2 : i32
        %get3A_1098 = arith.index_cast %get3A_1097 : i32 to index
        %get3A_1099 = arith.index_cast %add3A_1064 : i32 to index
        %get3A_1100 = arith.constant 16 : index
        %get3A_1101 = tpu.vector_load %arg8[%get3A_1098, %get3A_1099, %get3A_1100] {strides = array<i32>} : memref<8x128x32xf32, #tpu.memory_space<vmem>>, vector<16xf32>,
        %scatter3A_1102 = arith.constant 0 : i32
        %scatter3A_1103 = arith.constant 0 : i32
        %scatter3A_1104 = arith.constant 0 : i32
        %scatter3A_1105 = tpu.memref_slice %arg9[%scatter3A_1102, %scatter3A_1103, %scatter3A_1104] : memref<2x32x257xf32, #tpu.memory_space<vmem>> -> memref<1x32x257xf32, #tpu.memory_space<vmem>>
        %scatter3A_1106 = tpu.memref_squeeze %scatter3A_1105 : memref<1x32x257xf32, #tpu.memory_space<vmem>> -> memref<32x257xf32, #tpu.memory_space<vmem>>
        tpu.vector_store_idx %scatter3A_1106[%add3A_5, %add3A_1068], %get3A_1096 : memref<32x257xf32, #tpu.memory_space<vmem>>[vector<16xi32>, vector<16xi32>], vector<16xf32>,
        %scatter3A_1107 = arith.constant 0 : i32
        %scatter3A_1108 = arith.constant 0 : i32
        %scatter3A_1109 = arith.constant 0 : i32
        %scatter3A_1110 = tpu.memref_slice %arg9[%scatter3A_1107, %scatter3A_1108, %scatter3A_1109] : memref<2x32x257xf32, #tpu.memory_space<vmem>> -> memref<1x32x257xf32, #tpu.memory_space<vmem>>
        %scatter3A_1111 = tpu.memref_squeeze %scatter3A_1110 : memref<1x32x257xf32, #tpu.memory_space<vmem>> -> memref<32x257xf32, #tpu.memory_space<vmem>>
        tpu.vector_store_idx %scatter3A_1111[%add3A_5, %add3A_1071], %get3A_1101 : memref<32x257xf32, #tpu.memory_space<vmem>>[vector<16xi32>, vector<16xi32>], vector<16xf32>,
        %scan3A_1112 = arith.constant 0 : i32
        %scan3A_1113 = arith.constant 1 : i32
        %scan3A_1114 = arith.addi %scan3A_1011, %scan3A_1113 : i32
        %mul3A_1115 = arith.constant 2 : i32
        %mul3A_1116 = arith.muli %scan3A_1114, %mul3A_1115 : i32
        %add3A_1117 = arith.constant 0 : i32
        %add3A_1118 = arith.addi %mul3A_1116, %add3A_1117 : i32
        %broadcast_in_dim3A_1119 = arith.constant 0 : i32
        %broadcast_in_dim3A_1120 = vector.broadcast %broadcast_in_dim3A_1119 : i32 to vector<16xi32>
        %add3A_1121 = vector.broadcast %add3A_1118 : i32 to vector<16xi32>
        %add3A_1122 = arith.addi %broadcast_in_dim3A_1120, %add3A_1121 : vector<16xi32>
        %add3A_1123 = arith.constant 128 : i32
        %add3A_1124 = vector.broadcast %add3A_1123 : i32 to vector<16xi32>
        %add3A_1125 = arith.addi %add3A_1122, %add3A_1124 : vector<16xi32>
        %get3A_1126 = arith.constant 2 : i32
        %get3A_1127 = arith.index_cast %get3A_1126 : i32 to index
        %get3A_1128 = arith.index_cast %add3A_1118 : i32 to index
        %get3A_1129 = arith.constant 0 : index
        %get3A_1130 = tpu.vector_load %arg7[%get3A_1127, %get3A_1128, %get3A_1129] {strides = array<i32>} : memref<8x128x32xf32, #tpu.memory_space<vmem>>, vector<16xf32>,
        %get3A_1131 = arith.constant 2 : i32
        %get3A_1132 = arith.index_cast %get3A_1131 : i32 to index
        %get3A_1133 = arith.index_cast %add3A_1118 : i32 to index
        %get3A_1134 = arith.constant 0 : index
        %get3A_1135 = tpu.vector_load %arg8[%get3A_1132, %get3A_1133, %get3A_1134] {strides = array<i32>} : memref<8x128x32xf32, #tpu.memory_space<vmem>>, vector<16xf32>,
        %scatter3A_1136 = arith.constant 0 : i32
        %scatter3A_1137 = arith.constant 0 : i32
        %scatter3A_1138 = arith.constant 0 : i32
        %scatter3A_1139 = tpu.memref_slice %arg9[%scatter3A_1136, %scatter3A_1137, %scatter3A_1138] : memref<2x32x257xf32, #tpu.memory_space<vmem>> -> memref<1x32x257xf32, #tpu.memory_space<vmem>>
        %scatter3A_1140 = tpu.memref_squeeze %scatter3A_1139 : memref<1x32x257xf32, #tpu.memory_space<vmem>> -> memref<32x257xf32, #tpu.memory_space<vmem>>
        tpu.vector_store_idx %scatter3A_1140[%iota3A, %add3A_1122], %get3A_1130 : memref<32x257xf32, #tpu.memory_space<vmem>>[vector<16xi32>, vector<16xi32>], vector<16xf32>,
        %scatter3A_1141 = arith.constant 0 : i32
        %scatter3A_1142 = arith.constant 0 : i32
        %scatter3A_1143 = arith.constant 0 : i32
        %scatter3A_1144 = tpu.memref_slice %arg9[%scatter3A_1141, %scatter3A_1142, %scatter3A_1143] : memref<2x32x257xf32, #tpu.memory_space<vmem>> -> memref<1x32x257xf32, #tpu.memory_space<vmem>>
        %scatter3A_1145 = tpu.memref_squeeze %scatter3A_1144 : memref<1x32x257xf32, #tpu.memory_space<vmem>> -> memref<32x257xf32, #tpu.memory_space<vmem>>
        tpu.vector_store_idx %scatter3A_1145[%iota3A, %add3A_1125], %get3A_1135 : memref<32x257xf32, #tpu.memory_space<vmem>>[vector<16xi32>, vector<16xi32>], vector<16xf32>,
        %get3A_1146 = arith.constant 2 : i32
        %get3A_1147 = arith.index_cast %get3A_1146 : i32 to index
        %get3A_1148 = arith.index_cast %add3A_1118 : i32 to index
        %get3A_1149 = arith.constant 16 : index
        %get3A_1150 = tpu.vector_load %arg7[%get3A_1147, %get3A_1148, %get3A_1149] {strides = array<i32>} : memref<8x128x32xf32, #tpu.memory_space<vmem>>, vector<16xf32>,
        %get3A_1151 = arith.constant 2 : i32
        %get3A_1152 = arith.index_cast %get3A_1151 : i32 to index
        %get3A_1153 = arith.index_cast %add3A_1118 : i32 to index
        %get3A_1154 = arith.constant 16 : index
        %get3A_1155 = tpu.vector_load %arg8[%get3A_1152, %get3A_1153, %get3A_1154] {strides = array<i32>} : memref<8x128x32xf32, #tpu.memory_space<vmem>>, vector<16xf32>,
        %scatter3A_1156 = arith.constant 0 : i32
        %scatter3A_1157 = arith.constant 0 : i32
        %scatter3A_1158 = arith.constant 0 : i32
        %scatter3A_1159 = tpu.memref_slice %arg9[%scatter3A_1156, %scatter3A_1157, %scatter3A_1158] : memref<2x32x257xf32, #tpu.memory_space<vmem>> -> memref<1x32x257xf32, #tpu.memory_space<vmem>>
        %scatter3A_1160 = tpu.memref_squeeze %scatter3A_1159 : memref<1x32x257xf32, #tpu.memory_space<vmem>> -> memref<32x257xf32, #tpu.memory_space<vmem>>
        tpu.vector_store_idx %scatter3A_1160[%add3A_5, %add3A_1122], %get3A_1150 : memref<32x257xf32, #tpu.memory_space<vmem>>[vector<16xi32>, vector<16xi32>], vector<16xf32>,
        %scatter3A_1161 = arith.constant 0 : i32
        %scatter3A_1162 = arith.constant 0 : i32
        %scatter3A_1163 = arith.constant 0 : i32
        %scatter3A_1164 = tpu.memref_slice %arg9[%scatter3A_1161, %scatter3A_1162, %scatter3A_1163] : memref<2x32x257xf32, #tpu.memory_space<vmem>> -> memref<1x32x257xf32, #tpu.memory_space<vmem>>
        %scatter3A_1165 = tpu.memref_squeeze %scatter3A_1164 : memref<1x32x257xf32, #tpu.memory_space<vmem>> -> memref<32x257xf32, #tpu.memory_space<vmem>>
        tpu.vector_store_idx %scatter3A_1165[%add3A_5, %add3A_1125], %get3A_1155 : memref<32x257xf32, #tpu.memory_space<vmem>>[vector<16xi32>, vector<16xi32>], vector<16xf32>,
        %mul3A_1166 = arith.constant 2 : i32
        %mul3A_1167 = arith.muli %scan3A_1114, %mul3A_1166 : i32
        %add3A_1168 = arith.constant 1 : i32
        %add3A_1169 = arith.addi %mul3A_1167, %add3A_1168 : i32
        %broadcast_in_dim3A_1170 = arith.constant 0 : i32
        %broadcast_in_dim3A_1171 = vector.broadcast %broadcast_in_dim3A_1170 : i32 to vector<16xi32>
        %add3A_1172 = vector.broadcast %add3A_1169 : i32 to vector<16xi32>
        %add3A_1173 = arith.addi %broadcast_in_dim3A_1171, %add3A_1172 : vector<16xi32>
        %add3A_1174 = arith.constant 128 : i32
        %add3A_1175 = vector.broadcast %add3A_1174 : i32 to vector<16xi32>
        %add3A_1176 = arith.addi %add3A_1173, %add3A_1175 : vector<16xi32>
        %get3A_1177 = arith.constant 2 : i32
        %get3A_1178 = arith.index_cast %get3A_1177 : i32 to index
        %get3A_1179 = arith.index_cast %add3A_1169 : i32 to index
        %get3A_1180 = arith.constant 0 : index
        %get3A_1181 = tpu.vector_load %arg7[%get3A_1178, %get3A_1179, %get3A_1180] {strides = array<i32>} : memref<8x128x32xf32, #tpu.memory_space<vmem>>, vector<16xf32>,
        %get3A_1182 = arith.constant 2 : i32
        %get3A_1183 = arith.index_cast %get3A_1182 : i32 to index
        %get3A_1184 = arith.index_cast %add3A_1169 : i32 to index
        %get3A_1185 = arith.constant 0 : index
        %get3A_1186 = tpu.vector_load %arg8[%get3A_1183, %get3A_1184, %get3A_1185] {strides = array<i32>} : memref<8x128x32xf32, #tpu.memory_space<vmem>>, vector<16xf32>,
        %scatter3A_1187 = arith.constant 0 : i32
        %scatter3A_1188 = arith.constant 0 : i32
        %scatter3A_1189 = arith.constant 0 : i32
        %scatter3A_1190 = tpu.memref_slice %arg9[%scatter3A_1187, %scatter3A_1188, %scatter3A_1189] : memref<2x32x257xf32, #tpu.memory_space<vmem>> -> memref<1x32x257xf32, #tpu.memory_space<vmem>>
        %scatter3A_1191 = tpu.memref_squeeze %scatter3A_1190 : memref<1x32x257xf32, #tpu.memory_space<vmem>> -> memref<32x257xf32, #tpu.memory_space<vmem>>
        tpu.vector_store_idx %scatter3A_1191[%iota3A, %add3A_1173], %get3A_1181 : memref<32x257xf32, #tpu.memory_space<vmem>>[vector<16xi32>, vector<16xi32>], vector<16xf32>,
        %scatter3A_1192 = arith.constant 0 : i32
        %scatter3A_1193 = arith.constant 0 : i32
        %scatter3A_1194 = arith.constant 0 : i32
        %scatter3A_1195 = tpu.memref_slice %arg9[%scatter3A_1192, %scatter3A_1193, %scatter3A_1194] : memref<2x32x257xf32, #tpu.memory_space<vmem>> -> memref<1x32x257xf32, #tpu.memory_space<vmem>>
        %scatter3A_1196 = tpu.memref_squeeze %scatter3A_1195 : memref<1x32x257xf32, #tpu.memory_space<vmem>> -> memref<32x257xf32, #tpu.memory_space<vmem>>
        tpu.vector_store_idx %scatter3A_1196[%iota3A, %add3A_1176], %get3A_1186 : memref<32x257xf32, #tpu.memory_space<vmem>>[vector<16xi32>, vector<16xi32>], vector<16xf32>,
        %get3A_1197 = arith.constant 2 : i32
        %get3A_1198 = arith.index_cast %get3A_1197 : i32 to index
        %get3A_1199 = arith.index_cast %add3A_1169 : i32 to index
        %get3A_1200 = arith.constant 16 : index
        %get3A_1201 = tpu.vector_load %arg7[%get3A_1198, %get3A_1199, %get3A_1200] {strides = array<i32>} : memref<8x128x32xf32, #tpu.memory_space<vmem>>, vector<16xf32>,
        %get3A_1202 = arith.constant 2 : i32
        %get3A_1203 = arith.index_cast %get3A_1202 : i32 to index
        %get3A_1204 = arith.index_cast %add3A_1169 : i32 to index
        %get3A_1205 = arith.constant 16 : index
        %get3A_1206 = tpu.vector_load %arg8[%get3A_1203, %get3A_1204, %get3A_1205] {strides = array<i32>} : memref<8x128x32xf32, #tpu.memory_space<vmem>>, vector<16xf32>,
        %scatter3A_1207 = arith.constant 0 : i32
        %scatter3A_1208 = arith.constant 0 : i32
        %scatter3A_1209 = arith.constant 0 : i32
        %scatter3A_1210 = tpu.memref_slice %arg9[%scatter3A_1207, %scatter3A_1208, %scatter3A_1209] : memref<2x32x257xf32, #tpu.memory_space<vmem>> -> memref<1x32x257xf32, #tpu.memory_space<vmem>>
        %scatter3A_1211 = tpu.memref_squeeze %scatter3A_1210 : memref<1x32x257xf32, #tpu.memory_space<vmem>> -> memref<32x257xf32, #tpu.memory_space<vmem>>
        tpu.vector_store_idx %scatter3A_1211[%add3A_5, %add3A_1173], %get3A_1201 : memref<32x257xf32, #tpu.memory_space<vmem>>[vector<16xi32>, vector<16xi32>], vector<16xf32>,
        %scatter3A_1212 = arith.constant 0 : i32
        %scatter3A_1213 = arith.constant 0 : i32
        %scatter3A_1214 = arith.constant 0 : i32
        %scatter3A_1215 = tpu.memref_slice %arg9[%scatter3A_1212, %scatter3A_1213, %scatter3A_1214] : memref<2x32x257xf32, #tpu.memory_space<vmem>> -> memref<1x32x257xf32, #tpu.memory_space<vmem>>
        %scatter3A_1216 = tpu.memref_squeeze %scatter3A_1215 : memref<1x32x257xf32, #tpu.memory_space<vmem>> -> memref<32x257xf32, #tpu.memory_space<vmem>>
        tpu.vector_store_idx %scatter3A_1216[%add3A_5, %add3A_1176], %get3A_1206 : memref<32x257xf32, #tpu.memory_space<vmem>>[vector<16xi32>, vector<16xi32>], vector<16xf32>,
        %scan3A_1217 = arith.constant 0 : i32
        scf.yield %scan3A_1217 : i32
      }
      %scan3A_561 = arith.constant 64 : i32
      %add3A_562 = arith.constant 1 : i32
      %add3A_563 = arith.addi %scan3A_356, %add3A_562 : i32
      %lt3A_564 = arith.constant 25 : i32
      %lt3A_565 = arith.cmpi slt, %add3A_563, %lt3A_564 : i32
      %convert_element_type3A_566 = arith.extui %lt3A_565 : i1 to i32
      %cond3A_567 = arith.constant 0 : i32
      %cond3A_568 = arith.cmpi ne, %convert_element_type3A_566, %cond3A_567 : i32
      scf.if %cond3A_568 {
        %sub3A = arith.constant 1 : i32
        %sub3A_1011 = arith.subi %sub3A, %and3A_358 : i32
        %dma_start3A_1012 = arith.constant 2 : i32
        %dma_start3A_1013 = arith.constant 2 : i32
        %dma_start3A_1014 = arith.constant 2 : i32
        %dma_start3A_1015 = arith.constant 0 : i32
        %dma_start3A_1016 = arith.constant 0 : i32
        %dma_start3A_1017 = tpu.memref_slice %arg7[%dma_start3A_1013, %dma_start3A_1015, %dma_start3A_1016] : memref<8x128x32xf32, #tpu.memory_space<vmem>> -> memref<1x128x32xf32, #tpu.memory_space<vmem>>
        %dma_start3A_1018 = tpu.memref_squeeze %dma_start3A_1017 : memref<1x128x32xf32, #tpu.memory_space<vmem>> -> memref<128x32xf32, #tpu.memory_space<vmem>>
        %dma_start3A_1019 = arith.constant 0 : i32
        %dma_start3A_1020 = tpu.memref_slice %arg6[%sub3A_1011, %dma_start3A_1012, %dma_start3A_1019] : memref<2x8x128xi32, #tpu.memory_space<vmem>> -> memref<1x1x128xi32, #tpu.memory_space<vmem>>
        %dma_start3A_1021 = tpu.memref_squeeze %dma_start3A_1020 : memref<1x1x128xi32, #tpu.memory_space<vmem>> -> memref<128xi32, #tpu.memory_space<vmem>>
        %dma_start3A_1022 = arith.constant 0 : i32
        %dma_start3A_1023 = arith.constant 0 : i32
        %dma_start3A_1024 = tpu.memref_slice %arg3[%dma_start3A_1022, %dma_start3A_1023] : memref<1000000x32xf32, #tpu.memory_space<hbm>> -> memref<1000000x32xf32, #tpu.memory_space<hbm>>
        %dma_start3A_1025 = tpu.memref_slice %arg11[%dma_start3A_1014] : memref<8x!tpu.dma_semaphore, #tpu.memory_space<semaphore_mem>> -> memref<1x!tpu.dma_semaphore, #tpu.memory_space<semaphore_mem>>
        %dma_start3A_1026 = tpu.memref_squeeze %dma_start3A_1025 : memref<1x!tpu.dma_semaphore, #tpu.memory_space<semaphore_mem>> -> memref<!tpu.dma_semaphore, #tpu.memory_space<semaphore_mem>>
        tpu.enqueue_indirect_dma source(%dma_start3A_1024 : memref<1000000x32xf32, #tpu.memory_space<hbm>>) target(%dma_start3A_1018 : memref<128x32xf32, #tpu.memory_space<vmem>>) offsets(%dma_start3A_1021 : memref<128xi32, #tpu.memory_space<vmem>>) semaphore(%dma_start3A_1026 : memref<!tpu.dma_semaphore, #tpu.memory_space<semaphore_mem>>)
        %dma_start3A_1027 = arith.constant 2 : i32
        %dma_start3A_1028 = arith.constant 2 : i32
        %dma_start3A_1029 = arith.constant 2 : i32
        %dma_start3A_1030 = arith.constant 0 : i32
        %dma_start3A_1031 = arith.constant 0 : i32
        %dma_start3A_1032 = tpu.memref_slice %arg8[%dma_start3A_1028, %dma_start3A_1030, %dma_start3A_1031] : memref<8x128x32xf32, #tpu.memory_space<vmem>> -> memref<1x128x32xf32, #tpu.memory_space<vmem>>
        %dma_start3A_1033 = tpu.memref_squeeze %dma_start3A_1032 : memref<1x128x32xf32, #tpu.memory_space<vmem>> -> memref<128x32xf32, #tpu.memory_space<vmem>>
        %dma_start3A_1034 = arith.constant 0 : i32
        %dma_start3A_1035 = tpu.memref_slice %arg6[%sub3A_1011, %dma_start3A_1027, %dma_start3A_1034] : memref<2x8x128xi32, #tpu.memory_space<vmem>> -> memref<1x1x128xi32, #tpu.memory_space<vmem>>
        %dma_start3A_1036 = tpu.memref_squeeze %dma_start3A_1035 : memref<1x1x128xi32, #tpu.memory_space<vmem>> -> memref<128xi32, #tpu.memory_space<vmem>>
        %dma_start3A_1037 = arith.constant 0 : i32
        %dma_start3A_1038 = arith.constant 0 : i32
        %dma_start3A_1039 = tpu.memref_slice %arg4[%dma_start3A_1037, %dma_start3A_1038] : memref<1000000x32xf32, #tpu.memory_space<hbm>> -> memref<1000000x32xf32, #tpu.memory_space<hbm>>
        %dma_start3A_1040 = tpu.memref_slice %arg11[%dma_start3A_1029] : memref<8x!tpu.dma_semaphore, #tpu.memory_space<semaphore_mem>> -> memref<1x!tpu.dma_semaphore, #tpu.memory_space<semaphore_mem>>
        %dma_start3A_1041 = tpu.memref_squeeze %dma_start3A_1040 : memref<1x!tpu.dma_semaphore, #tpu.memory_space<semaphore_mem>> -> memref<!tpu.dma_semaphore, #tpu.memory_space<semaphore_mem>>
        tpu.enqueue_indirect_dma source(%dma_start3A_1039 : memref<1000000x32xf32, #tpu.memory_space<hbm>>) target(%dma_start3A_1033 : memref<128x32xf32, #tpu.memory_space<vmem>>) offsets(%dma_start3A_1036 : memref<128xi32, #tpu.memory_space<vmem>>) semaphore(%dma_start3A_1041 : memref<!tpu.dma_semaphore, #tpu.memory_space<semaphore_mem>>)
      } else {
      }
      %add3A_569 = arith.constant 2 : i32
      %add3A_570 = arith.addi %scan3A_356, %add3A_569 : i32
      %lt3A_571 = arith.constant 25 : i32
      %lt3A_572 = arith.cmpi slt, %add3A_570, %lt3A_571 : i32
      %convert_element_type3A_573 = arith.extui %lt3A_572 : i1 to i32
      %cond3A_574 = arith.constant 0 : i32
      %cond3A_575 = arith.cmpi ne, %convert_element_type3A_573, %cond3A_574 : i32
      scf.if %cond3A_575 {
      } else {
      }
      %mul3A_576 = arith.constant 8 : i32
      %mul3A_577 = arith.muli %scan3A_356, %mul3A_576 : i32
      %add3A_578 = arith.constant 2 : i32
      %add3A_579 = arith.addi %mul3A_577, %add3A_578 : i32
      %dma_start3A_580 = arith.constant 0 : i32
      %dma_start3A_581 = arith.constant 0 : i32
      %dma_start3A_582 = arith.constant 0 : i32
      %dma_start3A_583 = arith.constant 0 : i32
      %dma_start3A_584 = tpu.memref_slice %arg9[%dma_start3A_580, %dma_start3A_582, %dma_start3A_583] : memref<2x32x257xf32, #tpu.memory_space<vmem>> -> memref<1x32x256xf32, #tpu.memory_space<vmem>>
      %dma_start3A_585 = tpu.memref_squeeze %dma_start3A_584 : memref<1x32x256xf32, #tpu.memory_space<vmem>> -> memref<32x256xf32, #tpu.memory_space<vmem>>
      %dma_start3A_586 = arith.constant 0 : i32
      %dma_start3A_587 = arith.constant 0 : i32
      %dma_start3A_588 = tpu.memref_slice %arg5[%add3A_579, %dma_start3A_586, %add3A, %dma_start3A_587] : memref<200x32x32x256xf32, #tpu.memory_space<hbm>> -> memref<1x32x1x256xf32, #tpu.memory_space<hbm>>
      %dma_start3A_589 = tpu.memref_squeeze %dma_start3A_588 : memref<1x32x1x256xf32, #tpu.memory_space<hbm>> -> memref<32x256xf32, #tpu.memory_space<hbm>>
      %dma_start3A_590 = tpu.memref_slice %arg12[%dma_start3A_581] : memref<2x!tpu.dma_semaphore, #tpu.memory_space<semaphore_mem>> -> memref<1x!tpu.dma_semaphore, #tpu.memory_space<semaphore_mem>>
      %dma_start3A_591 = tpu.memref_squeeze %dma_start3A_590 : memref<1x!tpu.dma_semaphore, #tpu.memory_space<semaphore_mem>> -> memref<!tpu.dma_semaphore, #tpu.memory_space<semaphore_mem>>
      %dma_start3A_592 = arith.constant 0 : i32
      %dma_start3A_593 = arith.constant 0 : i32
      %dma_start3A_594 = tpu.memref_slice %arg5[%add3A_579, %dma_start3A_592, %add3A, %dma_start3A_593] : memref<200x32x32x256xf32, #tpu.memory_space<hbm>> -> memref<1x32x1x256xf32, #tpu.memory_space<hbm>>
      %dma_start3A_595 = tpu.memref_squeeze %dma_start3A_594 : memref<1x32x1x256xf32, #tpu.memory_space<hbm>> -> memref<32x256xf32, #tpu.memory_space<hbm>>
      %dma_start3A_596 = arith.constant 0 : i32
      %dma_start3A_597 = arith.constant 0 : i32
      %dma_start3A_598 = tpu.memref_slice %arg9[%dma_start3A_580, %dma_start3A_596, %dma_start3A_597] : memref<2x32x257xf32, #tpu.memory_space<vmem>> -> memref<1x32x256xf32, #tpu.memory_space<vmem>>
      %dma_start3A_599 = tpu.memref_squeeze %dma_start3A_598 : memref<1x32x256xf32, #tpu.memory_space<vmem>> -> memref<32x256xf32, #tpu.memory_space<vmem>>
      tpu.enqueue_dma source(%dma_start3A_599 : memref<32x256xf32, #tpu.memory_space<vmem>>) target(%dma_start3A_595 : memref<32x256xf32, #tpu.memory_space<hbm>>) target_semaphore(%dma_start3A_591 : memref<!tpu.dma_semaphore, #tpu.memory_space<semaphore_mem>>)
      %dma_wait3A_600 = arith.constant 3 : i32
      %dma_wait3A_601 = arith.constant 3 : i32
      %dma_wait3A_602 = arith.constant 3 : i32
      %dma_wait3A_603 = arith.constant 0 : i32
      %dma_wait3A_604 = arith.constant 0 : i32
      %dma_wait3A_605 = tpu.memref_slice %arg7[%dma_wait3A_601, %dma_wait3A_603, %dma_wait3A_604] : memref<8x128x32xf32, #tpu.memory_space<vmem>> -> memref<1x128x32xf32, #tpu.memory_space<vmem>>
      %dma_wait3A_606 = tpu.memref_squeeze %dma_wait3A_605 : memref<1x128x32xf32, #tpu.memory_space<vmem>> -> memref<128x32xf32, #tpu.memory_space<vmem>>
      %dma_wait3A_607 = arith.constant 0 : i32
      %dma_wait3A_608 = tpu.memref_slice %arg6[%and3A_358, %dma_wait3A_600, %dma_wait3A_607] : memref<2x8x128xi32, #tpu.memory_space<vmem>> -> memref<1x1x128xi32, #tpu.memory_space<vmem>>
      %dma_wait3A_609 = tpu.memref_squeeze %dma_wait3A_608 : memref<1x1x128xi32, #tpu.memory_space<vmem>> -> memref<128xi32, #tpu.memory_space<vmem>>
      %dma_wait3A_610 = arith.constant 0 : i32
      %dma_wait3A_611 = arith.constant 0 : i32
      %dma_wait3A_612 = tpu.memref_slice %arg3[%dma_wait3A_610, %dma_wait3A_611] : memref<1000000x32xf32, #tpu.memory_space<hbm>> -> memref<1000000x32xf32, #tpu.memory_space<hbm>>
      %dma_wait3A_613 = tpu.memref_slice %arg11[%dma_wait3A_602] : memref<8x!tpu.dma_semaphore, #tpu.memory_space<semaphore_mem>> -> memref<1x!tpu.dma_semaphore, #tpu.memory_space<semaphore_mem>>
      %dma_wait3A_614 = tpu.memref_squeeze %dma_wait3A_613 : memref<1x!tpu.dma_semaphore, #tpu.memory_space<semaphore_mem>> -> memref<!tpu.dma_semaphore, #tpu.memory_space<semaphore_mem>>
      tpu.wait_indirect_dma semaphore(%dma_wait3A_614 : memref<!tpu.dma_semaphore, #tpu.memory_space<semaphore_mem>>) src(%dma_wait3A_612 : memref<1000000x32xf32, #tpu.memory_space<hbm>>) dst(%dma_wait3A_606 : memref<128x32xf32, #tpu.memory_space<vmem>>)
      %dma_wait3A_615 = arith.constant 3 : i32
      %dma_wait3A_616 = arith.constant 3 : i32
      %dma_wait3A_617 = arith.constant 3 : i32
      %dma_wait3A_618 = arith.constant 0 : i32
      %dma_wait3A_619 = arith.constant 0 : i32
      %dma_wait3A_620 = tpu.memref_slice %arg8[%dma_wait3A_616, %dma_wait3A_618, %dma_wait3A_619] : memref<8x128x32xf32, #tpu.memory_space<vmem>> -> memref<1x128x32xf32, #tpu.memory_space<vmem>>
      %dma_wait3A_621 = tpu.memref_squeeze %dma_wait3A_620 : memref<1x128x32xf32, #tpu.memory_space<vmem>> -> memref<128x32xf32, #tpu.memory_space<vmem>>
      %dma_wait3A_622 = arith.constant 0 : i32
      %dma_wait3A_623 = tpu.memref_slice %arg6[%and3A_358, %dma_wait3A_615, %dma_wait3A_622] : memref<2x8x128xi32, #tpu.memory_space<vmem>> -> memref<1x1x128xi32, #tpu.memory_space<vmem>>
      %dma_wait3A_624 = tpu.memref_squeeze %dma_wait3A_623 : memref<1x1x128xi32, #tpu.memory_space<vmem>> -> memref<128xi32, #tpu.memory_space<vmem>>
      %dma_wait3A_625 = arith.constant 0 : i32
      %dma_wait3A_626 = arith.constant 0 : i32
      %dma_wait3A_627 = tpu.memref_slice %arg4[%dma_wait3A_625, %dma_wait3A_626] : memref<1000000x32xf32, #tpu.memory_space<hbm>> -> memref<1000000x32xf32, #tpu.memory_space<hbm>>
      %dma_wait3A_628 = tpu.memref_slice %arg11[%dma_wait3A_617] : memref<8x!tpu.dma_semaphore, #tpu.memory_space<semaphore_mem>> -> memref<1x!tpu.dma_semaphore, #tpu.memory_space<semaphore_mem>>
      %dma_wait3A_629 = tpu.memref_squeeze %dma_wait3A_628 : memref<1x!tpu.dma_semaphore, #tpu.memory_space<semaphore_mem>> -> memref<!tpu.dma_semaphore, #tpu.memory_space<semaphore_mem>>
      tpu.wait_indirect_dma semaphore(%dma_wait3A_629 : memref<!tpu.dma_semaphore, #tpu.memory_space<semaphore_mem>>) src(%dma_wait3A_627 : memref<1000000x32xf32, #tpu.memory_space<hbm>>) dst(%dma_wait3A_621 : memref<128x32xf32, #tpu.memory_space<vmem>>)
      %gt3A_630 = arith.constant 0 : i32
      %gt3A_631 = arith.cmpi sgt, %scan3A_356, %gt3A_630 : i32
      %or3A_632 = arith.constant true
      %or3A_633 = arith.ori %gt3A_631, %or3A_632 : i1
      %convert_element_type3A_634 = arith.extui %or3A_633 : i1 to i32
      %cond3A_635 = arith.constant 0 : i32
      %cond3A_636 = arith.cmpi ne, %convert_element_type3A_634, %cond3A_635 : i32
      scf.if %cond3A_636 {
        %sub3A = arith.constant 1 : i32
        %sub3A_1011 = arith.subi %scan3A_356, %sub3A : i32
        %jit3A = arith.constant true
        %select_n3A = arith.select %jit3A, %scan3A_356, %sub3A_1011 : i32
        %mul3A_1012 = arith.constant 8 : i32
        %mul3A_1013 = arith.muli %select_n3A, %mul3A_1012 : i32
        %add3A_1014 = arith.constant 1 : i32
        %add3A_1015 = arith.addi %mul3A_1013, %add3A_1014 : i32
        %dma_wait3A_1016 = arith.constant 1 : i32
        %dma_wait3A_1017 = arith.constant 1 : i32
        %dma_wait3A_1018 = arith.constant 0 : i32
        %dma_wait3A_1019 = arith.constant 0 : i32
        %dma_wait3A_1020 = tpu.memref_slice %arg9[%dma_wait3A_1016, %dma_wait3A_1018, %dma_wait3A_1019] : memref<2x32x257xf32, #tpu.memory_space<vmem>> -> memref<1x32x256xf32, #tpu.memory_space<vmem>>
        %dma_wait3A_1021 = tpu.memref_squeeze %dma_wait3A_1020 : memref<1x32x256xf32, #tpu.memory_space<vmem>> -> memref<32x256xf32, #tpu.memory_space<vmem>>
        %dma_wait3A_1022 = arith.constant 0 : i32
        %dma_wait3A_1023 = arith.constant 0 : i32
        %dma_wait3A_1024 = tpu.memref_slice %arg5[%add3A_1015, %dma_wait3A_1022, %add3A, %dma_wait3A_1023] : memref<200x32x32x256xf32, #tpu.memory_space<hbm>> -> memref<1x32x1x256xf32, #tpu.memory_space<hbm>>
        %dma_wait3A_1025 = tpu.memref_squeeze %dma_wait3A_1024 : memref<1x32x1x256xf32, #tpu.memory_space<hbm>> -> memref<32x256xf32, #tpu.memory_space<hbm>>
        %dma_wait3A_1026 = tpu.memref_slice %arg12[%dma_wait3A_1017] : memref<2x!tpu.dma_semaphore, #tpu.memory_space<semaphore_mem>> -> memref<1x!tpu.dma_semaphore, #tpu.memory_space<semaphore_mem>>
        %dma_wait3A_1027 = tpu.memref_squeeze %dma_wait3A_1026 : memref<1x!tpu.dma_semaphore, #tpu.memory_space<semaphore_mem>> -> memref<!tpu.dma_semaphore, #tpu.memory_space<semaphore_mem>>
        %dma_wait3A_1028 = arith.constant 0 : i32
        %dma_wait3A_1029 = arith.constant 0 : i32
        %dma_wait3A_1030 = tpu.memref_slice %arg5[%add3A_1015, %dma_wait3A_1028, %add3A, %dma_wait3A_1029] : memref<200x32x32x256xf32, #tpu.memory_space<hbm>> -> memref<1x32x1x256xf32, #tpu.memory_space<hbm>>
        %dma_wait3A_1031 = tpu.memref_squeeze %dma_wait3A_1030 : memref<1x32x1x256xf32, #tpu.memory_space<hbm>> -> memref<32x256xf32, #tpu.memory_space<hbm>>
        %dma_wait3A_1032 = arith.constant 0 : i32
        %dma_wait3A_1033 = arith.constant 0 : i32
        %dma_wait3A_1034 = tpu.memref_slice %arg9[%dma_wait3A_1016, %dma_wait3A_1032, %dma_wait3A_1033] : memref<2x32x257xf32, #tpu.memory_space<vmem>> -> memref<1x32x256xf32, #tpu.memory_space<vmem>>
        %dma_wait3A_1035 = tpu.memref_squeeze %dma_wait3A_1034 : memref<1x32x256xf32, #tpu.memory_space<vmem>> -> memref<32x256xf32, #tpu.memory_space<vmem>>
        tpu.wait_dma2 semaphore(%dma_wait3A_1027 : memref<!tpu.dma_semaphore, #tpu.memory_space<semaphore_mem>>) src(%dma_wait3A_1035 : memref<32x256xf32, #tpu.memory_space<vmem>>) dst(%dma_wait3A_1031 : memref<32x256xf32, #tpu.memory_space<hbm>>)
      } else {
      }
      %scan3A_637 = arith.constant 0 : i32
      %scan3A_638 = arith.constant 0 : i32
      %scan3A_639 = arith.constant 64 : i32
      %scan3A_640 = arith.addi %scan3A_638, %scan3A_639 : i32
      %scan3A_641 = arith.constant 2 : i32
      %scan3A_642 = scf.for %scan3A_1011 = %scan3A_638 to %scan3A_640 step %scan3A_641 iter_args(%scan3A_1012 = %scan3A_637) -> (i32)  : i32 {
        %mul3A_1013 = arith.constant 2 : i32
        %mul3A_1014 = arith.muli %scan3A_1011, %mul3A_1013 : i32
        %add3A_1015 = arith.constant 0 : i32
        %add3A_1016 = arith.addi %mul3A_1014, %add3A_1015 : i32
        %broadcast_in_dim3A = arith.constant 0 : i32
        %broadcast_in_dim3A_1017 = vector.broadcast %broadcast_in_dim3A : i32 to vector<16xi32>
        %add3A_1018 = vector.broadcast %add3A_1016 : i32 to vector<16xi32>
        %add3A_1019 = arith.addi %broadcast_in_dim3A_1017, %add3A_1018 : vector<16xi32>
        %add3A_1020 = arith.constant 128 : i32
        %add3A_1021 = vector.broadcast %add3A_1020 : i32 to vector<16xi32>
        %add3A_1022 = arith.addi %add3A_1019, %add3A_1021 : vector<16xi32>
        %get3A = arith.constant 3 : i32
        %get3A_1023 = arith.index_cast %get3A : i32 to index
        %get3A_1024 = arith.index_cast %add3A_1016 : i32 to index
        %get3A_1025 = arith.constant 0 : index
        %get3A_1026 = tpu.vector_load %arg7[%get3A_1023, %get3A_1024, %get3A_1025] {strides = array<i32>} : memref<8x128x32xf32, #tpu.memory_space<vmem>>, vector<16xf32>,
        %get3A_1027 = arith.constant 3 : i32
        %get3A_1028 = arith.index_cast %get3A_1027 : i32 to index
        %get3A_1029 = arith.index_cast %add3A_1016 : i32 to index
        %get3A_1030 = arith.constant 0 : index
        %get3A_1031 = tpu.vector_load %arg8[%get3A_1028, %get3A_1029, %get3A_1030] {strides = array<i32>} : memref<8x128x32xf32, #tpu.memory_space<vmem>>, vector<16xf32>,
        %scatter3A = arith.constant 1 : i32
        %scatter3A_1032 = arith.constant 0 : i32
        %scatter3A_1033 = arith.constant 0 : i32
        %scatter3A_1034 = tpu.memref_slice %arg9[%scatter3A, %scatter3A_1032, %scatter3A_1033] : memref<2x32x257xf32, #tpu.memory_space<vmem>> -> memref<1x32x257xf32, #tpu.memory_space<vmem>>
        %scatter3A_1035 = tpu.memref_squeeze %scatter3A_1034 : memref<1x32x257xf32, #tpu.memory_space<vmem>> -> memref<32x257xf32, #tpu.memory_space<vmem>>
        tpu.vector_store_idx %scatter3A_1035[%iota3A, %add3A_1019], %get3A_1026 : memref<32x257xf32, #tpu.memory_space<vmem>>[vector<16xi32>, vector<16xi32>], vector<16xf32>,
        %scatter3A_1036 = arith.constant 1 : i32
        %scatter3A_1037 = arith.constant 0 : i32
        %scatter3A_1038 = arith.constant 0 : i32
        %scatter3A_1039 = tpu.memref_slice %arg9[%scatter3A_1036, %scatter3A_1037, %scatter3A_1038] : memref<2x32x257xf32, #tpu.memory_space<vmem>> -> memref<1x32x257xf32, #tpu.memory_space<vmem>>
        %scatter3A_1040 = tpu.memref_squeeze %scatter3A_1039 : memref<1x32x257xf32, #tpu.memory_space<vmem>> -> memref<32x257xf32, #tpu.memory_space<vmem>>
        tpu.vector_store_idx %scatter3A_1040[%iota3A, %add3A_1022], %get3A_1031 : memref<32x257xf32, #tpu.memory_space<vmem>>[vector<16xi32>, vector<16xi32>], vector<16xf32>,
        %get3A_1041 = arith.constant 3 : i32
        %get3A_1042 = arith.index_cast %get3A_1041 : i32 to index
        %get3A_1043 = arith.index_cast %add3A_1016 : i32 to index
        %get3A_1044 = arith.constant 16 : index
        %get3A_1045 = tpu.vector_load %arg7[%get3A_1042, %get3A_1043, %get3A_1044] {strides = array<i32>} : memref<8x128x32xf32, #tpu.memory_space<vmem>>, vector<16xf32>,
        %get3A_1046 = arith.constant 3 : i32
        %get3A_1047 = arith.index_cast %get3A_1046 : i32 to index
        %get3A_1048 = arith.index_cast %add3A_1016 : i32 to index
        %get3A_1049 = arith.constant 16 : index
        %get3A_1050 = tpu.vector_load %arg8[%get3A_1047, %get3A_1048, %get3A_1049] {strides = array<i32>} : memref<8x128x32xf32, #tpu.memory_space<vmem>>, vector<16xf32>,
        %scatter3A_1051 = arith.constant 1 : i32
        %scatter3A_1052 = arith.constant 0 : i32
        %scatter3A_1053 = arith.constant 0 : i32
        %scatter3A_1054 = tpu.memref_slice %arg9[%scatter3A_1051, %scatter3A_1052, %scatter3A_1053] : memref<2x32x257xf32, #tpu.memory_space<vmem>> -> memref<1x32x257xf32, #tpu.memory_space<vmem>>
        %scatter3A_1055 = tpu.memref_squeeze %scatter3A_1054 : memref<1x32x257xf32, #tpu.memory_space<vmem>> -> memref<32x257xf32, #tpu.memory_space<vmem>>
        tpu.vector_store_idx %scatter3A_1055[%add3A_5, %add3A_1019], %get3A_1045 : memref<32x257xf32, #tpu.memory_space<vmem>>[vector<16xi32>, vector<16xi32>], vector<16xf32>,
        %scatter3A_1056 = arith.constant 1 : i32
        %scatter3A_1057 = arith.constant 0 : i32
        %scatter3A_1058 = arith.constant 0 : i32
        %scatter3A_1059 = tpu.memref_slice %arg9[%scatter3A_1056, %scatter3A_1057, %scatter3A_1058] : memref<2x32x257xf32, #tpu.memory_space<vmem>> -> memref<1x32x257xf32, #tpu.memory_space<vmem>>
        %scatter3A_1060 = tpu.memref_squeeze %scatter3A_1059 : memref<1x32x257xf32, #tpu.memory_space<vmem>> -> memref<32x257xf32, #tpu.memory_space<vmem>>
        tpu.vector_store_idx %scatter3A_1060[%add3A_5, %add3A_1022], %get3A_1050 : memref<32x257xf32, #tpu.memory_space<vmem>>[vector<16xi32>, vector<16xi32>], vector<16xf32>,
        %mul3A_1061 = arith.constant 2 : i32
        %mul3A_1062 = arith.muli %scan3A_1011, %mul3A_1061 : i32
        %add3A_1063 = arith.constant 1 : i32
        %add3A_1064 = arith.addi %mul3A_1062, %add3A_1063 : i32
        %broadcast_in_dim3A_1065 = arith.constant 0 : i32
        %broadcast_in_dim3A_1066 = vector.broadcast %broadcast_in_dim3A_1065 : i32 to vector<16xi32>
        %add3A_1067 = vector.broadcast %add3A_1064 : i32 to vector<16xi32>
        %add3A_1068 = arith.addi %broadcast_in_dim3A_1066, %add3A_1067 : vector<16xi32>
        %add3A_1069 = arith.constant 128 : i32
        %add3A_1070 = vector.broadcast %add3A_1069 : i32 to vector<16xi32>
        %add3A_1071 = arith.addi %add3A_1068, %add3A_1070 : vector<16xi32>
        %get3A_1072 = arith.constant 3 : i32
        %get3A_1073 = arith.index_cast %get3A_1072 : i32 to index
        %get3A_1074 = arith.index_cast %add3A_1064 : i32 to index
        %get3A_1075 = arith.constant 0 : index
        %get3A_1076 = tpu.vector_load %arg7[%get3A_1073, %get3A_1074, %get3A_1075] {strides = array<i32>} : memref<8x128x32xf32, #tpu.memory_space<vmem>>, vector<16xf32>,
        %get3A_1077 = arith.constant 3 : i32
        %get3A_1078 = arith.index_cast %get3A_1077 : i32 to index
        %get3A_1079 = arith.index_cast %add3A_1064 : i32 to index
        %get3A_1080 = arith.constant 0 : index
        %get3A_1081 = tpu.vector_load %arg8[%get3A_1078, %get3A_1079, %get3A_1080] {strides = array<i32>} : memref<8x128x32xf32, #tpu.memory_space<vmem>>, vector<16xf32>,
        %scatter3A_1082 = arith.constant 1 : i32
        %scatter3A_1083 = arith.constant 0 : i32
        %scatter3A_1084 = arith.constant 0 : i32
        %scatter3A_1085 = tpu.memref_slice %arg9[%scatter3A_1082, %scatter3A_1083, %scatter3A_1084] : memref<2x32x257xf32, #tpu.memory_space<vmem>> -> memref<1x32x257xf32, #tpu.memory_space<vmem>>
        %scatter3A_1086 = tpu.memref_squeeze %scatter3A_1085 : memref<1x32x257xf32, #tpu.memory_space<vmem>> -> memref<32x257xf32, #tpu.memory_space<vmem>>
        tpu.vector_store_idx %scatter3A_1086[%iota3A, %add3A_1068], %get3A_1076 : memref<32x257xf32, #tpu.memory_space<vmem>>[vector<16xi32>, vector<16xi32>], vector<16xf32>,
        %scatter3A_1087 = arith.constant 1 : i32
        %scatter3A_1088 = arith.constant 0 : i32
        %scatter3A_1089 = arith.constant 0 : i32
        %scatter3A_1090 = tpu.memref_slice %arg9[%scatter3A_1087, %scatter3A_1088, %scatter3A_1089] : memref<2x32x257xf32, #tpu.memory_space<vmem>> -> memref<1x32x257xf32, #tpu.memory_space<vmem>>
        %scatter3A_1091 = tpu.memref_squeeze %scatter3A_1090 : memref<1x32x257xf32, #tpu.memory_space<vmem>> -> memref<32x257xf32, #tpu.memory_space<vmem>>
        tpu.vector_store_idx %scatter3A_1091[%iota3A, %add3A_1071], %get3A_1081 : memref<32x257xf32, #tpu.memory_space<vmem>>[vector<16xi32>, vector<16xi32>], vector<16xf32>,
        %get3A_1092 = arith.constant 3 : i32
        %get3A_1093 = arith.index_cast %get3A_1092 : i32 to index
        %get3A_1094 = arith.index_cast %add3A_1064 : i32 to index
        %get3A_1095 = arith.constant 16 : index
        %get3A_1096 = tpu.vector_load %arg7[%get3A_1093, %get3A_1094, %get3A_1095] {strides = array<i32>} : memref<8x128x32xf32, #tpu.memory_space<vmem>>, vector<16xf32>,
        %get3A_1097 = arith.constant 3 : i32
        %get3A_1098 = arith.index_cast %get3A_1097 : i32 to index
        %get3A_1099 = arith.index_cast %add3A_1064 : i32 to index
        %get3A_1100 = arith.constant 16 : index
        %get3A_1101 = tpu.vector_load %arg8[%get3A_1098, %get3A_1099, %get3A_1100] {strides = array<i32>} : memref<8x128x32xf32, #tpu.memory_space<vmem>>, vector<16xf32>,
        %scatter3A_1102 = arith.constant 1 : i32
        %scatter3A_1103 = arith.constant 0 : i32
        %scatter3A_1104 = arith.constant 0 : i32
        %scatter3A_1105 = tpu.memref_slice %arg9[%scatter3A_1102, %scatter3A_1103, %scatter3A_1104] : memref<2x32x257xf32, #tpu.memory_space<vmem>> -> memref<1x32x257xf32, #tpu.memory_space<vmem>>
        %scatter3A_1106 = tpu.memref_squeeze %scatter3A_1105 : memref<1x32x257xf32, #tpu.memory_space<vmem>> -> memref<32x257xf32, #tpu.memory_space<vmem>>
        tpu.vector_store_idx %scatter3A_1106[%add3A_5, %add3A_1068], %get3A_1096 : memref<32x257xf32, #tpu.memory_space<vmem>>[vector<16xi32>, vector<16xi32>], vector<16xf32>,
        %scatter3A_1107 = arith.constant 1 : i32
        %scatter3A_1108 = arith.constant 0 : i32
        %scatter3A_1109 = arith.constant 0 : i32
        %scatter3A_1110 = tpu.memref_slice %arg9[%scatter3A_1107, %scatter3A_1108, %scatter3A_1109] : memref<2x32x257xf32, #tpu.memory_space<vmem>> -> memref<1x32x257xf32, #tpu.memory_space<vmem>>
        %scatter3A_1111 = tpu.memref_squeeze %scatter3A_1110 : memref<1x32x257xf32, #tpu.memory_space<vmem>> -> memref<32x257xf32, #tpu.memory_space<vmem>>
        tpu.vector_store_idx %scatter3A_1111[%add3A_5, %add3A_1071], %get3A_1101 : memref<32x257xf32, #tpu.memory_space<vmem>>[vector<16xi32>, vector<16xi32>], vector<16xf32>,
        %scan3A_1112 = arith.constant 0 : i32
        %scan3A_1113 = arith.constant 1 : i32
        %scan3A_1114 = arith.addi %scan3A_1011, %scan3A_1113 : i32
        %mul3A_1115 = arith.constant 2 : i32
        %mul3A_1116 = arith.muli %scan3A_1114, %mul3A_1115 : i32
        %add3A_1117 = arith.constant 0 : i32
        %add3A_1118 = arith.addi %mul3A_1116, %add3A_1117 : i32
        %broadcast_in_dim3A_1119 = arith.constant 0 : i32
        %broadcast_in_dim3A_1120 = vector.broadcast %broadcast_in_dim3A_1119 : i32 to vector<16xi32>
        %add3A_1121 = vector.broadcast %add3A_1118 : i32 to vector<16xi32>
        %add3A_1122 = arith.addi %broadcast_in_dim3A_1120, %add3A_1121 : vector<16xi32>
        %add3A_1123 = arith.constant 128 : i32
        %add3A_1124 = vector.broadcast %add3A_1123 : i32 to vector<16xi32>
        %add3A_1125 = arith.addi %add3A_1122, %add3A_1124 : vector<16xi32>
        %get3A_1126 = arith.constant 3 : i32
        %get3A_1127 = arith.index_cast %get3A_1126 : i32 to index
        %get3A_1128 = arith.index_cast %add3A_1118 : i32 to index
        %get3A_1129 = arith.constant 0 : index
        %get3A_1130 = tpu.vector_load %arg7[%get3A_1127, %get3A_1128, %get3A_1129] {strides = array<i32>} : memref<8x128x32xf32, #tpu.memory_space<vmem>>, vector<16xf32>,
        %get3A_1131 = arith.constant 3 : i32
        %get3A_1132 = arith.index_cast %get3A_1131 : i32 to index
        %get3A_1133 = arith.index_cast %add3A_1118 : i32 to index
        %get3A_1134 = arith.constant 0 : index
        %get3A_1135 = tpu.vector_load %arg8[%get3A_1132, %get3A_1133, %get3A_1134] {strides = array<i32>} : memref<8x128x32xf32, #tpu.memory_space<vmem>>, vector<16xf32>,
        %scatter3A_1136 = arith.constant 1 : i32
        %scatter3A_1137 = arith.constant 0 : i32
        %scatter3A_1138 = arith.constant 0 : i32
        %scatter3A_1139 = tpu.memref_slice %arg9[%scatter3A_1136, %scatter3A_1137, %scatter3A_1138] : memref<2x32x257xf32, #tpu.memory_space<vmem>> -> memref<1x32x257xf32, #tpu.memory_space<vmem>>
        %scatter3A_1140 = tpu.memref_squeeze %scatter3A_1139 : memref<1x32x257xf32, #tpu.memory_space<vmem>> -> memref<32x257xf32, #tpu.memory_space<vmem>>
        tpu.vector_store_idx %scatter3A_1140[%iota3A, %add3A_1122], %get3A_1130 : memref<32x257xf32, #tpu.memory_space<vmem>>[vector<16xi32>, vector<16xi32>], vector<16xf32>,
        %scatter3A_1141 = arith.constant 1 : i32
        %scatter3A_1142 = arith.constant 0 : i32
        %scatter3A_1143 = arith.constant 0 : i32
        %scatter3A_1144 = tpu.memref_slice %arg9[%scatter3A_1141, %scatter3A_1142, %scatter3A_1143] : memref<2x32x257xf32, #tpu.memory_space<vmem>> -> memref<1x32x257xf32, #tpu.memory_space<vmem>>
        %scatter3A_1145 = tpu.memref_squeeze %scatter3A_1144 : memref<1x32x257xf32, #tpu.memory_space<vmem>> -> memref<32x257xf32, #tpu.memory_space<vmem>>
        tpu.vector_store_idx %scatter3A_1145[%iota3A, %add3A_1125], %get3A_1135 : memref<32x257xf32, #tpu.memory_space<vmem>>[vector<16xi32>, vector<16xi32>], vector<16xf32>,
        %get3A_1146 = arith.constant 3 : i32
        %get3A_1147 = arith.index_cast %get3A_1146 : i32 to index
        %get3A_1148 = arith.index_cast %add3A_1118 : i32 to index
        %get3A_1149 = arith.constant 16 : index
        %get3A_1150 = tpu.vector_load %arg7[%get3A_1147, %get3A_1148, %get3A_1149] {strides = array<i32>} : memref<8x128x32xf32, #tpu.memory_space<vmem>>, vector<16xf32>,
        %get3A_1151 = arith.constant 3 : i32
        %get3A_1152 = arith.index_cast %get3A_1151 : i32 to index
        %get3A_1153 = arith.index_cast %add3A_1118 : i32 to index
        %get3A_1154 = arith.constant 16 : index
        %get3A_1155 = tpu.vector_load %arg8[%get3A_1152, %get3A_1153, %get3A_1154] {strides = array<i32>} : memref<8x128x32xf32, #tpu.memory_space<vmem>>, vector<16xf32>,
        %scatter3A_1156 = arith.constant 1 : i32
        %scatter3A_1157 = arith.constant 0 : i32
        %scatter3A_1158 = arith.constant 0 : i32
        %scatter3A_1159 = tpu.memref_slice %arg9[%scatter3A_1156, %scatter3A_1157, %scatter3A_1158] : memref<2x32x257xf32, #tpu.memory_space<vmem>> -> memref<1x32x257xf32, #tpu.memory_space<vmem>>
        %scatter3A_1160 = tpu.memref_squeeze %scatter3A_1159 : memref<1x32x257xf32, #tpu.memory_space<vmem>> -> memref<32x257xf32, #tpu.memory_space<vmem>>
        tpu.vector_store_idx %scatter3A_1160[%add3A_5, %add3A_1122], %get3A_1150 : memref<32x257xf32, #tpu.memory_space<vmem>>[vector<16xi32>, vector<16xi32>], vector<16xf32>,
        %scatter3A_1161 = arith.constant 1 : i32
        %scatter3A_1162 = arith.constant 0 : i32
        %scatter3A_1163 = arith.constant 0 : i32
        %scatter3A_1164 = tpu.memref_slice %arg9[%scatter3A_1161, %scatter3A_1162, %scatter3A_1163] : memref<2x32x257xf32, #tpu.memory_space<vmem>> -> memref<1x32x257xf32, #tpu.memory_space<vmem>>
        %scatter3A_1165 = tpu.memref_squeeze %scatter3A_1164 : memref<1x32x257xf32, #tpu.memory_space<vmem>> -> memref<32x257xf32, #tpu.memory_space<vmem>>
        tpu.vector_store_idx %scatter3A_1165[%add3A_5, %add3A_1125], %get3A_1155 : memref<32x257xf32, #tpu.memory_space<vmem>>[vector<16xi32>, vector<16xi32>], vector<16xf32>,
        %mul3A_1166 = arith.constant 2 : i32
        %mul3A_1167 = arith.muli %scan3A_1114, %mul3A_1166 : i32
        %add3A_1168 = arith.constant 1 : i32
        %add3A_1169 = arith.addi %mul3A_1167, %add3A_1168 : i32
        %broadcast_in_dim3A_1170 = arith.constant 0 : i32
        %broadcast_in_dim3A_1171 = vector.broadcast %broadcast_in_dim3A_1170 : i32 to vector<16xi32>
        %add3A_1172 = vector.broadcast %add3A_1169 : i32 to vector<16xi32>
        %add3A_1173 = arith.addi %broadcast_in_dim3A_1171, %add3A_1172 : vector<16xi32>
        %add3A_1174 = arith.constant 128 : i32
        %add3A_1175 = vector.broadcast %add3A_1174 : i32 to vector<16xi32>
        %add3A_1176 = arith.addi %add3A_1173, %add3A_1175 : vector<16xi32>
        %get3A_1177 = arith.constant 3 : i32
        %get3A_1178 = arith.index_cast %get3A_1177 : i32 to index
        %get3A_1179 = arith.index_cast %add3A_1169 : i32 to index
        %get3A_1180 = arith.constant 0 : index
        %get3A_1181 = tpu.vector_load %arg7[%get3A_1178, %get3A_1179, %get3A_1180] {strides = array<i32>} : memref<8x128x32xf32, #tpu.memory_space<vmem>>, vector<16xf32>,
        %get3A_1182 = arith.constant 3 : i32
        %get3A_1183 = arith.index_cast %get3A_1182 : i32 to index
        %get3A_1184 = arith.index_cast %add3A_1169 : i32 to index
        %get3A_1185 = arith.constant 0 : index
        %get3A_1186 = tpu.vector_load %arg8[%get3A_1183, %get3A_1184, %get3A_1185] {strides = array<i32>} : memref<8x128x32xf32, #tpu.memory_space<vmem>>, vector<16xf32>,
        %scatter3A_1187 = arith.constant 1 : i32
        %scatter3A_1188 = arith.constant 0 : i32
        %scatter3A_1189 = arith.constant 0 : i32
        %scatter3A_1190 = tpu.memref_slice %arg9[%scatter3A_1187, %scatter3A_1188, %scatter3A_1189] : memref<2x32x257xf32, #tpu.memory_space<vmem>> -> memref<1x32x257xf32, #tpu.memory_space<vmem>>
        %scatter3A_1191 = tpu.memref_squeeze %scatter3A_1190 : memref<1x32x257xf32, #tpu.memory_space<vmem>> -> memref<32x257xf32, #tpu.memory_space<vmem>>
        tpu.vector_store_idx %scatter3A_1191[%iota3A, %add3A_1173], %get3A_1181 : memref<32x257xf32, #tpu.memory_space<vmem>>[vector<16xi32>, vector<16xi32>], vector<16xf32>,
        %scatter3A_1192 = arith.constant 1 : i32
        %scatter3A_1193 = arith.constant 0 : i32
        %scatter3A_1194 = arith.constant 0 : i32
        %scatter3A_1195 = tpu.memref_slice %arg9[%scatter3A_1192, %scatter3A_1193, %scatter3A_1194] : memref<2x32x257xf32, #tpu.memory_space<vmem>> -> memref<1x32x257xf32, #tpu.memory_space<vmem>>
        %scatter3A_1196 = tpu.memref_squeeze %scatter3A_1195 : memref<1x32x257xf32, #tpu.memory_space<vmem>> -> memref<32x257xf32, #tpu.memory_space<vmem>>
        tpu.vector_store_idx %scatter3A_1196[%iota3A, %add3A_1176], %get3A_1186 : memref<32x257xf32, #tpu.memory_space<vmem>>[vector<16xi32>, vector<16xi32>], vector<16xf32>,
        %get3A_1197 = arith.constant 3 : i32
        %get3A_1198 = arith.index_cast %get3A_1197 : i32 to index
        %get3A_1199 = arith.index_cast %add3A_1169 : i32 to index
        %get3A_1200 = arith.constant 16 : index
        %get3A_1201 = tpu.vector_load %arg7[%get3A_1198, %get3A_1199, %get3A_1200] {strides = array<i32>} : memref<8x128x32xf32, #tpu.memory_space<vmem>>, vector<16xf32>,
        %get3A_1202 = arith.constant 3 : i32
        %get3A_1203 = arith.index_cast %get3A_1202 : i32 to index
        %get3A_1204 = arith.index_cast %add3A_1169 : i32 to index
        %get3A_1205 = arith.constant 16 : index
        %get3A_1206 = tpu.vector_load %arg8[%get3A_1203, %get3A_1204, %get3A_1205] {strides = array<i32>} : memref<8x128x32xf32, #tpu.memory_space<vmem>>, vector<16xf32>,
        %scatter3A_1207 = arith.constant 1 : i32
        %scatter3A_1208 = arith.constant 0 : i32
        %scatter3A_1209 = arith.constant 0 : i32
        %scatter3A_1210 = tpu.memref_slice %arg9[%scatter3A_1207, %scatter3A_1208, %scatter3A_1209] : memref<2x32x257xf32, #tpu.memory_space<vmem>> -> memref<1x32x257xf32, #tpu.memory_space<vmem>>
        %scatter3A_1211 = tpu.memref_squeeze %scatter3A_1210 : memref<1x32x257xf32, #tpu.memory_space<vmem>> -> memref<32x257xf32, #tpu.memory_space<vmem>>
        tpu.vector_store_idx %scatter3A_1211[%add3A_5, %add3A_1173], %get3A_1201 : memref<32x257xf32, #tpu.memory_space<vmem>>[vector<16xi32>, vector<16xi32>], vector<16xf32>,
        %scatter3A_1212 = arith.constant 1 : i32
        %scatter3A_1213 = arith.constant 0 : i32
        %scatter3A_1214 = arith.constant 0 : i32
        %scatter3A_1215 = tpu.memref_slice %arg9[%scatter3A_1212, %scatter3A_1213, %scatter3A_1214] : memref<2x32x257xf32, #tpu.memory_space<vmem>> -> memref<1x32x257xf32, #tpu.memory_space<vmem>>
        %scatter3A_1216 = tpu.memref_squeeze %scatter3A_1215 : memref<1x32x257xf32, #tpu.memory_space<vmem>> -> memref<32x257xf32, #tpu.memory_space<vmem>>
        tpu.vector_store_idx %scatter3A_1216[%add3A_5, %add3A_1176], %get3A_1206 : memref<32x257xf32, #tpu.memory_space<vmem>>[vector<16xi32>, vector<16xi32>], vector<16xf32>,
        %scan3A_1217 = arith.constant 0 : i32
        scf.yield %scan3A_1217 : i32
      }
      %scan3A_643 = arith.constant 64 : i32
      %add3A_644 = arith.constant 1 : i32
      %add3A_645 = arith.addi %scan3A_356, %add3A_644 : i32
      %lt3A_646 = arith.constant 25 : i32
      %lt3A_647 = arith.cmpi slt, %add3A_645, %lt3A_646 : i32
      %convert_element_type3A_648 = arith.extui %lt3A_647 : i1 to i32
      %cond3A_649 = arith.constant 0 : i32
      %cond3A_650 = arith.cmpi ne, %convert_element_type3A_648, %cond3A_649 : i32
      scf.if %cond3A_650 {
        %sub3A = arith.constant 1 : i32
        %sub3A_1011 = arith.subi %sub3A, %and3A_358 : i32
        %dma_start3A_1012 = arith.constant 3 : i32
        %dma_start3A_1013 = arith.constant 3 : i32
        %dma_start3A_1014 = arith.constant 3 : i32
        %dma_start3A_1015 = arith.constant 0 : i32
        %dma_start3A_1016 = arith.constant 0 : i32
        %dma_start3A_1017 = tpu.memref_slice %arg7[%dma_start3A_1013, %dma_start3A_1015, %dma_start3A_1016] : memref<8x128x32xf32, #tpu.memory_space<vmem>> -> memref<1x128x32xf32, #tpu.memory_space<vmem>>
        %dma_start3A_1018 = tpu.memref_squeeze %dma_start3A_1017 : memref<1x128x32xf32, #tpu.memory_space<vmem>> -> memref<128x32xf32, #tpu.memory_space<vmem>>
        %dma_start3A_1019 = arith.constant 0 : i32
        %dma_start3A_1020 = tpu.memref_slice %arg6[%sub3A_1011, %dma_start3A_1012, %dma_start3A_1019] : memref<2x8x128xi32, #tpu.memory_space<vmem>> -> memref<1x1x128xi32, #tpu.memory_space<vmem>>
        %dma_start3A_1021 = tpu.memref_squeeze %dma_start3A_1020 : memref<1x1x128xi32, #tpu.memory_space<vmem>> -> memref<128xi32, #tpu.memory_space<vmem>>
        %dma_start3A_1022 = arith.constant 0 : i32
        %dma_start3A_1023 = arith.constant 0 : i32
        %dma_start3A_1024 = tpu.memref_slice %arg3[%dma_start3A_1022, %dma_start3A_1023] : memref<1000000x32xf32, #tpu.memory_space<hbm>> -> memref<1000000x32xf32, #tpu.memory_space<hbm>>
        %dma_start3A_1025 = tpu.memref_slice %arg11[%dma_start3A_1014] : memref<8x!tpu.dma_semaphore, #tpu.memory_space<semaphore_mem>> -> memref<1x!tpu.dma_semaphore, #tpu.memory_space<semaphore_mem>>
        %dma_start3A_1026 = tpu.memref_squeeze %dma_start3A_1025 : memref<1x!tpu.dma_semaphore, #tpu.memory_space<semaphore_mem>> -> memref<!tpu.dma_semaphore, #tpu.memory_space<semaphore_mem>>
        tpu.enqueue_indirect_dma source(%dma_start3A_1024 : memref<1000000x32xf32, #tpu.memory_space<hbm>>) target(%dma_start3A_1018 : memref<128x32xf32, #tpu.memory_space<vmem>>) offsets(%dma_start3A_1021 : memref<128xi32, #tpu.memory_space<vmem>>) semaphore(%dma_start3A_1026 : memref<!tpu.dma_semaphore, #tpu.memory_space<semaphore_mem>>)
        %dma_start3A_1027 = arith.constant 3 : i32
        %dma_start3A_1028 = arith.constant 3 : i32
        %dma_start3A_1029 = arith.constant 3 : i32
        %dma_start3A_1030 = arith.constant 0 : i32
        %dma_start3A_1031 = arith.constant 0 : i32
        %dma_start3A_1032 = tpu.memref_slice %arg8[%dma_start3A_1028, %dma_start3A_1030, %dma_start3A_1031] : memref<8x128x32xf32, #tpu.memory_space<vmem>> -> memref<1x128x32xf32, #tpu.memory_space<vmem>>
        %dma_start3A_1033 = tpu.memref_squeeze %dma_start3A_1032 : memref<1x128x32xf32, #tpu.memory_space<vmem>> -> memref<128x32xf32, #tpu.memory_space<vmem>>
        %dma_start3A_1034 = arith.constant 0 : i32
        %dma_start3A_1035 = tpu.memref_slice %arg6[%sub3A_1011, %dma_start3A_1027, %dma_start3A_1034] : memref<2x8x128xi32, #tpu.memory_space<vmem>> -> memref<1x1x128xi32, #tpu.memory_space<vmem>>
        %dma_start3A_1036 = tpu.memref_squeeze %dma_start3A_1035 : memref<1x1x128xi32, #tpu.memory_space<vmem>> -> memref<128xi32, #tpu.memory_space<vmem>>
        %dma_start3A_1037 = arith.constant 0 : i32
        %dma_start3A_1038 = arith.constant 0 : i32
        %dma_start3A_1039 = tpu.memref_slice %arg4[%dma_start3A_1037, %dma_start3A_1038] : memref<1000000x32xf32, #tpu.memory_space<hbm>> -> memref<1000000x32xf32, #tpu.memory_space<hbm>>
        %dma_start3A_1040 = tpu.memref_slice %arg11[%dma_start3A_1029] : memref<8x!tpu.dma_semaphore, #tpu.memory_space<semaphore_mem>> -> memref<1x!tpu.dma_semaphore, #tpu.memory_space<semaphore_mem>>
        %dma_start3A_1041 = tpu.memref_squeeze %dma_start3A_1040 : memref<1x!tpu.dma_semaphore, #tpu.memory_space<semaphore_mem>> -> memref<!tpu.dma_semaphore, #tpu.memory_space<semaphore_mem>>
        tpu.enqueue_indirect_dma source(%dma_start3A_1039 : memref<1000000x32xf32, #tpu.memory_space<hbm>>) target(%dma_start3A_1033 : memref<128x32xf32, #tpu.memory_space<vmem>>) offsets(%dma_start3A_1036 : memref<128xi32, #tpu.memory_space<vmem>>) semaphore(%dma_start3A_1041 : memref<!tpu.dma_semaphore, #tpu.memory_space<semaphore_mem>>)
      } else {
      }
      %add3A_651 = arith.constant 2 : i32
      %add3A_652 = arith.addi %scan3A_356, %add3A_651 : i32
      %lt3A_653 = arith.constant 25 : i32
      %lt3A_654 = arith.cmpi slt, %add3A_652, %lt3A_653 : i32
      %convert_element_type3A_655 = arith.extui %lt3A_654 : i1 to i32
      %cond3A_656 = arith.constant 0 : i32
      %cond3A_657 = arith.cmpi ne, %convert_element_type3A_655, %cond3A_656 : i32
      scf.if %cond3A_657 {
      } else {
      }
      %mul3A_658 = arith.constant 8 : i32
      %mul3A_659 = arith.muli %scan3A_356, %mul3A_658 : i32
      %add3A_660 = arith.constant 3 : i32
      %add3A_661 = arith.addi %mul3A_659, %add3A_660 : i32
      %dma_start3A_662 = arith.constant 1 : i32
      %dma_start3A_663 = arith.constant 1 : i32
      %dma_start3A_664 = arith.constant 0 : i32
      %dma_start3A_665 = arith.constant 0 : i32
      %dma_start3A_666 = tpu.memref_slice %arg9[%dma_start3A_662, %dma_start3A_664, %dma_start3A_665] : memref<2x32x257xf32, #tpu.memory_space<vmem>> -> memref<1x32x256xf32, #tpu.memory_space<vmem>>
      %dma_start3A_667 = tpu.memref_squeeze %dma_start3A_666 : memref<1x32x256xf32, #tpu.memory_space<vmem>> -> memref<32x256xf32, #tpu.memory_space<vmem>>
      %dma_start3A_668 = arith.constant 0 : i32
      %dma_start3A_669 = arith.constant 0 : i32
      %dma_start3A_670 = tpu.memref_slice %arg5[%add3A_661, %dma_start3A_668, %add3A, %dma_start3A_669] : memref<200x32x32x256xf32, #tpu.memory_space<hbm>> -> memref<1x32x1x256xf32, #tpu.memory_space<hbm>>
      %dma_start3A_671 = tpu.memref_squeeze %dma_start3A_670 : memref<1x32x1x256xf32, #tpu.memory_space<hbm>> -> memref<32x256xf32, #tpu.memory_space<hbm>>
      %dma_start3A_672 = tpu.memref_slice %arg12[%dma_start3A_663] : memref<2x!tpu.dma_semaphore, #tpu.memory_space<semaphore_mem>> -> memref<1x!tpu.dma_semaphore, #tpu.memory_space<semaphore_mem>>
      %dma_start3A_673 = tpu.memref_squeeze %dma_start3A_672 : memref<1x!tpu.dma_semaphore, #tpu.memory_space<semaphore_mem>> -> memref<!tpu.dma_semaphore, #tpu.memory_space<semaphore_mem>>
      %dma_start3A_674 = arith.constant 0 : i32
      %dma_start3A_675 = arith.constant 0 : i32
      %dma_start3A_676 = tpu.memref_slice %arg5[%add3A_661, %dma_start3A_674, %add3A, %dma_start3A_675] : memref<200x32x32x256xf32, #tpu.memory_space<hbm>> -> memref<1x32x1x256xf32, #tpu.memory_space<hbm>>
      %dma_start3A_677 = tpu.memref_squeeze %dma_start3A_676 : memref<1x32x1x256xf32, #tpu.memory_space<hbm>> -> memref<32x256xf32, #tpu.memory_space<hbm>>
      %dma_start3A_678 = arith.constant 0 : i32
      %dma_start3A_679 = arith.constant 0 : i32
      %dma_start3A_680 = tpu.memref_slice %arg9[%dma_start3A_662, %dma_start3A_678, %dma_start3A_679] : memref<2x32x257xf32, #tpu.memory_space<vmem>> -> memref<1x32x256xf32, #tpu.memory_space<vmem>>
      %dma_start3A_681 = tpu.memref_squeeze %dma_start3A_680 : memref<1x32x256xf32, #tpu.memory_space<vmem>> -> memref<32x256xf32, #tpu.memory_space<vmem>>
      tpu.enqueue_dma source(%dma_start3A_681 : memref<32x256xf32, #tpu.memory_space<vmem>>) target(%dma_start3A_677 : memref<32x256xf32, #tpu.memory_space<hbm>>) target_semaphore(%dma_start3A_673 : memref<!tpu.dma_semaphore, #tpu.memory_space<semaphore_mem>>)
      %dma_wait3A_682 = arith.constant 4 : i32
      %dma_wait3A_683 = arith.constant 4 : i32
      %dma_wait3A_684 = arith.constant 4 : i32
      %dma_wait3A_685 = arith.constant 0 : i32
      %dma_wait3A_686 = arith.constant 0 : i32
      %dma_wait3A_687 = tpu.memref_slice %arg7[%dma_wait3A_683, %dma_wait3A_685, %dma_wait3A_686] : memref<8x128x32xf32, #tpu.memory_space<vmem>> -> memref<1x128x32xf32, #tpu.memory_space<vmem>>
      %dma_wait3A_688 = tpu.memref_squeeze %dma_wait3A_687 : memref<1x128x32xf32, #tpu.memory_space<vmem>> -> memref<128x32xf32, #tpu.memory_space<vmem>>
      %dma_wait3A_689 = arith.constant 0 : i32
      %dma_wait3A_690 = tpu.memref_slice %arg6[%and3A_358, %dma_wait3A_682, %dma_wait3A_689] : memref<2x8x128xi32, #tpu.memory_space<vmem>> -> memref<1x1x128xi32, #tpu.memory_space<vmem>>
      %dma_wait3A_691 = tpu.memref_squeeze %dma_wait3A_690 : memref<1x1x128xi32, #tpu.memory_space<vmem>> -> memref<128xi32, #tpu.memory_space<vmem>>
      %dma_wait3A_692 = arith.constant 0 : i32
      %dma_wait3A_693 = arith.constant 0 : i32
      %dma_wait3A_694 = tpu.memref_slice %arg3[%dma_wait3A_692, %dma_wait3A_693] : memref<1000000x32xf32, #tpu.memory_space<hbm>> -> memref<1000000x32xf32, #tpu.memory_space<hbm>>
      %dma_wait3A_695 = tpu.memref_slice %arg11[%dma_wait3A_684] : memref<8x!tpu.dma_semaphore, #tpu.memory_space<semaphore_mem>> -> memref<1x!tpu.dma_semaphore, #tpu.memory_space<semaphore_mem>>
      %dma_wait3A_696 = tpu.memref_squeeze %dma_wait3A_695 : memref<1x!tpu.dma_semaphore, #tpu.memory_space<semaphore_mem>> -> memref<!tpu.dma_semaphore, #tpu.memory_space<semaphore_mem>>
      tpu.wait_indirect_dma semaphore(%dma_wait3A_696 : memref<!tpu.dma_semaphore, #tpu.memory_space<semaphore_mem>>) src(%dma_wait3A_694 : memref<1000000x32xf32, #tpu.memory_space<hbm>>) dst(%dma_wait3A_688 : memref<128x32xf32, #tpu.memory_space<vmem>>)
      %dma_wait3A_697 = arith.constant 4 : i32
      %dma_wait3A_698 = arith.constant 4 : i32
      %dma_wait3A_699 = arith.constant 4 : i32
      %dma_wait3A_700 = arith.constant 0 : i32
      %dma_wait3A_701 = arith.constant 0 : i32
      %dma_wait3A_702 = tpu.memref_slice %arg8[%dma_wait3A_698, %dma_wait3A_700, %dma_wait3A_701] : memref<8x128x32xf32, #tpu.memory_space<vmem>> -> memref<1x128x32xf32, #tpu.memory_space<vmem>>
      %dma_wait3A_703 = tpu.memref_squeeze %dma_wait3A_702 : memref<1x128x32xf32, #tpu.memory_space<vmem>> -> memref<128x32xf32, #tpu.memory_space<vmem>>
      %dma_wait3A_704 = arith.constant 0 : i32
      %dma_wait3A_705 = tpu.memref_slice %arg6[%and3A_358, %dma_wait3A_697, %dma_wait3A_704] : memref<2x8x128xi32, #tpu.memory_space<vmem>> -> memref<1x1x128xi32, #tpu.memory_space<vmem>>
      %dma_wait3A_706 = tpu.memref_squeeze %dma_wait3A_705 : memref<1x1x128xi32, #tpu.memory_space<vmem>> -> memref<128xi32, #tpu.memory_space<vmem>>
      %dma_wait3A_707 = arith.constant 0 : i32
      %dma_wait3A_708 = arith.constant 0 : i32
      %dma_wait3A_709 = tpu.memref_slice %arg4[%dma_wait3A_707, %dma_wait3A_708] : memref<1000000x32xf32, #tpu.memory_space<hbm>> -> memref<1000000x32xf32, #tpu.memory_space<hbm>>
      %dma_wait3A_710 = tpu.memref_slice %arg11[%dma_wait3A_699] : memref<8x!tpu.dma_semaphore, #tpu.memory_space<semaphore_mem>> -> memref<1x!tpu.dma_semaphore, #tpu.memory_space<semaphore_mem>>
      %dma_wait3A_711 = tpu.memref_squeeze %dma_wait3A_710 : memref<1x!tpu.dma_semaphore, #tpu.memory_space<semaphore_mem>> -> memref<!tpu.dma_semaphore, #tpu.memory_space<semaphore_mem>>
      tpu.wait_indirect_dma semaphore(%dma_wait3A_711 : memref<!tpu.dma_semaphore, #tpu.memory_space<semaphore_mem>>) src(%dma_wait3A_709 : memref<1000000x32xf32, #tpu.memory_space<hbm>>) dst(%dma_wait3A_703 : memref<128x32xf32, #tpu.memory_space<vmem>>)
      %gt3A_712 = arith.constant 0 : i32
      %gt3A_713 = arith.cmpi sgt, %scan3A_356, %gt3A_712 : i32
      %or3A_714 = arith.constant true
      %or3A_715 = arith.ori %gt3A_713, %or3A_714 : i1
      %convert_element_type3A_716 = arith.extui %or3A_715 : i1 to i32
      %cond3A_717 = arith.constant 0 : i32
      %cond3A_718 = arith.cmpi ne, %convert_element_type3A_716, %cond3A_717 : i32
      scf.if %cond3A_718 {
        %sub3A = arith.constant 1 : i32
        %sub3A_1011 = arith.subi %scan3A_356, %sub3A : i32
        %jit3A = arith.constant true
        %select_n3A = arith.select %jit3A, %scan3A_356, %sub3A_1011 : i32
        %mul3A_1012 = arith.constant 8 : i32
        %mul3A_1013 = arith.muli %select_n3A, %mul3A_1012 : i32
        %add3A_1014 = arith.constant 2 : i32
        %add3A_1015 = arith.addi %mul3A_1013, %add3A_1014 : i32
        %dma_wait3A_1016 = arith.constant 0 : i32
        %dma_wait3A_1017 = arith.constant 0 : i32
        %dma_wait3A_1018 = arith.constant 0 : i32
        %dma_wait3A_1019 = arith.constant 0 : i32
        %dma_wait3A_1020 = tpu.memref_slice %arg9[%dma_wait3A_1016, %dma_wait3A_1018, %dma_wait3A_1019] : memref<2x32x257xf32, #tpu.memory_space<vmem>> -> memref<1x32x256xf32, #tpu.memory_space<vmem>>
        %dma_wait3A_1021 = tpu.memref_squeeze %dma_wait3A_1020 : memref<1x32x256xf32, #tpu.memory_space<vmem>> -> memref<32x256xf32, #tpu.memory_space<vmem>>
        %dma_wait3A_1022 = arith.constant 0 : i32
        %dma_wait3A_1023 = arith.constant 0 : i32
        %dma_wait3A_1024 = tpu.memref_slice %arg5[%add3A_1015, %dma_wait3A_1022, %add3A, %dma_wait3A_1023] : memref<200x32x32x256xf32, #tpu.memory_space<hbm>> -> memref<1x32x1x256xf32, #tpu.memory_space<hbm>>
        %dma_wait3A_1025 = tpu.memref_squeeze %dma_wait3A_1024 : memref<1x32x1x256xf32, #tpu.memory_space<hbm>> -> memref<32x256xf32, #tpu.memory_space<hbm>>
        %dma_wait3A_1026 = tpu.memref_slice %arg12[%dma_wait3A_1017] : memref<2x!tpu.dma_semaphore, #tpu.memory_space<semaphore_mem>> -> memref<1x!tpu.dma_semaphore, #tpu.memory_space<semaphore_mem>>
        %dma_wait3A_1027 = tpu.memref_squeeze %dma_wait3A_1026 : memref<1x!tpu.dma_semaphore, #tpu.memory_space<semaphore_mem>> -> memref<!tpu.dma_semaphore, #tpu.memory_space<semaphore_mem>>
        %dma_wait3A_1028 = arith.constant 0 : i32
        %dma_wait3A_1029 = arith.constant 0 : i32
        %dma_wait3A_1030 = tpu.memref_slice %arg5[%add3A_1015, %dma_wait3A_1028, %add3A, %dma_wait3A_1029] : memref<200x32x32x256xf32, #tpu.memory_space<hbm>> -> memref<1x32x1x256xf32, #tpu.memory_space<hbm>>
        %dma_wait3A_1031 = tpu.memref_squeeze %dma_wait3A_1030 : memref<1x32x1x256xf32, #tpu.memory_space<hbm>> -> memref<32x256xf32, #tpu.memory_space<hbm>>
        %dma_wait3A_1032 = arith.constant 0 : i32
        %dma_wait3A_1033 = arith.constant 0 : i32
        %dma_wait3A_1034 = tpu.memref_slice %arg9[%dma_wait3A_1016, %dma_wait3A_1032, %dma_wait3A_1033] : memref<2x32x257xf32, #tpu.memory_space<vmem>> -> memref<1x32x256xf32, #tpu.memory_space<vmem>>
        %dma_wait3A_1035 = tpu.memref_squeeze %dma_wait3A_1034 : memref<1x32x256xf32, #tpu.memory_space<vmem>> -> memref<32x256xf32, #tpu.memory_space<vmem>>
        tpu.wait_dma2 semaphore(%dma_wait3A_1027 : memref<!tpu.dma_semaphore, #tpu.memory_space<semaphore_mem>>) src(%dma_wait3A_1035 : memref<32x256xf32, #tpu.memory_space<vmem>>) dst(%dma_wait3A_1031 : memref<32x256xf32, #tpu.memory_space<hbm>>)
      } else {
      }
      %scan3A_719 = arith.constant 0 : i32
      %scan3A_720 = arith.constant 0 : i32
      %scan3A_721 = arith.constant 64 : i32
      %scan3A_722 = arith.addi %scan3A_720, %scan3A_721 : i32
      %scan3A_723 = arith.constant 2 : i32
      %scan3A_724 = scf.for %scan3A_1011 = %scan3A_720 to %scan3A_722 step %scan3A_723 iter_args(%scan3A_1012 = %scan3A_719) -> (i32)  : i32 {
        %mul3A_1013 = arith.constant 2 : i32
        %mul3A_1014 = arith.muli %scan3A_1011, %mul3A_1013 : i32
        %add3A_1015 = arith.constant 0 : i32
        %add3A_1016 = arith.addi %mul3A_1014, %add3A_1015 : i32
        %broadcast_in_dim3A = arith.constant 0 : i32
        %broadcast_in_dim3A_1017 = vector.broadcast %broadcast_in_dim3A : i32 to vector<16xi32>
        %add3A_1018 = vector.broadcast %add3A_1016 : i32 to vector<16xi32>
        %add3A_1019 = arith.addi %broadcast_in_dim3A_1017, %add3A_1018 : vector<16xi32>
        %add3A_1020 = arith.constant 128 : i32
        %add3A_1021 = vector.broadcast %add3A_1020 : i32 to vector<16xi32>
        %add3A_1022 = arith.addi %add3A_1019, %add3A_1021 : vector<16xi32>
        %get3A = arith.constant 4 : i32
        %get3A_1023 = arith.index_cast %get3A : i32 to index
        %get3A_1024 = arith.index_cast %add3A_1016 : i32 to index
        %get3A_1025 = arith.constant 0 : index
        %get3A_1026 = tpu.vector_load %arg7[%get3A_1023, %get3A_1024, %get3A_1025] {strides = array<i32>} : memref<8x128x32xf32, #tpu.memory_space<vmem>>, vector<16xf32>,
        %get3A_1027 = arith.constant 4 : i32
        %get3A_1028 = arith.index_cast %get3A_1027 : i32 to index
        %get3A_1029 = arith.index_cast %add3A_1016 : i32 to index
        %get3A_1030 = arith.constant 0 : index
        %get3A_1031 = tpu.vector_load %arg8[%get3A_1028, %get3A_1029, %get3A_1030] {strides = array<i32>} : memref<8x128x32xf32, #tpu.memory_space<vmem>>, vector<16xf32>,
        %scatter3A = arith.constant 0 : i32
        %scatter3A_1032 = arith.constant 0 : i32
        %scatter3A_1033 = arith.constant 0 : i32
        %scatter3A_1034 = tpu.memref_slice %arg9[%scatter3A, %scatter3A_1032, %scatter3A_1033] : memref<2x32x257xf32, #tpu.memory_space<vmem>> -> memref<1x32x257xf32, #tpu.memory_space<vmem>>
        %scatter3A_1035 = tpu.memref_squeeze %scatter3A_1034 : memref<1x32x257xf32, #tpu.memory_space<vmem>> -> memref<32x257xf32, #tpu.memory_space<vmem>>
        tpu.vector_store_idx %scatter3A_1035[%iota3A, %add3A_1019], %get3A_1026 : memref<32x257xf32, #tpu.memory_space<vmem>>[vector<16xi32>, vector<16xi32>], vector<16xf32>,
        %scatter3A_1036 = arith.constant 0 : i32
        %scatter3A_1037 = arith.constant 0 : i32
        %scatter3A_1038 = arith.constant 0 : i32
        %scatter3A_1039 = tpu.memref_slice %arg9[%scatter3A_1036, %scatter3A_1037, %scatter3A_1038] : memref<2x32x257xf32, #tpu.memory_space<vmem>> -> memref<1x32x257xf32, #tpu.memory_space<vmem>>
        %scatter3A_1040 = tpu.memref_squeeze %scatter3A_1039 : memref<1x32x257xf32, #tpu.memory_space<vmem>> -> memref<32x257xf32, #tpu.memory_space<vmem>>
        tpu.vector_store_idx %scatter3A_1040[%iota3A, %add3A_1022], %get3A_1031 : memref<32x257xf32, #tpu.memory_space<vmem>>[vector<16xi32>, vector<16xi32>], vector<16xf32>,
        %get3A_1041 = arith.constant 4 : i32
        %get3A_1042 = arith.index_cast %get3A_1041 : i32 to index
        %get3A_1043 = arith.index_cast %add3A_1016 : i32 to index
        %get3A_1044 = arith.constant 16 : index
        %get3A_1045 = tpu.vector_load %arg7[%get3A_1042, %get3A_1043, %get3A_1044] {strides = array<i32>} : memref<8x128x32xf32, #tpu.memory_space<vmem>>, vector<16xf32>,
        %get3A_1046 = arith.constant 4 : i32
        %get3A_1047 = arith.index_cast %get3A_1046 : i32 to index
        %get3A_1048 = arith.index_cast %add3A_1016 : i32 to index
        %get3A_1049 = arith.constant 16 : index
        %get3A_1050 = tpu.vector_load %arg8[%get3A_1047, %get3A_1048, %get3A_1049] {strides = array<i32>} : memref<8x128x32xf32, #tpu.memory_space<vmem>>, vector<16xf32>,
        %scatter3A_1051 = arith.constant 0 : i32
        %scatter3A_1052 = arith.constant 0 : i32
        %scatter3A_1053 = arith.constant 0 : i32
        %scatter3A_1054 = tpu.memref_slice %arg9[%scatter3A_1051, %scatter3A_1052, %scatter3A_1053] : memref<2x32x257xf32, #tpu.memory_space<vmem>> -> memref<1x32x257xf32, #tpu.memory_space<vmem>>
        %scatter3A_1055 = tpu.memref_squeeze %scatter3A_1054 : memref<1x32x257xf32, #tpu.memory_space<vmem>> -> memref<32x257xf32, #tpu.memory_space<vmem>>
        tpu.vector_store_idx %scatter3A_1055[%add3A_5, %add3A_1019], %get3A_1045 : memref<32x257xf32, #tpu.memory_space<vmem>>[vector<16xi32>, vector<16xi32>], vector<16xf32>,
        %scatter3A_1056 = arith.constant 0 : i32
        %scatter3A_1057 = arith.constant 0 : i32
        %scatter3A_1058 = arith.constant 0 : i32
        %scatter3A_1059 = tpu.memref_slice %arg9[%scatter3A_1056, %scatter3A_1057, %scatter3A_1058] : memref<2x32x257xf32, #tpu.memory_space<vmem>> -> memref<1x32x257xf32, #tpu.memory_space<vmem>>
        %scatter3A_1060 = tpu.memref_squeeze %scatter3A_1059 : memref<1x32x257xf32, #tpu.memory_space<vmem>> -> memref<32x257xf32, #tpu.memory_space<vmem>>
        tpu.vector_store_idx %scatter3A_1060[%add3A_5, %add3A_1022], %get3A_1050 : memref<32x257xf32, #tpu.memory_space<vmem>>[vector<16xi32>, vector<16xi32>], vector<16xf32>,
        %mul3A_1061 = arith.constant 2 : i32
        %mul3A_1062 = arith.muli %scan3A_1011, %mul3A_1061 : i32
        %add3A_1063 = arith.constant 1 : i32
        %add3A_1064 = arith.addi %mul3A_1062, %add3A_1063 : i32
        %broadcast_in_dim3A_1065 = arith.constant 0 : i32
        %broadcast_in_dim3A_1066 = vector.broadcast %broadcast_in_dim3A_1065 : i32 to vector<16xi32>
        %add3A_1067 = vector.broadcast %add3A_1064 : i32 to vector<16xi32>
        %add3A_1068 = arith.addi %broadcast_in_dim3A_1066, %add3A_1067 : vector<16xi32>
        %add3A_1069 = arith.constant 128 : i32
        %add3A_1070 = vector.broadcast %add3A_1069 : i32 to vector<16xi32>
        %add3A_1071 = arith.addi %add3A_1068, %add3A_1070 : vector<16xi32>
        %get3A_1072 = arith.constant 4 : i32
        %get3A_1073 = arith.index_cast %get3A_1072 : i32 to index
        %get3A_1074 = arith.index_cast %add3A_1064 : i32 to index
        %get3A_1075 = arith.constant 0 : index
        %get3A_1076 = tpu.vector_load %arg7[%get3A_1073, %get3A_1074, %get3A_1075] {strides = array<i32>} : memref<8x128x32xf32, #tpu.memory_space<vmem>>, vector<16xf32>,
        %get3A_1077 = arith.constant 4 : i32
        %get3A_1078 = arith.index_cast %get3A_1077 : i32 to index
        %get3A_1079 = arith.index_cast %add3A_1064 : i32 to index
        %get3A_1080 = arith.constant 0 : index
        %get3A_1081 = tpu.vector_load %arg8[%get3A_1078, %get3A_1079, %get3A_1080] {strides = array<i32>} : memref<8x128x32xf32, #tpu.memory_space<vmem>>, vector<16xf32>,
        %scatter3A_1082 = arith.constant 0 : i32
        %scatter3A_1083 = arith.constant 0 : i32
        %scatter3A_1084 = arith.constant 0 : i32
        %scatter3A_1085 = tpu.memref_slice %arg9[%scatter3A_1082, %scatter3A_1083, %scatter3A_1084] : memref<2x32x257xf32, #tpu.memory_space<vmem>> -> memref<1x32x257xf32, #tpu.memory_space<vmem>>
        %scatter3A_1086 = tpu.memref_squeeze %scatter3A_1085 : memref<1x32x257xf32, #tpu.memory_space<vmem>> -> memref<32x257xf32, #tpu.memory_space<vmem>>
        tpu.vector_store_idx %scatter3A_1086[%iota3A, %add3A_1068], %get3A_1076 : memref<32x257xf32, #tpu.memory_space<vmem>>[vector<16xi32>, vector<16xi32>], vector<16xf32>,
        %scatter3A_1087 = arith.constant 0 : i32
        %scatter3A_1088 = arith.constant 0 : i32
        %scatter3A_1089 = arith.constant 0 : i32
        %scatter3A_1090 = tpu.memref_slice %arg9[%scatter3A_1087, %scatter3A_1088, %scatter3A_1089] : memref<2x32x257xf32, #tpu.memory_space<vmem>> -> memref<1x32x257xf32, #tpu.memory_space<vmem>>
        %scatter3A_1091 = tpu.memref_squeeze %scatter3A_1090 : memref<1x32x257xf32, #tpu.memory_space<vmem>> -> memref<32x257xf32, #tpu.memory_space<vmem>>
        tpu.vector_store_idx %scatter3A_1091[%iota3A, %add3A_1071], %get3A_1081 : memref<32x257xf32, #tpu.memory_space<vmem>>[vector<16xi32>, vector<16xi32>], vector<16xf32>,
        %get3A_1092 = arith.constant 4 : i32
        %get3A_1093 = arith.index_cast %get3A_1092 : i32 to index
        %get3A_1094 = arith.index_cast %add3A_1064 : i32 to index
        %get3A_1095 = arith.constant 16 : index
        %get3A_1096 = tpu.vector_load %arg7[%get3A_1093, %get3A_1094, %get3A_1095] {strides = array<i32>} : memref<8x128x32xf32, #tpu.memory_space<vmem>>, vector<16xf32>,
        %get3A_1097 = arith.constant 4 : i32
        %get3A_1098 = arith.index_cast %get3A_1097 : i32 to index
        %get3A_1099 = arith.index_cast %add3A_1064 : i32 to index
        %get3A_1100 = arith.constant 16 : index
        %get3A_1101 = tpu.vector_load %arg8[%get3A_1098, %get3A_1099, %get3A_1100] {strides = array<i32>} : memref<8x128x32xf32, #tpu.memory_space<vmem>>, vector<16xf32>,
        %scatter3A_1102 = arith.constant 0 : i32
        %scatter3A_1103 = arith.constant 0 : i32
        %scatter3A_1104 = arith.constant 0 : i32
        %scatter3A_1105 = tpu.memref_slice %arg9[%scatter3A_1102, %scatter3A_1103, %scatter3A_1104] : memref<2x32x257xf32, #tpu.memory_space<vmem>> -> memref<1x32x257xf32, #tpu.memory_space<vmem>>
        %scatter3A_1106 = tpu.memref_squeeze %scatter3A_1105 : memref<1x32x257xf32, #tpu.memory_space<vmem>> -> memref<32x257xf32, #tpu.memory_space<vmem>>
        tpu.vector_store_idx %scatter3A_1106[%add3A_5, %add3A_1068], %get3A_1096 : memref<32x257xf32, #tpu.memory_space<vmem>>[vector<16xi32>, vector<16xi32>], vector<16xf32>,
        %scatter3A_1107 = arith.constant 0 : i32
        %scatter3A_1108 = arith.constant 0 : i32
        %scatter3A_1109 = arith.constant 0 : i32
        %scatter3A_1110 = tpu.memref_slice %arg9[%scatter3A_1107, %scatter3A_1108, %scatter3A_1109] : memref<2x32x257xf32, #tpu.memory_space<vmem>> -> memref<1x32x257xf32, #tpu.memory_space<vmem>>
        %scatter3A_1111 = tpu.memref_squeeze %scatter3A_1110 : memref<1x32x257xf32, #tpu.memory_space<vmem>> -> memref<32x257xf32, #tpu.memory_space<vmem>>
        tpu.vector_store_idx %scatter3A_1111[%add3A_5, %add3A_1071], %get3A_1101 : memref<32x257xf32, #tpu.memory_space<vmem>>[vector<16xi32>, vector<16xi32>], vector<16xf32>,
        %scan3A_1112 = arith.constant 0 : i32
        %scan3A_1113 = arith.constant 1 : i32
        %scan3A_1114 = arith.addi %scan3A_1011, %scan3A_1113 : i32
        %mul3A_1115 = arith.constant 2 : i32
        %mul3A_1116 = arith.muli %scan3A_1114, %mul3A_1115 : i32
        %add3A_1117 = arith.constant 0 : i32
        %add3A_1118 = arith.addi %mul3A_1116, %add3A_1117 : i32
        %broadcast_in_dim3A_1119 = arith.constant 0 : i32
        %broadcast_in_dim3A_1120 = vector.broadcast %broadcast_in_dim3A_1119 : i32 to vector<16xi32>
        %add3A_1121 = vector.broadcast %add3A_1118 : i32 to vector<16xi32>
        %add3A_1122 = arith.addi %broadcast_in_dim3A_1120, %add3A_1121 : vector<16xi32>
        %add3A_1123 = arith.constant 128 : i32
        %add3A_1124 = vector.broadcast %add3A_1123 : i32 to vector<16xi32>
        %add3A_1125 = arith.addi %add3A_1122, %add3A_1124 : vector<16xi32>
        %get3A_1126 = arith.constant 4 : i32
        %get3A_1127 = arith.index_cast %get3A_1126 : i32 to index
        %get3A_1128 = arith.index_cast %add3A_1118 : i32 to index
        %get3A_1129 = arith.constant 0 : index
        %get3A_1130 = tpu.vector_load %arg7[%get3A_1127, %get3A_1128, %get3A_1129] {strides = array<i32>} : memref<8x128x32xf32, #tpu.memory_space<vmem>>, vector<16xf32>,
        %get3A_1131 = arith.constant 4 : i32
        %get3A_1132 = arith.index_cast %get3A_1131 : i32 to index
        %get3A_1133 = arith.index_cast %add3A_1118 : i32 to index
        %get3A_1134 = arith.constant 0 : index
        %get3A_1135 = tpu.vector_load %arg8[%get3A_1132, %get3A_1133, %get3A_1134] {strides = array<i32>} : memref<8x128x32xf32, #tpu.memory_space<vmem>>, vector<16xf32>,
        %scatter3A_1136 = arith.constant 0 : i32
        %scatter3A_1137 = arith.constant 0 : i32
        %scatter3A_1138 = arith.constant 0 : i32
        %scatter3A_1139 = tpu.memref_slice %arg9[%scatter3A_1136, %scatter3A_1137, %scatter3A_1138] : memref<2x32x257xf32, #tpu.memory_space<vmem>> -> memref<1x32x257xf32, #tpu.memory_space<vmem>>
        %scatter3A_1140 = tpu.memref_squeeze %scatter3A_1139 : memref<1x32x257xf32, #tpu.memory_space<vmem>> -> memref<32x257xf32, #tpu.memory_space<vmem>>
        tpu.vector_store_idx %scatter3A_1140[%iota3A, %add3A_1122], %get3A_1130 : memref<32x257xf32, #tpu.memory_space<vmem>>[vector<16xi32>, vector<16xi32>], vector<16xf32>,
        %scatter3A_1141 = arith.constant 0 : i32
        %scatter3A_1142 = arith.constant 0 : i32
        %scatter3A_1143 = arith.constant 0 : i32
        %scatter3A_1144 = tpu.memref_slice %arg9[%scatter3A_1141, %scatter3A_1142, %scatter3A_1143] : memref<2x32x257xf32, #tpu.memory_space<vmem>> -> memref<1x32x257xf32, #tpu.memory_space<vmem>>
        %scatter3A_1145 = tpu.memref_squeeze %scatter3A_1144 : memref<1x32x257xf32, #tpu.memory_space<vmem>> -> memref<32x257xf32, #tpu.memory_space<vmem>>
        tpu.vector_store_idx %scatter3A_1145[%iota3A, %add3A_1125], %get3A_1135 : memref<32x257xf32, #tpu.memory_space<vmem>>[vector<16xi32>, vector<16xi32>], vector<16xf32>,
        %get3A_1146 = arith.constant 4 : i32
        %get3A_1147 = arith.index_cast %get3A_1146 : i32 to index
        %get3A_1148 = arith.index_cast %add3A_1118 : i32 to index
        %get3A_1149 = arith.constant 16 : index
        %get3A_1150 = tpu.vector_load %arg7[%get3A_1147, %get3A_1148, %get3A_1149] {strides = array<i32>} : memref<8x128x32xf32, #tpu.memory_space<vmem>>, vector<16xf32>,
        %get3A_1151 = arith.constant 4 : i32
        %get3A_1152 = arith.index_cast %get3A_1151 : i32 to index
        %get3A_1153 = arith.index_cast %add3A_1118 : i32 to index
        %get3A_1154 = arith.constant 16 : index
        %get3A_1155 = tpu.vector_load %arg8[%get3A_1152, %get3A_1153, %get3A_1154] {strides = array<i32>} : memref<8x128x32xf32, #tpu.memory_space<vmem>>, vector<16xf32>,
        %scatter3A_1156 = arith.constant 0 : i32
        %scatter3A_1157 = arith.constant 0 : i32
        %scatter3A_1158 = arith.constant 0 : i32
        %scatter3A_1159 = tpu.memref_slice %arg9[%scatter3A_1156, %scatter3A_1157, %scatter3A_1158] : memref<2x32x257xf32, #tpu.memory_space<vmem>> -> memref<1x32x257xf32, #tpu.memory_space<vmem>>
        %scatter3A_1160 = tpu.memref_squeeze %scatter3A_1159 : memref<1x32x257xf32, #tpu.memory_space<vmem>> -> memref<32x257xf32, #tpu.memory_space<vmem>>
        tpu.vector_store_idx %scatter3A_1160[%add3A_5, %add3A_1122], %get3A_1150 : memref<32x257xf32, #tpu.memory_space<vmem>>[vector<16xi32>, vector<16xi32>], vector<16xf32>,
        %scatter3A_1161 = arith.constant 0 : i32
        %scatter3A_1162 = arith.constant 0 : i32
        %scatter3A_1163 = arith.constant 0 : i32
        %scatter3A_1164 = tpu.memref_slice %arg9[%scatter3A_1161, %scatter3A_1162, %scatter3A_1163] : memref<2x32x257xf32, #tpu.memory_space<vmem>> -> memref<1x32x257xf32, #tpu.memory_space<vmem>>
        %scatter3A_1165 = tpu.memref_squeeze %scatter3A_1164 : memref<1x32x257xf32, #tpu.memory_space<vmem>> -> memref<32x257xf32, #tpu.memory_space<vmem>>
        tpu.vector_store_idx %scatter3A_1165[%add3A_5, %add3A_1125], %get3A_1155 : memref<32x257xf32, #tpu.memory_space<vmem>>[vector<16xi32>, vector<16xi32>], vector<16xf32>,
        %mul3A_1166 = arith.constant 2 : i32
        %mul3A_1167 = arith.muli %scan3A_1114, %mul3A_1166 : i32
        %add3A_1168 = arith.constant 1 : i32
        %add3A_1169 = arith.addi %mul3A_1167, %add3A_1168 : i32
        %broadcast_in_dim3A_1170 = arith.constant 0 : i32
        %broadcast_in_dim3A_1171 = vector.broadcast %broadcast_in_dim3A_1170 : i32 to vector<16xi32>
        %add3A_1172 = vector.broadcast %add3A_1169 : i32 to vector<16xi32>
        %add3A_1173 = arith.addi %broadcast_in_dim3A_1171, %add3A_1172 : vector<16xi32>
        %add3A_1174 = arith.constant 128 : i32
        %add3A_1175 = vector.broadcast %add3A_1174 : i32 to vector<16xi32>
        %add3A_1176 = arith.addi %add3A_1173, %add3A_1175 : vector<16xi32>
        %get3A_1177 = arith.constant 4 : i32
        %get3A_1178 = arith.index_cast %get3A_1177 : i32 to index
        %get3A_1179 = arith.index_cast %add3A_1169 : i32 to index
        %get3A_1180 = arith.constant 0 : index
        %get3A_1181 = tpu.vector_load %arg7[%get3A_1178, %get3A_1179, %get3A_1180] {strides = array<i32>} : memref<8x128x32xf32, #tpu.memory_space<vmem>>, vector<16xf32>,
        %get3A_1182 = arith.constant 4 : i32
        %get3A_1183 = arith.index_cast %get3A_1182 : i32 to index
        %get3A_1184 = arith.index_cast %add3A_1169 : i32 to index
        %get3A_1185 = arith.constant 0 : index
        %get3A_1186 = tpu.vector_load %arg8[%get3A_1183, %get3A_1184, %get3A_1185] {strides = array<i32>} : memref<8x128x32xf32, #tpu.memory_space<vmem>>, vector<16xf32>,
        %scatter3A_1187 = arith.constant 0 : i32
        %scatter3A_1188 = arith.constant 0 : i32
        %scatter3A_1189 = arith.constant 0 : i32
        %scatter3A_1190 = tpu.memref_slice %arg9[%scatter3A_1187, %scatter3A_1188, %scatter3A_1189] : memref<2x32x257xf32, #tpu.memory_space<vmem>> -> memref<1x32x257xf32, #tpu.memory_space<vmem>>
        %scatter3A_1191 = tpu.memref_squeeze %scatter3A_1190 : memref<1x32x257xf32, #tpu.memory_space<vmem>> -> memref<32x257xf32, #tpu.memory_space<vmem>>
        tpu.vector_store_idx %scatter3A_1191[%iota3A, %add3A_1173], %get3A_1181 : memref<32x257xf32, #tpu.memory_space<vmem>>[vector<16xi32>, vector<16xi32>], vector<16xf32>,
        %scatter3A_1192 = arith.constant 0 : i32
        %scatter3A_1193 = arith.constant 0 : i32
        %scatter3A_1194 = arith.constant 0 : i32
        %scatter3A_1195 = tpu.memref_slice %arg9[%scatter3A_1192, %scatter3A_1193, %scatter3A_1194] : memref<2x32x257xf32, #tpu.memory_space<vmem>> -> memref<1x32x257xf32, #tpu.memory_space<vmem>>
        %scatter3A_1196 = tpu.memref_squeeze %scatter3A_1195 : memref<1x32x257xf32, #tpu.memory_space<vmem>> -> memref<32x257xf32, #tpu.memory_space<vmem>>
        tpu.vector_store_idx %scatter3A_1196[%iota3A, %add3A_1176], %get3A_1186 : memref<32x257xf32, #tpu.memory_space<vmem>>[vector<16xi32>, vector<16xi32>], vector<16xf32>,
        %get3A_1197 = arith.constant 4 : i32
        %get3A_1198 = arith.index_cast %get3A_1197 : i32 to index
        %get3A_1199 = arith.index_cast %add3A_1169 : i32 to index
        %get3A_1200 = arith.constant 16 : index
        %get3A_1201 = tpu.vector_load %arg7[%get3A_1198, %get3A_1199, %get3A_1200] {strides = array<i32>} : memref<8x128x32xf32, #tpu.memory_space<vmem>>, vector<16xf32>,
        %get3A_1202 = arith.constant 4 : i32
        %get3A_1203 = arith.index_cast %get3A_1202 : i32 to index
        %get3A_1204 = arith.index_cast %add3A_1169 : i32 to index
        %get3A_1205 = arith.constant 16 : index
        %get3A_1206 = tpu.vector_load %arg8[%get3A_1203, %get3A_1204, %get3A_1205] {strides = array<i32>} : memref<8x128x32xf32, #tpu.memory_space<vmem>>, vector<16xf32>,
        %scatter3A_1207 = arith.constant 0 : i32
        %scatter3A_1208 = arith.constant 0 : i32
        %scatter3A_1209 = arith.constant 0 : i32
        %scatter3A_1210 = tpu.memref_slice %arg9[%scatter3A_1207, %scatter3A_1208, %scatter3A_1209] : memref<2x32x257xf32, #tpu.memory_space<vmem>> -> memref<1x32x257xf32, #tpu.memory_space<vmem>>
        %scatter3A_1211 = tpu.memref_squeeze %scatter3A_1210 : memref<1x32x257xf32, #tpu.memory_space<vmem>> -> memref<32x257xf32, #tpu.memory_space<vmem>>
        tpu.vector_store_idx %scatter3A_1211[%add3A_5, %add3A_1173], %get3A_1201 : memref<32x257xf32, #tpu.memory_space<vmem>>[vector<16xi32>, vector<16xi32>], vector<16xf32>,
        %scatter3A_1212 = arith.constant 0 : i32
        %scatter3A_1213 = arith.constant 0 : i32
        %scatter3A_1214 = arith.constant 0 : i32
        %scatter3A_1215 = tpu.memref_slice %arg9[%scatter3A_1212, %scatter3A_1213, %scatter3A_1214] : memref<2x32x257xf32, #tpu.memory_space<vmem>> -> memref<1x32x257xf32, #tpu.memory_space<vmem>>
        %scatter3A_1216 = tpu.memref_squeeze %scatter3A_1215 : memref<1x32x257xf32, #tpu.memory_space<vmem>> -> memref<32x257xf32, #tpu.memory_space<vmem>>
        tpu.vector_store_idx %scatter3A_1216[%add3A_5, %add3A_1176], %get3A_1206 : memref<32x257xf32, #tpu.memory_space<vmem>>[vector<16xi32>, vector<16xi32>], vector<16xf32>,
        %scan3A_1217 = arith.constant 0 : i32
        scf.yield %scan3A_1217 : i32
      }
      %scan3A_725 = arith.constant 64 : i32
      %add3A_726 = arith.constant 1 : i32
      %add3A_727 = arith.addi %scan3A_356, %add3A_726 : i32
      %lt3A_728 = arith.constant 25 : i32
      %lt3A_729 = arith.cmpi slt, %add3A_727, %lt3A_728 : i32
      %convert_element_type3A_730 = arith.extui %lt3A_729 : i1 to i32
      %cond3A_731 = arith.constant 0 : i32
      %cond3A_732 = arith.cmpi ne, %convert_element_type3A_730, %cond3A_731 : i32
      scf.if %cond3A_732 {
        %sub3A = arith.constant 1 : i32
        %sub3A_1011 = arith.subi %sub3A, %and3A_358 : i32
        %dma_start3A_1012 = arith.constant 4 : i32
        %dma_start3A_1013 = arith.constant 4 : i32
        %dma_start3A_1014 = arith.constant 4 : i32
        %dma_start3A_1015 = arith.constant 0 : i32
        %dma_start3A_1016 = arith.constant 0 : i32
        %dma_start3A_1017 = tpu.memref_slice %arg7[%dma_start3A_1013, %dma_start3A_1015, %dma_start3A_1016] : memref<8x128x32xf32, #tpu.memory_space<vmem>> -> memref<1x128x32xf32, #tpu.memory_space<vmem>>
        %dma_start3A_1018 = tpu.memref_squeeze %dma_start3A_1017 : memref<1x128x32xf32, #tpu.memory_space<vmem>> -> memref<128x32xf32, #tpu.memory_space<vmem>>
        %dma_start3A_1019 = arith.constant 0 : i32
        %dma_start3A_1020 = tpu.memref_slice %arg6[%sub3A_1011, %dma_start3A_1012, %dma_start3A_1019] : memref<2x8x128xi32, #tpu.memory_space<vmem>> -> memref<1x1x128xi32, #tpu.memory_space<vmem>>
        %dma_start3A_1021 = tpu.memref_squeeze %dma_start3A_1020 : memref<1x1x128xi32, #tpu.memory_space<vmem>> -> memref<128xi32, #tpu.memory_space<vmem>>
        %dma_start3A_1022 = arith.constant 0 : i32
        %dma_start3A_1023 = arith.constant 0 : i32
        %dma_start3A_1024 = tpu.memref_slice %arg3[%dma_start3A_1022, %dma_start3A_1023] : memref<1000000x32xf32, #tpu.memory_space<hbm>> -> memref<1000000x32xf32, #tpu.memory_space<hbm>>
        %dma_start3A_1025 = tpu.memref_slice %arg11[%dma_start3A_1014] : memref<8x!tpu.dma_semaphore, #tpu.memory_space<semaphore_mem>> -> memref<1x!tpu.dma_semaphore, #tpu.memory_space<semaphore_mem>>
        %dma_start3A_1026 = tpu.memref_squeeze %dma_start3A_1025 : memref<1x!tpu.dma_semaphore, #tpu.memory_space<semaphore_mem>> -> memref<!tpu.dma_semaphore, #tpu.memory_space<semaphore_mem>>
        tpu.enqueue_indirect_dma source(%dma_start3A_1024 : memref<1000000x32xf32, #tpu.memory_space<hbm>>) target(%dma_start3A_1018 : memref<128x32xf32, #tpu.memory_space<vmem>>) offsets(%dma_start3A_1021 : memref<128xi32, #tpu.memory_space<vmem>>) semaphore(%dma_start3A_1026 : memref<!tpu.dma_semaphore, #tpu.memory_space<semaphore_mem>>)
        %dma_start3A_1027 = arith.constant 4 : i32
        %dma_start3A_1028 = arith.constant 4 : i32
        %dma_start3A_1029 = arith.constant 4 : i32
        %dma_start3A_1030 = arith.constant 0 : i32
        %dma_start3A_1031 = arith.constant 0 : i32
        %dma_start3A_1032 = tpu.memref_slice %arg8[%dma_start3A_1028, %dma_start3A_1030, %dma_start3A_1031] : memref<8x128x32xf32, #tpu.memory_space<vmem>> -> memref<1x128x32xf32, #tpu.memory_space<vmem>>
        %dma_start3A_1033 = tpu.memref_squeeze %dma_start3A_1032 : memref<1x128x32xf32, #tpu.memory_space<vmem>> -> memref<128x32xf32, #tpu.memory_space<vmem>>
        %dma_start3A_1034 = arith.constant 0 : i32
        %dma_start3A_1035 = tpu.memref_slice %arg6[%sub3A_1011, %dma_start3A_1027, %dma_start3A_1034] : memref<2x8x128xi32, #tpu.memory_space<vmem>> -> memref<1x1x128xi32, #tpu.memory_space<vmem>>
        %dma_start3A_1036 = tpu.memref_squeeze %dma_start3A_1035 : memref<1x1x128xi32, #tpu.memory_space<vmem>> -> memref<128xi32, #tpu.memory_space<vmem>>
        %dma_start3A_1037 = arith.constant 0 : i32
        %dma_start3A_1038 = arith.constant 0 : i32
        %dma_start3A_1039 = tpu.memref_slice %arg4[%dma_start3A_1037, %dma_start3A_1038] : memref<1000000x32xf32, #tpu.memory_space<hbm>> -> memref<1000000x32xf32, #tpu.memory_space<hbm>>
        %dma_start3A_1040 = tpu.memref_slice %arg11[%dma_start3A_1029] : memref<8x!tpu.dma_semaphore, #tpu.memory_space<semaphore_mem>> -> memref<1x!tpu.dma_semaphore, #tpu.memory_space<semaphore_mem>>
        %dma_start3A_1041 = tpu.memref_squeeze %dma_start3A_1040 : memref<1x!tpu.dma_semaphore, #tpu.memory_space<semaphore_mem>> -> memref<!tpu.dma_semaphore, #tpu.memory_space<semaphore_mem>>
        tpu.enqueue_indirect_dma source(%dma_start3A_1039 : memref<1000000x32xf32, #tpu.memory_space<hbm>>) target(%dma_start3A_1033 : memref<128x32xf32, #tpu.memory_space<vmem>>) offsets(%dma_start3A_1036 : memref<128xi32, #tpu.memory_space<vmem>>) semaphore(%dma_start3A_1041 : memref<!tpu.dma_semaphore, #tpu.memory_space<semaphore_mem>>)
      } else {
      }
      %add3A_733 = arith.constant 2 : i32
      %add3A_734 = arith.addi %scan3A_356, %add3A_733 : i32
      %lt3A_735 = arith.constant 25 : i32
      %lt3A_736 = arith.cmpi slt, %add3A_734, %lt3A_735 : i32
      %convert_element_type3A_737 = arith.extui %lt3A_736 : i1 to i32
      %cond3A_738 = arith.constant 0 : i32
      %cond3A_739 = arith.cmpi ne, %convert_element_type3A_737, %cond3A_738 : i32
      scf.if %cond3A_739 {
      } else {
      }
      %mul3A_740 = arith.constant 8 : i32
      %mul3A_741 = arith.muli %scan3A_356, %mul3A_740 : i32
      %add3A_742 = arith.constant 4 : i32
      %add3A_743 = arith.addi %mul3A_741, %add3A_742 : i32
      %dma_start3A_744 = arith.constant 0 : i32
      %dma_start3A_745 = arith.constant 0 : i32
      %dma_start3A_746 = arith.constant 0 : i32
      %dma_start3A_747 = arith.constant 0 : i32
      %dma_start3A_748 = tpu.memref_slice %arg9[%dma_start3A_744, %dma_start3A_746, %dma_start3A_747] : memref<2x32x257xf32, #tpu.memory_space<vmem>> -> memref<1x32x256xf32, #tpu.memory_space<vmem>>
      %dma_start3A_749 = tpu.memref_squeeze %dma_start3A_748 : memref<1x32x256xf32, #tpu.memory_space<vmem>> -> memref<32x256xf32, #tpu.memory_space<vmem>>
      %dma_start3A_750 = arith.constant 0 : i32
      %dma_start3A_751 = arith.constant 0 : i32
      %dma_start3A_752 = tpu.memref_slice %arg5[%add3A_743, %dma_start3A_750, %add3A, %dma_start3A_751] : memref<200x32x32x256xf32, #tpu.memory_space<hbm>> -> memref<1x32x1x256xf32, #tpu.memory_space<hbm>>
      %dma_start3A_753 = tpu.memref_squeeze %dma_start3A_752 : memref<1x32x1x256xf32, #tpu.memory_space<hbm>> -> memref<32x256xf32, #tpu.memory_space<hbm>>
      %dma_start3A_754 = tpu.memref_slice %arg12[%dma_start3A_745] : memref<2x!tpu.dma_semaphore, #tpu.memory_space<semaphore_mem>> -> memref<1x!tpu.dma_semaphore, #tpu.memory_space<semaphore_mem>>
      %dma_start3A_755 = tpu.memref_squeeze %dma_start3A_754 : memref<1x!tpu.dma_semaphore, #tpu.memory_space<semaphore_mem>> -> memref<!tpu.dma_semaphore, #tpu.memory_space<semaphore_mem>>
      %dma_start3A_756 = arith.constant 0 : i32
      %dma_start3A_757 = arith.constant 0 : i32
      %dma_start3A_758 = tpu.memref_slice %arg5[%add3A_743, %dma_start3A_756, %add3A, %dma_start3A_757] : memref<200x32x32x256xf32, #tpu.memory_space<hbm>> -> memref<1x32x1x256xf32, #tpu.memory_space<hbm>>
      %dma_start3A_759 = tpu.memref_squeeze %dma_start3A_758 : memref<1x32x1x256xf32, #tpu.memory_space<hbm>> -> memref<32x256xf32, #tpu.memory_space<hbm>>
      %dma_start3A_760 = arith.constant 0 : i32
      %dma_start3A_761 = arith.constant 0 : i32
      %dma_start3A_762 = tpu.memref_slice %arg9[%dma_start3A_744, %dma_start3A_760, %dma_start3A_761] : memref<2x32x257xf32, #tpu.memory_space<vmem>> -> memref<1x32x256xf32, #tpu.memory_space<vmem>>
      %dma_start3A_763 = tpu.memref_squeeze %dma_start3A_762 : memref<1x32x256xf32, #tpu.memory_space<vmem>> -> memref<32x256xf32, #tpu.memory_space<vmem>>
      tpu.enqueue_dma source(%dma_start3A_763 : memref<32x256xf32, #tpu.memory_space<vmem>>) target(%dma_start3A_759 : memref<32x256xf32, #tpu.memory_space<hbm>>) target_semaphore(%dma_start3A_755 : memref<!tpu.dma_semaphore, #tpu.memory_space<semaphore_mem>>)
      %dma_wait3A_764 = arith.constant 5 : i32
      %dma_wait3A_765 = arith.constant 5 : i32
      %dma_wait3A_766 = arith.constant 5 : i32
      %dma_wait3A_767 = arith.constant 0 : i32
      %dma_wait3A_768 = arith.constant 0 : i32
      %dma_wait3A_769 = tpu.memref_slice %arg7[%dma_wait3A_765, %dma_wait3A_767, %dma_wait3A_768] : memref<8x128x32xf32, #tpu.memory_space<vmem>> -> memref<1x128x32xf32, #tpu.memory_space<vmem>>
      %dma_wait3A_770 = tpu.memref_squeeze %dma_wait3A_769 : memref<1x128x32xf32, #tpu.memory_space<vmem>> -> memref<128x32xf32, #tpu.memory_space<vmem>>
      %dma_wait3A_771 = arith.constant 0 : i32
      %dma_wait3A_772 = tpu.memref_slice %arg6[%and3A_358, %dma_wait3A_764, %dma_wait3A_771] : memref<2x8x128xi32, #tpu.memory_space<vmem>> -> memref<1x1x128xi32, #tpu.memory_space<vmem>>
      %dma_wait3A_773 = tpu.memref_squeeze %dma_wait3A_772 : memref<1x1x128xi32, #tpu.memory_space<vmem>> -> memref<128xi32, #tpu.memory_space<vmem>>
      %dma_wait3A_774 = arith.constant 0 : i32
      %dma_wait3A_775 = arith.constant 0 : i32
      %dma_wait3A_776 = tpu.memref_slice %arg3[%dma_wait3A_774, %dma_wait3A_775] : memref<1000000x32xf32, #tpu.memory_space<hbm>> -> memref<1000000x32xf32, #tpu.memory_space<hbm>>
      %dma_wait3A_777 = tpu.memref_slice %arg11[%dma_wait3A_766] : memref<8x!tpu.dma_semaphore, #tpu.memory_space<semaphore_mem>> -> memref<1x!tpu.dma_semaphore, #tpu.memory_space<semaphore_mem>>
      %dma_wait3A_778 = tpu.memref_squeeze %dma_wait3A_777 : memref<1x!tpu.dma_semaphore, #tpu.memory_space<semaphore_mem>> -> memref<!tpu.dma_semaphore, #tpu.memory_space<semaphore_mem>>
      tpu.wait_indirect_dma semaphore(%dma_wait3A_778 : memref<!tpu.dma_semaphore, #tpu.memory_space<semaphore_mem>>) src(%dma_wait3A_776 : memref<1000000x32xf32, #tpu.memory_space<hbm>>) dst(%dma_wait3A_770 : memref<128x32xf32, #tpu.memory_space<vmem>>)
      %dma_wait3A_779 = arith.constant 5 : i32
      %dma_wait3A_780 = arith.constant 5 : i32
      %dma_wait3A_781 = arith.constant 5 : i32
      %dma_wait3A_782 = arith.constant 0 : i32
      %dma_wait3A_783 = arith.constant 0 : i32
      %dma_wait3A_784 = tpu.memref_slice %arg8[%dma_wait3A_780, %dma_wait3A_782, %dma_wait3A_783] : memref<8x128x32xf32, #tpu.memory_space<vmem>> -> memref<1x128x32xf32, #tpu.memory_space<vmem>>
      %dma_wait3A_785 = tpu.memref_squeeze %dma_wait3A_784 : memref<1x128x32xf32, #tpu.memory_space<vmem>> -> memref<128x32xf32, #tpu.memory_space<vmem>>
      %dma_wait3A_786 = arith.constant 0 : i32
      %dma_wait3A_787 = tpu.memref_slice %arg6[%and3A_358, %dma_wait3A_779, %dma_wait3A_786] : memref<2x8x128xi32, #tpu.memory_space<vmem>> -> memref<1x1x128xi32, #tpu.memory_space<vmem>>
      %dma_wait3A_788 = tpu.memref_squeeze %dma_wait3A_787 : memref<1x1x128xi32, #tpu.memory_space<vmem>> -> memref<128xi32, #tpu.memory_space<vmem>>
      %dma_wait3A_789 = arith.constant 0 : i32
      %dma_wait3A_790 = arith.constant 0 : i32
      %dma_wait3A_791 = tpu.memref_slice %arg4[%dma_wait3A_789, %dma_wait3A_790] : memref<1000000x32xf32, #tpu.memory_space<hbm>> -> memref<1000000x32xf32, #tpu.memory_space<hbm>>
      %dma_wait3A_792 = tpu.memref_slice %arg11[%dma_wait3A_781] : memref<8x!tpu.dma_semaphore, #tpu.memory_space<semaphore_mem>> -> memref<1x!tpu.dma_semaphore, #tpu.memory_space<semaphore_mem>>
      %dma_wait3A_793 = tpu.memref_squeeze %dma_wait3A_792 : memref<1x!tpu.dma_semaphore, #tpu.memory_space<semaphore_mem>> -> memref<!tpu.dma_semaphore, #tpu.memory_space<semaphore_mem>>
      tpu.wait_indirect_dma semaphore(%dma_wait3A_793 : memref<!tpu.dma_semaphore, #tpu.memory_space<semaphore_mem>>) src(%dma_wait3A_791 : memref<1000000x32xf32, #tpu.memory_space<hbm>>) dst(%dma_wait3A_785 : memref<128x32xf32, #tpu.memory_space<vmem>>)
      %gt3A_794 = arith.constant 0 : i32
      %gt3A_795 = arith.cmpi sgt, %scan3A_356, %gt3A_794 : i32
      %or3A_796 = arith.constant true
      %or3A_797 = arith.ori %gt3A_795, %or3A_796 : i1
      %convert_element_type3A_798 = arith.extui %or3A_797 : i1 to i32
      %cond3A_799 = arith.constant 0 : i32
      %cond3A_800 = arith.cmpi ne, %convert_element_type3A_798, %cond3A_799 : i32
      scf.if %cond3A_800 {
        %sub3A = arith.constant 1 : i32
        %sub3A_1011 = arith.subi %scan3A_356, %sub3A : i32
        %jit3A = arith.constant true
        %select_n3A = arith.select %jit3A, %scan3A_356, %sub3A_1011 : i32
        %mul3A_1012 = arith.constant 8 : i32
        %mul3A_1013 = arith.muli %select_n3A, %mul3A_1012 : i32
        %add3A_1014 = arith.constant 3 : i32
        %add3A_1015 = arith.addi %mul3A_1013, %add3A_1014 : i32
        %dma_wait3A_1016 = arith.constant 1 : i32
        %dma_wait3A_1017 = arith.constant 1 : i32
        %dma_wait3A_1018 = arith.constant 0 : i32
        %dma_wait3A_1019 = arith.constant 0 : i32
        %dma_wait3A_1020 = tpu.memref_slice %arg9[%dma_wait3A_1016, %dma_wait3A_1018, %dma_wait3A_1019] : memref<2x32x257xf32, #tpu.memory_space<vmem>> -> memref<1x32x256xf32, #tpu.memory_space<vmem>>
        %dma_wait3A_1021 = tpu.memref_squeeze %dma_wait3A_1020 : memref<1x32x256xf32, #tpu.memory_space<vmem>> -> memref<32x256xf32, #tpu.memory_space<vmem>>
        %dma_wait3A_1022 = arith.constant 0 : i32
        %dma_wait3A_1023 = arith.constant 0 : i32
        %dma_wait3A_1024 = tpu.memref_slice %arg5[%add3A_1015, %dma_wait3A_1022, %add3A, %dma_wait3A_1023] : memref<200x32x32x256xf32, #tpu.memory_space<hbm>> -> memref<1x32x1x256xf32, #tpu.memory_space<hbm>>
        %dma_wait3A_1025 = tpu.memref_squeeze %dma_wait3A_1024 : memref<1x32x1x256xf32, #tpu.memory_space<hbm>> -> memref<32x256xf32, #tpu.memory_space<hbm>>
        %dma_wait3A_1026 = tpu.memref_slice %arg12[%dma_wait3A_1017] : memref<2x!tpu.dma_semaphore, #tpu.memory_space<semaphore_mem>> -> memref<1x!tpu.dma_semaphore, #tpu.memory_space<semaphore_mem>>
        %dma_wait3A_1027 = tpu.memref_squeeze %dma_wait3A_1026 : memref<1x!tpu.dma_semaphore, #tpu.memory_space<semaphore_mem>> -> memref<!tpu.dma_semaphore, #tpu.memory_space<semaphore_mem>>
        %dma_wait3A_1028 = arith.constant 0 : i32
        %dma_wait3A_1029 = arith.constant 0 : i32
        %dma_wait3A_1030 = tpu.memref_slice %arg5[%add3A_1015, %dma_wait3A_1028, %add3A, %dma_wait3A_1029] : memref<200x32x32x256xf32, #tpu.memory_space<hbm>> -> memref<1x32x1x256xf32, #tpu.memory_space<hbm>>
        %dma_wait3A_1031 = tpu.memref_squeeze %dma_wait3A_1030 : memref<1x32x1x256xf32, #tpu.memory_space<hbm>> -> memref<32x256xf32, #tpu.memory_space<hbm>>
        %dma_wait3A_1032 = arith.constant 0 : i32
        %dma_wait3A_1033 = arith.constant 0 : i32
        %dma_wait3A_1034 = tpu.memref_slice %arg9[%dma_wait3A_1016, %dma_wait3A_1032, %dma_wait3A_1033] : memref<2x32x257xf32, #tpu.memory_space<vmem>> -> memref<1x32x256xf32, #tpu.memory_space<vmem>>
        %dma_wait3A_1035 = tpu.memref_squeeze %dma_wait3A_1034 : memref<1x32x256xf32, #tpu.memory_space<vmem>> -> memref<32x256xf32, #tpu.memory_space<vmem>>
        tpu.wait_dma2 semaphore(%dma_wait3A_1027 : memref<!tpu.dma_semaphore, #tpu.memory_space<semaphore_mem>>) src(%dma_wait3A_1035 : memref<32x256xf32, #tpu.memory_space<vmem>>) dst(%dma_wait3A_1031 : memref<32x256xf32, #tpu.memory_space<hbm>>)
      } else {
      }
      %scan3A_801 = arith.constant 0 : i32
      %scan3A_802 = arith.constant 0 : i32
      %scan3A_803 = arith.constant 64 : i32
      %scan3A_804 = arith.addi %scan3A_802, %scan3A_803 : i32
      %scan3A_805 = arith.constant 2 : i32
      %scan3A_806 = scf.for %scan3A_1011 = %scan3A_802 to %scan3A_804 step %scan3A_805 iter_args(%scan3A_1012 = %scan3A_801) -> (i32)  : i32 {
        %mul3A_1013 = arith.constant 2 : i32
        %mul3A_1014 = arith.muli %scan3A_1011, %mul3A_1013 : i32
        %add3A_1015 = arith.constant 0 : i32
        %add3A_1016 = arith.addi %mul3A_1014, %add3A_1015 : i32
        %broadcast_in_dim3A = arith.constant 0 : i32
        %broadcast_in_dim3A_1017 = vector.broadcast %broadcast_in_dim3A : i32 to vector<16xi32>
        %add3A_1018 = vector.broadcast %add3A_1016 : i32 to vector<16xi32>
        %add3A_1019 = arith.addi %broadcast_in_dim3A_1017, %add3A_1018 : vector<16xi32>
        %add3A_1020 = arith.constant 128 : i32
        %add3A_1021 = vector.broadcast %add3A_1020 : i32 to vector<16xi32>
        %add3A_1022 = arith.addi %add3A_1019, %add3A_1021 : vector<16xi32>
        %get3A = arith.constant 5 : i32
        %get3A_1023 = arith.index_cast %get3A : i32 to index
        %get3A_1024 = arith.index_cast %add3A_1016 : i32 to index
        %get3A_1025 = arith.constant 0 : index
        %get3A_1026 = tpu.vector_load %arg7[%get3A_1023, %get3A_1024, %get3A_1025] {strides = array<i32>} : memref<8x128x32xf32, #tpu.memory_space<vmem>>, vector<16xf32>,
        %get3A_1027 = arith.constant 5 : i32
        %get3A_1028 = arith.index_cast %get3A_1027 : i32 to index
        %get3A_1029 = arith.index_cast %add3A_1016 : i32 to index
        %get3A_1030 = arith.constant 0 : index
        %get3A_1031 = tpu.vector_load %arg8[%get3A_1028, %get3A_1029, %get3A_1030] {strides = array<i32>} : memref<8x128x32xf32, #tpu.memory_space<vmem>>, vector<16xf32>,
        %scatter3A = arith.constant 1 : i32
        %scatter3A_1032 = arith.constant 0 : i32
        %scatter3A_1033 = arith.constant 0 : i32
        %scatter3A_1034 = tpu.memref_slice %arg9[%scatter3A, %scatter3A_1032, %scatter3A_1033] : memref<2x32x257xf32, #tpu.memory_space<vmem>> -> memref<1x32x257xf32, #tpu.memory_space<vmem>>
        %scatter3A_1035 = tpu.memref_squeeze %scatter3A_1034 : memref<1x32x257xf32, #tpu.memory_space<vmem>> -> memref<32x257xf32, #tpu.memory_space<vmem>>
        tpu.vector_store_idx %scatter3A_1035[%iota3A, %add3A_1019], %get3A_1026 : memref<32x257xf32, #tpu.memory_space<vmem>>[vector<16xi32>, vector<16xi32>], vector<16xf32>,
        %scatter3A_1036 = arith.constant 1 : i32
        %scatter3A_1037 = arith.constant 0 : i32
        %scatter3A_1038 = arith.constant 0 : i32
        %scatter3A_1039 = tpu.memref_slice %arg9[%scatter3A_1036, %scatter3A_1037, %scatter3A_1038] : memref<2x32x257xf32, #tpu.memory_space<vmem>> -> memref<1x32x257xf32, #tpu.memory_space<vmem>>
        %scatter3A_1040 = tpu.memref_squeeze %scatter3A_1039 : memref<1x32x257xf32, #tpu.memory_space<vmem>> -> memref<32x257xf32, #tpu.memory_space<vmem>>
        tpu.vector_store_idx %scatter3A_1040[%iota3A, %add3A_1022], %get3A_1031 : memref<32x257xf32, #tpu.memory_space<vmem>>[vector<16xi32>, vector<16xi32>], vector<16xf32>,
        %get3A_1041 = arith.constant 5 : i32
        %get3A_1042 = arith.index_cast %get3A_1041 : i32 to index
        %get3A_1043 = arith.index_cast %add3A_1016 : i32 to index
        %get3A_1044 = arith.constant 16 : index
        %get3A_1045 = tpu.vector_load %arg7[%get3A_1042, %get3A_1043, %get3A_1044] {strides = array<i32>} : memref<8x128x32xf32, #tpu.memory_space<vmem>>, vector<16xf32>,
        %get3A_1046 = arith.constant 5 : i32
        %get3A_1047 = arith.index_cast %get3A_1046 : i32 to index
        %get3A_1048 = arith.index_cast %add3A_1016 : i32 to index
        %get3A_1049 = arith.constant 16 : index
        %get3A_1050 = tpu.vector_load %arg8[%get3A_1047, %get3A_1048, %get3A_1049] {strides = array<i32>} : memref<8x128x32xf32, #tpu.memory_space<vmem>>, vector<16xf32>,
        %scatter3A_1051 = arith.constant 1 : i32
        %scatter3A_1052 = arith.constant 0 : i32
        %scatter3A_1053 = arith.constant 0 : i32
        %scatter3A_1054 = tpu.memref_slice %arg9[%scatter3A_1051, %scatter3A_1052, %scatter3A_1053] : memref<2x32x257xf32, #tpu.memory_space<vmem>> -> memref<1x32x257xf32, #tpu.memory_space<vmem>>
        %scatter3A_1055 = tpu.memref_squeeze %scatter3A_1054 : memref<1x32x257xf32, #tpu.memory_space<vmem>> -> memref<32x257xf32, #tpu.memory_space<vmem>>
        tpu.vector_store_idx %scatter3A_1055[%add3A_5, %add3A_1019], %get3A_1045 : memref<32x257xf32, #tpu.memory_space<vmem>>[vector<16xi32>, vector<16xi32>], vector<16xf32>,
        %scatter3A_1056 = arith.constant 1 : i32
        %scatter3A_1057 = arith.constant 0 : i32
        %scatter3A_1058 = arith.constant 0 : i32
        %scatter3A_1059 = tpu.memref_slice %arg9[%scatter3A_1056, %scatter3A_1057, %scatter3A_1058] : memref<2x32x257xf32, #tpu.memory_space<vmem>> -> memref<1x32x257xf32, #tpu.memory_space<vmem>>
        %scatter3A_1060 = tpu.memref_squeeze %scatter3A_1059 : memref<1x32x257xf32, #tpu.memory_space<vmem>> -> memref<32x257xf32, #tpu.memory_space<vmem>>
        tpu.vector_store_idx %scatter3A_1060[%add3A_5, %add3A_1022], %get3A_1050 : memref<32x257xf32, #tpu.memory_space<vmem>>[vector<16xi32>, vector<16xi32>], vector<16xf32>,
        %mul3A_1061 = arith.constant 2 : i32
        %mul3A_1062 = arith.muli %scan3A_1011, %mul3A_1061 : i32
        %add3A_1063 = arith.constant 1 : i32
        %add3A_1064 = arith.addi %mul3A_1062, %add3A_1063 : i32
        %broadcast_in_dim3A_1065 = arith.constant 0 : i32
        %broadcast_in_dim3A_1066 = vector.broadcast %broadcast_in_dim3A_1065 : i32 to vector<16xi32>
        %add3A_1067 = vector.broadcast %add3A_1064 : i32 to vector<16xi32>
        %add3A_1068 = arith.addi %broadcast_in_dim3A_1066, %add3A_1067 : vector<16xi32>
        %add3A_1069 = arith.constant 128 : i32
        %add3A_1070 = vector.broadcast %add3A_1069 : i32 to vector<16xi32>
        %add3A_1071 = arith.addi %add3A_1068, %add3A_1070 : vector<16xi32>
        %get3A_1072 = arith.constant 5 : i32
        %get3A_1073 = arith.index_cast %get3A_1072 : i32 to index
        %get3A_1074 = arith.index_cast %add3A_1064 : i32 to index
        %get3A_1075 = arith.constant 0 : index
        %get3A_1076 = tpu.vector_load %arg7[%get3A_1073, %get3A_1074, %get3A_1075] {strides = array<i32>} : memref<8x128x32xf32, #tpu.memory_space<vmem>>, vector<16xf32>,
        %get3A_1077 = arith.constant 5 : i32
        %get3A_1078 = arith.index_cast %get3A_1077 : i32 to index
        %get3A_1079 = arith.index_cast %add3A_1064 : i32 to index
        %get3A_1080 = arith.constant 0 : index
        %get3A_1081 = tpu.vector_load %arg8[%get3A_1078, %get3A_1079, %get3A_1080] {strides = array<i32>} : memref<8x128x32xf32, #tpu.memory_space<vmem>>, vector<16xf32>,
        %scatter3A_1082 = arith.constant 1 : i32
        %scatter3A_1083 = arith.constant 0 : i32
        %scatter3A_1084 = arith.constant 0 : i32
        %scatter3A_1085 = tpu.memref_slice %arg9[%scatter3A_1082, %scatter3A_1083, %scatter3A_1084] : memref<2x32x257xf32, #tpu.memory_space<vmem>> -> memref<1x32x257xf32, #tpu.memory_space<vmem>>
        %scatter3A_1086 = tpu.memref_squeeze %scatter3A_1085 : memref<1x32x257xf32, #tpu.memory_space<vmem>> -> memref<32x257xf32, #tpu.memory_space<vmem>>
        tpu.vector_store_idx %scatter3A_1086[%iota3A, %add3A_1068], %get3A_1076 : memref<32x257xf32, #tpu.memory_space<vmem>>[vector<16xi32>, vector<16xi32>], vector<16xf32>,
        %scatter3A_1087 = arith.constant 1 : i32
        %scatter3A_1088 = arith.constant 0 : i32
        %scatter3A_1089 = arith.constant 0 : i32
        %scatter3A_1090 = tpu.memref_slice %arg9[%scatter3A_1087, %scatter3A_1088, %scatter3A_1089] : memref<2x32x257xf32, #tpu.memory_space<vmem>> -> memref<1x32x257xf32, #tpu.memory_space<vmem>>
        %scatter3A_1091 = tpu.memref_squeeze %scatter3A_1090 : memref<1x32x257xf32, #tpu.memory_space<vmem>> -> memref<32x257xf32, #tpu.memory_space<vmem>>
        tpu.vector_store_idx %scatter3A_1091[%iota3A, %add3A_1071], %get3A_1081 : memref<32x257xf32, #tpu.memory_space<vmem>>[vector<16xi32>, vector<16xi32>], vector<16xf32>,
        %get3A_1092 = arith.constant 5 : i32
        %get3A_1093 = arith.index_cast %get3A_1092 : i32 to index
        %get3A_1094 = arith.index_cast %add3A_1064 : i32 to index
        %get3A_1095 = arith.constant 16 : index
        %get3A_1096 = tpu.vector_load %arg7[%get3A_1093, %get3A_1094, %get3A_1095] {strides = array<i32>} : memref<8x128x32xf32, #tpu.memory_space<vmem>>, vector<16xf32>,
        %get3A_1097 = arith.constant 5 : i32
        %get3A_1098 = arith.index_cast %get3A_1097 : i32 to index
        %get3A_1099 = arith.index_cast %add3A_1064 : i32 to index
        %get3A_1100 = arith.constant 16 : index
        %get3A_1101 = tpu.vector_load %arg8[%get3A_1098, %get3A_1099, %get3A_1100] {strides = array<i32>} : memref<8x128x32xf32, #tpu.memory_space<vmem>>, vector<16xf32>,
        %scatter3A_1102 = arith.constant 1 : i32
        %scatter3A_1103 = arith.constant 0 : i32
        %scatter3A_1104 = arith.constant 0 : i32
        %scatter3A_1105 = tpu.memref_slice %arg9[%scatter3A_1102, %scatter3A_1103, %scatter3A_1104] : memref<2x32x257xf32, #tpu.memory_space<vmem>> -> memref<1x32x257xf32, #tpu.memory_space<vmem>>
        %scatter3A_1106 = tpu.memref_squeeze %scatter3A_1105 : memref<1x32x257xf32, #tpu.memory_space<vmem>> -> memref<32x257xf32, #tpu.memory_space<vmem>>
        tpu.vector_store_idx %scatter3A_1106[%add3A_5, %add3A_1068], %get3A_1096 : memref<32x257xf32, #tpu.memory_space<vmem>>[vector<16xi32>, vector<16xi32>], vector<16xf32>,
        %scatter3A_1107 = arith.constant 1 : i32
        %scatter3A_1108 = arith.constant 0 : i32
        %scatter3A_1109 = arith.constant 0 : i32
        %scatter3A_1110 = tpu.memref_slice %arg9[%scatter3A_1107, %scatter3A_1108, %scatter3A_1109] : memref<2x32x257xf32, #tpu.memory_space<vmem>> -> memref<1x32x257xf32, #tpu.memory_space<vmem>>
        %scatter3A_1111 = tpu.memref_squeeze %scatter3A_1110 : memref<1x32x257xf32, #tpu.memory_space<vmem>> -> memref<32x257xf32, #tpu.memory_space<vmem>>
        tpu.vector_store_idx %scatter3A_1111[%add3A_5, %add3A_1071], %get3A_1101 : memref<32x257xf32, #tpu.memory_space<vmem>>[vector<16xi32>, vector<16xi32>], vector<16xf32>,
        %scan3A_1112 = arith.constant 0 : i32
        %scan3A_1113 = arith.constant 1 : i32
        %scan3A_1114 = arith.addi %scan3A_1011, %scan3A_1113 : i32
        %mul3A_1115 = arith.constant 2 : i32
        %mul3A_1116 = arith.muli %scan3A_1114, %mul3A_1115 : i32
        %add3A_1117 = arith.constant 0 : i32
        %add3A_1118 = arith.addi %mul3A_1116, %add3A_1117 : i32
        %broadcast_in_dim3A_1119 = arith.constant 0 : i32
        %broadcast_in_dim3A_1120 = vector.broadcast %broadcast_in_dim3A_1119 : i32 to vector<16xi32>
        %add3A_1121 = vector.broadcast %add3A_1118 : i32 to vector<16xi32>
        %add3A_1122 = arith.addi %broadcast_in_dim3A_1120, %add3A_1121 : vector<16xi32>
        %add3A_1123 = arith.constant 128 : i32
        %add3A_1124 = vector.broadcast %add3A_1123 : i32 to vector<16xi32>
        %add3A_1125 = arith.addi %add3A_1122, %add3A_1124 : vector<16xi32>
        %get3A_1126 = arith.constant 5 : i32
        %get3A_1127 = arith.index_cast %get3A_1126 : i32 to index
        %get3A_1128 = arith.index_cast %add3A_1118 : i32 to index
        %get3A_1129 = arith.constant 0 : index
        %get3A_1130 = tpu.vector_load %arg7[%get3A_1127, %get3A_1128, %get3A_1129] {strides = array<i32>} : memref<8x128x32xf32, #tpu.memory_space<vmem>>, vector<16xf32>,
        %get3A_1131 = arith.constant 5 : i32
        %get3A_1132 = arith.index_cast %get3A_1131 : i32 to index
        %get3A_1133 = arith.index_cast %add3A_1118 : i32 to index
        %get3A_1134 = arith.constant 0 : index
        %get3A_1135 = tpu.vector_load %arg8[%get3A_1132, %get3A_1133, %get3A_1134] {strides = array<i32>} : memref<8x128x32xf32, #tpu.memory_space<vmem>>, vector<16xf32>,
        %scatter3A_1136 = arith.constant 1 : i32
        %scatter3A_1137 = arith.constant 0 : i32
        %scatter3A_1138 = arith.constant 0 : i32
        %scatter3A_1139 = tpu.memref_slice %arg9[%scatter3A_1136, %scatter3A_1137, %scatter3A_1138] : memref<2x32x257xf32, #tpu.memory_space<vmem>> -> memref<1x32x257xf32, #tpu.memory_space<vmem>>
        %scatter3A_1140 = tpu.memref_squeeze %scatter3A_1139 : memref<1x32x257xf32, #tpu.memory_space<vmem>> -> memref<32x257xf32, #tpu.memory_space<vmem>>
        tpu.vector_store_idx %scatter3A_1140[%iota3A, %add3A_1122], %get3A_1130 : memref<32x257xf32, #tpu.memory_space<vmem>>[vector<16xi32>, vector<16xi32>], vector<16xf32>,
        %scatter3A_1141 = arith.constant 1 : i32
        %scatter3A_1142 = arith.constant 0 : i32
        %scatter3A_1143 = arith.constant 0 : i32
        %scatter3A_1144 = tpu.memref_slice %arg9[%scatter3A_1141, %scatter3A_1142, %scatter3A_1143] : memref<2x32x257xf32, #tpu.memory_space<vmem>> -> memref<1x32x257xf32, #tpu.memory_space<vmem>>
        %scatter3A_1145 = tpu.memref_squeeze %scatter3A_1144 : memref<1x32x257xf32, #tpu.memory_space<vmem>> -> memref<32x257xf32, #tpu.memory_space<vmem>>
        tpu.vector_store_idx %scatter3A_1145[%iota3A, %add3A_1125], %get3A_1135 : memref<32x257xf32, #tpu.memory_space<vmem>>[vector<16xi32>, vector<16xi32>], vector<16xf32>,
        %get3A_1146 = arith.constant 5 : i32
        %get3A_1147 = arith.index_cast %get3A_1146 : i32 to index
        %get3A_1148 = arith.index_cast %add3A_1118 : i32 to index
        %get3A_1149 = arith.constant 16 : index
        %get3A_1150 = tpu.vector_load %arg7[%get3A_1147, %get3A_1148, %get3A_1149] {strides = array<i32>} : memref<8x128x32xf32, #tpu.memory_space<vmem>>, vector<16xf32>,
        %get3A_1151 = arith.constant 5 : i32
        %get3A_1152 = arith.index_cast %get3A_1151 : i32 to index
        %get3A_1153 = arith.index_cast %add3A_1118 : i32 to index
        %get3A_1154 = arith.constant 16 : index
        %get3A_1155 = tpu.vector_load %arg8[%get3A_1152, %get3A_1153, %get3A_1154] {strides = array<i32>} : memref<8x128x32xf32, #tpu.memory_space<vmem>>, vector<16xf32>,
        %scatter3A_1156 = arith.constant 1 : i32
        %scatter3A_1157 = arith.constant 0 : i32
        %scatter3A_1158 = arith.constant 0 : i32
        %scatter3A_1159 = tpu.memref_slice %arg9[%scatter3A_1156, %scatter3A_1157, %scatter3A_1158] : memref<2x32x257xf32, #tpu.memory_space<vmem>> -> memref<1x32x257xf32, #tpu.memory_space<vmem>>
        %scatter3A_1160 = tpu.memref_squeeze %scatter3A_1159 : memref<1x32x257xf32, #tpu.memory_space<vmem>> -> memref<32x257xf32, #tpu.memory_space<vmem>>
        tpu.vector_store_idx %scatter3A_1160[%add3A_5, %add3A_1122], %get3A_1150 : memref<32x257xf32, #tpu.memory_space<vmem>>[vector<16xi32>, vector<16xi32>], vector<16xf32>,
        %scatter3A_1161 = arith.constant 1 : i32
        %scatter3A_1162 = arith.constant 0 : i32
        %scatter3A_1163 = arith.constant 0 : i32
        %scatter3A_1164 = tpu.memref_slice %arg9[%scatter3A_1161, %scatter3A_1162, %scatter3A_1163] : memref<2x32x257xf32, #tpu.memory_space<vmem>> -> memref<1x32x257xf32, #tpu.memory_space<vmem>>
        %scatter3A_1165 = tpu.memref_squeeze %scatter3A_1164 : memref<1x32x257xf32, #tpu.memory_space<vmem>> -> memref<32x257xf32, #tpu.memory_space<vmem>>
        tpu.vector_store_idx %scatter3A_1165[%add3A_5, %add3A_1125], %get3A_1155 : memref<32x257xf32, #tpu.memory_space<vmem>>[vector<16xi32>, vector<16xi32>], vector<16xf32>,
        %mul3A_1166 = arith.constant 2 : i32
        %mul3A_1167 = arith.muli %scan3A_1114, %mul3A_1166 : i32
        %add3A_1168 = arith.constant 1 : i32
        %add3A_1169 = arith.addi %mul3A_1167, %add3A_1168 : i32
        %broadcast_in_dim3A_1170 = arith.constant 0 : i32
        %broadcast_in_dim3A_1171 = vector.broadcast %broadcast_in_dim3A_1170 : i32 to vector<16xi32>
        %add3A_1172 = vector.broadcast %add3A_1169 : i32 to vector<16xi32>
        %add3A_1173 = arith.addi %broadcast_in_dim3A_1171, %add3A_1172 : vector<16xi32>
        %add3A_1174 = arith.constant 128 : i32
        %add3A_1175 = vector.broadcast %add3A_1174 : i32 to vector<16xi32>
        %add3A_1176 = arith.addi %add3A_1173, %add3A_1175 : vector<16xi32>
        %get3A_1177 = arith.constant 5 : i32
        %get3A_1178 = arith.index_cast %get3A_1177 : i32 to index
        %get3A_1179 = arith.index_cast %add3A_1169 : i32 to index
        %get3A_1180 = arith.constant 0 : index
        %get3A_1181 = tpu.vector_load %arg7[%get3A_1178, %get3A_1179, %get3A_1180] {strides = array<i32>} : memref<8x128x32xf32, #tpu.memory_space<vmem>>, vector<16xf32>,
        %get3A_1182 = arith.constant 5 : i32
        %get3A_1183 = arith.index_cast %get3A_1182 : i32 to index
        %get3A_1184 = arith.index_cast %add3A_1169 : i32 to index
        %get3A_1185 = arith.constant 0 : index
        %get3A_1186 = tpu.vector_load %arg8[%get3A_1183, %get3A_1184, %get3A_1185] {strides = array<i32>} : memref<8x128x32xf32, #tpu.memory_space<vmem>>, vector<16xf32>,
        %scatter3A_1187 = arith.constant 1 : i32
        %scatter3A_1188 = arith.constant 0 : i32
        %scatter3A_1189 = arith.constant 0 : i32
        %scatter3A_1190 = tpu.memref_slice %arg9[%scatter3A_1187, %scatter3A_1188, %scatter3A_1189] : memref<2x32x257xf32, #tpu.memory_space<vmem>> -> memref<1x32x257xf32, #tpu.memory_space<vmem>>
        %scatter3A_1191 = tpu.memref_squeeze %scatter3A_1190 : memref<1x32x257xf32, #tpu.memory_space<vmem>> -> memref<32x257xf32, #tpu.memory_space<vmem>>
        tpu.vector_store_idx %scatter3A_1191[%iota3A, %add3A_1173], %get3A_1181 : memref<32x257xf32, #tpu.memory_space<vmem>>[vector<16xi32>, vector<16xi32>], vector<16xf32>,
        %scatter3A_1192 = arith.constant 1 : i32
        %scatter3A_1193 = arith.constant 0 : i32
        %scatter3A_1194 = arith.constant 0 : i32
        %scatter3A_1195 = tpu.memref_slice %arg9[%scatter3A_1192, %scatter3A_1193, %scatter3A_1194] : memref<2x32x257xf32, #tpu.memory_space<vmem>> -> memref<1x32x257xf32, #tpu.memory_space<vmem>>
        %scatter3A_1196 = tpu.memref_squeeze %scatter3A_1195 : memref<1x32x257xf32, #tpu.memory_space<vmem>> -> memref<32x257xf32, #tpu.memory_space<vmem>>
        tpu.vector_store_idx %scatter3A_1196[%iota3A, %add3A_1176], %get3A_1186 : memref<32x257xf32, #tpu.memory_space<vmem>>[vector<16xi32>, vector<16xi32>], vector<16xf32>,
        %get3A_1197 = arith.constant 5 : i32
        %get3A_1198 = arith.index_cast %get3A_1197 : i32 to index
        %get3A_1199 = arith.index_cast %add3A_1169 : i32 to index
        %get3A_1200 = arith.constant 16 : index
        %get3A_1201 = tpu.vector_load %arg7[%get3A_1198, %get3A_1199, %get3A_1200] {strides = array<i32>} : memref<8x128x32xf32, #tpu.memory_space<vmem>>, vector<16xf32>,
        %get3A_1202 = arith.constant 5 : i32
        %get3A_1203 = arith.index_cast %get3A_1202 : i32 to index
        %get3A_1204 = arith.index_cast %add3A_1169 : i32 to index
        %get3A_1205 = arith.constant 16 : index
        %get3A_1206 = tpu.vector_load %arg8[%get3A_1203, %get3A_1204, %get3A_1205] {strides = array<i32>} : memref<8x128x32xf32, #tpu.memory_space<vmem>>, vector<16xf32>,
        %scatter3A_1207 = arith.constant 1 : i32
        %scatter3A_1208 = arith.constant 0 : i32
        %scatter3A_1209 = arith.constant 0 : i32
        %scatter3A_1210 = tpu.memref_slice %arg9[%scatter3A_1207, %scatter3A_1208, %scatter3A_1209] : memref<2x32x257xf32, #tpu.memory_space<vmem>> -> memref<1x32x257xf32, #tpu.memory_space<vmem>>
        %scatter3A_1211 = tpu.memref_squeeze %scatter3A_1210 : memref<1x32x257xf32, #tpu.memory_space<vmem>> -> memref<32x257xf32, #tpu.memory_space<vmem>>
        tpu.vector_store_idx %scatter3A_1211[%add3A_5, %add3A_1173], %get3A_1201 : memref<32x257xf32, #tpu.memory_space<vmem>>[vector<16xi32>, vector<16xi32>], vector<16xf32>,
        %scatter3A_1212 = arith.constant 1 : i32
        %scatter3A_1213 = arith.constant 0 : i32
        %scatter3A_1214 = arith.constant 0 : i32
        %scatter3A_1215 = tpu.memref_slice %arg9[%scatter3A_1212, %scatter3A_1213, %scatter3A_1214] : memref<2x32x257xf32, #tpu.memory_space<vmem>> -> memref<1x32x257xf32, #tpu.memory_space<vmem>>
        %scatter3A_1216 = tpu.memref_squeeze %scatter3A_1215 : memref<1x32x257xf32, #tpu.memory_space<vmem>> -> memref<32x257xf32, #tpu.memory_space<vmem>>
        tpu.vector_store_idx %scatter3A_1216[%add3A_5, %add3A_1176], %get3A_1206 : memref<32x257xf32, #tpu.memory_space<vmem>>[vector<16xi32>, vector<16xi32>], vector<16xf32>,
        %scan3A_1217 = arith.constant 0 : i32
        scf.yield %scan3A_1217 : i32
      }
      %scan3A_807 = arith.constant 64 : i32
      %add3A_808 = arith.constant 1 : i32
      %add3A_809 = arith.addi %scan3A_356, %add3A_808 : i32
      %lt3A_810 = arith.constant 25 : i32
      %lt3A_811 = arith.cmpi slt, %add3A_809, %lt3A_810 : i32
      %convert_element_type3A_812 = arith.extui %lt3A_811 : i1 to i32
      %cond3A_813 = arith.constant 0 : i32
      %cond3A_814 = arith.cmpi ne, %convert_element_type3A_812, %cond3A_813 : i32
      scf.if %cond3A_814 {
        %sub3A = arith.constant 1 : i32
        %sub3A_1011 = arith.subi %sub3A, %and3A_358 : i32
        %dma_start3A_1012 = arith.constant 5 : i32
        %dma_start3A_1013 = arith.constant 5 : i32
        %dma_start3A_1014 = arith.constant 5 : i32
        %dma_start3A_1015 = arith.constant 0 : i32
        %dma_start3A_1016 = arith.constant 0 : i32
        %dma_start3A_1017 = tpu.memref_slice %arg7[%dma_start3A_1013, %dma_start3A_1015, %dma_start3A_1016] : memref<8x128x32xf32, #tpu.memory_space<vmem>> -> memref<1x128x32xf32, #tpu.memory_space<vmem>>
        %dma_start3A_1018 = tpu.memref_squeeze %dma_start3A_1017 : memref<1x128x32xf32, #tpu.memory_space<vmem>> -> memref<128x32xf32, #tpu.memory_space<vmem>>
        %dma_start3A_1019 = arith.constant 0 : i32
        %dma_start3A_1020 = tpu.memref_slice %arg6[%sub3A_1011, %dma_start3A_1012, %dma_start3A_1019] : memref<2x8x128xi32, #tpu.memory_space<vmem>> -> memref<1x1x128xi32, #tpu.memory_space<vmem>>
        %dma_start3A_1021 = tpu.memref_squeeze %dma_start3A_1020 : memref<1x1x128xi32, #tpu.memory_space<vmem>> -> memref<128xi32, #tpu.memory_space<vmem>>
        %dma_start3A_1022 = arith.constant 0 : i32
        %dma_start3A_1023 = arith.constant 0 : i32
        %dma_start3A_1024 = tpu.memref_slice %arg3[%dma_start3A_1022, %dma_start3A_1023] : memref<1000000x32xf32, #tpu.memory_space<hbm>> -> memref<1000000x32xf32, #tpu.memory_space<hbm>>
        %dma_start3A_1025 = tpu.memref_slice %arg11[%dma_start3A_1014] : memref<8x!tpu.dma_semaphore, #tpu.memory_space<semaphore_mem>> -> memref<1x!tpu.dma_semaphore, #tpu.memory_space<semaphore_mem>>
        %dma_start3A_1026 = tpu.memref_squeeze %dma_start3A_1025 : memref<1x!tpu.dma_semaphore, #tpu.memory_space<semaphore_mem>> -> memref<!tpu.dma_semaphore, #tpu.memory_space<semaphore_mem>>
        tpu.enqueue_indirect_dma source(%dma_start3A_1024 : memref<1000000x32xf32, #tpu.memory_space<hbm>>) target(%dma_start3A_1018 : memref<128x32xf32, #tpu.memory_space<vmem>>) offsets(%dma_start3A_1021 : memref<128xi32, #tpu.memory_space<vmem>>) semaphore(%dma_start3A_1026 : memref<!tpu.dma_semaphore, #tpu.memory_space<semaphore_mem>>)
        %dma_start3A_1027 = arith.constant 5 : i32
        %dma_start3A_1028 = arith.constant 5 : i32
        %dma_start3A_1029 = arith.constant 5 : i32
        %dma_start3A_1030 = arith.constant 0 : i32
        %dma_start3A_1031 = arith.constant 0 : i32
        %dma_start3A_1032 = tpu.memref_slice %arg8[%dma_start3A_1028, %dma_start3A_1030, %dma_start3A_1031] : memref<8x128x32xf32, #tpu.memory_space<vmem>> -> memref<1x128x32xf32, #tpu.memory_space<vmem>>
        %dma_start3A_1033 = tpu.memref_squeeze %dma_start3A_1032 : memref<1x128x32xf32, #tpu.memory_space<vmem>> -> memref<128x32xf32, #tpu.memory_space<vmem>>
        %dma_start3A_1034 = arith.constant 0 : i32
        %dma_start3A_1035 = tpu.memref_slice %arg6[%sub3A_1011, %dma_start3A_1027, %dma_start3A_1034] : memref<2x8x128xi32, #tpu.memory_space<vmem>> -> memref<1x1x128xi32, #tpu.memory_space<vmem>>
        %dma_start3A_1036 = tpu.memref_squeeze %dma_start3A_1035 : memref<1x1x128xi32, #tpu.memory_space<vmem>> -> memref<128xi32, #tpu.memory_space<vmem>>
        %dma_start3A_1037 = arith.constant 0 : i32
        %dma_start3A_1038 = arith.constant 0 : i32
        %dma_start3A_1039 = tpu.memref_slice %arg4[%dma_start3A_1037, %dma_start3A_1038] : memref<1000000x32xf32, #tpu.memory_space<hbm>> -> memref<1000000x32xf32, #tpu.memory_space<hbm>>
        %dma_start3A_1040 = tpu.memref_slice %arg11[%dma_start3A_1029] : memref<8x!tpu.dma_semaphore, #tpu.memory_space<semaphore_mem>> -> memref<1x!tpu.dma_semaphore, #tpu.memory_space<semaphore_mem>>
        %dma_start3A_1041 = tpu.memref_squeeze %dma_start3A_1040 : memref<1x!tpu.dma_semaphore, #tpu.memory_space<semaphore_mem>> -> memref<!tpu.dma_semaphore, #tpu.memory_space<semaphore_mem>>
        tpu.enqueue_indirect_dma source(%dma_start3A_1039 : memref<1000000x32xf32, #tpu.memory_space<hbm>>) target(%dma_start3A_1033 : memref<128x32xf32, #tpu.memory_space<vmem>>) offsets(%dma_start3A_1036 : memref<128xi32, #tpu.memory_space<vmem>>) semaphore(%dma_start3A_1041 : memref<!tpu.dma_semaphore, #tpu.memory_space<semaphore_mem>>)
      } else {
      }
      %add3A_815 = arith.constant 2 : i32
      %add3A_816 = arith.addi %scan3A_356, %add3A_815 : i32
      %lt3A_817 = arith.constant 25 : i32
      %lt3A_818 = arith.cmpi slt, %add3A_816, %lt3A_817 : i32
      %convert_element_type3A_819 = arith.extui %lt3A_818 : i1 to i32
      %cond3A_820 = arith.constant 0 : i32
      %cond3A_821 = arith.cmpi ne, %convert_element_type3A_819, %cond3A_820 : i32
      scf.if %cond3A_821 {
      } else {
      }
      %mul3A_822 = arith.constant 8 : i32
      %mul3A_823 = arith.muli %scan3A_356, %mul3A_822 : i32
      %add3A_824 = arith.constant 5 : i32
      %add3A_825 = arith.addi %mul3A_823, %add3A_824 : i32
      %dma_start3A_826 = arith.constant 1 : i32
      %dma_start3A_827 = arith.constant 1 : i32
      %dma_start3A_828 = arith.constant 0 : i32
      %dma_start3A_829 = arith.constant 0 : i32
      %dma_start3A_830 = tpu.memref_slice %arg9[%dma_start3A_826, %dma_start3A_828, %dma_start3A_829] : memref<2x32x257xf32, #tpu.memory_space<vmem>> -> memref<1x32x256xf32, #tpu.memory_space<vmem>>
      %dma_start3A_831 = tpu.memref_squeeze %dma_start3A_830 : memref<1x32x256xf32, #tpu.memory_space<vmem>> -> memref<32x256xf32, #tpu.memory_space<vmem>>
      %dma_start3A_832 = arith.constant 0 : i32
      %dma_start3A_833 = arith.constant 0 : i32
      %dma_start3A_834 = tpu.memref_slice %arg5[%add3A_825, %dma_start3A_832, %add3A, %dma_start3A_833] : memref<200x32x32x256xf32, #tpu.memory_space<hbm>> -> memref<1x32x1x256xf32, #tpu.memory_space<hbm>>
      %dma_start3A_835 = tpu.memref_squeeze %dma_start3A_834 : memref<1x32x1x256xf32, #tpu.memory_space<hbm>> -> memref<32x256xf32, #tpu.memory_space<hbm>>
      %dma_start3A_836 = tpu.memref_slice %arg12[%dma_start3A_827] : memref<2x!tpu.dma_semaphore, #tpu.memory_space<semaphore_mem>> -> memref<1x!tpu.dma_semaphore, #tpu.memory_space<semaphore_mem>>
      %dma_start3A_837 = tpu.memref_squeeze %dma_start3A_836 : memref<1x!tpu.dma_semaphore, #tpu.memory_space<semaphore_mem>> -> memref<!tpu.dma_semaphore, #tpu.memory_space<semaphore_mem>>
      %dma_start3A_838 = arith.constant 0 : i32
      %dma_start3A_839 = arith.constant 0 : i32
      %dma_start3A_840 = tpu.memref_slice %arg5[%add3A_825, %dma_start3A_838, %add3A, %dma_start3A_839] : memref<200x32x32x256xf32, #tpu.memory_space<hbm>> -> memref<1x32x1x256xf32, #tpu.memory_space<hbm>>
      %dma_start3A_841 = tpu.memref_squeeze %dma_start3A_840 : memref<1x32x1x256xf32, #tpu.memory_space<hbm>> -> memref<32x256xf32, #tpu.memory_space<hbm>>
      %dma_start3A_842 = arith.constant 0 : i32
      %dma_start3A_843 = arith.constant 0 : i32
      %dma_start3A_844 = tpu.memref_slice %arg9[%dma_start3A_826, %dma_start3A_842, %dma_start3A_843] : memref<2x32x257xf32, #tpu.memory_space<vmem>> -> memref<1x32x256xf32, #tpu.memory_space<vmem>>
      %dma_start3A_845 = tpu.memref_squeeze %dma_start3A_844 : memref<1x32x256xf32, #tpu.memory_space<vmem>> -> memref<32x256xf32, #tpu.memory_space<vmem>>
      tpu.enqueue_dma source(%dma_start3A_845 : memref<32x256xf32, #tpu.memory_space<vmem>>) target(%dma_start3A_841 : memref<32x256xf32, #tpu.memory_space<hbm>>) target_semaphore(%dma_start3A_837 : memref<!tpu.dma_semaphore, #tpu.memory_space<semaphore_mem>>)
      %dma_wait3A_846 = arith.constant 6 : i32
      %dma_wait3A_847 = arith.constant 6 : i32
      %dma_wait3A_848 = arith.constant 6 : i32
      %dma_wait3A_849 = arith.constant 0 : i32
      %dma_wait3A_850 = arith.constant 0 : i32
      %dma_wait3A_851 = tpu.memref_slice %arg7[%dma_wait3A_847, %dma_wait3A_849, %dma_wait3A_850] : memref<8x128x32xf32, #tpu.memory_space<vmem>> -> memref<1x128x32xf32, #tpu.memory_space<vmem>>
      %dma_wait3A_852 = tpu.memref_squeeze %dma_wait3A_851 : memref<1x128x32xf32, #tpu.memory_space<vmem>> -> memref<128x32xf32, #tpu.memory_space<vmem>>
      %dma_wait3A_853 = arith.constant 0 : i32
      %dma_wait3A_854 = tpu.memref_slice %arg6[%and3A_358, %dma_wait3A_846, %dma_wait3A_853] : memref<2x8x128xi32, #tpu.memory_space<vmem>> -> memref<1x1x128xi32, #tpu.memory_space<vmem>>
      %dma_wait3A_855 = tpu.memref_squeeze %dma_wait3A_854 : memref<1x1x128xi32, #tpu.memory_space<vmem>> -> memref<128xi32, #tpu.memory_space<vmem>>
      %dma_wait3A_856 = arith.constant 0 : i32
      %dma_wait3A_857 = arith.constant 0 : i32
      %dma_wait3A_858 = tpu.memref_slice %arg3[%dma_wait3A_856, %dma_wait3A_857] : memref<1000000x32xf32, #tpu.memory_space<hbm>> -> memref<1000000x32xf32, #tpu.memory_space<hbm>>
      %dma_wait3A_859 = tpu.memref_slice %arg11[%dma_wait3A_848] : memref<8x!tpu.dma_semaphore, #tpu.memory_space<semaphore_mem>> -> memref<1x!tpu.dma_semaphore, #tpu.memory_space<semaphore_mem>>
      %dma_wait3A_860 = tpu.memref_squeeze %dma_wait3A_859 : memref<1x!tpu.dma_semaphore, #tpu.memory_space<semaphore_mem>> -> memref<!tpu.dma_semaphore, #tpu.memory_space<semaphore_mem>>
      tpu.wait_indirect_dma semaphore(%dma_wait3A_860 : memref<!tpu.dma_semaphore, #tpu.memory_space<semaphore_mem>>) src(%dma_wait3A_858 : memref<1000000x32xf32, #tpu.memory_space<hbm>>) dst(%dma_wait3A_852 : memref<128x32xf32, #tpu.memory_space<vmem>>)
      %dma_wait3A_861 = arith.constant 6 : i32
      %dma_wait3A_862 = arith.constant 6 : i32
      %dma_wait3A_863 = arith.constant 6 : i32
      %dma_wait3A_864 = arith.constant 0 : i32
      %dma_wait3A_865 = arith.constant 0 : i32
      %dma_wait3A_866 = tpu.memref_slice %arg8[%dma_wait3A_862, %dma_wait3A_864, %dma_wait3A_865] : memref<8x128x32xf32, #tpu.memory_space<vmem>> -> memref<1x128x32xf32, #tpu.memory_space<vmem>>
      %dma_wait3A_867 = tpu.memref_squeeze %dma_wait3A_866 : memref<1x128x32xf32, #tpu.memory_space<vmem>> -> memref<128x32xf32, #tpu.memory_space<vmem>>
      %dma_wait3A_868 = arith.constant 0 : i32
      %dma_wait3A_869 = tpu.memref_slice %arg6[%and3A_358, %dma_wait3A_861, %dma_wait3A_868] : memref<2x8x128xi32, #tpu.memory_space<vmem>> -> memref<1x1x128xi32, #tpu.memory_space<vmem>>
      %dma_wait3A_870 = tpu.memref_squeeze %dma_wait3A_869 : memref<1x1x128xi32, #tpu.memory_space<vmem>> -> memref<128xi32, #tpu.memory_space<vmem>>
      %dma_wait3A_871 = arith.constant 0 : i32
      %dma_wait3A_872 = arith.constant 0 : i32
      %dma_wait3A_873 = tpu.memref_slice %arg4[%dma_wait3A_871, %dma_wait3A_872] : memref<1000000x32xf32, #tpu.memory_space<hbm>> -> memref<1000000x32xf32, #tpu.memory_space<hbm>>
      %dma_wait3A_874 = tpu.memref_slice %arg11[%dma_wait3A_863] : memref<8x!tpu.dma_semaphore, #tpu.memory_space<semaphore_mem>> -> memref<1x!tpu.dma_semaphore, #tpu.memory_space<semaphore_mem>>
      %dma_wait3A_875 = tpu.memref_squeeze %dma_wait3A_874 : memref<1x!tpu.dma_semaphore, #tpu.memory_space<semaphore_mem>> -> memref<!tpu.dma_semaphore, #tpu.memory_space<semaphore_mem>>
      tpu.wait_indirect_dma semaphore(%dma_wait3A_875 : memref<!tpu.dma_semaphore, #tpu.memory_space<semaphore_mem>>) src(%dma_wait3A_873 : memref<1000000x32xf32, #tpu.memory_space<hbm>>) dst(%dma_wait3A_867 : memref<128x32xf32, #tpu.memory_space<vmem>>)
      %gt3A_876 = arith.constant 0 : i32
      %gt3A_877 = arith.cmpi sgt, %scan3A_356, %gt3A_876 : i32
      %or3A_878 = arith.constant true
      %or3A_879 = arith.ori %gt3A_877, %or3A_878 : i1
      %convert_element_type3A_880 = arith.extui %or3A_879 : i1 to i32
      %cond3A_881 = arith.constant 0 : i32
      %cond3A_882 = arith.cmpi ne, %convert_element_type3A_880, %cond3A_881 : i32
      scf.if %cond3A_882 {
        %sub3A = arith.constant 1 : i32
        %sub3A_1011 = arith.subi %scan3A_356, %sub3A : i32
        %jit3A = arith.constant true
        %select_n3A = arith.select %jit3A, %scan3A_356, %sub3A_1011 : i32
        %mul3A_1012 = arith.constant 8 : i32
        %mul3A_1013 = arith.muli %select_n3A, %mul3A_1012 : i32
        %add3A_1014 = arith.constant 4 : i32
        %add3A_1015 = arith.addi %mul3A_1013, %add3A_1014 : i32
        %dma_wait3A_1016 = arith.constant 0 : i32
        %dma_wait3A_1017 = arith.constant 0 : i32
        %dma_wait3A_1018 = arith.constant 0 : i32
        %dma_wait3A_1019 = arith.constant 0 : i32
        %dma_wait3A_1020 = tpu.memref_slice %arg9[%dma_wait3A_1016, %dma_wait3A_1018, %dma_wait3A_1019] : memref<2x32x257xf32, #tpu.memory_space<vmem>> -> memref<1x32x256xf32, #tpu.memory_space<vmem>>
        %dma_wait3A_1021 = tpu.memref_squeeze %dma_wait3A_1020 : memref<1x32x256xf32, #tpu.memory_space<vmem>> -> memref<32x256xf32, #tpu.memory_space<vmem>>
        %dma_wait3A_1022 = arith.constant 0 : i32
        %dma_wait3A_1023 = arith.constant 0 : i32
        %dma_wait3A_1024 = tpu.memref_slice %arg5[%add3A_1015, %dma_wait3A_1022, %add3A, %dma_wait3A_1023] : memref<200x32x32x256xf32, #tpu.memory_space<hbm>> -> memref<1x32x1x256xf32, #tpu.memory_space<hbm>>
        %dma_wait3A_1025 = tpu.memref_squeeze %dma_wait3A_1024 : memref<1x32x1x256xf32, #tpu.memory_space<hbm>> -> memref<32x256xf32, #tpu.memory_space<hbm>>
        %dma_wait3A_1026 = tpu.memref_slice %arg12[%dma_wait3A_1017] : memref<2x!tpu.dma_semaphore, #tpu.memory_space<semaphore_mem>> -> memref<1x!tpu.dma_semaphore, #tpu.memory_space<semaphore_mem>>
        %dma_wait3A_1027 = tpu.memref_squeeze %dma_wait3A_1026 : memref<1x!tpu.dma_semaphore, #tpu.memory_space<semaphore_mem>> -> memref<!tpu.dma_semaphore, #tpu.memory_space<semaphore_mem>>
        %dma_wait3A_1028 = arith.constant 0 : i32
        %dma_wait3A_1029 = arith.constant 0 : i32
        %dma_wait3A_1030 = tpu.memref_slice %arg5[%add3A_1015, %dma_wait3A_1028, %add3A, %dma_wait3A_1029] : memref<200x32x32x256xf32, #tpu.memory_space<hbm>> -> memref<1x32x1x256xf32, #tpu.memory_space<hbm>>
        %dma_wait3A_1031 = tpu.memref_squeeze %dma_wait3A_1030 : memref<1x32x1x256xf32, #tpu.memory_space<hbm>> -> memref<32x256xf32, #tpu.memory_space<hbm>>
        %dma_wait3A_1032 = arith.constant 0 : i32
        %dma_wait3A_1033 = arith.constant 0 : i32
        %dma_wait3A_1034 = tpu.memref_slice %arg9[%dma_wait3A_1016, %dma_wait3A_1032, %dma_wait3A_1033] : memref<2x32x257xf32, #tpu.memory_space<vmem>> -> memref<1x32x256xf32, #tpu.memory_space<vmem>>
        %dma_wait3A_1035 = tpu.memref_squeeze %dma_wait3A_1034 : memref<1x32x256xf32, #tpu.memory_space<vmem>> -> memref<32x256xf32, #tpu.memory_space<vmem>>
        tpu.wait_dma2 semaphore(%dma_wait3A_1027 : memref<!tpu.dma_semaphore, #tpu.memory_space<semaphore_mem>>) src(%dma_wait3A_1035 : memref<32x256xf32, #tpu.memory_space<vmem>>) dst(%dma_wait3A_1031 : memref<32x256xf32, #tpu.memory_space<hbm>>)
      } else {
      }
      %scan3A_883 = arith.constant 0 : i32
      %scan3A_884 = arith.constant 0 : i32
      %scan3A_885 = arith.constant 64 : i32
      %scan3A_886 = arith.addi %scan3A_884, %scan3A_885 : i32
      %scan3A_887 = arith.constant 2 : i32
      %scan3A_888 = scf.for %scan3A_1011 = %scan3A_884 to %scan3A_886 step %scan3A_887 iter_args(%scan3A_1012 = %scan3A_883) -> (i32)  : i32 {
        %mul3A_1013 = arith.constant 2 : i32
        %mul3A_1014 = arith.muli %scan3A_1011, %mul3A_1013 : i32
        %add3A_1015 = arith.constant 0 : i32
        %add3A_1016 = arith.addi %mul3A_1014, %add3A_1015 : i32
        %broadcast_in_dim3A = arith.constant 0 : i32
        %broadcast_in_dim3A_1017 = vector.broadcast %broadcast_in_dim3A : i32 to vector<16xi32>
        %add3A_1018 = vector.broadcast %add3A_1016 : i32 to vector<16xi32>
        %add3A_1019 = arith.addi %broadcast_in_dim3A_1017, %add3A_1018 : vector<16xi32>
        %add3A_1020 = arith.constant 128 : i32
        %add3A_1021 = vector.broadcast %add3A_1020 : i32 to vector<16xi32>
        %add3A_1022 = arith.addi %add3A_1019, %add3A_1021 : vector<16xi32>
        %get3A = arith.constant 6 : i32
        %get3A_1023 = arith.index_cast %get3A : i32 to index
        %get3A_1024 = arith.index_cast %add3A_1016 : i32 to index
        %get3A_1025 = arith.constant 0 : index
        %get3A_1026 = tpu.vector_load %arg7[%get3A_1023, %get3A_1024, %get3A_1025] {strides = array<i32>} : memref<8x128x32xf32, #tpu.memory_space<vmem>>, vector<16xf32>,
        %get3A_1027 = arith.constant 6 : i32
        %get3A_1028 = arith.index_cast %get3A_1027 : i32 to index
        %get3A_1029 = arith.index_cast %add3A_1016 : i32 to index
        %get3A_1030 = arith.constant 0 : index
        %get3A_1031 = tpu.vector_load %arg8[%get3A_1028, %get3A_1029, %get3A_1030] {strides = array<i32>} : memref<8x128x32xf32, #tpu.memory_space<vmem>>, vector<16xf32>,
        %scatter3A = arith.constant 0 : i32
        %scatter3A_1032 = arith.constant 0 : i32
        %scatter3A_1033 = arith.constant 0 : i32
        %scatter3A_1034 = tpu.memref_slice %arg9[%scatter3A, %scatter3A_1032, %scatter3A_1033] : memref<2x32x257xf32, #tpu.memory_space<vmem>> -> memref<1x32x257xf32, #tpu.memory_space<vmem>>
        %scatter3A_1035 = tpu.memref_squeeze %scatter3A_1034 : memref<1x32x257xf32, #tpu.memory_space<vmem>> -> memref<32x257xf32, #tpu.memory_space<vmem>>
        tpu.vector_store_idx %scatter3A_1035[%iota3A, %add3A_1019], %get3A_1026 : memref<32x257xf32, #tpu.memory_space<vmem>>[vector<16xi32>, vector<16xi32>], vector<16xf32>,
        %scatter3A_1036 = arith.constant 0 : i32
        %scatter3A_1037 = arith.constant 0 : i32
        %scatter3A_1038 = arith.constant 0 : i32
        %scatter3A_1039 = tpu.memref_slice %arg9[%scatter3A_1036, %scatter3A_1037, %scatter3A_1038] : memref<2x32x257xf32, #tpu.memory_space<vmem>> -> memref<1x32x257xf32, #tpu.memory_space<vmem>>
        %scatter3A_1040 = tpu.memref_squeeze %scatter3A_1039 : memref<1x32x257xf32, #tpu.memory_space<vmem>> -> memref<32x257xf32, #tpu.memory_space<vmem>>
        tpu.vector_store_idx %scatter3A_1040[%iota3A, %add3A_1022], %get3A_1031 : memref<32x257xf32, #tpu.memory_space<vmem>>[vector<16xi32>, vector<16xi32>], vector<16xf32>,
        %get3A_1041 = arith.constant 6 : i32
        %get3A_1042 = arith.index_cast %get3A_1041 : i32 to index
        %get3A_1043 = arith.index_cast %add3A_1016 : i32 to index
        %get3A_1044 = arith.constant 16 : index
        %get3A_1045 = tpu.vector_load %arg7[%get3A_1042, %get3A_1043, %get3A_1044] {strides = array<i32>} : memref<8x128x32xf32, #tpu.memory_space<vmem>>, vector<16xf32>,
        %get3A_1046 = arith.constant 6 : i32
        %get3A_1047 = arith.index_cast %get3A_1046 : i32 to index
        %get3A_1048 = arith.index_cast %add3A_1016 : i32 to index
        %get3A_1049 = arith.constant 16 : index
        %get3A_1050 = tpu.vector_load %arg8[%get3A_1047, %get3A_1048, %get3A_1049] {strides = array<i32>} : memref<8x128x32xf32, #tpu.memory_space<vmem>>, vector<16xf32>,
        %scatter3A_1051 = arith.constant 0 : i32
        %scatter3A_1052 = arith.constant 0 : i32
        %scatter3A_1053 = arith.constant 0 : i32
        %scatter3A_1054 = tpu.memref_slice %arg9[%scatter3A_1051, %scatter3A_1052, %scatter3A_1053] : memref<2x32x257xf32, #tpu.memory_space<vmem>> -> memref<1x32x257xf32, #tpu.memory_space<vmem>>
        %scatter3A_1055 = tpu.memref_squeeze %scatter3A_1054 : memref<1x32x257xf32, #tpu.memory_space<vmem>> -> memref<32x257xf32, #tpu.memory_space<vmem>>
        tpu.vector_store_idx %scatter3A_1055[%add3A_5, %add3A_1019], %get3A_1045 : memref<32x257xf32, #tpu.memory_space<vmem>>[vector<16xi32>, vector<16xi32>], vector<16xf32>,
        %scatter3A_1056 = arith.constant 0 : i32
        %scatter3A_1057 = arith.constant 0 : i32
        %scatter3A_1058 = arith.constant 0 : i32
        %scatter3A_1059 = tpu.memref_slice %arg9[%scatter3A_1056, %scatter3A_1057, %scatter3A_1058] : memref<2x32x257xf32, #tpu.memory_space<vmem>> -> memref<1x32x257xf32, #tpu.memory_space<vmem>>
        %scatter3A_1060 = tpu.memref_squeeze %scatter3A_1059 : memref<1x32x257xf32, #tpu.memory_space<vmem>> -> memref<32x257xf32, #tpu.memory_space<vmem>>
        tpu.vector_store_idx %scatter3A_1060[%add3A_5, %add3A_1022], %get3A_1050 : memref<32x257xf32, #tpu.memory_space<vmem>>[vector<16xi32>, vector<16xi32>], vector<16xf32>,
        %mul3A_1061 = arith.constant 2 : i32
        %mul3A_1062 = arith.muli %scan3A_1011, %mul3A_1061 : i32
        %add3A_1063 = arith.constant 1 : i32
        %add3A_1064 = arith.addi %mul3A_1062, %add3A_1063 : i32
        %broadcast_in_dim3A_1065 = arith.constant 0 : i32
        %broadcast_in_dim3A_1066 = vector.broadcast %broadcast_in_dim3A_1065 : i32 to vector<16xi32>
        %add3A_1067 = vector.broadcast %add3A_1064 : i32 to vector<16xi32>
        %add3A_1068 = arith.addi %broadcast_in_dim3A_1066, %add3A_1067 : vector<16xi32>
        %add3A_1069 = arith.constant 128 : i32
        %add3A_1070 = vector.broadcast %add3A_1069 : i32 to vector<16xi32>
        %add3A_1071 = arith.addi %add3A_1068, %add3A_1070 : vector<16xi32>
        %get3A_1072 = arith.constant 6 : i32
        %get3A_1073 = arith.index_cast %get3A_1072 : i32 to index
        %get3A_1074 = arith.index_cast %add3A_1064 : i32 to index
        %get3A_1075 = arith.constant 0 : index
        %get3A_1076 = tpu.vector_load %arg7[%get3A_1073, %get3A_1074, %get3A_1075] {strides = array<i32>} : memref<8x128x32xf32, #tpu.memory_space<vmem>>, vector<16xf32>,
        %get3A_1077 = arith.constant 6 : i32
        %get3A_1078 = arith.index_cast %get3A_1077 : i32 to index
        %get3A_1079 = arith.index_cast %add3A_1064 : i32 to index
        %get3A_1080 = arith.constant 0 : index
        %get3A_1081 = tpu.vector_load %arg8[%get3A_1078, %get3A_1079, %get3A_1080] {strides = array<i32>} : memref<8x128x32xf32, #tpu.memory_space<vmem>>, vector<16xf32>,
        %scatter3A_1082 = arith.constant 0 : i32
        %scatter3A_1083 = arith.constant 0 : i32
        %scatter3A_1084 = arith.constant 0 : i32
        %scatter3A_1085 = tpu.memref_slice %arg9[%scatter3A_1082, %scatter3A_1083, %scatter3A_1084] : memref<2x32x257xf32, #tpu.memory_space<vmem>> -> memref<1x32x257xf32, #tpu.memory_space<vmem>>
        %scatter3A_1086 = tpu.memref_squeeze %scatter3A_1085 : memref<1x32x257xf32, #tpu.memory_space<vmem>> -> memref<32x257xf32, #tpu.memory_space<vmem>>
        tpu.vector_store_idx %scatter3A_1086[%iota3A, %add3A_1068], %get3A_1076 : memref<32x257xf32, #tpu.memory_space<vmem>>[vector<16xi32>, vector<16xi32>], vector<16xf32>,
        %scatter3A_1087 = arith.constant 0 : i32
        %scatter3A_1088 = arith.constant 0 : i32
        %scatter3A_1089 = arith.constant 0 : i32
        %scatter3A_1090 = tpu.memref_slice %arg9[%scatter3A_1087, %scatter3A_1088, %scatter3A_1089] : memref<2x32x257xf32, #tpu.memory_space<vmem>> -> memref<1x32x257xf32, #tpu.memory_space<vmem>>
        %scatter3A_1091 = tpu.memref_squeeze %scatter3A_1090 : memref<1x32x257xf32, #tpu.memory_space<vmem>> -> memref<32x257xf32, #tpu.memory_space<vmem>>
        tpu.vector_store_idx %scatter3A_1091[%iota3A, %add3A_1071], %get3A_1081 : memref<32x257xf32, #tpu.memory_space<vmem>>[vector<16xi32>, vector<16xi32>], vector<16xf32>,
        %get3A_1092 = arith.constant 6 : i32
        %get3A_1093 = arith.index_cast %get3A_1092 : i32 to index
        %get3A_1094 = arith.index_cast %add3A_1064 : i32 to index
        %get3A_1095 = arith.constant 16 : index
        %get3A_1096 = tpu.vector_load %arg7[%get3A_1093, %get3A_1094, %get3A_1095] {strides = array<i32>} : memref<8x128x32xf32, #tpu.memory_space<vmem>>, vector<16xf32>,
        %get3A_1097 = arith.constant 6 : i32
        %get3A_1098 = arith.index_cast %get3A_1097 : i32 to index
        %get3A_1099 = arith.index_cast %add3A_1064 : i32 to index
        %get3A_1100 = arith.constant 16 : index
        %get3A_1101 = tpu.vector_load %arg8[%get3A_1098, %get3A_1099, %get3A_1100] {strides = array<i32>} : memref<8x128x32xf32, #tpu.memory_space<vmem>>, vector<16xf32>,
        %scatter3A_1102 = arith.constant 0 : i32
        %scatter3A_1103 = arith.constant 0 : i32
        %scatter3A_1104 = arith.constant 0 : i32
        %scatter3A_1105 = tpu.memref_slice %arg9[%scatter3A_1102, %scatter3A_1103, %scatter3A_1104] : memref<2x32x257xf32, #tpu.memory_space<vmem>> -> memref<1x32x257xf32, #tpu.memory_space<vmem>>
        %scatter3A_1106 = tpu.memref_squeeze %scatter3A_1105 : memref<1x32x257xf32, #tpu.memory_space<vmem>> -> memref<32x257xf32, #tpu.memory_space<vmem>>
        tpu.vector_store_idx %scatter3A_1106[%add3A_5, %add3A_1068], %get3A_1096 : memref<32x257xf32, #tpu.memory_space<vmem>>[vector<16xi32>, vector<16xi32>], vector<16xf32>,
        %scatter3A_1107 = arith.constant 0 : i32
        %scatter3A_1108 = arith.constant 0 : i32
        %scatter3A_1109 = arith.constant 0 : i32
        %scatter3A_1110 = tpu.memref_slice %arg9[%scatter3A_1107, %scatter3A_1108, %scatter3A_1109] : memref<2x32x257xf32, #tpu.memory_space<vmem>> -> memref<1x32x257xf32, #tpu.memory_space<vmem>>
        %scatter3A_1111 = tpu.memref_squeeze %scatter3A_1110 : memref<1x32x257xf32, #tpu.memory_space<vmem>> -> memref<32x257xf32, #tpu.memory_space<vmem>>
        tpu.vector_store_idx %scatter3A_1111[%add3A_5, %add3A_1071], %get3A_1101 : memref<32x257xf32, #tpu.memory_space<vmem>>[vector<16xi32>, vector<16xi32>], vector<16xf32>,
        %scan3A_1112 = arith.constant 0 : i32
        %scan3A_1113 = arith.constant 1 : i32
        %scan3A_1114 = arith.addi %scan3A_1011, %scan3A_1113 : i32
        %mul3A_1115 = arith.constant 2 : i32
        %mul3A_1116 = arith.muli %scan3A_1114, %mul3A_1115 : i32
        %add3A_1117 = arith.constant 0 : i32
        %add3A_1118 = arith.addi %mul3A_1116, %add3A_1117 : i32
        %broadcast_in_dim3A_1119 = arith.constant 0 : i32
        %broadcast_in_dim3A_1120 = vector.broadcast %broadcast_in_dim3A_1119 : i32 to vector<16xi32>
        %add3A_1121 = vector.broadcast %add3A_1118 : i32 to vector<16xi32>
        %add3A_1122 = arith.addi %broadcast_in_dim3A_1120, %add3A_1121 : vector<16xi32>
        %add3A_1123 = arith.constant 128 : i32
        %add3A_1124 = vector.broadcast %add3A_1123 : i32 to vector<16xi32>
        %add3A_1125 = arith.addi %add3A_1122, %add3A_1124 : vector<16xi32>
        %get3A_1126 = arith.constant 6 : i32
        %get3A_1127 = arith.index_cast %get3A_1126 : i32 to index
        %get3A_1128 = arith.index_cast %add3A_1118 : i32 to index
        %get3A_1129 = arith.constant 0 : index
        %get3A_1130 = tpu.vector_load %arg7[%get3A_1127, %get3A_1128, %get3A_1129] {strides = array<i32>} : memref<8x128x32xf32, #tpu.memory_space<vmem>>, vector<16xf32>,
        %get3A_1131 = arith.constant 6 : i32
        %get3A_1132 = arith.index_cast %get3A_1131 : i32 to index
        %get3A_1133 = arith.index_cast %add3A_1118 : i32 to index
        %get3A_1134 = arith.constant 0 : index
        %get3A_1135 = tpu.vector_load %arg8[%get3A_1132, %get3A_1133, %get3A_1134] {strides = array<i32>} : memref<8x128x32xf32, #tpu.memory_space<vmem>>, vector<16xf32>,
        %scatter3A_1136 = arith.constant 0 : i32
        %scatter3A_1137 = arith.constant 0 : i32
        %scatter3A_1138 = arith.constant 0 : i32
        %scatter3A_1139 = tpu.memref_slice %arg9[%scatter3A_1136, %scatter3A_1137, %scatter3A_1138] : memref<2x32x257xf32, #tpu.memory_space<vmem>> -> memref<1x32x257xf32, #tpu.memory_space<vmem>>
        %scatter3A_1140 = tpu.memref_squeeze %scatter3A_1139 : memref<1x32x257xf32, #tpu.memory_space<vmem>> -> memref<32x257xf32, #tpu.memory_space<vmem>>
        tpu.vector_store_idx %scatter3A_1140[%iota3A, %add3A_1122], %get3A_1130 : memref<32x257xf32, #tpu.memory_space<vmem>>[vector<16xi32>, vector<16xi32>], vector<16xf32>,
        %scatter3A_1141 = arith.constant 0 : i32
        %scatter3A_1142 = arith.constant 0 : i32
        %scatter3A_1143 = arith.constant 0 : i32
        %scatter3A_1144 = tpu.memref_slice %arg9[%scatter3A_1141, %scatter3A_1142, %scatter3A_1143] : memref<2x32x257xf32, #tpu.memory_space<vmem>> -> memref<1x32x257xf32, #tpu.memory_space<vmem>>
        %scatter3A_1145 = tpu.memref_squeeze %scatter3A_1144 : memref<1x32x257xf32, #tpu.memory_space<vmem>> -> memref<32x257xf32, #tpu.memory_space<vmem>>
        tpu.vector_store_idx %scatter3A_1145[%iota3A, %add3A_1125], %get3A_1135 : memref<32x257xf32, #tpu.memory_space<vmem>>[vector<16xi32>, vector<16xi32>], vector<16xf32>,
        %get3A_1146 = arith.constant 6 : i32
        %get3A_1147 = arith.index_cast %get3A_1146 : i32 to index
        %get3A_1148 = arith.index_cast %add3A_1118 : i32 to index
        %get3A_1149 = arith.constant 16 : index
        %get3A_1150 = tpu.vector_load %arg7[%get3A_1147, %get3A_1148, %get3A_1149] {strides = array<i32>} : memref<8x128x32xf32, #tpu.memory_space<vmem>>, vector<16xf32>,
        %get3A_1151 = arith.constant 6 : i32
        %get3A_1152 = arith.index_cast %get3A_1151 : i32 to index
        %get3A_1153 = arith.index_cast %add3A_1118 : i32 to index
        %get3A_1154 = arith.constant 16 : index
        %get3A_1155 = tpu.vector_load %arg8[%get3A_1152, %get3A_1153, %get3A_1154] {strides = array<i32>} : memref<8x128x32xf32, #tpu.memory_space<vmem>>, vector<16xf32>,
        %scatter3A_1156 = arith.constant 0 : i32
        %scatter3A_1157 = arith.constant 0 : i32
        %scatter3A_1158 = arith.constant 0 : i32
        %scatter3A_1159 = tpu.memref_slice %arg9[%scatter3A_1156, %scatter3A_1157, %scatter3A_1158] : memref<2x32x257xf32, #tpu.memory_space<vmem>> -> memref<1x32x257xf32, #tpu.memory_space<vmem>>
        %scatter3A_1160 = tpu.memref_squeeze %scatter3A_1159 : memref<1x32x257xf32, #tpu.memory_space<vmem>> -> memref<32x257xf32, #tpu.memory_space<vmem>>
        tpu.vector_store_idx %scatter3A_1160[%add3A_5, %add3A_1122], %get3A_1150 : memref<32x257xf32, #tpu.memory_space<vmem>>[vector<16xi32>, vector<16xi32>], vector<16xf32>,
        %scatter3A_1161 = arith.constant 0 : i32
        %scatter3A_1162 = arith.constant 0 : i32
        %scatter3A_1163 = arith.constant 0 : i32
        %scatter3A_1164 = tpu.memref_slice %arg9[%scatter3A_1161, %scatter3A_1162, %scatter3A_1163] : memref<2x32x257xf32, #tpu.memory_space<vmem>> -> memref<1x32x257xf32, #tpu.memory_space<vmem>>
        %scatter3A_1165 = tpu.memref_squeeze %scatter3A_1164 : memref<1x32x257xf32, #tpu.memory_space<vmem>> -> memref<32x257xf32, #tpu.memory_space<vmem>>
        tpu.vector_store_idx %scatter3A_1165[%add3A_5, %add3A_1125], %get3A_1155 : memref<32x257xf32, #tpu.memory_space<vmem>>[vector<16xi32>, vector<16xi32>], vector<16xf32>,
        %mul3A_1166 = arith.constant 2 : i32
        %mul3A_1167 = arith.muli %scan3A_1114, %mul3A_1166 : i32
        %add3A_1168 = arith.constant 1 : i32
        %add3A_1169 = arith.addi %mul3A_1167, %add3A_1168 : i32
        %broadcast_in_dim3A_1170 = arith.constant 0 : i32
        %broadcast_in_dim3A_1171 = vector.broadcast %broadcast_in_dim3A_1170 : i32 to vector<16xi32>
        %add3A_1172 = vector.broadcast %add3A_1169 : i32 to vector<16xi32>
        %add3A_1173 = arith.addi %broadcast_in_dim3A_1171, %add3A_1172 : vector<16xi32>
        %add3A_1174 = arith.constant 128 : i32
        %add3A_1175 = vector.broadcast %add3A_1174 : i32 to vector<16xi32>
        %add3A_1176 = arith.addi %add3A_1173, %add3A_1175 : vector<16xi32>
        %get3A_1177 = arith.constant 6 : i32
        %get3A_1178 = arith.index_cast %get3A_1177 : i32 to index
        %get3A_1179 = arith.index_cast %add3A_1169 : i32 to index
        %get3A_1180 = arith.constant 0 : index
        %get3A_1181 = tpu.vector_load %arg7[%get3A_1178, %get3A_1179, %get3A_1180] {strides = array<i32>} : memref<8x128x32xf32, #tpu.memory_space<vmem>>, vector<16xf32>,
        %get3A_1182 = arith.constant 6 : i32
        %get3A_1183 = arith.index_cast %get3A_1182 : i32 to index
        %get3A_1184 = arith.index_cast %add3A_1169 : i32 to index
        %get3A_1185 = arith.constant 0 : index
        %get3A_1186 = tpu.vector_load %arg8[%get3A_1183, %get3A_1184, %get3A_1185] {strides = array<i32>} : memref<8x128x32xf32, #tpu.memory_space<vmem>>, vector<16xf32>,
        %scatter3A_1187 = arith.constant 0 : i32
        %scatter3A_1188 = arith.constant 0 : i32
        %scatter3A_1189 = arith.constant 0 : i32
        %scatter3A_1190 = tpu.memref_slice %arg9[%scatter3A_1187, %scatter3A_1188, %scatter3A_1189] : memref<2x32x257xf32, #tpu.memory_space<vmem>> -> memref<1x32x257xf32, #tpu.memory_space<vmem>>
        %scatter3A_1191 = tpu.memref_squeeze %scatter3A_1190 : memref<1x32x257xf32, #tpu.memory_space<vmem>> -> memref<32x257xf32, #tpu.memory_space<vmem>>
        tpu.vector_store_idx %scatter3A_1191[%iota3A, %add3A_1173], %get3A_1181 : memref<32x257xf32, #tpu.memory_space<vmem>>[vector<16xi32>, vector<16xi32>], vector<16xf32>,
        %scatter3A_1192 = arith.constant 0 : i32
        %scatter3A_1193 = arith.constant 0 : i32
        %scatter3A_1194 = arith.constant 0 : i32
        %scatter3A_1195 = tpu.memref_slice %arg9[%scatter3A_1192, %scatter3A_1193, %scatter3A_1194] : memref<2x32x257xf32, #tpu.memory_space<vmem>> -> memref<1x32x257xf32, #tpu.memory_space<vmem>>
        %scatter3A_1196 = tpu.memref_squeeze %scatter3A_1195 : memref<1x32x257xf32, #tpu.memory_space<vmem>> -> memref<32x257xf32, #tpu.memory_space<vmem>>
        tpu.vector_store_idx %scatter3A_1196[%iota3A, %add3A_1176], %get3A_1186 : memref<32x257xf32, #tpu.memory_space<vmem>>[vector<16xi32>, vector<16xi32>], vector<16xf32>,
        %get3A_1197 = arith.constant 6 : i32
        %get3A_1198 = arith.index_cast %get3A_1197 : i32 to index
        %get3A_1199 = arith.index_cast %add3A_1169 : i32 to index
        %get3A_1200 = arith.constant 16 : index
        %get3A_1201 = tpu.vector_load %arg7[%get3A_1198, %get3A_1199, %get3A_1200] {strides = array<i32>} : memref<8x128x32xf32, #tpu.memory_space<vmem>>, vector<16xf32>,
        %get3A_1202 = arith.constant 6 : i32
        %get3A_1203 = arith.index_cast %get3A_1202 : i32 to index
        %get3A_1204 = arith.index_cast %add3A_1169 : i32 to index
        %get3A_1205 = arith.constant 16 : index
        %get3A_1206 = tpu.vector_load %arg8[%get3A_1203, %get3A_1204, %get3A_1205] {strides = array<i32>} : memref<8x128x32xf32, #tpu.memory_space<vmem>>, vector<16xf32>,
        %scatter3A_1207 = arith.constant 0 : i32
        %scatter3A_1208 = arith.constant 0 : i32
        %scatter3A_1209 = arith.constant 0 : i32
        %scatter3A_1210 = tpu.memref_slice %arg9[%scatter3A_1207, %scatter3A_1208, %scatter3A_1209] : memref<2x32x257xf32, #tpu.memory_space<vmem>> -> memref<1x32x257xf32, #tpu.memory_space<vmem>>
        %scatter3A_1211 = tpu.memref_squeeze %scatter3A_1210 : memref<1x32x257xf32, #tpu.memory_space<vmem>> -> memref<32x257xf32, #tpu.memory_space<vmem>>
        tpu.vector_store_idx %scatter3A_1211[%add3A_5, %add3A_1173], %get3A_1201 : memref<32x257xf32, #tpu.memory_space<vmem>>[vector<16xi32>, vector<16xi32>], vector<16xf32>,
        %scatter3A_1212 = arith.constant 0 : i32
        %scatter3A_1213 = arith.constant 0 : i32
        %scatter3A_1214 = arith.constant 0 : i32
        %scatter3A_1215 = tpu.memref_slice %arg9[%scatter3A_1212, %scatter3A_1213, %scatter3A_1214] : memref<2x32x257xf32, #tpu.memory_space<vmem>> -> memref<1x32x257xf32, #tpu.memory_space<vmem>>
        %scatter3A_1216 = tpu.memref_squeeze %scatter3A_1215 : memref<1x32x257xf32, #tpu.memory_space<vmem>> -> memref<32x257xf32, #tpu.memory_space<vmem>>
        tpu.vector_store_idx %scatter3A_1216[%add3A_5, %add3A_1176], %get3A_1206 : memref<32x257xf32, #tpu.memory_space<vmem>>[vector<16xi32>, vector<16xi32>], vector<16xf32>,
        %scan3A_1217 = arith.constant 0 : i32
        scf.yield %scan3A_1217 : i32
      }
      %scan3A_889 = arith.constant 64 : i32
      %add3A_890 = arith.constant 1 : i32
      %add3A_891 = arith.addi %scan3A_356, %add3A_890 : i32
      %lt3A_892 = arith.constant 25 : i32
      %lt3A_893 = arith.cmpi slt, %add3A_891, %lt3A_892 : i32
      %convert_element_type3A_894 = arith.extui %lt3A_893 : i1 to i32
      %cond3A_895 = arith.constant 0 : i32
      %cond3A_896 = arith.cmpi ne, %convert_element_type3A_894, %cond3A_895 : i32
      scf.if %cond3A_896 {
        %sub3A = arith.constant 1 : i32
        %sub3A_1011 = arith.subi %sub3A, %and3A_358 : i32
        %dma_start3A_1012 = arith.constant 6 : i32
        %dma_start3A_1013 = arith.constant 6 : i32
        %dma_start3A_1014 = arith.constant 6 : i32
        %dma_start3A_1015 = arith.constant 0 : i32
        %dma_start3A_1016 = arith.constant 0 : i32
        %dma_start3A_1017 = tpu.memref_slice %arg7[%dma_start3A_1013, %dma_start3A_1015, %dma_start3A_1016] : memref<8x128x32xf32, #tpu.memory_space<vmem>> -> memref<1x128x32xf32, #tpu.memory_space<vmem>>
        %dma_start3A_1018 = tpu.memref_squeeze %dma_start3A_1017 : memref<1x128x32xf32, #tpu.memory_space<vmem>> -> memref<128x32xf32, #tpu.memory_space<vmem>>
        %dma_start3A_1019 = arith.constant 0 : i32
        %dma_start3A_1020 = tpu.memref_slice %arg6[%sub3A_1011, %dma_start3A_1012, %dma_start3A_1019] : memref<2x8x128xi32, #tpu.memory_space<vmem>> -> memref<1x1x128xi32, #tpu.memory_space<vmem>>
        %dma_start3A_1021 = tpu.memref_squeeze %dma_start3A_1020 : memref<1x1x128xi32, #tpu.memory_space<vmem>> -> memref<128xi32, #tpu.memory_space<vmem>>
        %dma_start3A_1022 = arith.constant 0 : i32
        %dma_start3A_1023 = arith.constant 0 : i32
        %dma_start3A_1024 = tpu.memref_slice %arg3[%dma_start3A_1022, %dma_start3A_1023] : memref<1000000x32xf32, #tpu.memory_space<hbm>> -> memref<1000000x32xf32, #tpu.memory_space<hbm>>
        %dma_start3A_1025 = tpu.memref_slice %arg11[%dma_start3A_1014] : memref<8x!tpu.dma_semaphore, #tpu.memory_space<semaphore_mem>> -> memref<1x!tpu.dma_semaphore, #tpu.memory_space<semaphore_mem>>
        %dma_start3A_1026 = tpu.memref_squeeze %dma_start3A_1025 : memref<1x!tpu.dma_semaphore, #tpu.memory_space<semaphore_mem>> -> memref<!tpu.dma_semaphore, #tpu.memory_space<semaphore_mem>>
        tpu.enqueue_indirect_dma source(%dma_start3A_1024 : memref<1000000x32xf32, #tpu.memory_space<hbm>>) target(%dma_start3A_1018 : memref<128x32xf32, #tpu.memory_space<vmem>>) offsets(%dma_start3A_1021 : memref<128xi32, #tpu.memory_space<vmem>>) semaphore(%dma_start3A_1026 : memref<!tpu.dma_semaphore, #tpu.memory_space<semaphore_mem>>)
        %dma_start3A_1027 = arith.constant 6 : i32
        %dma_start3A_1028 = arith.constant 6 : i32
        %dma_start3A_1029 = arith.constant 6 : i32
        %dma_start3A_1030 = arith.constant 0 : i32
        %dma_start3A_1031 = arith.constant 0 : i32
        %dma_start3A_1032 = tpu.memref_slice %arg8[%dma_start3A_1028, %dma_start3A_1030, %dma_start3A_1031] : memref<8x128x32xf32, #tpu.memory_space<vmem>> -> memref<1x128x32xf32, #tpu.memory_space<vmem>>
        %dma_start3A_1033 = tpu.memref_squeeze %dma_start3A_1032 : memref<1x128x32xf32, #tpu.memory_space<vmem>> -> memref<128x32xf32, #tpu.memory_space<vmem>>
        %dma_start3A_1034 = arith.constant 0 : i32
        %dma_start3A_1035 = tpu.memref_slice %arg6[%sub3A_1011, %dma_start3A_1027, %dma_start3A_1034] : memref<2x8x128xi32, #tpu.memory_space<vmem>> -> memref<1x1x128xi32, #tpu.memory_space<vmem>>
        %dma_start3A_1036 = tpu.memref_squeeze %dma_start3A_1035 : memref<1x1x128xi32, #tpu.memory_space<vmem>> -> memref<128xi32, #tpu.memory_space<vmem>>
        %dma_start3A_1037 = arith.constant 0 : i32
        %dma_start3A_1038 = arith.constant 0 : i32
        %dma_start3A_1039 = tpu.memref_slice %arg4[%dma_start3A_1037, %dma_start3A_1038] : memref<1000000x32xf32, #tpu.memory_space<hbm>> -> memref<1000000x32xf32, #tpu.memory_space<hbm>>
        %dma_start3A_1040 = tpu.memref_slice %arg11[%dma_start3A_1029] : memref<8x!tpu.dma_semaphore, #tpu.memory_space<semaphore_mem>> -> memref<1x!tpu.dma_semaphore, #tpu.memory_space<semaphore_mem>>
        %dma_start3A_1041 = tpu.memref_squeeze %dma_start3A_1040 : memref<1x!tpu.dma_semaphore, #tpu.memory_space<semaphore_mem>> -> memref<!tpu.dma_semaphore, #tpu.memory_space<semaphore_mem>>
        tpu.enqueue_indirect_dma source(%dma_start3A_1039 : memref<1000000x32xf32, #tpu.memory_space<hbm>>) target(%dma_start3A_1033 : memref<128x32xf32, #tpu.memory_space<vmem>>) offsets(%dma_start3A_1036 : memref<128xi32, #tpu.memory_space<vmem>>) semaphore(%dma_start3A_1041 : memref<!tpu.dma_semaphore, #tpu.memory_space<semaphore_mem>>)
      } else {
      }
      %add3A_897 = arith.constant 2 : i32
      %add3A_898 = arith.addi %scan3A_356, %add3A_897 : i32
      %lt3A_899 = arith.constant 25 : i32
      %lt3A_900 = arith.cmpi slt, %add3A_898, %lt3A_899 : i32
      %convert_element_type3A_901 = arith.extui %lt3A_900 : i1 to i32
      %cond3A_902 = arith.constant 0 : i32
      %cond3A_903 = arith.cmpi ne, %convert_element_type3A_901, %cond3A_902 : i32
      scf.if %cond3A_903 {
      } else {
      }
      %mul3A_904 = arith.constant 8 : i32
      %mul3A_905 = arith.muli %scan3A_356, %mul3A_904 : i32
      %add3A_906 = arith.constant 6 : i32
      %add3A_907 = arith.addi %mul3A_905, %add3A_906 : i32
      %dma_start3A_908 = arith.constant 0 : i32
      %dma_start3A_909 = arith.constant 0 : i32
      %dma_start3A_910 = arith.constant 0 : i32
      %dma_start3A_911 = arith.constant 0 : i32
      %dma_start3A_912 = tpu.memref_slice %arg9[%dma_start3A_908, %dma_start3A_910, %dma_start3A_911] : memref<2x32x257xf32, #tpu.memory_space<vmem>> -> memref<1x32x256xf32, #tpu.memory_space<vmem>>
      %dma_start3A_913 = tpu.memref_squeeze %dma_start3A_912 : memref<1x32x256xf32, #tpu.memory_space<vmem>> -> memref<32x256xf32, #tpu.memory_space<vmem>>
      %dma_start3A_914 = arith.constant 0 : i32
      %dma_start3A_915 = arith.constant 0 : i32
      %dma_start3A_916 = tpu.memref_slice %arg5[%add3A_907, %dma_start3A_914, %add3A, %dma_start3A_915] : memref<200x32x32x256xf32, #tpu.memory_space<hbm>> -> memref<1x32x1x256xf32, #tpu.memory_space<hbm>>
      %dma_start3A_917 = tpu.memref_squeeze %dma_start3A_916 : memref<1x32x1x256xf32, #tpu.memory_space<hbm>> -> memref<32x256xf32, #tpu.memory_space<hbm>>
      %dma_start3A_918 = tpu.memref_slice %arg12[%dma_start3A_909] : memref<2x!tpu.dma_semaphore, #tpu.memory_space<semaphore_mem>> -> memref<1x!tpu.dma_semaphore, #tpu.memory_space<semaphore_mem>>
      %dma_start3A_919 = tpu.memref_squeeze %dma_start3A_918 : memref<1x!tpu.dma_semaphore, #tpu.memory_space<semaphore_mem>> -> memref<!tpu.dma_semaphore, #tpu.memory_space<semaphore_mem>>
      %dma_start3A_920 = arith.constant 0 : i32
      %dma_start3A_921 = arith.constant 0 : i32
      %dma_start3A_922 = tpu.memref_slice %arg5[%add3A_907, %dma_start3A_920, %add3A, %dma_start3A_921] : memref<200x32x32x256xf32, #tpu.memory_space<hbm>> -> memref<1x32x1x256xf32, #tpu.memory_space<hbm>>
      %dma_start3A_923 = tpu.memref_squeeze %dma_start3A_922 : memref<1x32x1x256xf32, #tpu.memory_space<hbm>> -> memref<32x256xf32, #tpu.memory_space<hbm>>
      %dma_start3A_924 = arith.constant 0 : i32
      %dma_start3A_925 = arith.constant 0 : i32
      %dma_start3A_926 = tpu.memref_slice %arg9[%dma_start3A_908, %dma_start3A_924, %dma_start3A_925] : memref<2x32x257xf32, #tpu.memory_space<vmem>> -> memref<1x32x256xf32, #tpu.memory_space<vmem>>
      %dma_start3A_927 = tpu.memref_squeeze %dma_start3A_926 : memref<1x32x256xf32, #tpu.memory_space<vmem>> -> memref<32x256xf32, #tpu.memory_space<vmem>>
      tpu.enqueue_dma source(%dma_start3A_927 : memref<32x256xf32, #tpu.memory_space<vmem>>) target(%dma_start3A_923 : memref<32x256xf32, #tpu.memory_space<hbm>>) target_semaphore(%dma_start3A_919 : memref<!tpu.dma_semaphore, #tpu.memory_space<semaphore_mem>>)
      %dma_wait3A_928 = arith.constant 7 : i32
      %dma_wait3A_929 = arith.constant 7 : i32
      %dma_wait3A_930 = arith.constant 7 : i32
      %dma_wait3A_931 = arith.constant 0 : i32
      %dma_wait3A_932 = arith.constant 0 : i32
      %dma_wait3A_933 = tpu.memref_slice %arg7[%dma_wait3A_929, %dma_wait3A_931, %dma_wait3A_932] : memref<8x128x32xf32, #tpu.memory_space<vmem>> -> memref<1x128x32xf32, #tpu.memory_space<vmem>>
      %dma_wait3A_934 = tpu.memref_squeeze %dma_wait3A_933 : memref<1x128x32xf32, #tpu.memory_space<vmem>> -> memref<128x32xf32, #tpu.memory_space<vmem>>
      %dma_wait3A_935 = arith.constant 0 : i32
      %dma_wait3A_936 = tpu.memref_slice %arg6[%and3A_358, %dma_wait3A_928, %dma_wait3A_935] : memref<2x8x128xi32, #tpu.memory_space<vmem>> -> memref<1x1x128xi32, #tpu.memory_space<vmem>>
      %dma_wait3A_937 = tpu.memref_squeeze %dma_wait3A_936 : memref<1x1x128xi32, #tpu.memory_space<vmem>> -> memref<128xi32, #tpu.memory_space<vmem>>
      %dma_wait3A_938 = arith.constant 0 : i32
      %dma_wait3A_939 = arith.constant 0 : i32
      %dma_wait3A_940 = tpu.memref_slice %arg3[%dma_wait3A_938, %dma_wait3A_939] : memref<1000000x32xf32, #tpu.memory_space<hbm>> -> memref<1000000x32xf32, #tpu.memory_space<hbm>>
      %dma_wait3A_941 = tpu.memref_slice %arg11[%dma_wait3A_930] : memref<8x!tpu.dma_semaphore, #tpu.memory_space<semaphore_mem>> -> memref<1x!tpu.dma_semaphore, #tpu.memory_space<semaphore_mem>>
      %dma_wait3A_942 = tpu.memref_squeeze %dma_wait3A_941 : memref<1x!tpu.dma_semaphore, #tpu.memory_space<semaphore_mem>> -> memref<!tpu.dma_semaphore, #tpu.memory_space<semaphore_mem>>
      tpu.wait_indirect_dma semaphore(%dma_wait3A_942 : memref<!tpu.dma_semaphore, #tpu.memory_space<semaphore_mem>>) src(%dma_wait3A_940 : memref<1000000x32xf32, #tpu.memory_space<hbm>>) dst(%dma_wait3A_934 : memref<128x32xf32, #tpu.memory_space<vmem>>)
      %dma_wait3A_943 = arith.constant 7 : i32
      %dma_wait3A_944 = arith.constant 7 : i32
      %dma_wait3A_945 = arith.constant 7 : i32
      %dma_wait3A_946 = arith.constant 0 : i32
      %dma_wait3A_947 = arith.constant 0 : i32
      %dma_wait3A_948 = tpu.memref_slice %arg8[%dma_wait3A_944, %dma_wait3A_946, %dma_wait3A_947] : memref<8x128x32xf32, #tpu.memory_space<vmem>> -> memref<1x128x32xf32, #tpu.memory_space<vmem>>
      %dma_wait3A_949 = tpu.memref_squeeze %dma_wait3A_948 : memref<1x128x32xf32, #tpu.memory_space<vmem>> -> memref<128x32xf32, #tpu.memory_space<vmem>>
      %dma_wait3A_950 = arith.constant 0 : i32
      %dma_wait3A_951 = tpu.memref_slice %arg6[%and3A_358, %dma_wait3A_943, %dma_wait3A_950] : memref<2x8x128xi32, #tpu.memory_space<vmem>> -> memref<1x1x128xi32, #tpu.memory_space<vmem>>
      %dma_wait3A_952 = tpu.memref_squeeze %dma_wait3A_951 : memref<1x1x128xi32, #tpu.memory_space<vmem>> -> memref<128xi32, #tpu.memory_space<vmem>>
      %dma_wait3A_953 = arith.constant 0 : i32
      %dma_wait3A_954 = arith.constant 0 : i32
      %dma_wait3A_955 = tpu.memref_slice %arg4[%dma_wait3A_953, %dma_wait3A_954] : memref<1000000x32xf32, #tpu.memory_space<hbm>> -> memref<1000000x32xf32, #tpu.memory_space<hbm>>
      %dma_wait3A_956 = tpu.memref_slice %arg11[%dma_wait3A_945] : memref<8x!tpu.dma_semaphore, #tpu.memory_space<semaphore_mem>> -> memref<1x!tpu.dma_semaphore, #tpu.memory_space<semaphore_mem>>
      %dma_wait3A_957 = tpu.memref_squeeze %dma_wait3A_956 : memref<1x!tpu.dma_semaphore, #tpu.memory_space<semaphore_mem>> -> memref<!tpu.dma_semaphore, #tpu.memory_space<semaphore_mem>>
      tpu.wait_indirect_dma semaphore(%dma_wait3A_957 : memref<!tpu.dma_semaphore, #tpu.memory_space<semaphore_mem>>) src(%dma_wait3A_955 : memref<1000000x32xf32, #tpu.memory_space<hbm>>) dst(%dma_wait3A_949 : memref<128x32xf32, #tpu.memory_space<vmem>>)
      %gt3A_958 = arith.constant 0 : i32
      %gt3A_959 = arith.cmpi sgt, %scan3A_356, %gt3A_958 : i32
      %or3A_960 = arith.constant true
      %or3A_961 = arith.ori %gt3A_959, %or3A_960 : i1
      %convert_element_type3A_962 = arith.extui %or3A_961 : i1 to i32
      %cond3A_963 = arith.constant 0 : i32
      %cond3A_964 = arith.cmpi ne, %convert_element_type3A_962, %cond3A_963 : i32
      scf.if %cond3A_964 {
        %sub3A = arith.constant 1 : i32
        %sub3A_1011 = arith.subi %scan3A_356, %sub3A : i32
        %jit3A = arith.constant true
        %select_n3A = arith.select %jit3A, %scan3A_356, %sub3A_1011 : i32
        %mul3A_1012 = arith.constant 8 : i32
        %mul3A_1013 = arith.muli %select_n3A, %mul3A_1012 : i32
        %add3A_1014 = arith.constant 5 : i32
        %add3A_1015 = arith.addi %mul3A_1013, %add3A_1014 : i32
        %dma_wait3A_1016 = arith.constant 1 : i32
        %dma_wait3A_1017 = arith.constant 1 : i32
        %dma_wait3A_1018 = arith.constant 0 : i32
        %dma_wait3A_1019 = arith.constant 0 : i32
        %dma_wait3A_1020 = tpu.memref_slice %arg9[%dma_wait3A_1016, %dma_wait3A_1018, %dma_wait3A_1019] : memref<2x32x257xf32, #tpu.memory_space<vmem>> -> memref<1x32x256xf32, #tpu.memory_space<vmem>>
        %dma_wait3A_1021 = tpu.memref_squeeze %dma_wait3A_1020 : memref<1x32x256xf32, #tpu.memory_space<vmem>> -> memref<32x256xf32, #tpu.memory_space<vmem>>
        %dma_wait3A_1022 = arith.constant 0 : i32
        %dma_wait3A_1023 = arith.constant 0 : i32
        %dma_wait3A_1024 = tpu.memref_slice %arg5[%add3A_1015, %dma_wait3A_1022, %add3A, %dma_wait3A_1023] : memref<200x32x32x256xf32, #tpu.memory_space<hbm>> -> memref<1x32x1x256xf32, #tpu.memory_space<hbm>>
        %dma_wait3A_1025 = tpu.memref_squeeze %dma_wait3A_1024 : memref<1x32x1x256xf32, #tpu.memory_space<hbm>> -> memref<32x256xf32, #tpu.memory_space<hbm>>
        %dma_wait3A_1026 = tpu.memref_slice %arg12[%dma_wait3A_1017] : memref<2x!tpu.dma_semaphore, #tpu.memory_space<semaphore_mem>> -> memref<1x!tpu.dma_semaphore, #tpu.memory_space<semaphore_mem>>
        %dma_wait3A_1027 = tpu.memref_squeeze %dma_wait3A_1026 : memref<1x!tpu.dma_semaphore, #tpu.memory_space<semaphore_mem>> -> memref<!tpu.dma_semaphore, #tpu.memory_space<semaphore_mem>>
        %dma_wait3A_1028 = arith.constant 0 : i32
        %dma_wait3A_1029 = arith.constant 0 : i32
        %dma_wait3A_1030 = tpu.memref_slice %arg5[%add3A_1015, %dma_wait3A_1028, %add3A, %dma_wait3A_1029] : memref<200x32x32x256xf32, #tpu.memory_space<hbm>> -> memref<1x32x1x256xf32, #tpu.memory_space<hbm>>
        %dma_wait3A_1031 = tpu.memref_squeeze %dma_wait3A_1030 : memref<1x32x1x256xf32, #tpu.memory_space<hbm>> -> memref<32x256xf32, #tpu.memory_space<hbm>>
        %dma_wait3A_1032 = arith.constant 0 : i32
        %dma_wait3A_1033 = arith.constant 0 : i32
        %dma_wait3A_1034 = tpu.memref_slice %arg9[%dma_wait3A_1016, %dma_wait3A_1032, %dma_wait3A_1033] : memref<2x32x257xf32, #tpu.memory_space<vmem>> -> memref<1x32x256xf32, #tpu.memory_space<vmem>>
        %dma_wait3A_1035 = tpu.memref_squeeze %dma_wait3A_1034 : memref<1x32x256xf32, #tpu.memory_space<vmem>> -> memref<32x256xf32, #tpu.memory_space<vmem>>
        tpu.wait_dma2 semaphore(%dma_wait3A_1027 : memref<!tpu.dma_semaphore, #tpu.memory_space<semaphore_mem>>) src(%dma_wait3A_1035 : memref<32x256xf32, #tpu.memory_space<vmem>>) dst(%dma_wait3A_1031 : memref<32x256xf32, #tpu.memory_space<hbm>>)
      } else {
      }
      %scan3A_965 = arith.constant 0 : i32
      %scan3A_966 = arith.constant 0 : i32
      %scan3A_967 = arith.constant 64 : i32
      %scan3A_968 = arith.addi %scan3A_966, %scan3A_967 : i32
      %scan3A_969 = arith.constant 2 : i32
      %scan3A_970 = scf.for %scan3A_1011 = %scan3A_966 to %scan3A_968 step %scan3A_969 iter_args(%scan3A_1012 = %scan3A_965) -> (i32)  : i32 {
        %mul3A_1013 = arith.constant 2 : i32
        %mul3A_1014 = arith.muli %scan3A_1011, %mul3A_1013 : i32
        %add3A_1015 = arith.constant 0 : i32
        %add3A_1016 = arith.addi %mul3A_1014, %add3A_1015 : i32
        %broadcast_in_dim3A = arith.constant 0 : i32
        %broadcast_in_dim3A_1017 = vector.broadcast %broadcast_in_dim3A : i32 to vector<16xi32>
        %add3A_1018 = vector.broadcast %add3A_1016 : i32 to vector<16xi32>
        %add3A_1019 = arith.addi %broadcast_in_dim3A_1017, %add3A_1018 : vector<16xi32>
        %add3A_1020 = arith.constant 128 : i32
        %add3A_1021 = vector.broadcast %add3A_1020 : i32 to vector<16xi32>
        %add3A_1022 = arith.addi %add3A_1019, %add3A_1021 : vector<16xi32>
        %get3A = arith.constant 7 : i32
        %get3A_1023 = arith.index_cast %get3A : i32 to index
        %get3A_1024 = arith.index_cast %add3A_1016 : i32 to index
        %get3A_1025 = arith.constant 0 : index
        %get3A_1026 = tpu.vector_load %arg7[%get3A_1023, %get3A_1024, %get3A_1025] {strides = array<i32>} : memref<8x128x32xf32, #tpu.memory_space<vmem>>, vector<16xf32>,
        %get3A_1027 = arith.constant 7 : i32
        %get3A_1028 = arith.index_cast %get3A_1027 : i32 to index
        %get3A_1029 = arith.index_cast %add3A_1016 : i32 to index
        %get3A_1030 = arith.constant 0 : index
        %get3A_1031 = tpu.vector_load %arg8[%get3A_1028, %get3A_1029, %get3A_1030] {strides = array<i32>} : memref<8x128x32xf32, #tpu.memory_space<vmem>>, vector<16xf32>,
        %scatter3A = arith.constant 1 : i32
        %scatter3A_1032 = arith.constant 0 : i32
        %scatter3A_1033 = arith.constant 0 : i32
        %scatter3A_1034 = tpu.memref_slice %arg9[%scatter3A, %scatter3A_1032, %scatter3A_1033] : memref<2x32x257xf32, #tpu.memory_space<vmem>> -> memref<1x32x257xf32, #tpu.memory_space<vmem>>
        %scatter3A_1035 = tpu.memref_squeeze %scatter3A_1034 : memref<1x32x257xf32, #tpu.memory_space<vmem>> -> memref<32x257xf32, #tpu.memory_space<vmem>>
        tpu.vector_store_idx %scatter3A_1035[%iota3A, %add3A_1019], %get3A_1026 : memref<32x257xf32, #tpu.memory_space<vmem>>[vector<16xi32>, vector<16xi32>], vector<16xf32>,
        %scatter3A_1036 = arith.constant 1 : i32
        %scatter3A_1037 = arith.constant 0 : i32
        %scatter3A_1038 = arith.constant 0 : i32
        %scatter3A_1039 = tpu.memref_slice %arg9[%scatter3A_1036, %scatter3A_1037, %scatter3A_1038] : memref<2x32x257xf32, #tpu.memory_space<vmem>> -> memref<1x32x257xf32, #tpu.memory_space<vmem>>
        %scatter3A_1040 = tpu.memref_squeeze %scatter3A_1039 : memref<1x32x257xf32, #tpu.memory_space<vmem>> -> memref<32x257xf32, #tpu.memory_space<vmem>>
        tpu.vector_store_idx %scatter3A_1040[%iota3A, %add3A_1022], %get3A_1031 : memref<32x257xf32, #tpu.memory_space<vmem>>[vector<16xi32>, vector<16xi32>], vector<16xf32>,
        %get3A_1041 = arith.constant 7 : i32
        %get3A_1042 = arith.index_cast %get3A_1041 : i32 to index
        %get3A_1043 = arith.index_cast %add3A_1016 : i32 to index
        %get3A_1044 = arith.constant 16 : index
        %get3A_1045 = tpu.vector_load %arg7[%get3A_1042, %get3A_1043, %get3A_1044] {strides = array<i32>} : memref<8x128x32xf32, #tpu.memory_space<vmem>>, vector<16xf32>,
        %get3A_1046 = arith.constant 7 : i32
        %get3A_1047 = arith.index_cast %get3A_1046 : i32 to index
        %get3A_1048 = arith.index_cast %add3A_1016 : i32 to index
        %get3A_1049 = arith.constant 16 : index
        %get3A_1050 = tpu.vector_load %arg8[%get3A_1047, %get3A_1048, %get3A_1049] {strides = array<i32>} : memref<8x128x32xf32, #tpu.memory_space<vmem>>, vector<16xf32>,
        %scatter3A_1051 = arith.constant 1 : i32
        %scatter3A_1052 = arith.constant 0 : i32
        %scatter3A_1053 = arith.constant 0 : i32
        %scatter3A_1054 = tpu.memref_slice %arg9[%scatter3A_1051, %scatter3A_1052, %scatter3A_1053] : memref<2x32x257xf32, #tpu.memory_space<vmem>> -> memref<1x32x257xf32, #tpu.memory_space<vmem>>
        %scatter3A_1055 = tpu.memref_squeeze %scatter3A_1054 : memref<1x32x257xf32, #tpu.memory_space<vmem>> -> memref<32x257xf32, #tpu.memory_space<vmem>>
        tpu.vector_store_idx %scatter3A_1055[%add3A_5, %add3A_1019], %get3A_1045 : memref<32x257xf32, #tpu.memory_space<vmem>>[vector<16xi32>, vector<16xi32>], vector<16xf32>,
        %scatter3A_1056 = arith.constant 1 : i32
        %scatter3A_1057 = arith.constant 0 : i32
        %scatter3A_1058 = arith.constant 0 : i32
        %scatter3A_1059 = tpu.memref_slice %arg9[%scatter3A_1056, %scatter3A_1057, %scatter3A_1058] : memref<2x32x257xf32, #tpu.memory_space<vmem>> -> memref<1x32x257xf32, #tpu.memory_space<vmem>>
        %scatter3A_1060 = tpu.memref_squeeze %scatter3A_1059 : memref<1x32x257xf32, #tpu.memory_space<vmem>> -> memref<32x257xf32, #tpu.memory_space<vmem>>
        tpu.vector_store_idx %scatter3A_1060[%add3A_5, %add3A_1022], %get3A_1050 : memref<32x257xf32, #tpu.memory_space<vmem>>[vector<16xi32>, vector<16xi32>], vector<16xf32>,
        %mul3A_1061 = arith.constant 2 : i32
        %mul3A_1062 = arith.muli %scan3A_1011, %mul3A_1061 : i32
        %add3A_1063 = arith.constant 1 : i32
        %add3A_1064 = arith.addi %mul3A_1062, %add3A_1063 : i32
        %broadcast_in_dim3A_1065 = arith.constant 0 : i32
        %broadcast_in_dim3A_1066 = vector.broadcast %broadcast_in_dim3A_1065 : i32 to vector<16xi32>
        %add3A_1067 = vector.broadcast %add3A_1064 : i32 to vector<16xi32>
        %add3A_1068 = arith.addi %broadcast_in_dim3A_1066, %add3A_1067 : vector<16xi32>
        %add3A_1069 = arith.constant 128 : i32
        %add3A_1070 = vector.broadcast %add3A_1069 : i32 to vector<16xi32>
        %add3A_1071 = arith.addi %add3A_1068, %add3A_1070 : vector<16xi32>
        %get3A_1072 = arith.constant 7 : i32
        %get3A_1073 = arith.index_cast %get3A_1072 : i32 to index
        %get3A_1074 = arith.index_cast %add3A_1064 : i32 to index
        %get3A_1075 = arith.constant 0 : index
        %get3A_1076 = tpu.vector_load %arg7[%get3A_1073, %get3A_1074, %get3A_1075] {strides = array<i32>} : memref<8x128x32xf32, #tpu.memory_space<vmem>>, vector<16xf32>,
        %get3A_1077 = arith.constant 7 : i32
        %get3A_1078 = arith.index_cast %get3A_1077 : i32 to index
        %get3A_1079 = arith.index_cast %add3A_1064 : i32 to index
        %get3A_1080 = arith.constant 0 : index
        %get3A_1081 = tpu.vector_load %arg8[%get3A_1078, %get3A_1079, %get3A_1080] {strides = array<i32>} : memref<8x128x32xf32, #tpu.memory_space<vmem>>, vector<16xf32>,
        %scatter3A_1082 = arith.constant 1 : i32
        %scatter3A_1083 = arith.constant 0 : i32
        %scatter3A_1084 = arith.constant 0 : i32
        %scatter3A_1085 = tpu.memref_slice %arg9[%scatter3A_1082, %scatter3A_1083, %scatter3A_1084] : memref<2x32x257xf32, #tpu.memory_space<vmem>> -> memref<1x32x257xf32, #tpu.memory_space<vmem>>
        %scatter3A_1086 = tpu.memref_squeeze %scatter3A_1085 : memref<1x32x257xf32, #tpu.memory_space<vmem>> -> memref<32x257xf32, #tpu.memory_space<vmem>>
        tpu.vector_store_idx %scatter3A_1086[%iota3A, %add3A_1068], %get3A_1076 : memref<32x257xf32, #tpu.memory_space<vmem>>[vector<16xi32>, vector<16xi32>], vector<16xf32>,
        %scatter3A_1087 = arith.constant 1 : i32
        %scatter3A_1088 = arith.constant 0 : i32
        %scatter3A_1089 = arith.constant 0 : i32
        %scatter3A_1090 = tpu.memref_slice %arg9[%scatter3A_1087, %scatter3A_1088, %scatter3A_1089] : memref<2x32x257xf32, #tpu.memory_space<vmem>> -> memref<1x32x257xf32, #tpu.memory_space<vmem>>
        %scatter3A_1091 = tpu.memref_squeeze %scatter3A_1090 : memref<1x32x257xf32, #tpu.memory_space<vmem>> -> memref<32x257xf32, #tpu.memory_space<vmem>>
        tpu.vector_store_idx %scatter3A_1091[%iota3A, %add3A_1071], %get3A_1081 : memref<32x257xf32, #tpu.memory_space<vmem>>[vector<16xi32>, vector<16xi32>], vector<16xf32>,
        %get3A_1092 = arith.constant 7 : i32
        %get3A_1093 = arith.index_cast %get3A_1092 : i32 to index
        %get3A_1094 = arith.index_cast %add3A_1064 : i32 to index
        %get3A_1095 = arith.constant 16 : index
        %get3A_1096 = tpu.vector_load %arg7[%get3A_1093, %get3A_1094, %get3A_1095] {strides = array<i32>} : memref<8x128x32xf32, #tpu.memory_space<vmem>>, vector<16xf32>,
        %get3A_1097 = arith.constant 7 : i32
        %get3A_1098 = arith.index_cast %get3A_1097 : i32 to index
        %get3A_1099 = arith.index_cast %add3A_1064 : i32 to index
        %get3A_1100 = arith.constant 16 : index
        %get3A_1101 = tpu.vector_load %arg8[%get3A_1098, %get3A_1099, %get3A_1100] {strides = array<i32>} : memref<8x128x32xf32, #tpu.memory_space<vmem>>, vector<16xf32>,
        %scatter3A_1102 = arith.constant 1 : i32
        %scatter3A_1103 = arith.constant 0 : i32
        %scatter3A_1104 = arith.constant 0 : i32
        %scatter3A_1105 = tpu.memref_slice %arg9[%scatter3A_1102, %scatter3A_1103, %scatter3A_1104] : memref<2x32x257xf32, #tpu.memory_space<vmem>> -> memref<1x32x257xf32, #tpu.memory_space<vmem>>
        %scatter3A_1106 = tpu.memref_squeeze %scatter3A_1105 : memref<1x32x257xf32, #tpu.memory_space<vmem>> -> memref<32x257xf32, #tpu.memory_space<vmem>>
        tpu.vector_store_idx %scatter3A_1106[%add3A_5, %add3A_1068], %get3A_1096 : memref<32x257xf32, #tpu.memory_space<vmem>>[vector<16xi32>, vector<16xi32>], vector<16xf32>,
        %scatter3A_1107 = arith.constant 1 : i32
        %scatter3A_1108 = arith.constant 0 : i32
        %scatter3A_1109 = arith.constant 0 : i32
        %scatter3A_1110 = tpu.memref_slice %arg9[%scatter3A_1107, %scatter3A_1108, %scatter3A_1109] : memref<2x32x257xf32, #tpu.memory_space<vmem>> -> memref<1x32x257xf32, #tpu.memory_space<vmem>>
        %scatter3A_1111 = tpu.memref_squeeze %scatter3A_1110 : memref<1x32x257xf32, #tpu.memory_space<vmem>> -> memref<32x257xf32, #tpu.memory_space<vmem>>
        tpu.vector_store_idx %scatter3A_1111[%add3A_5, %add3A_1071], %get3A_1101 : memref<32x257xf32, #tpu.memory_space<vmem>>[vector<16xi32>, vector<16xi32>], vector<16xf32>,
        %scan3A_1112 = arith.constant 0 : i32
        %scan3A_1113 = arith.constant 1 : i32
        %scan3A_1114 = arith.addi %scan3A_1011, %scan3A_1113 : i32
        %mul3A_1115 = arith.constant 2 : i32
        %mul3A_1116 = arith.muli %scan3A_1114, %mul3A_1115 : i32
        %add3A_1117 = arith.constant 0 : i32
        %add3A_1118 = arith.addi %mul3A_1116, %add3A_1117 : i32
        %broadcast_in_dim3A_1119 = arith.constant 0 : i32
        %broadcast_in_dim3A_1120 = vector.broadcast %broadcast_in_dim3A_1119 : i32 to vector<16xi32>
        %add3A_1121 = vector.broadcast %add3A_1118 : i32 to vector<16xi32>
        %add3A_1122 = arith.addi %broadcast_in_dim3A_1120, %add3A_1121 : vector<16xi32>
        %add3A_1123 = arith.constant 128 : i32
        %add3A_1124 = vector.broadcast %add3A_1123 : i32 to vector<16xi32>
        %add3A_1125 = arith.addi %add3A_1122, %add3A_1124 : vector<16xi32>
        %get3A_1126 = arith.constant 7 : i32
        %get3A_1127 = arith.index_cast %get3A_1126 : i32 to index
        %get3A_1128 = arith.index_cast %add3A_1118 : i32 to index
        %get3A_1129 = arith.constant 0 : index
        %get3A_1130 = tpu.vector_load %arg7[%get3A_1127, %get3A_1128, %get3A_1129] {strides = array<i32>} : memref<8x128x32xf32, #tpu.memory_space<vmem>>, vector<16xf32>,
        %get3A_1131 = arith.constant 7 : i32
        %get3A_1132 = arith.index_cast %get3A_1131 : i32 to index
        %get3A_1133 = arith.index_cast %add3A_1118 : i32 to index
        %get3A_1134 = arith.constant 0 : index
        %get3A_1135 = tpu.vector_load %arg8[%get3A_1132, %get3A_1133, %get3A_1134] {strides = array<i32>} : memref<8x128x32xf32, #tpu.memory_space<vmem>>, vector<16xf32>,
        %scatter3A_1136 = arith.constant 1 : i32
        %scatter3A_1137 = arith.constant 0 : i32
        %scatter3A_1138 = arith.constant 0 : i32
        %scatter3A_1139 = tpu.memref_slice %arg9[%scatter3A_1136, %scatter3A_1137, %scatter3A_1138] : memref<2x32x257xf32, #tpu.memory_space<vmem>> -> memref<1x32x257xf32, #tpu.memory_space<vmem>>
        %scatter3A_1140 = tpu.memref_squeeze %scatter3A_1139 : memref<1x32x257xf32, #tpu.memory_space<vmem>> -> memref<32x257xf32, #tpu.memory_space<vmem>>
        tpu.vector_store_idx %scatter3A_1140[%iota3A, %add3A_1122], %get3A_1130 : memref<32x257xf32, #tpu.memory_space<vmem>>[vector<16xi32>, vector<16xi32>], vector<16xf32>,
        %scatter3A_1141 = arith.constant 1 : i32
        %scatter3A_1142 = arith.constant 0 : i32
        %scatter3A_1143 = arith.constant 0 : i32
        %scatter3A_1144 = tpu.memref_slice %arg9[%scatter3A_1141, %scatter3A_1142, %scatter3A_1143] : memref<2x32x257xf32, #tpu.memory_space<vmem>> -> memref<1x32x257xf32, #tpu.memory_space<vmem>>
        %scatter3A_1145 = tpu.memref_squeeze %scatter3A_1144 : memref<1x32x257xf32, #tpu.memory_space<vmem>> -> memref<32x257xf32, #tpu.memory_space<vmem>>
        tpu.vector_store_idx %scatter3A_1145[%iota3A, %add3A_1125], %get3A_1135 : memref<32x257xf32, #tpu.memory_space<vmem>>[vector<16xi32>, vector<16xi32>], vector<16xf32>,
        %get3A_1146 = arith.constant 7 : i32
        %get3A_1147 = arith.index_cast %get3A_1146 : i32 to index
        %get3A_1148 = arith.index_cast %add3A_1118 : i32 to index
        %get3A_1149 = arith.constant 16 : index
        %get3A_1150 = tpu.vector_load %arg7[%get3A_1147, %get3A_1148, %get3A_1149] {strides = array<i32>} : memref<8x128x32xf32, #tpu.memory_space<vmem>>, vector<16xf32>,
        %get3A_1151 = arith.constant 7 : i32
        %get3A_1152 = arith.index_cast %get3A_1151 : i32 to index
        %get3A_1153 = arith.index_cast %add3A_1118 : i32 to index
        %get3A_1154 = arith.constant 16 : index
        %get3A_1155 = tpu.vector_load %arg8[%get3A_1152, %get3A_1153, %get3A_1154] {strides = array<i32>} : memref<8x128x32xf32, #tpu.memory_space<vmem>>, vector<16xf32>,
        %scatter3A_1156 = arith.constant 1 : i32
        %scatter3A_1157 = arith.constant 0 : i32
        %scatter3A_1158 = arith.constant 0 : i32
        %scatter3A_1159 = tpu.memref_slice %arg9[%scatter3A_1156, %scatter3A_1157, %scatter3A_1158] : memref<2x32x257xf32, #tpu.memory_space<vmem>> -> memref<1x32x257xf32, #tpu.memory_space<vmem>>
        %scatter3A_1160 = tpu.memref_squeeze %scatter3A_1159 : memref<1x32x257xf32, #tpu.memory_space<vmem>> -> memref<32x257xf32, #tpu.memory_space<vmem>>
        tpu.vector_store_idx %scatter3A_1160[%add3A_5, %add3A_1122], %get3A_1150 : memref<32x257xf32, #tpu.memory_space<vmem>>[vector<16xi32>, vector<16xi32>], vector<16xf32>,
        %scatter3A_1161 = arith.constant 1 : i32
        %scatter3A_1162 = arith.constant 0 : i32
        %scatter3A_1163 = arith.constant 0 : i32
        %scatter3A_1164 = tpu.memref_slice %arg9[%scatter3A_1161, %scatter3A_1162, %scatter3A_1163] : memref<2x32x257xf32, #tpu.memory_space<vmem>> -> memref<1x32x257xf32, #tpu.memory_space<vmem>>
        %scatter3A_1165 = tpu.memref_squeeze %scatter3A_1164 : memref<1x32x257xf32, #tpu.memory_space<vmem>> -> memref<32x257xf32, #tpu.memory_space<vmem>>
        tpu.vector_store_idx %scatter3A_1165[%add3A_5, %add3A_1125], %get3A_1155 : memref<32x257xf32, #tpu.memory_space<vmem>>[vector<16xi32>, vector<16xi32>], vector<16xf32>,
        %mul3A_1166 = arith.constant 2 : i32
        %mul3A_1167 = arith.muli %scan3A_1114, %mul3A_1166 : i32
        %add3A_1168 = arith.constant 1 : i32
        %add3A_1169 = arith.addi %mul3A_1167, %add3A_1168 : i32
        %broadcast_in_dim3A_1170 = arith.constant 0 : i32
        %broadcast_in_dim3A_1171 = vector.broadcast %broadcast_in_dim3A_1170 : i32 to vector<16xi32>
        %add3A_1172 = vector.broadcast %add3A_1169 : i32 to vector<16xi32>
        %add3A_1173 = arith.addi %broadcast_in_dim3A_1171, %add3A_1172 : vector<16xi32>
        %add3A_1174 = arith.constant 128 : i32
        %add3A_1175 = vector.broadcast %add3A_1174 : i32 to vector<16xi32>
        %add3A_1176 = arith.addi %add3A_1173, %add3A_1175 : vector<16xi32>
        %get3A_1177 = arith.constant 7 : i32
        %get3A_1178 = arith.index_cast %get3A_1177 : i32 to index
        %get3A_1179 = arith.index_cast %add3A_1169 : i32 to index
        %get3A_1180 = arith.constant 0 : index
        %get3A_1181 = tpu.vector_load %arg7[%get3A_1178, %get3A_1179, %get3A_1180] {strides = array<i32>} : memref<8x128x32xf32, #tpu.memory_space<vmem>>, vector<16xf32>,
        %get3A_1182 = arith.constant 7 : i32
        %get3A_1183 = arith.index_cast %get3A_1182 : i32 to index
        %get3A_1184 = arith.index_cast %add3A_1169 : i32 to index
        %get3A_1185 = arith.constant 0 : index
        %get3A_1186 = tpu.vector_load %arg8[%get3A_1183, %get3A_1184, %get3A_1185] {strides = array<i32>} : memref<8x128x32xf32, #tpu.memory_space<vmem>>, vector<16xf32>,
        %scatter3A_1187 = arith.constant 1 : i32
        %scatter3A_1188 = arith.constant 0 : i32
        %scatter3A_1189 = arith.constant 0 : i32
        %scatter3A_1190 = tpu.memref_slice %arg9[%scatter3A_1187, %scatter3A_1188, %scatter3A_1189] : memref<2x32x257xf32, #tpu.memory_space<vmem>> -> memref<1x32x257xf32, #tpu.memory_space<vmem>>
        %scatter3A_1191 = tpu.memref_squeeze %scatter3A_1190 : memref<1x32x257xf32, #tpu.memory_space<vmem>> -> memref<32x257xf32, #tpu.memory_space<vmem>>
        tpu.vector_store_idx %scatter3A_1191[%iota3A, %add3A_1173], %get3A_1181 : memref<32x257xf32, #tpu.memory_space<vmem>>[vector<16xi32>, vector<16xi32>], vector<16xf32>,
        %scatter3A_1192 = arith.constant 1 : i32
        %scatter3A_1193 = arith.constant 0 : i32
        %scatter3A_1194 = arith.constant 0 : i32
        %scatter3A_1195 = tpu.memref_slice %arg9[%scatter3A_1192, %scatter3A_1193, %scatter3A_1194] : memref<2x32x257xf32, #tpu.memory_space<vmem>> -> memref<1x32x257xf32, #tpu.memory_space<vmem>>
        %scatter3A_1196 = tpu.memref_squeeze %scatter3A_1195 : memref<1x32x257xf32, #tpu.memory_space<vmem>> -> memref<32x257xf32, #tpu.memory_space<vmem>>
        tpu.vector_store_idx %scatter3A_1196[%iota3A, %add3A_1176], %get3A_1186 : memref<32x257xf32, #tpu.memory_space<vmem>>[vector<16xi32>, vector<16xi32>], vector<16xf32>,
        %get3A_1197 = arith.constant 7 : i32
        %get3A_1198 = arith.index_cast %get3A_1197 : i32 to index
        %get3A_1199 = arith.index_cast %add3A_1169 : i32 to index
        %get3A_1200 = arith.constant 16 : index
        %get3A_1201 = tpu.vector_load %arg7[%get3A_1198, %get3A_1199, %get3A_1200] {strides = array<i32>} : memref<8x128x32xf32, #tpu.memory_space<vmem>>, vector<16xf32>,
        %get3A_1202 = arith.constant 7 : i32
        %get3A_1203 = arith.index_cast %get3A_1202 : i32 to index
        %get3A_1204 = arith.index_cast %add3A_1169 : i32 to index
        %get3A_1205 = arith.constant 16 : index
        %get3A_1206 = tpu.vector_load %arg8[%get3A_1203, %get3A_1204, %get3A_1205] {strides = array<i32>} : memref<8x128x32xf32, #tpu.memory_space<vmem>>, vector<16xf32>,
        %scatter3A_1207 = arith.constant 1 : i32
        %scatter3A_1208 = arith.constant 0 : i32
        %scatter3A_1209 = arith.constant 0 : i32
        %scatter3A_1210 = tpu.memref_slice %arg9[%scatter3A_1207, %scatter3A_1208, %scatter3A_1209] : memref<2x32x257xf32, #tpu.memory_space<vmem>> -> memref<1x32x257xf32, #tpu.memory_space<vmem>>
        %scatter3A_1211 = tpu.memref_squeeze %scatter3A_1210 : memref<1x32x257xf32, #tpu.memory_space<vmem>> -> memref<32x257xf32, #tpu.memory_space<vmem>>
        tpu.vector_store_idx %scatter3A_1211[%add3A_5, %add3A_1173], %get3A_1201 : memref<32x257xf32, #tpu.memory_space<vmem>>[vector<16xi32>, vector<16xi32>], vector<16xf32>,
        %scatter3A_1212 = arith.constant 1 : i32
        %scatter3A_1213 = arith.constant 0 : i32
        %scatter3A_1214 = arith.constant 0 : i32
        %scatter3A_1215 = tpu.memref_slice %arg9[%scatter3A_1212, %scatter3A_1213, %scatter3A_1214] : memref<2x32x257xf32, #tpu.memory_space<vmem>> -> memref<1x32x257xf32, #tpu.memory_space<vmem>>
        %scatter3A_1216 = tpu.memref_squeeze %scatter3A_1215 : memref<1x32x257xf32, #tpu.memory_space<vmem>> -> memref<32x257xf32, #tpu.memory_space<vmem>>
        tpu.vector_store_idx %scatter3A_1216[%add3A_5, %add3A_1176], %get3A_1206 : memref<32x257xf32, #tpu.memory_space<vmem>>[vector<16xi32>, vector<16xi32>], vector<16xf32>,
        %scan3A_1217 = arith.constant 0 : i32
        scf.yield %scan3A_1217 : i32
      }
      %scan3A_971 = arith.constant 64 : i32
      %add3A_972 = arith.constant 1 : i32
      %add3A_973 = arith.addi %scan3A_356, %add3A_972 : i32
      %lt3A_974 = arith.constant 25 : i32
      %lt3A_975 = arith.cmpi slt, %add3A_973, %lt3A_974 : i32
      %convert_element_type3A_976 = arith.extui %lt3A_975 : i1 to i32
      %cond3A_977 = arith.constant 0 : i32
      %cond3A_978 = arith.cmpi ne, %convert_element_type3A_976, %cond3A_977 : i32
      scf.if %cond3A_978 {
        %sub3A = arith.constant 1 : i32
        %sub3A_1011 = arith.subi %sub3A, %and3A_358 : i32
        %dma_start3A_1012 = arith.constant 7 : i32
        %dma_start3A_1013 = arith.constant 7 : i32
        %dma_start3A_1014 = arith.constant 7 : i32
        %dma_start3A_1015 = arith.constant 0 : i32
        %dma_start3A_1016 = arith.constant 0 : i32
        %dma_start3A_1017 = tpu.memref_slice %arg7[%dma_start3A_1013, %dma_start3A_1015, %dma_start3A_1016] : memref<8x128x32xf32, #tpu.memory_space<vmem>> -> memref<1x128x32xf32, #tpu.memory_space<vmem>>
        %dma_start3A_1018 = tpu.memref_squeeze %dma_start3A_1017 : memref<1x128x32xf32, #tpu.memory_space<vmem>> -> memref<128x32xf32, #tpu.memory_space<vmem>>
        %dma_start3A_1019 = arith.constant 0 : i32
        %dma_start3A_1020 = tpu.memref_slice %arg6[%sub3A_1011, %dma_start3A_1012, %dma_start3A_1019] : memref<2x8x128xi32, #tpu.memory_space<vmem>> -> memref<1x1x128xi32, #tpu.memory_space<vmem>>
        %dma_start3A_1021 = tpu.memref_squeeze %dma_start3A_1020 : memref<1x1x128xi32, #tpu.memory_space<vmem>> -> memref<128xi32, #tpu.memory_space<vmem>>
        %dma_start3A_1022 = arith.constant 0 : i32
        %dma_start3A_1023 = arith.constant 0 : i32
        %dma_start3A_1024 = tpu.memref_slice %arg3[%dma_start3A_1022, %dma_start3A_1023] : memref<1000000x32xf32, #tpu.memory_space<hbm>> -> memref<1000000x32xf32, #tpu.memory_space<hbm>>
        %dma_start3A_1025 = tpu.memref_slice %arg11[%dma_start3A_1014] : memref<8x!tpu.dma_semaphore, #tpu.memory_space<semaphore_mem>> -> memref<1x!tpu.dma_semaphore, #tpu.memory_space<semaphore_mem>>
        %dma_start3A_1026 = tpu.memref_squeeze %dma_start3A_1025 : memref<1x!tpu.dma_semaphore, #tpu.memory_space<semaphore_mem>> -> memref<!tpu.dma_semaphore, #tpu.memory_space<semaphore_mem>>
        tpu.enqueue_indirect_dma source(%dma_start3A_1024 : memref<1000000x32xf32, #tpu.memory_space<hbm>>) target(%dma_start3A_1018 : memref<128x32xf32, #tpu.memory_space<vmem>>) offsets(%dma_start3A_1021 : memref<128xi32, #tpu.memory_space<vmem>>) semaphore(%dma_start3A_1026 : memref<!tpu.dma_semaphore, #tpu.memory_space<semaphore_mem>>)
        %dma_start3A_1027 = arith.constant 7 : i32
        %dma_start3A_1028 = arith.constant 7 : i32
        %dma_start3A_1029 = arith.constant 7 : i32
        %dma_start3A_1030 = arith.constant 0 : i32
        %dma_start3A_1031 = arith.constant 0 : i32
        %dma_start3A_1032 = tpu.memref_slice %arg8[%dma_start3A_1028, %dma_start3A_1030, %dma_start3A_1031] : memref<8x128x32xf32, #tpu.memory_space<vmem>> -> memref<1x128x32xf32, #tpu.memory_space<vmem>>
        %dma_start3A_1033 = tpu.memref_squeeze %dma_start3A_1032 : memref<1x128x32xf32, #tpu.memory_space<vmem>> -> memref<128x32xf32, #tpu.memory_space<vmem>>
        %dma_start3A_1034 = arith.constant 0 : i32
        %dma_start3A_1035 = tpu.memref_slice %arg6[%sub3A_1011, %dma_start3A_1027, %dma_start3A_1034] : memref<2x8x128xi32, #tpu.memory_space<vmem>> -> memref<1x1x128xi32, #tpu.memory_space<vmem>>
        %dma_start3A_1036 = tpu.memref_squeeze %dma_start3A_1035 : memref<1x1x128xi32, #tpu.memory_space<vmem>> -> memref<128xi32, #tpu.memory_space<vmem>>
        %dma_start3A_1037 = arith.constant 0 : i32
        %dma_start3A_1038 = arith.constant 0 : i32
        %dma_start3A_1039 = tpu.memref_slice %arg4[%dma_start3A_1037, %dma_start3A_1038] : memref<1000000x32xf32, #tpu.memory_space<hbm>> -> memref<1000000x32xf32, #tpu.memory_space<hbm>>
        %dma_start3A_1040 = tpu.memref_slice %arg11[%dma_start3A_1029] : memref<8x!tpu.dma_semaphore, #tpu.memory_space<semaphore_mem>> -> memref<1x!tpu.dma_semaphore, #tpu.memory_space<semaphore_mem>>
        %dma_start3A_1041 = tpu.memref_squeeze %dma_start3A_1040 : memref<1x!tpu.dma_semaphore, #tpu.memory_space<semaphore_mem>> -> memref<!tpu.dma_semaphore, #tpu.memory_space<semaphore_mem>>
        tpu.enqueue_indirect_dma source(%dma_start3A_1039 : memref<1000000x32xf32, #tpu.memory_space<hbm>>) target(%dma_start3A_1033 : memref<128x32xf32, #tpu.memory_space<vmem>>) offsets(%dma_start3A_1036 : memref<128xi32, #tpu.memory_space<vmem>>) semaphore(%dma_start3A_1041 : memref<!tpu.dma_semaphore, #tpu.memory_space<semaphore_mem>>)
      } else {
      }
      %add3A_979 = arith.constant 2 : i32
      %add3A_980 = arith.addi %scan3A_356, %add3A_979 : i32
      %lt3A_981 = arith.constant 25 : i32
      %lt3A_982 = arith.cmpi slt, %add3A_980, %lt3A_981 : i32
      %convert_element_type3A_983 = arith.extui %lt3A_982 : i1 to i32
      %cond3A_984 = arith.constant 0 : i32
      %cond3A_985 = arith.cmpi ne, %convert_element_type3A_983, %cond3A_984 : i32
      scf.if %cond3A_985 {
        %add3A_1011 = arith.constant 2 : i32
        %add3A_1012 = arith.addi %scan3A_356, %add3A_1011 : i32
        %mul3A_1013 = arith.constant 8 : i32
        %mul3A_1014 = arith.muli %add3A_1012, %mul3A_1013 : i32
        %dma_start3A_1015 = arith.constant 0 : i32
        %dma_start3A_1016 = arith.constant 0 : i32
        %dma_start3A_1017 = tpu.memref_slice %arg6[%and3A_358, %dma_start3A_1015, %dma_start3A_1016] : memref<2x8x128xi32, #tpu.memory_space<vmem>> -> memref<1x8x128xi32, #tpu.memory_space<vmem>>
        %dma_start3A_1018 = tpu.memref_squeeze %dma_start3A_1017 : memref<1x8x128xi32, #tpu.memory_space<vmem>> -> memref<8x128xi32, #tpu.memory_space<vmem>>
        %dma_start3A_1019 = tpu.memref_slice %arg2[%mul3A_1014, %mul3A_2] : memref<200x4096xi32, #tpu.memory_space<hbm>> -> memref<8x128xi32, #tpu.memory_space<hbm>>
        %dma_start3A_1020 = tpu.memref_slice %arg10[%and3A_358] : memref<2x!tpu.dma_semaphore, #tpu.memory_space<semaphore_mem>> -> memref<1x!tpu.dma_semaphore, #tpu.memory_space<semaphore_mem>>
        %dma_start3A_1021 = tpu.memref_squeeze %dma_start3A_1020 : memref<1x!tpu.dma_semaphore, #tpu.memory_space<semaphore_mem>> -> memref<!tpu.dma_semaphore, #tpu.memory_space<semaphore_mem>>
        %dma_start3A_1022 = arith.constant 0 : i32
        %dma_start3A_1023 = arith.constant 0 : i32
        %dma_start3A_1024 = tpu.memref_slice %arg6[%and3A_358, %dma_start3A_1022, %dma_start3A_1023] : memref<2x8x128xi32, #tpu.memory_space<vmem>> -> memref<1x8x128xi32, #tpu.memory_space<vmem>>
        %dma_start3A_1025 = tpu.memref_squeeze %dma_start3A_1024 : memref<1x8x128xi32, #tpu.memory_space<vmem>> -> memref<8x128xi32, #tpu.memory_space<vmem>>
        %dma_start3A_1026 = tpu.memref_slice %arg2[%mul3A_1014, %mul3A_2] : memref<200x4096xi32, #tpu.memory_space<hbm>> -> memref<8x128xi32, #tpu.memory_space<hbm>>
        tpu.enqueue_dma source(%dma_start3A_1026 : memref<8x128xi32, #tpu.memory_space<hbm>>) target(%dma_start3A_1025 : memref<8x128xi32, #tpu.memory_space<vmem>>) target_semaphore(%dma_start3A_1021 : memref<!tpu.dma_semaphore, #tpu.memory_space<semaphore_mem>>)
      } else {
      }
      %mul3A_986 = arith.constant 8 : i32
      %mul3A_987 = arith.muli %scan3A_356, %mul3A_986 : i32
      %add3A_988 = arith.constant 7 : i32
      %add3A_989 = arith.addi %mul3A_987, %add3A_988 : i32
      %dma_start3A_990 = arith.constant 1 : i32
      %dma_start3A_991 = arith.constant 1 : i32
      %dma_start3A_992 = arith.constant 0 : i32
      %dma_start3A_993 = arith.constant 0 : i32
      %dma_start3A_994 = tpu.memref_slice %arg9[%dma_start3A_990, %dma_start3A_992, %dma_start3A_993] : memref<2x32x257xf32, #tpu.memory_space<vmem>> -> memref<1x32x256xf32, #tpu.memory_space<vmem>>
      %dma_start3A_995 = tpu.memref_squeeze %dma_start3A_994 : memref<1x32x256xf32, #tpu.memory_space<vmem>> -> memref<32x256xf32, #tpu.memory_space<vmem>>
      %dma_start3A_996 = arith.constant 0 : i32
      %dma_start3A_997 = arith.constant 0 : i32
      %dma_start3A_998 = tpu.memref_slice %arg5[%add3A_989, %dma_start3A_996, %add3A, %dma_start3A_997] : memref<200x32x32x256xf32, #tpu.memory_space<hbm>> -> memref<1x32x1x256xf32, #tpu.memory_space<hbm>>
      %dma_start3A_999 = tpu.memref_squeeze %dma_start3A_998 : memref<1x32x1x256xf32, #tpu.memory_space<hbm>> -> memref<32x256xf32, #tpu.memory_space<hbm>>
      %dma_start3A_1000 = tpu.memref_slice %arg12[%dma_start3A_991] : memref<2x!tpu.dma_semaphore, #tpu.memory_space<semaphore_mem>> -> memref<1x!tpu.dma_semaphore, #tpu.memory_space<semaphore_mem>>
      %dma_start3A_1001 = tpu.memref_squeeze %dma_start3A_1000 : memref<1x!tpu.dma_semaphore, #tpu.memory_space<semaphore_mem>> -> memref<!tpu.dma_semaphore, #tpu.memory_space<semaphore_mem>>
      %dma_start3A_1002 = arith.constant 0 : i32
      %dma_start3A_1003 = arith.constant 0 : i32
      %dma_start3A_1004 = tpu.memref_slice %arg5[%add3A_989, %dma_start3A_1002, %add3A, %dma_start3A_1003] : memref<200x32x32x256xf32, #tpu.memory_space<hbm>> -> memref<1x32x1x256xf32, #tpu.memory_space<hbm>>
      %dma_start3A_1005 = tpu.memref_squeeze %dma_start3A_1004 : memref<1x32x1x256xf32, #tpu.memory_space<hbm>> -> memref<32x256xf32, #tpu.memory_space<hbm>>
      %dma_start3A_1006 = arith.constant 0 : i32
      %dma_start3A_1007 = arith.constant 0 : i32
      %dma_start3A_1008 = tpu.memref_slice %arg9[%dma_start3A_990, %dma_start3A_1006, %dma_start3A_1007] : memref<2x32x257xf32, #tpu.memory_space<vmem>> -> memref<1x32x256xf32, #tpu.memory_space<vmem>>
      %dma_start3A_1009 = tpu.memref_squeeze %dma_start3A_1008 : memref<1x32x256xf32, #tpu.memory_space<vmem>> -> memref<32x256xf32, #tpu.memory_space<vmem>>
      tpu.enqueue_dma source(%dma_start3A_1009 : memref<32x256xf32, #tpu.memory_space<vmem>>) target(%dma_start3A_1005 : memref<32x256xf32, #tpu.memory_space<hbm>>) target_semaphore(%dma_start3A_1001 : memref<!tpu.dma_semaphore, #tpu.memory_space<semaphore_mem>>)
      %scan3A_1010 = arith.constant 0 : i32
      scf.yield %scan3A_1010 : i32
    }
    %scan3A_313 = arith.constant 25 : i32
    %dma_wait3A_314 = arith.constant 0 : i32
    %dma_wait3A_315 = arith.constant 198 : i32
    %dma_wait3A_316 = arith.constant 0 : i32
    %dma_wait3A_317 = arith.constant 0 : i32
    %dma_wait3A_318 = arith.constant 0 : i32
    %dma_wait3A_319 = tpu.memref_slice %arg9[%dma_wait3A_314, %dma_wait3A_317, %dma_wait3A_318] : memref<2x32x257xf32, #tpu.memory_space<vmem>> -> memref<1x32x256xf32, #tpu.memory_space<vmem>>
    %dma_wait3A_320 = tpu.memref_squeeze %dma_wait3A_319 : memref<1x32x256xf32, #tpu.memory_space<vmem>> -> memref<32x256xf32, #tpu.memory_space<vmem>>
    %dma_wait3A_321 = arith.constant 0 : i32
    %dma_wait3A_322 = arith.constant 0 : i32
    %dma_wait3A_323 = tpu.memref_slice %arg5[%dma_wait3A_315, %dma_wait3A_321, %add3A, %dma_wait3A_322] : memref<200x32x32x256xf32, #tpu.memory_space<hbm>> -> memref<1x32x1x256xf32, #tpu.memory_space<hbm>>
    %dma_wait3A_324 = tpu.memref_squeeze %dma_wait3A_323 : memref<1x32x1x256xf32, #tpu.memory_space<hbm>> -> memref<32x256xf32, #tpu.memory_space<hbm>>
    %dma_wait3A_325 = tpu.memref_slice %arg12[%dma_wait3A_316] : memref<2x!tpu.dma_semaphore, #tpu.memory_space<semaphore_mem>> -> memref<1x!tpu.dma_semaphore, #tpu.memory_space<semaphore_mem>>
    %dma_wait3A_326 = tpu.memref_squeeze %dma_wait3A_325 : memref<1x!tpu.dma_semaphore, #tpu.memory_space<semaphore_mem>> -> memref<!tpu.dma_semaphore, #tpu.memory_space<semaphore_mem>>
    %dma_wait3A_327 = arith.constant 0 : i32
    %dma_wait3A_328 = arith.constant 0 : i32
    %dma_wait3A_329 = tpu.memref_slice %arg5[%dma_wait3A_315, %dma_wait3A_327, %add3A, %dma_wait3A_328] : memref<200x32x32x256xf32, #tpu.memory_space<hbm>> -> memref<1x32x1x256xf32, #tpu.memory_space<hbm>>
    %dma_wait3A_330 = tpu.memref_squeeze %dma_wait3A_329 : memref<1x32x1x256xf32, #tpu.memory_space<hbm>> -> memref<32x256xf32, #tpu.memory_space<hbm>>
    %dma_wait3A_331 = arith.constant 0 : i32
    %dma_wait3A_332 = arith.constant 0 : i32
    %dma_wait3A_333 = tpu.memref_slice %arg9[%dma_wait3A_314, %dma_wait3A_331, %dma_wait3A_332] : memref<2x32x257xf32, #tpu.memory_space<vmem>> -> memref<1x32x256xf32, #tpu.memory_space<vmem>>
    %dma_wait3A_334 = tpu.memref_squeeze %dma_wait3A_333 : memref<1x32x256xf32, #tpu.memory_space<vmem>> -> memref<32x256xf32, #tpu.memory_space<vmem>>
    tpu.wait_dma2 semaphore(%dma_wait3A_326 : memref<!tpu.dma_semaphore, #tpu.memory_space<semaphore_mem>>) src(%dma_wait3A_334 : memref<32x256xf32, #tpu.memory_space<vmem>>) dst(%dma_wait3A_330 : memref<32x256xf32, #tpu.memory_space<hbm>>)
    %dma_wait3A_335 = arith.constant 1 : i32
    %dma_wait3A_336 = arith.constant 199 : i32
    %dma_wait3A_337 = arith.constant 1 : i32
    %dma_wait3A_338 = arith.constant 0 : i32
    %dma_wait3A_339 = arith.constant 0 : i32
    %dma_wait3A_340 = tpu.memref_slice %arg9[%dma_wait3A_335, %dma_wait3A_338, %dma_wait3A_339] : memref<2x32x257xf32, #tpu.memory_space<vmem>> -> memref<1x32x256xf32, #tpu.memory_space<vmem>>
    %dma_wait3A_341 = tpu.memref_squeeze %dma_wait3A_340 : memref<1x32x256xf32, #tpu.memory_space<vmem>> -> memref<32x256xf32, #tpu.memory_space<vmem>>
    %dma_wait3A_342 = arith.constant 0 : i32
    %dma_wait3A_343 = arith.constant 0 : i32
    %dma_wait3A_344 = tpu.memref_slice %arg5[%dma_wait3A_336, %dma_wait3A_342, %add3A, %dma_wait3A_343] : memref<200x32x32x256xf32, #tpu.memory_space<hbm>> -> memref<1x32x1x256xf32, #tpu.memory_space<hbm>>
    %dma_wait3A_345 = tpu.memref_squeeze %dma_wait3A_344 : memref<1x32x1x256xf32, #tpu.memory_space<hbm>> -> memref<32x256xf32, #tpu.memory_space<hbm>>
    %dma_wait3A_346 = tpu.memref_slice %arg12[%dma_wait3A_337] : memref<2x!tpu.dma_semaphore, #tpu.memory_space<semaphore_mem>> -> memref<1x!tpu.dma_semaphore, #tpu.memory_space<semaphore_mem>>
    %dma_wait3A_347 = tpu.memref_squeeze %dma_wait3A_346 : memref<1x!tpu.dma_semaphore, #tpu.memory_space<semaphore_mem>> -> memref<!tpu.dma_semaphore, #tpu.memory_space<semaphore_mem>>
    %dma_wait3A_348 = arith.constant 0 : i32
    %dma_wait3A_349 = arith.constant 0 : i32
    %dma_wait3A_350 = tpu.memref_slice %arg5[%dma_wait3A_336, %dma_wait3A_348, %add3A, %dma_wait3A_349] : memref<200x32x32x256xf32, #tpu.memory_space<hbm>> -> memref<1x32x1x256xf32, #tpu.memory_space<hbm>>
    %dma_wait3A_351 = tpu.memref_squeeze %dma_wait3A_350 : memref<1x32x1x256xf32, #tpu.memory_space<hbm>> -> memref<32x256xf32, #tpu.memory_space<hbm>>
    %dma_wait3A_352 = arith.constant 0 : i32
    %dma_wait3A_353 = arith.constant 0 : i32
    %dma_wait3A_354 = tpu.memref_slice %arg9[%dma_wait3A_335, %dma_wait3A_352, %dma_wait3A_353] : memref<2x32x257xf32, #tpu.memory_space<vmem>> -> memref<1x32x256xf32, #tpu.memory_space<vmem>>
    %dma_wait3A_355 = tpu.memref_squeeze %dma_wait3A_354 : memref<1x32x256xf32, #tpu.memory_space<vmem>> -> memref<32x256xf32, #tpu.memory_space<vmem>>
    tpu.wait_dma2 semaphore(%dma_wait3A_347 : memref<!tpu.dma_semaphore, #tpu.memory_space<semaphore_mem>>) src(%dma_wait3A_355 : memref<32x256xf32, #tpu.memory_space<vmem>>) dst(%dma_wait3A_351 : memref<32x256xf32, #tpu.memory_space<hbm>>)
    return
  }
}

</mosaic_0001>

<sc_bundles>
// kernel: _dembed.3.cloned.1.call-start
scs
__scs_entry_jumppad:
0x0: {  	(pc) =	sbr.rel $0x88, $3  }
0x1: {  	(tag) =	ssettag $0x0;
	lr =	simm.s32 $0x1  }
0x2: {  	[smem:$0x3F9E] =	sst lr;
	_ =	strace $0xD0000000  }
0x3: {  	_ = 	snop  }
0x4: {  	_ = 	snop  }
0x5: {  	_ = 	snop  }
0x6: {  	_ = 	snop  }
0x7: {  	_ = 	snop  }
__scs_overlays_trampoline_lowered:
0x8: {  	[smem:$0x3FAD] =	sst s0  }
0x9: {  	[smem:$0x3FAE] =	sst s1  }
0xa: {  	[smem:$0x3FAF] =	sst s2  }
0xb: {  	[smem:$0x3FB0] =	sst s3  }
0xc: {  	[smem:$0x3FB1] =	sst s4  }
0xd: {  	[smem:$0x3FB2] =	sst s5  }
0xe: {  	[smem:$0x3FB3] =	sst s6  }
0xf: {  	[smem:$0x3FB4] =	sst s7  }
0x10: {  	[smem:$0x3FB5] =	sst s8  }
0x11: {  	[smem:$0x3FB6] =	sst s9;
	s0 =	simm.s32 @!p0 $0x0  }
0x12: {  	s1 =	sld [smem:$0x3F9C];
	s0 =	simm.s32 @p0 $0x1  }
0x13: {  	[smem:$0x3FB7] =	sst s0;
	s0 =	simm.s32 @!p1 $0x0  }
0x14: {  	s2 =	sld [smem:$0x3F9B];
	s0 =	simm.s32 @p1 $0x1  }
0x15: {  	[smem:$0x3FB8] =	sst s0;
	s0 =	simm.s32 @!p2 $0x0  }
0x16: {  	s3 =	sld [smem:$0x3FDB];
	s0 =	simm.s32 @p2 $0x1  }
0x17: {  	s4 =	simm.s32 $0x1BF5;
	[smem:$0x3FBA] =	sst s0  }
0x18: {  	s0 =	sld [smem:$0x3F9D];
	_ =	swait.ge [sflag:s4], $0x0  }
0x19: {  	s7 =	sld [smem:$0x3F9E]  }
0x1a: {  	s8 =	sadd.s32 $0xFFFFE003, lr  }
0x1b: {  	s9 =	sadd.s32 $0xFFFFFEF7, lr;
	s5 =	simm.s32 $0xFFFFFFFF;
	p2 =	slt.u32 s8, $0xFFFFF086  }
0x1c: {  	p1 =	slt.u32 s9, $0xF7A;
	s5 =	simm.s32 @!p2 $0x0  }
0x1d: {  	s5 =	simm.s32 @p1 $0x1;
	p0 =	seq.s32 s7, s2  }
0x1e: {  	s7 =	smul.u32 @!p0 $0xF7A, s2;
	p2 =	seq.s32 @!p0 s5, $0x0  }
0x1f: {  	s9 =	smul.u32 $0xF7A, s1;
	s8 =	simm.s32 @!p0 $0x1BF5;
	p2 =	por !p2, p0  }
0x20: {  	[sflag:s8] =	ssyncset.s32 @!p0 $0xFFFFF086;
	s6 =	sadd.s32 @!p0 s3, s7;
	s7 =	simm.s32 @!p0 $0x108  }
0x21: {  	s3 =	sadd.s32 s3, s9;
	s6 =	sadd.s32 @!p0 $0x88, s6;
	s7 =	simm.s32 @p2 $0x1082  }
0x22: {  	[simem:s7], [sflag:s8] =	dma.local @!p0 [hbm:s6], $0xF7A  }
0x23: {  	s9 =	sor.u32 $0xD0000000, s2;
	s6 =	simm.s32 $0x108;
	_ =	swait.ge @!p0 [sflag:s8], $0x0  }
0x24: {  	s3 =	sadd.s32 $0x88, s3;
	s6 =	simm.s32 @!p1 $0x1082;
	[sflag:s4] =	ssyncset.s32 $0xFFFFF086  }
0x25: {  	[simem:s6], [sflag:s4] =	dma.local [hbm:s3], $0xF7A  }
0x26: {  	[smem:$0x3F9E] =	sst s1;
	(tag) =	ssettag s2;
	_ =	strace s9  }
0x27: {  	s1 =	sld [smem:$0x3FAE]  }
0x28: {  	s2 =	sld [smem:$0x3FAF]  }
0x29: {  	s4 =	sld [smem:$0x3FB1]  }
0x2a: {  	p0 =	seq.s32 s5, $0x0;
	s5 =	sld [smem:$0x3FB2]  }
0x2b: {  	s6 =	sld [smem:$0x3FB3]  }
0x2c: {  	s7 =	sld [smem:$0x3FB4]  }
0x2d: {  	s3 =	simm.s32 $0x108;
	s8 =	sld [smem:$0x3FB5]  }
0x2e: {  	s3 =	simm.s32 @!p0 $0x1082;
	s9 =	sld [smem:$0x3FB6]  }
0x2f: {  	lr =	sadd.s32 s0, s3;
	s0 =	sld [smem:$0x3FAD]  }
0x30: {  	s3 =	sld [smem:$0x3FB0]  }
0x31: {  	[smem:$0x3FB9] =	sst s10  }
0x32: {  	s10 =	sld [smem:$0x3FB7];
	_ =	sdelay $0x3  }
0x33: {  	p0 =	seq.s32 s10, $0x1;
	s10 =	sld [smem:$0x3FB9];
	_ =	sdelay $0x3  }
0x34: {  	[smem:$0x3FB9] =	sst s10  }
0x35: {  	s10 =	sld [smem:$0x3FB8];
	_ =	sdelay $0x3  }
0x36: {  	p1 =	seq.s32 s10, $0x1;
	s10 =	sld [smem:$0x3FB9];
	_ =	sdelay $0x3  }
0x37: {  	[smem:$0x3FB9] =	sst s10  }
0x38: {  	s10 =	sld [smem:$0x3FBA]  }
0x39: {  	_ = 	snop;
	(pc) =	sbr.ind lr, $3  }
0x3a: {  	_ = 	snop  }
0x3b: {  	_ = 	snop  }
0x3c: {  	p2 =	seq.s32 s10, $0x1;
	s10 =	sld [smem:$0x3FB9]  }
0x3d: {  	_ =	shalt  }
0x3e: {  	_ =	shalt  }
0x3f: {  	_ =	shalt  }
0x40: {  	_ =	shalt  }
0x41: {  	_ =	shalt  }
0x42: {  	_ =	shalt  }
0x43: {  	_ =	shalt  }
0x44: {  	_ =	shalt  }
0x45: {  	_ =	shalt  }
0x46: {  	_ =	shalt  }
0x47: {  	_ =	shalt  }
0x48: {  	_ =	shalt  }
0x49: {  	_ =	shalt  }
0x4a: {  	_ =	shalt  }
0x4b: {  	_ =	shalt  }
0x4c: {  	_ =	shalt  }
0x4d: {  	_ =	shalt  }
0x4e: {  	_ =	shalt  }
0x4f: {  	_ =	shalt  }
0x50: {  	_ =	shalt  }
0x51: {  	_ =	shalt  }
0x52: {  	_ =	shalt  }
0x53: {  	_ =	shalt  }
0x54: {  	_ =	shalt  }
0x55: {  	_ =	shalt  }
0x56: {  	_ =	shalt  }
0x57: {  	_ =	shalt  }
0x58: {  	_ =	shalt  }
0x59: {  	_ =	shalt  }
0x5a: {  	_ =	shalt  }
0x5b: {  	_ =	shalt  }
0x5c: {  	_ =	shalt  }
0x5d: {  	_ =	shalt  }
0x5e: {  	_ =	shalt  }
0x5f: {  	_ =	shalt  }
0x60: {  	_ =	shalt  }
0x61: {  	_ =	shalt  }
0x62: {  	_ =	shalt  }
0x63: {  	_ =	shalt  }
0x64: {  	_ =	shalt  }
0x65: {  	_ =	shalt  }
0x66: {  	_ =	shalt  }
0x67: {  	_ =	shalt  }
0x68: {  	_ =	shalt  }
0x69: {  	_ =	shalt  }
0x6a: {  	_ =	shalt  }
0x6b: {  	_ =	shalt  }
0x6c: {  	_ =	shalt  }
0x6d: {  	_ =	shalt  }
0x6e: {  	_ =	shalt  }
0x6f: {  	_ =	shalt  }
0x70: {  	_ =	shalt  }
0x71: {  	_ =	shalt  }
0x72: {  	_ =	shalt  }
0x73: {  	_ =	shalt  }
0x74: {  	_ =	shalt  }
0x75: {  	_ =	shalt  }
0x76: {  	_ =	shalt  }
0x77: {  	_ =	shalt  }
0x78: {  	_ =	shalt  }
0x79: {  	_ =	shalt  }
0x7a: {  	_ =	shalt  }
0x7b: {  	_ =	shalt  }
0x7c: {  	_ =	shalt  }
0x7d: {  	_ =	shalt  }
0x7e: {  	_ =	shalt  }
0x7f: {  	_ =	shalt  }
0x80: {  	_ =	shalt  }
0x81: {  	_ =	shalt  }
0x82: {  	_ =	shalt  }
0x83: {  	_ =	shalt  }
0x84: {  	_ =	shalt  }
0x85: {  	_ =	shalt  }
0x86: {  	_ =	shalt  }
0x87: {  	_ =	shalt  }
.Lfunc_end0:
.L_simem_size_0:
called_computation_lowered:
.L_overlay_start_0:
0x88: {  	s2 =	sld [smem:$0x3FD9]  }
0x89: {  	s3 =	sld [smem:$0x3FFE];
	_ =	sdelay $0x1  }
0x8a: {  	s1 =	srdreg.scid  }
0x8b: {  	s0 =	sand.u32 $0x1, s1  }
0x8c: {  	s17 =	sshll.u32 s0, $0xA;
	s2 =	sadd.s32 s3, s2  }
0x8d: {  	s2 =	sadd.s32 s2, s17  }
0x8e: {  	[smem:$0x3FC5] =	sst s2  }
0x8f: {  	_ = 	snop  }
0x90: {  	s2 =	sld [smem:$0x3FD0];
	(tm) =	ssettm $0x1  }
0x91: {  	s18 =	sld [smem:$0x3FFB];
	_ =	sdelay $0x3  }
0x92: {  	_ =	strace s18  }
0x93: {  	s3 =	sld [smem:$0x3FFC];
	_ =	sdelay $0x3  }
0x94: {  	_ =	strace s3  }
0x95: {  	s3 =	sld [smem:$0x3FFD];
	_ =	sdelay $0x3  }
0x96: {  	_ =	strace s3  }
0x97: {  	_ =	strace $0x8FFFFFFF  }
0x98: {  	s19 =	sld [smem:$0x3FDB];
	_ =	sdelay $0x1  }
0x99: {  	s4 =	simm.s32 $_scs_section_size  }
0x9a: {  	s5 =	simm.s32 $_size__tile_overlayer_lowered;
	s6 =	simm.s32 $_tile_overlayer_lowered  }
0x9b: {  	s22 =	simm.s32 $0x1BFF;
	s21 =	sshll.u32 s6, $0x1;
	s3 =	sadd.s32 s4, s19  }
0x9c: {  	s7 =	simm.s32 $0x0;
	s20 =	sshll.u32 s5, $0x1;
	s5 =	sadd.s32 s21, s3  }
0x9d: {  	[timem:s7], [sflag:s22] =	dma.local [hbm:s5], s20  }
0x9e: {  	_ =	swait.ge [sflag:s22], s20  }
0x9f: {  	s4 =	ssub.s32 $0x0, s20;
	[sflag:s22] =	ssyncset.done $0x0  }
0xa0: {  	[sflag:s22] =	ssyncadd.s32 s4;
	_ =	sdelay $0x1  }
0xa1: {  	s23 =	simm.s32 $0x1B8B  }
0xa2: {  	_ =	swait.ge [sflag:s23], $0x1  }
0xa3: {  	[sflag:s23] =	ssyncset.done $0x0  }
0xa4: {  	s25 =	simm.s32 $0x1B8E;
	s24 =	sld [smem:$0x3FFE];
	[sflag:s23] =	ssyncadd.s32 $0xFFFFFFFF  }
0xa5: {  	s26 =	simm.s32 $execute0_lowered;
	[smem:$0x3FD2] =	sst s25  }
0xa6: {  	s5 =	sshll.u32 s26, $0x1;
	_ =	strace $0x80000046;
	[dreg:$0x1] =	wrdreg $0xFFFFFFFF  }
0xa7: {  	s28 =	simm.s32 $_size_execute0_lowered;
	s3 =	sadd.s32 s3, s5;
	[dreg:$0x0] =	wrdreg $0x0  }
0xa8: {  	s5 =	sshll.u32 s28, $0x1;
	[dreg:$0x2] =	wrdreg s3  }
0xa9: {  	[dreg:$0x3] =	wrdreg s5  }
0xaa: {  	[dreg:$0x4] =	wrdreg $0xC0  }
0xab: {  	_ =	task [dreg:s7], $0x5FFFF  }
0xac: {  	[dreg:$0x1] =	wrdreg $0xFFFFFFFF  }
0xad: {  	[dreg:$0x0] =	wrdreg $0x60  }
0xae: {  	[dreg:$0x2] =	wrdreg s24  }
0xaf: {  	[dreg:$0x3] =	wrdreg s2  }
0xb0: {  	[dreg:$0x4] =	wrdreg $0x9  }
0xb1: {  	_ =	task.clear_ibuf [dreg:s7], $0x5FFFF;
	_ =	strace $0x90000046  }
0xb2: {  	s29 =	simm.s32 $0x9;
	_ =	strace $0x80000048  }
0xb3: {  	_ =	swait.ge [sflag:s29], $0x1  }
0xb4: {  	[sflag:s29] =	ssyncadd.s32 $0xFFFFFFFF  }
0xb5: {  	_ =	strace $0x90000048  }
0xb6: {  	_ =	sfence  }
0xb7: {  	s30 =	sld [smem:$0x0];
	_ =	sdelay $0x2  }
0xb8: {  	s31 =	sshll.u32 s1, $0xD;
	s1 =	sshrl.u32 s1, $0x2  }
0xb9: {  	s3 =	sand.u32 $0x4000, s31;
	s1 =	sadd.s32 s1, s30  }
0xba: {  	s0 =	sor.u32 s3, s0;
	s1 =	sshll.u32 s1, $0x11  }
0xbb: {  	s0 =	sor.u32 s1, s0  }
0xbc: {  	s0 =	sadd.s32 $0x8F2B, s0  }
0xbd: {  	[sflag:s0] =	ssyncadd.remote.s32 $0x1  }
0xbe: {  	_ =	sfence.sel $0xFFFF  }
0xbf: {  	[dreg:$0x0] =	wrdreg $0xFFFFFFFF;
	(pc) =	sbr.abs _section_cstart, $3  }
0xc0: {  	[dreg:$0x1] =	wrdreg $0xFFFFFFFF  }
0xc1: {  	_ =	task.clear_ibuf [dreg:s7], $0x2FFFF;
	_ =	strace $0x9FFFFFFF  }
0xc2: {  	(tm) =	ssettm $0x7FFFFFFF  }
0xc3: {  	_ =	shalt  }
tec
execute0_lowered:
.L_overlay_start_1:
0x0: {  	(tag) =	ssettag $0x1  }
0x1: {  	s0 =	rddreg [dreg:$0x0];
	s1 =	srdreg.scid  }
0x2: {  	s3 =	stileid.u32;
	s2 =	rddreg [dreg:$0x1];
	s28 =	simm.s32 $0x10800  }
0x3: {  	s30 =	simm.s32 $0x4;
	s21 =	simm.s32 $0x5;
	s19 =	simm.s32 $0x6  }
0x4: {  	s29 =	simm.s32 $0x7;
	s1 =	sand.u32 $0x1, s1;
	s4 =	sshll.u32 s3, $0x1  }
0x5: {  	s3 =	simm.s32 $0x0;
	s8 =	sadd.s32 $0x19600, s0;
	s24 =	sadd.s32 $0x21600, s0  }
0x6: {  	s25 =	sadd.s32 $0x29600, s0;
	s26 =	sadd.s32 $0x31600, s0;
	s12 =	sadd.s32 $0x39600, s0  }
0x7: {  	s13 =	sadd.s32 $0x41600, s0;
	s14 =	sadd.s32 $0x49600, s0;
	[smem:$0x7FF] =	sst s3  }
0x8: {  	s16 =	sadd.s32 $0x51600, s0;
	_ =	strace $0x80000047;
	[dreg:$0x3] =	wrdreg s8  }
0x9: {  	s5 =	sor.u32 s1, s4;
	s1 =	ssub.s32 $0x2, s1;
	[dreg:$0x7] =	wrdreg s24  }
0xa: {  	s4 =	sshll.u32 s5, $0x4;
	s7 =	sshrl.u32 s1, $0x1;
	[dreg:$0x8] =	wrdreg s25  }
0xb: {  	s5 =	sshll.u32 s5, $0x5;
	[dreg:$0x9] =	wrdreg s26;
	s24 =	simm.s32 $0x3  }
0xc: {  	s25 =	simm.s32 $0xC;
	s26 =	simm.s32 $0xA;
	s6 =	sadd.s32 s4, s0  }
0xd: {  	s4 =	sadd.s32 $0xF42A00, s0;
	s1 =	ssub.s32 s1, s7;
	[dreg:$0x6] =	wrdreg s5  }
0xe: {  	v0 =	vlaneseq.u32;
	s0 =	simm.s32 $0x12900;
	s22 =	sadd.s32 $0x600, s6;
	s23 =	sadd.s32 $0x1600, s6  }
0xf: {  	v0 =	vmul.u32 $0x108, v0;
	s15 =	sadd.s32 $0x2600, s6;
	s31 =	smax.u32 s1, $0x1;
	[dreg:$0x4] =	wrdreg s22  }
0x10: {  	s1 =	simm.s32 $0x8;
	s6 =	simm.s32 $0x0;
	[dreg:$0x5] =	wrdreg s23  }
0x11: {  	v1 =	vadd.s32 $0x80, v0;
	v2 =	vadd.s32 $0x1080, v0;
	v3 =	vadd.s32 $0x1100, v0;
	[dreg:$0xa] =	wrdreg s31;
	s23 =	simm.s32 $0xB;
	s22 =	simm.s32 $0x9  }
.LBB2_1:
0x12: {  	[dreg:$0xb] =	wrdreg s6  }
0x13: {  	s5 =	rddreg [dreg:$0x4]  }
0x14: {  	s6 =	simm.s32 $0x80;
	s7 =	simm.s32 $0x1000;
	s20 =	simm.s32 $0x1  }
0x15: {  	[tilespmem:s3], [sflag:$0x1] =	stream.strided.gather [hbm4b:s5+s6], $0x400, s7, s6, $0x38;
	[tilespmem:$0x14A00] =	vst v63  }
0x16: {  	_ =	swait.ge [sflag:s20], $0x400  }
0x17: {  	[sflag:s20] =	ssyncset.done $0x0  }
0x18: {  	s31 =	simm.s32 $0x800;
	[sflag:s20] =	ssyncadd.s32 $0xFFFFFC00  }
0x19: {  	[tilespmem:s31], [sflag:$0x3] =	stream.indirect.gather [hbm4b:s2+s6], $0x20, s3, s6, $0xb8;
	[tilespmem:$0x14A00] =	vst v63  }
0x1a: {  	s8 =	simm.s32 $0x8800  }
0x1b: {  	[tilespmem:s8], [sflag:$0x3] =	stream.indirect.gather [hbm4b:s4+s6], $0x20, s3, s6, $0xb8;
	[tilespmem:$0x14A00] =	vst v63  }
0x1c: {  	s9 =	simm.s32 $0x1800  }
0x1d: {  	[tilespmem:s9], [sflag:$0x4] =	stream.indirect.gather [hbm4b:s2+s6], $0x20, s6, s6, $0xb8;
	[tilespmem:$0x14A00] =	vst v63  }
0x1e: {  	s10 =	simm.s32 $0x9800  }
0x1f: {  	[tilespmem:s10], [sflag:$0x4] =	stream.indirect.gather [hbm4b:s4+s6], $0x20, s6, s6, $0xb8;
	[tilespmem:$0x14A00] =	vst v63  }
0x20: {  	s11 =	simm.s32 $0x100;
	s8 =	simm.s32 $0x2800  }
0x21: {  	[tilespmem:s8], [sflag:$0x5] =	stream.indirect.gather [hbm4b:s2+s6], $0x20, s11, s6, $0xb8;
	[tilespmem:$0x14A00] =	vst v63  }
0x22: {  	s17 =	simm.s32 $0xA800  }
0x23: {  	[tilespmem:s17], [sflag:$0x5] =	stream.indirect.gather [hbm4b:s4+s6], $0x20, s11, s6, $0xb8;
	[tilespmem:$0x14A00] =	vst v63  }
0x24: {  	s18 =	simm.s32 $0x180;
	s20 =	simm.s32 $0x3800  }
0x25: {  	[tilespmem:s20], [sflag:$0x6] =	stream.indirect.gather [hbm4b:s2+s6], $0x20, s18, s6, $0xb8;
	[tilespmem:$0x14A00] =	vst v63  }
0x26: {  	s31 =	simm.s32 $0xB800  }
0x27: {  	[tilespmem:s31], [sflag:$0x6] =	stream.indirect.gather [hbm4b:s4+s6], $0x20, s18, s6, $0xb8;
	[tilespmem:$0x14A00] =	vst v63  }
0x28: {  	s9 =	simm.s32 $0x200;
	s10 =	simm.s32 $0x4800  }
0x29: {  	[tilespmem:s10], [sflag:$0x7] =	stream.indirect.gather [hbm4b:s2+s6], $0x20, s9, s6, $0xb8;
	[tilespmem:$0x14A00] =	vst v63  }
0x2a: {  	s11 =	simm.s32 $0xC800  }
0x2b: {  	[tilespmem:s11], [sflag:$0x7] =	stream.indirect.gather [hbm4b:s4+s6], $0x20, s9, s6, $0xb8;
	[tilespmem:$0x14A00] =	vst v63  }
0x2c: {  	s17 =	simm.s32 $0x280;
	s18 =	simm.s32 $0x5800  }
0x2d: {  	[tilespmem:s18], [sflag:$0x8] =	stream.indirect.gather [hbm4b:s2+s6], $0x20, s17, s6, $0xb8;
	[tilespmem:$0x14A00] =	vst v63  }
0x2e: {  	s20 =	simm.s32 $0xD800  }
0x2f: {  	[tilespmem:s20], [sflag:$0x8] =	stream.indirect.gather [hbm4b:s4+s6], $0x20, s17, s6, $0xb8;
	[tilespmem:$0x14A00] =	vst v63  }
0x30: {  	s31 =	simm.s32 $0x300;
	s9 =	simm.s32 $0x6800  }
0x31: {  	[tilespmem:s9], [sflag:$0x9] =	stream.indirect.gather [hbm4b:s2+s6], $0x20, s31, s6, $0xb8;
	[tilespmem:$0x14A00] =	vst v63  }
0x32: {  	s10 =	simm.s32 $0xE800  }
0x33: {  	[tilespmem:s10], [sflag:$0x9] =	stream.indirect.gather [hbm4b:s4+s6], $0x20, s31, s6, $0xb8;
	[tilespmem:$0x14A00] =	vst v63  }
0x34: {  	s11 =	simm.s32 $0x380;
	s17 =	simm.s32 $0x7800  }
0x35: {  	[tilespmem:s17], [sflag:$0xA] =	stream.indirect.gather [hbm4b:s2+s6], $0x20, s11, s6, $0xb8;
	[tilespmem:$0x14A00] =	vst v63  }
0x36: {  	s18 =	simm.s32 $0xF800  }
0x37: {  	[tilespmem:s18], [sflag:$0xA] =	stream.indirect.gather [hbm4b:s4+s6], $0x20, s11, s6, $0xb8;
	[tilespmem:$0x14A00] =	vst v63  }
0x38: {  	s20 =	rddreg [dreg:$0x5];
	s31 =	simm.s32 $0x400;
	s17 =	simm.s32 $0x0  }
0x39: {  	[tilespmem:s31], [sflag:$0x2] =	stream.strided.gather [hbm4b:s20+s6], $0x400, s7, s6, $0x38;
	[tilespmem:$0x14A00] =	vst v63  }
.LBB2_3:
0x3a: {  	_ =	swait.ge [sflag:s24], $0x1000  }
0x3b: {  	[sflag:s24] =	ssyncset.done $0x0  }
0x3c: {  	[sflag:s24] =	ssyncadd.s32 $0xFFFFF000  }
0x3d: {  	_ =	swait.ge [sflag:s24], $0x1000  }
0x3e: {  	p1 =	seq.s32 s17, $0x0;
	[sflag:s24] =	ssyncset.done $0x0  }
0x3f: {  	s5 =	simm.s32 @!p1 $0xB;
	[sflag:s24] =	ssyncadd.s32 $0xFFFFF000  }
0x40: {  	s7 =	simm.s32 $0x0;
	_ =	swait.ge @!p1 [sflag:s5], $0x2000  }
0x41: {  	v4 =	vmov s7;
	[sflag:s5] =	ssyncset.done @!p1 $0x0  }
0x42: {  	s6 =	smov.u32 s17;
	s17 =	simm.s32 $0x840;
	v4 =	vand.u32 $0x7C, v4;
	[sflag:s5] =	ssyncadd.s32 @!p1 $0xFFFFE000  }
0x43: {  	s20 =	simm.s32 $0x8840;
	v6 =	vadd.s32 v0, v4;
	v5 =	vld [tilespmem:s17+$0xFFFFFFC0]  }
0x44: {  	v8 =	vadd.s32 v1, v4;
	v7 =	vld [tilespmem:s20+$0xFFFFFFC0];
	_ =	sdelay $0x3  }
0x45: {  	[tilespmem:v6+s28+$0x0] =	vst.idx.msk $0xffff, v5  }
0x46: {  	[tilespmem:v8+s28+$0x0] =	vst.idx.msk $0xffff, v7  }
0x47: {  	v6 =	vadd.s32 v2, v4;
	v5 =	vld [tilespmem:s17+$0xFFFFFFD0]  }
0x48: {  	v4 =	vadd.s32 v3, v4;
	v7 =	vld [tilespmem:s20+$0xFFFFFFD0];
	_ =	sdelay $0x2  }
0x49: {  	s11 =	simm.s32 $0x1  }
0x4a: {  	[tilespmem:v6+s28+$0x0] =	vst.idx.msk $0xffff, v5;
	v5 =	vmov s11  }
0x4b: {  	[tilespmem:v4+s28+$0x0] =	vst.idx.msk $0xffff, v7;
	v4 =	vand.u32 $0x7D, v5  }
0x4c: {  	v5 =	vld [tilespmem:s17+$0xFFFFFFE0];
	v6 =	vadd.s32 v0, v4  }
0x4d: {  	v7 =	vld [tilespmem:s20+$0xFFFFFFE0];
	v8 =	vadd.s32 v1, v4;
	_ =	sdelay $0x3  }
0x4e: {  	[tilespmem:v6+s28+$0x0] =	vst.idx.msk $0xffff, v5  }
0x4f: {  	[tilespmem:v8+s28+$0x0] =	vst.idx.msk $0xffff, v7  }
0x50: {  	v6 =	vadd.s32 v2, v4;
	v5 =	vld [tilespmem:s17+$0xFFFFFFF0]  }
0x51: {  	v4 =	vadd.s32 v3, v4;
	v7 =	vld [tilespmem:s20+$0xFFFFFFF0];
	_ =	sdelay $0x2  }
0x52: {  	s18 =	simm.s32 $0x2  }
0x53: {  	[tilespmem:v6+s28+$0x0] =	vst.idx.msk $0xffff, v5;
	v5 =	vmov s18  }
0x54: {  	[tilespmem:v4+s28+$0x0] =	vst.idx.msk $0xffff, v7;
	v4 =	vand.u32 $0x7E, v5  }
0x55: {  	v5 =	vld [tilespmem:s17+$0x0];
	v6 =	vadd.s32 v0, v4  }
0x56: {  	v7 =	vld [tilespmem:s20+$0x0];
	v8 =	vadd.s32 v1, v4;
	_ =	sdelay $0x3  }
0x57: {  	[tilespmem:v6+s28+$0x0] =	vst.idx.msk $0xffff, v5  }
0x58: {  	[tilespmem:v8+s28+$0x0] =	vst.idx.msk $0xffff, v7  }
0x59: {  	v6 =	vadd.s32 v2, v4;
	v5 =	vld [tilespmem:s17+$0x10]  }
0x5a: {  	v4 =	vadd.s32 v3, v4;
	v7 =	vld [tilespmem:s20+$0x10];
	_ =	sdelay $0x2  }
0x5b: {  	s31 =	simm.s32 $0x3  }
0x5c: {  	[tilespmem:v6+s28+$0x0] =	vst.idx.msk $0xffff, v5;
	v5 =	vmov s31  }
0x5d: {  	[tilespmem:v4+s28+$0x0] =	vst.idx.msk $0xffff, v7;
	v5 =	vand.u32 $0x7F, v5  }
0x5e: {  	v4 =	vld [tilespmem:s17+$0x20];
	v6 =	vadd.s32 v0, v5  }
0x5f: {  	v7 =	vld [tilespmem:s20+$0x20];
	v8 =	vadd.s32 v1, v5;
	_ =	sdelay $0x3  }
0x60: {  	[tilespmem:v6+s28+$0x0] =	vst.idx.msk $0xffff, v4  }
0x61: {  	[tilespmem:v8+s28+$0x0] =	vst.idx.msk $0xffff, v7  }
0x62: {  	v8 =	vadd.s32 v2, v5;
	v7 =	vld [tilespmem:s17+$0x30]  }
0x63: {  	v5 =	vadd.s32 v3, v5;
	v4 =	vld [tilespmem:s20+$0x30];
	_ =	sdelay $0x2  }
0x64: {  	s5 =	simm.s32 $0x4  }
0x65: {  	s8 =	simm.s32 $0x2;
	s7 =	sand.u32 $0x1, s6;
	v6 =	vmov s5;
	[tilespmem:v8+s28+$0x0] =	vst.idx.msk $0xffff, v7  }
.LBB2_4:
0x66: {  	s8 =	sadd.s32 $0x2, s8;
	v6 =	vand.u32 $0x7C, v6;
	[tilespmem:v5+s28+$0x0] =	vst.idx.msk $0xffff, v4;
	s20 =	sadd.s32 $0x80, s20;
	s17 =	sadd.s32 $0x80, s17  }
0x67: {  	p0 =	slt.u32 s8, $0x3E;
	v4 =	vld [tilespmem:s17+$0xFFFFFFC0];
	v5 =	vadd.s32 v0, v6  }
0x68: {  	v8 =	vadd.s32 v1, v6;
	v7 =	vld [tilespmem:s20+$0xFFFFFFC0];
	_ =	sdelay $0x3  }
0x69: {  	[tilespmem:v5+s28+$0x0] =	vst.idx.msk $0xffff, v4  }
0x6a: {  	[tilespmem:v8+s28+$0x0] =	vst.idx.msk $0xffff, v7  }
0x6b: {  	v5 =	vadd.s32 v2, v6;
	v4 =	vld [tilespmem:s17+$0xFFFFFFD0]  }
0x6c: {  	v6 =	vadd.s32 v3, v6;
	v7 =	vld [tilespmem:s20+$0xFFFFFFD0];
	_ =	sdelay $0x2  }
0x6d: {  	s9 =	sadd.s32 $0x1, s5  }
0x6e: {  	[tilespmem:v5+s28+$0x0] =	vst.idx.msk $0xffff, v4;
	v4 =	vmov s9  }
0x6f: {  	[tilespmem:v6+s28+$0x0] =	vst.idx.msk $0xffff, v7;
	v4 =	vand.u32 $0x7D, v4  }
0x70: {  	v5 =	vld [tilespmem:s17+$0xFFFFFFE0];
	v6 =	vadd.s32 v0, v4  }
0x71: {  	v8 =	vadd.s32 v1, v4;
	v7 =	vld [tilespmem:s20+$0xFFFFFFE0];
	_ =	sdelay $0x3  }
0x72: {  	[tilespmem:v6+s28+$0x0] =	vst.idx.msk $0xffff, v5  }
0x73: {  	[tilespmem:v8+s28+$0x0] =	vst.idx.msk $0xffff, v7  }
0x74: {  	v6 =	vadd.s32 v2, v4;
	v5 =	vld [tilespmem:s17+$0xFFFFFFF0]  }
0x75: {  	v4 =	vadd.s32 v3, v4;
	v7 =	vld [tilespmem:s20+$0xFFFFFFF0];
	_ =	sdelay $0x2  }
0x76: {  	s9 =	sadd.s32 $0x2, s5  }
0x77: {  	[tilespmem:v6+s28+$0x0] =	vst.idx.msk $0xffff, v5;
	v5 =	vmov s9  }
0x78: {  	[tilespmem:v4+s28+$0x0] =	vst.idx.msk $0xffff, v7;
	v4 =	vand.u32 $0x7E, v5  }
0x79: {  	v5 =	vld [tilespmem:s17+$0x0];
	v6 =	vadd.s32 v0, v4  }
0x7a: {  	v8 =	vadd.s32 v1, v4;
	v7 =	vld [tilespmem:s20+$0x0];
	_ =	sdelay $0x3  }
0x7b: {  	[tilespmem:v6+s28+$0x0] =	vst.idx.msk $0xffff, v5  }
0x7c: {  	[tilespmem:v8+s28+$0x0] =	vst.idx.msk $0xffff, v7  }
0x7d: {  	v6 =	vadd.s32 v2, v4;
	v5 =	vld [tilespmem:s17+$0x10]  }
0x7e: {  	v4 =	vadd.s32 v3, v4;
	v7 =	vld [tilespmem:s20+$0x10];
	_ =	sdelay $0x2  }
0x7f: {  	s9 =	sadd.s32 $0x3, s5  }
0x80: {  	[tilespmem:v6+s28+$0x0] =	vst.idx.msk $0xffff, v5;
	v5 =	vmov s9  }
0x81: {  	[tilespmem:v4+s28+$0x0] =	vst.idx.msk $0xffff, v7;
	v5 =	vand.u32 $0x7F, v5  }
0x82: {  	v4 =	vld [tilespmem:s17+$0x20];
	v6 =	vadd.s32 v0, v5  }
0x83: {  	v8 =	vadd.s32 v1, v5;
	v7 =	vld [tilespmem:s20+$0x20];
	_ =	sdelay $0x3  }
0x84: {  	[tilespmem:v6+s28+$0x0] =	vst.idx.msk $0xffff, v4  }
0x85: {  	[tilespmem:v8+s28+$0x0] =	vst.idx.msk $0xffff, v7  }
0x86: {  	v8 =	vadd.s32 v2, v5;
	v7 =	vld [tilespmem:s17+$0x30]  }
.Ltmp0:
0x87: {  	v5 =	vadd.s32 v3, v5;
	v4 =	vld [tilespmem:s20+$0x30];
	(pc) =	sbr.rel @p0 .LBB2_4-.Ltmp0, $3  }
0x88: {  	_ =	sdelay $0x1  }
0x89: {  	s5 =	sadd.s32 $0x4, s5  }
0x8a: {  	v6 =	vmov s5;
	[tilespmem:v8+s28+$0x0] =	vst.idx.msk $0xffff, v7  }
0x8b: {  	_ =	sdelay $0x3  }
0x8c: {  	v6 =	vand.u32 $0x7C, v6;
	[tilespmem:v5+s28+$0x0] =	vst.idx.msk $0xffff, v4;
	s8 =	sadd.s32 $0x80, s17  }
0x8d: {  	s9 =	sadd.s32 $0x80, s20;
	v4 =	vld [tilespmem:s8+$0xFFFFFFC0];
	v5 =	vadd.s32 v0, v6  }
0x8e: {  	v7 =	vld [tilespmem:s9+$0xFFFFFFC0];
	v8 =	vadd.s32 v1, v6;
	_ =	sdelay $0x3  }
0x8f: {  	[tilespmem:v5+s28+$0x0] =	vst.idx.msk $0xffff, v4  }
0x90: {  	[tilespmem:v8+s28+$0x0] =	vst.idx.msk $0xffff, v7  }
0x91: {  	v5 =	vadd.s32 v2, v6;
	v4 =	vld [tilespmem:s8+$0xFFFFFFD0]  }
0x92: {  	v6 =	vadd.s32 v3, v6;
	v7 =	vld [tilespmem:s9+$0xFFFFFFD0];
	_ =	sdelay $0x2  }
0x93: {  	s10 =	sadd.s32 $0x1, s5  }
0x94: {  	[tilespmem:v5+s28+$0x0] =	vst.idx.msk $0xffff, v4;
	v4 =	vmov s10  }
0x95: {  	[tilespmem:v6+s28+$0x0] =	vst.idx.msk $0xffff, v7;
	v4 =	vand.u32 $0x7D, v4  }
0x96: {  	v5 =	vld [tilespmem:s8+$0xFFFFFFE0];
	v55 =	vadd.s32 v0, v4  }
0x97: {  	v7 =	vld [tilespmem:s9+$0xFFFFFFE0];
	v56 =	vadd.s32 v1, v4;
	_ =	sdelay $0x3  }
0x98: {  	[tilespmem:v55+s28+$0x0] =	vst.idx.msk $0xffff, v5  }
0x99: {  	[tilespmem:v56+s28+$0x0] =	vst.idx.msk $0xffff, v7  }
0x9a: {  	v57 =	vadd.s32 v2, v4;
	v5 =	vld [tilespmem:s8+$0xFFFFFFF0]  }
0x9b: {  	v4 =	vadd.s32 v3, v4;
	v7 =	vld [tilespmem:s9+$0xFFFFFFF0];
	_ =	sdelay $0x2  }
0x9c: {  	s11 =	sadd.s32 $0x2, s5  }
0x9d: {  	[tilespmem:v57+s28+$0x0] =	vst.idx.msk $0xffff, v5;
	v5 =	vmov s11  }
0x9e: {  	[tilespmem:v4+s28+$0x0] =	vst.idx.msk $0xffff, v7;
	v4 =	vand.u32 $0x7E, v5  }
0x9f: {  	v5 =	vld [tilespmem:s8+$0x0];
	v58 =	vadd.s32 v0, v4  }
0xa0: {  	v7 =	vld [tilespmem:s9+$0x0];
	v59 =	vadd.s32 v1, v4;
	_ =	sdelay $0x3  }
0xa1: {  	[tilespmem:v58+s28+$0x0] =	vst.idx.msk $0xffff, v5  }
0xa2: {  	[tilespmem:v59+s28+$0x0] =	vst.idx.msk $0xffff, v7  }
0xa3: {  	v60 =	vadd.s32 v2, v4;
	v5 =	vld [tilespmem:s8+$0x10]  }
0xa4: {  	v4 =	vadd.s32 v3, v4;
	v7 =	vld [tilespmem:s9+$0x10];
	_ =	sdelay $0x2  }
0xa5: {  	s17 =	sadd.s32 $0x3, s5  }
0xa6: {  	[tilespmem:v60+s28+$0x0] =	vst.idx.msk $0xffff, v5;
	v5 =	vmov s17  }
0xa7: {  	[tilespmem:v4+s28+$0x0] =	vst.idx.msk $0xffff, v7;
	v4 =	vand.u32 $0x7F, v5  }
0xa8: {  	v5 =	vld [tilespmem:s8+$0x20];
	v61 =	vadd.s32 v0, v4  }
0xa9: {  	v7 =	vld [tilespmem:s9+$0x20];
	v62 =	vadd.s32 v1, v4;
	_ =	sdelay $0x3  }
0xaa: {  	[tilespmem:v61+s28+$0x0] =	vst.idx.msk $0xffff, v5  }
0xab: {  	[tilespmem:v62+s28+$0x0] =	vst.idx.msk $0xffff, v7  }
0xac: {  	v63 =	vadd.s32 v2, v4;
	v5 =	vld [tilespmem:s8+$0x30]  }
0xad: {  	v4 =	vadd.s32 v3, v4;
	v7 =	vld [tilespmem:s9+$0x30];
	_ =	sdelay $0x2  }
0xae: {  	p0 =	seq.s32 s6, $0x18  }
0xaf: {  	s5 =	sxor.u32 @!p0 $0x1, s7;
	[tilespmem:v63+s28+$0x0] =	vst.idx.msk $0xffff, v5  }
0xb0: {  	s8 =	sadd.s32 @!p0 $0x1, s5;
	[tilespmem:v4+s28+$0x0] =	vst.idx.msk $0xffff, v7  }
0xb1: {  	s18 =	sshll.u32 s6, $0x12;
	_ =	swait.ge @!p0 [sflag:s8], $0x400  }
0xb2: {  	s5 =	sshll.u32 @!p0 s5, $0xA;
	s9 =	simm.s32 @!p0 $0x800;
	[sflag:s8] =	ssyncset.done @!p0 $0x0  }
0xb3: {  	s20 =	rddreg [dreg:$0x6];
	[sflag:s8] =	ssyncadd.s32 @!p0 $0xFFFFFC00;
	s8 =	simm.s32 @!p0 $0x80  }
0xb4: {  	[tilespmem:s9], [sflag:$0x3] =	stream.indirect.gather @!p0 [hbm4b:s2+s8], $0x20, s5, s8, $0xb8;
	[tilespmem:$0x14A00] =	vst v63  }
0xb5: {  	s31 =	rddreg [dreg:$0x3];
	s20 =	sor.u32 s20, s18;
	s9 =	simm.s32 @!p0 $0x8800  }
0xb6: {  	[tilespmem:s9], [sflag:$0x3] =	stream.indirect.gather @!p0 [hbm4b:s4+s8], $0x20, s5, s8, $0xb8;
	[tilespmem:$0x14A00] =	vst v63  }
0xb7: {  	s10 =	simm.s32 $0x10908;
	s17 =	sadd.s32 $0x1, s6;
	s5 =	sadd.s32 s31, s20  }
0xb8: {  	s8 =	simm.s32 $0x10800;
	s9 =	simm.s32 $0x400;
	s18 =	sadd.s32 $0x0, s5  }
.LBB2_6:
0xb9: {  	[hbm4b:s18+s3] =	stream.linear.scatter [tilespmem:s8], [sflag:$0xB], $0x100, $0x38;
	[tilespmem:$0x14A00] =	vst v63  }
0xba: {  	s18 =	smov.u32 s9;
	s8 =	smov.u32 s10;
	p2 =	sne.s32 s9, $0x7C00  }
.Ltmp1:
0xbb: {  	s9 =	sadd.s32 $0x400, s9;
	(pc) =	sbr.rel @p2 .LBB2_6-.Ltmp1, $2  }
0xbc: {  	_ =	sdelay $0x2  }
0xbd: {  	s10 =	sadd.s32 $0x108, s10;
	s18 =	sadd.s32 s18, s5  }
0xbe: {  	[hbm4b:s18+s3] =	stream.linear.scatter [tilespmem:s8], [sflag:$0xB], $0x100, $0x38;
	[tilespmem:$0x14A00] =	vst v63  }
0xbf: {  	_ =	swait.ge [sflag:s30], $0x1000  }
0xc0: {  	[sflag:s30] =	ssyncset.done $0x0  }
0xc1: {  	[sflag:s30] =	ssyncadd.s32 $0xFFFFF000  }
0xc2: {  	_ =	swait.ge [sflag:s30], $0x1000  }
0xc3: {  	[sflag:s30] =	ssyncset.done $0x0  }
0xc4: {  	s5 =	simm.s32 @!p1 $0xC;
	[sflag:s30] =	ssyncadd.s32 $0xFFFFF000  }
0xc5: {  	s18 =	simm.s32 $0x0;
	_ =	swait.ge @!p1 [sflag:s5], $0x2000  }
0xc6: {  	v4 =	vmov s18;
	[sflag:s5] =	ssyncset.done @!p1 $0x0  }
0xc7: {  	s31 =	simm.s32 $0x1870;
	v4 =	vand.u32 $0x7C, v4;
	[sflag:s5] =	ssyncadd.s32 @!p1 $0xFFFFE000  }
0xc8: {  	s18 =	simm.s32 $0x9870;
	v6 =	vadd.s32 v0, v4;
	v5 =	vld [tilespmem:s31+$0xFFFFFF90]  }
0xc9: {  	v8 =	vadd.s32 v1, v4;
	v7 =	vld [tilespmem:s18+$0xFFFFFF90];
	_ =	sdelay $0x3  }
0xca: {  	[tilespmem:v6+s0+$0x0] =	vst.idx.msk $0xffff, v5  }
0xcb: {  	[tilespmem:v8+s0+$0x0] =	vst.idx.msk $0xffff, v7  }
0xcc: {  	v6 =	vadd.s32 v2, v4;
	v5 =	vld [tilespmem:s31+$0xFFFFFFA0]  }
0xcd: {  	v4 =	vadd.s32 v3, v4;
	v7 =	vld [tilespmem:s18+$0xFFFFFFA0];
	_ =	sdelay $0x2  }
0xce: {  	s9 =	simm.s32 $0x1  }
0xcf: {  	[tilespmem:v6+s0+$0x0] =	vst.idx.msk $0xffff, v5;
	v5 =	vmov s9  }
0xd0: {  	[tilespmem:v4+s0+$0x0] =	vst.idx.msk $0xffff, v7;
	v4 =	vand.u32 $0x7D, v5  }
0xd1: {  	v5 =	vld [tilespmem:s31+$0xFFFFFFB0];
	v6 =	vadd.s32 v0, v4  }
0xd2: {  	v7 =	vld [tilespmem:s18+$0xFFFFFFB0];
	v8 =	vadd.s32 v1, v4;
	_ =	sdelay $0x3  }
0xd3: {  	[tilespmem:v6+s0+$0x0] =	vst.idx.msk $0xffff, v5  }
0xd4: {  	[tilespmem:v8+s0+$0x0] =	vst.idx.msk $0xffff, v7  }
0xd5: {  	v6 =	vadd.s32 v2, v4;
	v5 =	vld [tilespmem:s31+$0xFFFFFFC0]  }
0xd6: {  	v4 =	vadd.s32 v3, v4;
	v7 =	vld [tilespmem:s18+$0xFFFFFFC0];
	_ =	sdelay $0x2  }
0xd7: {  	s10 =	simm.s32 $0x2  }
0xd8: {  	[tilespmem:v6+s0+$0x0] =	vst.idx.msk $0xffff, v5;
	v5 =	vmov s10  }
0xd9: {  	[tilespmem:v4+s0+$0x0] =	vst.idx.msk $0xffff, v7;
	v4 =	vand.u32 $0x7E, v5  }
0xda: {  	v5 =	vld [tilespmem:s31+$0xFFFFFFD0];
	v6 =	vadd.s32 v0, v4  }
0xdb: {  	v7 =	vld [tilespmem:s18+$0xFFFFFFD0];
	v8 =	vadd.s32 v1, v4;
	_ =	sdelay $0x3  }
0xdc: {  	[tilespmem:v6+s0+$0x0] =	vst.idx.msk $0xffff, v5  }
0xdd: {  	[tilespmem:v8+s0+$0x0] =	vst.idx.msk $0xffff, v7  }
0xde: {  	v6 =	vadd.s32 v2, v4;
	v5 =	vld [tilespmem:s31+$0xFFFFFFE0]  }
0xdf: {  	v4 =	vadd.s32 v3, v4;
	v7 =	vld [tilespmem:s18+$0xFFFFFFE0];
	_ =	sdelay $0x2  }
0xe0: {  	s11 =	simm.s32 $0x3  }
0xe1: {  	[tilespmem:v6+s0+$0x0] =	vst.idx.msk $0xffff, v5;
	v5 =	vmov s11  }
0xe2: {  	[tilespmem:v4+s0+$0x0] =	vst.idx.msk $0xffff, v7;
	v5 =	vand.u32 $0x7F, v5  }
0xe3: {  	v4 =	vld [tilespmem:s31+$0xFFFFFFF0];
	v6 =	vadd.s32 v0, v5  }
0xe4: {  	v7 =	vld [tilespmem:s18+$0xFFFFFFF0];
	v8 =	vadd.s32 v1, v5;
	_ =	sdelay $0x3  }
0xe5: {  	[tilespmem:v6+s0+$0x0] =	vst.idx.msk $0xffff, v4  }
0xe6: {  	[tilespmem:v8+s0+$0x0] =	vst.idx.msk $0xffff, v7  }
0xe7: {  	v8 =	vadd.s32 v2, v5;
	v7 =	vld [tilespmem:s31+$0x0]  }
0xe8: {  	v5 =	vadd.s32 v3, v5;
	v4 =	vld [tilespmem:s18+$0x0];
	_ =	sdelay $0x2  }
0xe9: {  	s5 =	simm.s32 $0x4  }
0xea: {  	s8 =	simm.s32 $0x2;
	v6 =	vmov s5;
	[tilespmem:v8+s0+$0x0] =	vst.idx.msk $0xffff, v7  }
.LBB2_8:
0xeb: {  	s8 =	sadd.s32 $0x2, s8;
	v6 =	vand.u32 $0x7C, v6;
	[tilespmem:v5+s0+$0x0] =	vst.idx.msk $0xffff, v4;
	s18 =	sadd.s32 $0x80, s18;
	s31 =	sadd.s32 $0x80, s31  }
0xec: {  	p1 =	slt.u32 s8, $0x3E;
	v4 =	vld [tilespmem:s31+$0xFFFFFF90];
	v5 =	vadd.s32 v0, v6  }
0xed: {  	v8 =	vadd.s32 v1, v6;
	v7 =	vld [tilespmem:s18+$0xFFFFFF90];
	_ =	sdelay $0x3  }
0xee: {  	[tilespmem:v5+s0+$0x0] =	vst.idx.msk $0xffff, v4  }
0xef: {  	[tilespmem:v8+s0+$0x0] =	vst.idx.msk $0xffff, v7  }
0xf0: {  	v5 =	vadd.s32 v2, v6;
	v4 =	vld [tilespmem:s31+$0xFFFFFFA0]  }
0xf1: {  	v6 =	vadd.s32 v3, v6;
	v7 =	vld [tilespmem:s18+$0xFFFFFFA0];
	_ =	sdelay $0x2  }
0xf2: {  	s9 =	sadd.s32 $0x1, s5  }
0xf3: {  	[tilespmem:v5+s0+$0x0] =	vst.idx.msk $0xffff, v4;
	v4 =	vmov s9  }
0xf4: {  	[tilespmem:v6+s0+$0x0] =	vst.idx.msk $0xffff, v7;
	v4 =	vand.u32 $0x7D, v4  }
0xf5: {  	v5 =	vld [tilespmem:s31+$0xFFFFFFB0];
	v6 =	vadd.s32 v0, v4  }
0xf6: {  	v8 =	vadd.s32 v1, v4;
	v7 =	vld [tilespmem:s18+$0xFFFFFFB0];
	_ =	sdelay $0x3  }
0xf7: {  	[tilespmem:v6+s0+$0x0] =	vst.idx.msk $0xffff, v5  }
0xf8: {  	[tilespmem:v8+s0+$0x0] =	vst.idx.msk $0xffff, v7  }
0xf9: {  	v6 =	vadd.s32 v2, v4;
	v5 =	vld [tilespmem:s31+$0xFFFFFFC0]  }
0xfa: {  	v4 =	vadd.s32 v3, v4;
	v7 =	vld [tilespmem:s18+$0xFFFFFFC0];
	_ =	sdelay $0x2  }
0xfb: {  	s9 =	sadd.s32 $0x2, s5  }
0xfc: {  	[tilespmem:v6+s0+$0x0] =	vst.idx.msk $0xffff, v5;
	v5 =	vmov s9  }
0xfd: {  	[tilespmem:v4+s0+$0x0] =	vst.idx.msk $0xffff, v7;
	v4 =	vand.u32 $0x7E, v5  }
0xfe: {  	v5 =	vld [tilespmem:s31+$0xFFFFFFD0];
	v6 =	vadd.s32 v0, v4  }
0xff: {  	v8 =	vadd.s32 v1, v4;
	v7 =	vld [tilespmem:s18+$0xFFFFFFD0];
	_ =	sdelay $0x3  }
0x100: {  	[tilespmem:v6+s0+$0x0] =	vst.idx.msk $0xffff, v5  }
0x101: {  	[tilespmem:v8+s0+$0x0] =	vst.idx.msk $0xffff, v7  }
0x102: {  	v6 =	vadd.s32 v2, v4;
	v5 =	vld [tilespmem:s31+$0xFFFFFFE0]  }
0x103: {  	v4 =	vadd.s32 v3, v4;
	v7 =	vld [tilespmem:s18+$0xFFFFFFE0];
	_ =	sdelay $0x2  }
0x104: {  	s9 =	sadd.s32 $0x3, s5  }
0x105: {  	[tilespmem:v6+s0+$0x0] =	vst.idx.msk $0xffff, v5;
	v5 =	vmov s9  }
0x106: {  	[tilespmem:v4+s0+$0x0] =	vst.idx.msk $0xffff, v7;
	v5 =	vand.u32 $0x7F, v5  }
0x107: {  	v4 =	vld [tilespmem:s31+$0xFFFFFFF0];
	v6 =	vadd.s32 v0, v5  }
0x108: {  	v8 =	vadd.s32 v1, v5;
	v7 =	vld [tilespmem:s18+$0xFFFFFFF0];
	_ =	sdelay $0x3  }
0x109: {  	[tilespmem:v6+s0+$0x0] =	vst.idx.msk $0xffff, v4  }
0x10a: {  	[tilespmem:v8+s0+$0x0] =	vst.idx.msk $0xffff, v7  }
0x10b: {  	v8 =	vadd.s32 v2, v5;
	v7 =	vld [tilespmem:s31+$0x0]  }
.Ltmp2:
0x10c: {  	v5 =	vadd.s32 v3, v5;
	v4 =	vld [tilespmem:s18+$0x0];
	(pc) =	sbr.rel @p1 .LBB2_8-.Ltmp2, $3  }
0x10d: {  	_ =	sdelay $0x1  }
0x10e: {  	s5 =	sadd.s32 $0x4, s5  }
0x10f: {  	v6 =	vmov s5;
	[tilespmem:v8+s0+$0x0] =	vst.idx.msk $0xffff, v7  }
0x110: {  	_ =	sdelay $0x3  }
0x111: {  	v6 =	vand.u32 $0x7C, v6;
	[tilespmem:v5+s0+$0x0] =	vst.idx.msk $0xffff, v4;
	s8 =	sadd.s32 $0x80, s31  }
0x112: {  	s9 =	sadd.s32 $0x80, s18;
	v4 =	vld [tilespmem:s8+$0xFFFFFF90];
	v5 =	vadd.s32 v0, v6  }
0x113: {  	v7 =	vld [tilespmem:s9+$0xFFFFFF90];
	v8 =	vadd.s32 v1, v6;
	_ =	sdelay $0x3  }
0x114: {  	[tilespmem:v5+s0+$0x0] =	vst.idx.msk $0xffff, v4  }
0x115: {  	[tilespmem:v8+s0+$0x0] =	vst.idx.msk $0xffff, v7  }
0x116: {  	v5 =	vadd.s32 v2, v6;
	v4 =	vld [tilespmem:s8+$0xFFFFFFA0]  }
0x117: {  	v6 =	vadd.s32 v3, v6;
	v7 =	vld [tilespmem:s9+$0xFFFFFFA0];
	_ =	sdelay $0x2  }
0x118: {  	s10 =	sadd.s32 $0x1, s5  }
0x119: {  	[tilespmem:v5+s0+$0x0] =	vst.idx.msk $0xffff, v4;
	v4 =	vmov s10  }
0x11a: {  	[tilespmem:v6+s0+$0x0] =	vst.idx.msk $0xffff, v7;
	v4 =	vand.u32 $0x7D, v4  }
0x11b: {  	v5 =	vld [tilespmem:s8+$0xFFFFFFB0];
	v55 =	vadd.s32 v0, v4  }
0x11c: {  	v7 =	vld [tilespmem:s9+$0xFFFFFFB0];
	v56 =	vadd.s32 v1, v4;
	_ =	sdelay $0x3  }
0x11d: {  	[tilespmem:v55+s0+$0x0] =	vst.idx.msk $0xffff, v5  }
0x11e: {  	[tilespmem:v56+s0+$0x0] =	vst.idx.msk $0xffff, v7  }
0x11f: {  	v57 =	vadd.s32 v2, v4;
	v5 =	vld [tilespmem:s8+$0xFFFFFFC0]  }
0x120: {  	v4 =	vadd.s32 v3, v4;
	v7 =	vld [tilespmem:s9+$0xFFFFFFC0];
	_ =	sdelay $0x2  }
0x121: {  	s18 =	sadd.s32 $0x2, s5  }
0x122: {  	[tilespmem:v57+s0+$0x0] =	vst.idx.msk $0xffff, v5;
	v5 =	vmov s18  }
0x123: {  	[tilespmem:v4+s0+$0x0] =	vst.idx.msk $0xffff, v7;
	v4 =	vand.u32 $0x7E, v5  }
0x124: {  	v5 =	vld [tilespmem:s8+$0xFFFFFFD0];
	v58 =	vadd.s32 v0, v4  }
0x125: {  	v7 =	vld [tilespmem:s9+$0xFFFFFFD0];
	v59 =	vadd.s32 v1, v4;
	_ =	sdelay $0x3  }
0x126: {  	[tilespmem:v58+s0+$0x0] =	vst.idx.msk $0xffff, v5  }
0x127: {  	[tilespmem:v59+s0+$0x0] =	vst.idx.msk $0xffff, v7  }
0x128: {  	v60 =	vadd.s32 v2, v4;
	v5 =	vld [tilespmem:s8+$0xFFFFFFE0]  }
0x129: {  	v4 =	vadd.s32 v3, v4;
	v7 =	vld [tilespmem:s9+$0xFFFFFFE0];
	_ =	sdelay $0x2  }
0x12a: {  	s11 =	sadd.s32 $0x3, s5  }
0x12b: {  	[tilespmem:v60+s0+$0x0] =	vst.idx.msk $0xffff, v5;
	v5 =	vmov s11  }
0x12c: {  	[tilespmem:v4+s0+$0x0] =	vst.idx.msk $0xffff, v7;
	v4 =	vand.u32 $0x7F, v5  }
0x12d: {  	v5 =	vld [tilespmem:s8+$0xFFFFFFF0];
	v61 =	vadd.s32 v0, v4  }
0x12e: {  	v7 =	vld [tilespmem:s9+$0xFFFFFFF0];
	v62 =	vadd.s32 v1, v4;
	_ =	sdelay $0x3  }
0x12f: {  	[tilespmem:v61+s0+$0x0] =	vst.idx.msk $0xffff, v5  }
0x130: {  	[tilespmem:v62+s0+$0x0] =	vst.idx.msk $0xffff, v7  }
0x131: {  	v63 =	vadd.s32 v2, v4;
	v5 =	vld [tilespmem:s8+$0x0]  }
0x132: {  	v4 =	vadd.s32 v3, v4;
	v7 =	vld [tilespmem:s9+$0x0];
	_ =	sdelay $0x3  }
0x133: {  	s31 =	sshll.u32 @!p0 s7, $0xA;
	[tilespmem:v63+s0+$0x0] =	vst.idx.msk $0xffff, v5  }
0x134: {  	s5 =	sxor.u32 @!p0 $0x480, s31;
	s8 =	simm.s32 @!p0 $0x80;
	s9 =	simm.s32 @!p0 $0x1800;
	[tilespmem:v4+s0+$0x0] =	vst.idx.msk $0xffff, v7  }
0x135: {  	[tilespmem:s9], [sflag:$0x4] =	stream.indirect.gather @!p0 [hbm4b:s2+s8], $0x20, s5, s8, $0xb8;
	[tilespmem:$0x14A00] =	vst v63  }
0x136: {  	s18 =	rddreg [dreg:$0x7];
	s9 =	simm.s32 @!p0 $0x9800  }
0x137: {  	[tilespmem:s9], [sflag:$0x4] =	stream.indirect.gather @!p0 [hbm4b:s4+s8], $0x20, s5, s8, $0xb8;
	[tilespmem:$0x14A00] =	vst v63  }
0x138: {  	s10 =	simm.s32 $0x12A08;
	s5 =	sadd.s32 s20, s18  }
0x139: {  	s8 =	simm.s32 $0x12900;
	s9 =	simm.s32 $0x400;
	s18 =	sadd.s32 $0x0, s5  }
.LBB2_10:
0x13a: {  	[hbm4b:s18+s3] =	stream.linear.scatter [tilespmem:s8], [sflag:$0xC], $0x100, $0x38;
	[tilespmem:$0x14A00] =	vst v63  }
0x13b: {  	s18 =	smov.u32 s9;
	s8 =	smov.u32 s10;
	p1 =	sne.s32 s9, $0x7C00  }
.Ltmp3:
0x13c: {  	s9 =	sadd.s32 $0x400, s9;
	(pc) =	sbr.rel @p1 .LBB2_10-.Ltmp3, $2  }
0x13d: {  	_ =	sdelay $0x2  }
0x13e: {  	s10 =	sadd.s32 $0x108, s10;
	s18 =	sadd.s32 s18, s5  }
0x13f: {  	[hbm4b:s18+s3] =	stream.linear.scatter [tilespmem:s8], [sflag:$0xC], $0x100, $0x38;
	[tilespmem:$0x14A00] =	vst v63  }
0x140: {  	_ =	swait.ge [sflag:s21], $0x1000  }
0x141: {  	[sflag:s21] =	ssyncset.done $0x0  }
0x142: {  	[sflag:s21] =	ssyncadd.s32 $0xFFFFF000  }
0x143: {  	_ =	swait.ge [sflag:s21], $0x1000  }
0x144: {  	[sflag:s21] =	ssyncset.done $0x0  }
0x145: {  	[sflag:s21] =	ssyncadd.s32 $0xFFFFF000  }
0x146: {  	s5 =	simm.s32 $0x0;
	_ =	swait.ge [sflag:s23], $0x2000  }
0x147: {  	v4 =	vmov s5;
	[sflag:s23] =	ssyncset.done $0x0  }
0x148: {  	s18 =	simm.s32 $0x2870;
	v4 =	vand.u32 $0x7C, v4;
	[sflag:s23] =	ssyncadd.s32 $0xFFFFE000  }
0x149: {  	s5 =	simm.s32 $0xA870;
	v6 =	vadd.s32 v0, v4;
	v5 =	vld [tilespmem:s18+$0xFFFFFF90]  }
0x14a: {  	v8 =	vadd.s32 v1, v4;
	v7 =	vld [tilespmem:s5+$0xFFFFFF90];
	_ =	sdelay $0x3  }
0x14b: {  	[tilespmem:v6+s28+$0x0] =	vst.idx.msk $0xffff, v5  }
0x14c: {  	[tilespmem:v8+s28+$0x0] =	vst.idx.msk $0xffff, v7  }
0x14d: {  	v6 =	vadd.s32 v2, v4;
	v5 =	vld [tilespmem:s18+$0xFFFFFFA0]  }
0x14e: {  	v4 =	vadd.s32 v3, v4;
	v7 =	vld [tilespmem:s5+$0xFFFFFFA0];
	_ =	sdelay $0x2  }
0x14f: {  	s9 =	simm.s32 $0x1  }
0x150: {  	[tilespmem:v6+s28+$0x0] =	vst.idx.msk $0xffff, v5;
	v5 =	vmov s9  }
0x151: {  	[tilespmem:v4+s28+$0x0] =	vst.idx.msk $0xffff, v7;
	v4 =	vand.u32 $0x7D, v5  }
0x152: {  	v5 =	vld [tilespmem:s18+$0xFFFFFFB0];
	v6 =	vadd.s32 v0, v4  }
0x153: {  	v7 =	vld [tilespmem:s5+$0xFFFFFFB0];
	v8 =	vadd.s32 v1, v4;
	_ =	sdelay $0x3  }
0x154: {  	[tilespmem:v6+s28+$0x0] =	vst.idx.msk $0xffff, v5  }
0x155: {  	[tilespmem:v8+s28+$0x0] =	vst.idx.msk $0xffff, v7  }
0x156: {  	v6 =	vadd.s32 v2, v4;
	v5 =	vld [tilespmem:s18+$0xFFFFFFC0]  }
0x157: {  	v4 =	vadd.s32 v3, v4;
	v7 =	vld [tilespmem:s5+$0xFFFFFFC0];
	_ =	sdelay $0x2  }
0x158: {  	s10 =	simm.s32 $0x2  }
0x159: {  	[tilespmem:v6+s28+$0x0] =	vst.idx.msk $0xffff, v5;
	v5 =	vmov s10  }
0x15a: {  	[tilespmem:v4+s28+$0x0] =	vst.idx.msk $0xffff, v7;
	v4 =	vand.u32 $0x7E, v5  }
0x15b: {  	v5 =	vld [tilespmem:s18+$0xFFFFFFD0];
	v6 =	vadd.s32 v0, v4  }
0x15c: {  	v7 =	vld [tilespmem:s5+$0xFFFFFFD0];
	v8 =	vadd.s32 v1, v4;
	_ =	sdelay $0x3  }
0x15d: {  	[tilespmem:v6+s28+$0x0] =	vst.idx.msk $0xffff, v5  }
0x15e: {  	[tilespmem:v8+s28+$0x0] =	vst.idx.msk $0xffff, v7  }
0x15f: {  	v6 =	vadd.s32 v2, v4;
	v5 =	vld [tilespmem:s18+$0xFFFFFFE0]  }
0x160: {  	v4 =	vadd.s32 v3, v4;
	v7 =	vld [tilespmem:s5+$0xFFFFFFE0];
	_ =	sdelay $0x2  }
0x161: {  	s11 =	simm.s32 $0x3  }
0x162: {  	[tilespmem:v6+s28+$0x0] =	vst.idx.msk $0xffff, v5;
	v5 =	vmov s11  }
0x163: {  	[tilespmem:v4+s28+$0x0] =	vst.idx.msk $0xffff, v7;
	v5 =	vand.u32 $0x7F, v5  }
0x164: {  	v4 =	vld [tilespmem:s18+$0xFFFFFFF0];
	v6 =	vadd.s32 v0, v5  }
0x165: {  	v7 =	vld [tilespmem:s5+$0xFFFFFFF0];
	v8 =	vadd.s32 v1, v5;
	_ =	sdelay $0x3  }
0x166: {  	[tilespmem:v6+s28+$0x0] =	vst.idx.msk $0xffff, v4  }
0x167: {  	[tilespmem:v8+s28+$0x0] =	vst.idx.msk $0xffff, v7  }
0x168: {  	v8 =	vadd.s32 v2, v5;
	v7 =	vld [tilespmem:s18+$0x0]  }
0x169: {  	v5 =	vadd.s32 v3, v5;
	v4 =	vld [tilespmem:s5+$0x0];
	_ =	sdelay $0x2  }
0x16a: {  	s8 =	simm.s32 $0x4  }
0x16b: {  	s9 =	simm.s32 $0x2;
	v6 =	vmov s8;
	[tilespmem:v8+s28+$0x0] =	vst.idx.msk $0xffff, v7  }
.LBB2_12:
0x16c: {  	s9 =	sadd.s32 $0x2, s9;
	v6 =	vand.u32 $0x7C, v6;
	[tilespmem:v5+s28+$0x0] =	vst.idx.msk $0xffff, v4;
	s5 =	sadd.s32 $0x80, s5;
	s18 =	sadd.s32 $0x80, s18  }
0x16d: {  	p1 =	slt.u32 s9, $0x3E;
	v4 =	vld [tilespmem:s18+$0xFFFFFF90];
	v5 =	vadd.s32 v0, v6  }
0x16e: {  	v8 =	vadd.s32 v1, v6;
	v7 =	vld [tilespmem:s5+$0xFFFFFF90];
	_ =	sdelay $0x3  }
0x16f: {  	[tilespmem:v5+s28+$0x0] =	vst.idx.msk $0xffff, v4  }
0x170: {  	[tilespmem:v8+s28+$0x0] =	vst.idx.msk $0xffff, v7  }
0x171: {  	v5 =	vadd.s32 v2, v6;
	v4 =	vld [tilespmem:s18+$0xFFFFFFA0]  }
0x172: {  	v6 =	vadd.s32 v3, v6;
	v7 =	vld [tilespmem:s5+$0xFFFFFFA0];
	_ =	sdelay $0x2  }
0x173: {  	s10 =	sadd.s32 $0x1, s8  }
0x174: {  	[tilespmem:v5+s28+$0x0] =	vst.idx.msk $0xffff, v4;
	v4 =	vmov s10  }
0x175: {  	[tilespmem:v6+s28+$0x0] =	vst.idx.msk $0xffff, v7;
	v4 =	vand.u32 $0x7D, v4  }
0x176: {  	v5 =	vld [tilespmem:s18+$0xFFFFFFB0];
	v6 =	vadd.s32 v0, v4  }
0x177: {  	v8 =	vadd.s32 v1, v4;
	v7 =	vld [tilespmem:s5+$0xFFFFFFB0];
	_ =	sdelay $0x3  }
0x178: {  	[tilespmem:v6+s28+$0x0] =	vst.idx.msk $0xffff, v5  }
0x179: {  	[tilespmem:v8+s28+$0x0] =	vst.idx.msk $0xffff, v7  }
0x17a: {  	v6 =	vadd.s32 v2, v4;
	v5 =	vld [tilespmem:s18+$0xFFFFFFC0]  }
0x17b: {  	v4 =	vadd.s32 v3, v4;
	v7 =	vld [tilespmem:s5+$0xFFFFFFC0];
	_ =	sdelay $0x2  }
0x17c: {  	s10 =	sadd.s32 $0x2, s8  }
0x17d: {  	[tilespmem:v6+s28+$0x0] =	vst.idx.msk $0xffff, v5;
	v5 =	vmov s10  }
0x17e: {  	[tilespmem:v4+s28+$0x0] =	vst.idx.msk $0xffff, v7;
	v4 =	vand.u32 $0x7E, v5  }
0x17f: {  	v5 =	vld [tilespmem:s18+$0xFFFFFFD0];
	v6 =	vadd.s32 v0, v4  }
0x180: {  	v8 =	vadd.s32 v1, v4;
	v7 =	vld [tilespmem:s5+$0xFFFFFFD0];
	_ =	sdelay $0x3  }
0x181: {  	[tilespmem:v6+s28+$0x0] =	vst.idx.msk $0xffff, v5  }
0x182: {  	[tilespmem:v8+s28+$0x0] =	vst.idx.msk $0xffff, v7  }
0x183: {  	v6 =	vadd.s32 v2, v4;
	v5 =	vld [tilespmem:s18+$0xFFFFFFE0]  }
0x184: {  	v4 =	vadd.s32 v3, v4;
	v7 =	vld [tilespmem:s5+$0xFFFFFFE0];
	_ =	sdelay $0x2  }
0x185: {  	s10 =	sadd.s32 $0x3, s8  }
0x186: {  	[tilespmem:v6+s28+$0x0] =	vst.idx.msk $0xffff, v5;
	v5 =	vmov s10  }
0x187: {  	[tilespmem:v4+s28+$0x0] =	vst.idx.msk $0xffff, v7;
	v5 =	vand.u32 $0x7F, v5  }
0x188: {  	v4 =	vld [tilespmem:s18+$0xFFFFFFF0];
	v6 =	vadd.s32 v0, v5  }
0x189: {  	v8 =	vadd.s32 v1, v5;
	v7 =	vld [tilespmem:s5+$0xFFFFFFF0];
	_ =	sdelay $0x3  }
0x18a: {  	[tilespmem:v6+s28+$0x0] =	vst.idx.msk $0xffff, v4  }
0x18b: {  	[tilespmem:v8+s28+$0x0] =	vst.idx.msk $0xffff, v7  }
0x18c: {  	v8 =	vadd.s32 v2, v5;
	v7 =	vld [tilespmem:s18+$0x0]  }
.Ltmp4:
0x18d: {  	v5 =	vadd.s32 v3, v5;
	v4 =	vld [tilespmem:s5+$0x0];
	(pc) =	sbr.rel @p1 .LBB2_12-.Ltmp4, $3  }
0x18e: {  	_ =	sdelay $0x1  }
0x18f: {  	s8 =	sadd.s32 $0x4, s8  }
0x190: {  	v6 =	vmov s8;
	[tilespmem:v8+s28+$0x0] =	vst.idx.msk $0xffff, v7  }
0x191: {  	_ =	sdelay $0x3  }
0x192: {  	v6 =	vand.u32 $0x7C, v6;
	[tilespmem:v5+s28+$0x0] =	vst.idx.msk $0xffff, v4;
	s9 =	sadd.s32 $0x80, s18  }
0x193: {  	s5 =	sadd.s32 $0x80, s5;
	v4 =	vld [tilespmem:s9+$0xFFFFFF90];
	v5 =	vadd.s32 v0, v6  }
0x194: {  	v7 =	vld [tilespmem:s5+$0xFFFFFF90];
	v8 =	vadd.s32 v1, v6;
	_ =	sdelay $0x3  }
0x195: {  	[tilespmem:v5+s28+$0x0] =	vst.idx.msk $0xffff, v4  }
0x196: {  	[tilespmem:v8+s28+$0x0] =	vst.idx.msk $0xffff, v7  }
0x197: {  	v5 =	vadd.s32 v2, v6;
	v4 =	vld [tilespmem:s9+$0xFFFFFFA0]  }
0x198: {  	v6 =	vadd.s32 v3, v6;
	v7 =	vld [tilespmem:s5+$0xFFFFFFA0];
	_ =	sdelay $0x2  }
0x199: {  	s10 =	sadd.s32 $0x1, s8  }
0x19a: {  	[tilespmem:v5+s28+$0x0] =	vst.idx.msk $0xffff, v4;
	v4 =	vmov s10  }
0x19b: {  	[tilespmem:v6+s28+$0x0] =	vst.idx.msk $0xffff, v7;
	v4 =	vand.u32 $0x7D, v4  }
0x19c: {  	v5 =	vld [tilespmem:s9+$0xFFFFFFB0];
	v55 =	vadd.s32 v0, v4  }
0x19d: {  	v7 =	vld [tilespmem:s5+$0xFFFFFFB0];
	v56 =	vadd.s32 v1, v4;
	_ =	sdelay $0x3  }
0x19e: {  	[tilespmem:v55+s28+$0x0] =	vst.idx.msk $0xffff, v5  }
0x19f: {  	[tilespmem:v56+s28+$0x0] =	vst.idx.msk $0xffff, v7  }
0x1a0: {  	v57 =	vadd.s32 v2, v4;
	v5 =	vld [tilespmem:s9+$0xFFFFFFC0]  }
0x1a1: {  	v4 =	vadd.s32 v3, v4;
	v7 =	vld [tilespmem:s5+$0xFFFFFFC0];
	_ =	sdelay $0x2  }
0x1a2: {  	s18 =	sadd.s32 $0x2, s8  }
0x1a3: {  	[tilespmem:v57+s28+$0x0] =	vst.idx.msk $0xffff, v5;
	v5 =	vmov s18  }
0x1a4: {  	[tilespmem:v4+s28+$0x0] =	vst.idx.msk $0xffff, v7;
	v4 =	vand.u32 $0x7E, v5  }
0x1a5: {  	v5 =	vld [tilespmem:s9+$0xFFFFFFD0];
	v58 =	vadd.s32 v0, v4  }
0x1a6: {  	v7 =	vld [tilespmem:s5+$0xFFFFFFD0];
	v59 =	vadd.s32 v1, v4;
	_ =	sdelay $0x3  }
0x1a7: {  	[tilespmem:v58+s28+$0x0] =	vst.idx.msk $0xffff, v5  }
0x1a8: {  	[tilespmem:v59+s28+$0x0] =	vst.idx.msk $0xffff, v7  }
0x1a9: {  	v60 =	vadd.s32 v2, v4;
	v5 =	vld [tilespmem:s9+$0xFFFFFFE0]  }
0x1aa: {  	v4 =	vadd.s32 v3, v4;
	v7 =	vld [tilespmem:s5+$0xFFFFFFE0];
	_ =	sdelay $0x2  }
0x1ab: {  	s11 =	sadd.s32 $0x3, s8  }
0x1ac: {  	[tilespmem:v60+s28+$0x0] =	vst.idx.msk $0xffff, v5;
	v5 =	vmov s11  }
0x1ad: {  	[tilespmem:v4+s28+$0x0] =	vst.idx.msk $0xffff, v7;
	v4 =	vand.u32 $0x7F, v5  }
0x1ae: {  	v5 =	vld [tilespmem:s9+$0xFFFFFFF0];
	v61 =	vadd.s32 v0, v4  }
0x1af: {  	v7 =	vld [tilespmem:s5+$0xFFFFFFF0];
	v62 =	vadd.s32 v1, v4;
	_ =	sdelay $0x3  }
0x1b0: {  	[tilespmem:v61+s28+$0x0] =	vst.idx.msk $0xffff, v5  }
0x1b1: {  	[tilespmem:v62+s28+$0x0] =	vst.idx.msk $0xffff, v7  }
0x1b2: {  	v63 =	vadd.s32 v2, v4;
	v5 =	vld [tilespmem:s9+$0x0]  }
0x1b3: {  	v4 =	vadd.s32 v3, v4;
	v7 =	vld [tilespmem:s5+$0x0];
	_ =	sdelay $0x3  }
0x1b4: {  	[tilespmem:v63+s28+$0x0] =	vst.idx.msk $0xffff, v5  }
0x1b5: {  	s8 =	simm.s32 @!p0 $0x80;
	s5 =	sxor.u32 @!p0 $0x500, s31;
	s9 =	simm.s32 @!p0 $0x2800;
	[tilespmem:v4+s28+$0x0] =	vst.idx.msk $0xffff, v7  }
0x1b6: {  	[tilespmem:s9], [sflag:$0x5] =	stream.indirect.gather @!p0 [hbm4b:s2+s8], $0x20, s5, s8, $0xb8;
	[tilespmem:$0x14A00] =	vst v63  }
0x1b7: {  	s18 =	rddreg [dreg:$0x8];
	s9 =	simm.s32 @!p0 $0xA800  }
0x1b8: {  	[tilespmem:s9], [sflag:$0x5] =	stream.indirect.gather @!p0 [hbm4b:s4+s8], $0x20, s5, s8, $0xb8;
	[tilespmem:$0x14A00] =	vst v63  }
0x1b9: {  	s10 =	simm.s32 $0x10908;
	s5 =	sadd.s32 s20, s18  }
0x1ba: {  	s8 =	simm.s32 $0x10800;
	s9 =	simm.s32 $0x400;
	s18 =	sadd.s32 $0x0, s5  }
.LBB2_14:
0x1bb: {  	[hbm4b:s18+s3] =	stream.linear.scatter [tilespmem:s8], [sflag:$0xB], $0x100, $0x38;
	[tilespmem:$0x14A00] =	vst v63  }
0x1bc: {  	s18 =	smov.u32 s9;
	s8 =	smov.u32 s10;
	p1 =	sne.s32 s9, $0x7C00  }
.Ltmp5:
0x1bd: {  	s9 =	sadd.s32 $0x400, s9;
	(pc) =	sbr.rel @p1 .LBB2_14-.Ltmp5, $2  }
0x1be: {  	_ =	sdelay $0x2  }
0x1bf: {  	s10 =	sadd.s32 $0x108, s10;
	s18 =	sadd.s32 s18, s5  }
0x1c0: {  	[hbm4b:s18+s3] =	stream.linear.scatter [tilespmem:s8], [sflag:$0xB], $0x100, $0x38;
	[tilespmem:$0x14A00] =	vst v63  }
0x1c1: {  	_ =	swait.ge [sflag:s19], $0x1000  }
0x1c2: {  	[sflag:s19] =	ssyncset.done $0x0  }
0x1c3: {  	[sflag:s19] =	ssyncadd.s32 $0xFFFFF000  }
0x1c4: {  	_ =	swait.ge [sflag:s19], $0x1000  }
0x1c5: {  	[sflag:s19] =	ssyncset.done $0x0  }
0x1c6: {  	[sflag:s19] =	ssyncadd.s32 $0xFFFFF000  }
0x1c7: {  	s5 =	simm.s32 $0x0;
	_ =	swait.ge [sflag:s25], $0x2000  }
0x1c8: {  	v4 =	vmov s5;
	[sflag:s25] =	ssyncset.done $0x0  }
0x1c9: {  	s18 =	simm.s32 $0x3870;
	v4 =	vand.u32 $0x7C, v4;
	[sflag:s25] =	ssyncadd.s32 $0xFFFFE000  }
0x1ca: {  	s5 =	simm.s32 $0xB870;
	v6 =	vadd.s32 v0, v4;
	v5 =	vld [tilespmem:s18+$0xFFFFFF90]  }
0x1cb: {  	v8 =	vadd.s32 v1, v4;
	v7 =	vld [tilespmem:s5+$0xFFFFFF90];
	_ =	sdelay $0x3  }
0x1cc: {  	[tilespmem:v6+s0+$0x0] =	vst.idx.msk $0xffff, v5  }
0x1cd: {  	[tilespmem:v8+s0+$0x0] =	vst.idx.msk $0xffff, v7  }
0x1ce: {  	v6 =	vadd.s32 v2, v4;
	v5 =	vld [tilespmem:s18+$0xFFFFFFA0]  }
0x1cf: {  	v4 =	vadd.s32 v3, v4;
	v7 =	vld [tilespmem:s5+$0xFFFFFFA0];
	_ =	sdelay $0x2  }
0x1d0: {  	s9 =	simm.s32 $0x1  }
0x1d1: {  	[tilespmem:v6+s0+$0x0] =	vst.idx.msk $0xffff, v5;
	v5 =	vmov s9  }
0x1d2: {  	[tilespmem:v4+s0+$0x0] =	vst.idx.msk $0xffff, v7;
	v4 =	vand.u32 $0x7D, v5  }
0x1d3: {  	v5 =	vld [tilespmem:s18+$0xFFFFFFB0];
	v6 =	vadd.s32 v0, v4  }
0x1d4: {  	v7 =	vld [tilespmem:s5+$0xFFFFFFB0];
	v8 =	vadd.s32 v1, v4;
	_ =	sdelay $0x3  }
0x1d5: {  	[tilespmem:v6+s0+$0x0] =	vst.idx.msk $0xffff, v5  }
0x1d6: {  	[tilespmem:v8+s0+$0x0] =	vst.idx.msk $0xffff, v7  }
0x1d7: {  	v6 =	vadd.s32 v2, v4;
	v5 =	vld [tilespmem:s18+$0xFFFFFFC0]  }
0x1d8: {  	v4 =	vadd.s32 v3, v4;
	v7 =	vld [tilespmem:s5+$0xFFFFFFC0];
	_ =	sdelay $0x2  }
0x1d9: {  	s10 =	simm.s32 $0x2  }
0x1da: {  	[tilespmem:v6+s0+$0x0] =	vst.idx.msk $0xffff, v5;
	v5 =	vmov s10  }
0x1db: {  	[tilespmem:v4+s0+$0x0] =	vst.idx.msk $0xffff, v7;
	v4 =	vand.u32 $0x7E, v5  }
0x1dc: {  	v5 =	vld [tilespmem:s18+$0xFFFFFFD0];
	v6 =	vadd.s32 v0, v4  }
0x1dd: {  	v7 =	vld [tilespmem:s5+$0xFFFFFFD0];
	v8 =	vadd.s32 v1, v4;
	_ =	sdelay $0x3  }
0x1de: {  	[tilespmem:v6+s0+$0x0] =	vst.idx.msk $0xffff, v5  }
0x1df: {  	[tilespmem:v8+s0+$0x0] =	vst.idx.msk $0xffff, v7  }
0x1e0: {  	v6 =	vadd.s32 v2, v4;
	v5 =	vld [tilespmem:s18+$0xFFFFFFE0]  }
0x1e1: {  	v4 =	vadd.s32 v3, v4;
	v7 =	vld [tilespmem:s5+$0xFFFFFFE0];
	_ =	sdelay $0x2  }
0x1e2: {  	s11 =	simm.s32 $0x3  }
0x1e3: {  	[tilespmem:v6+s0+$0x0] =	vst.idx.msk $0xffff, v5;
	v5 =	vmov s11  }
0x1e4: {  	[tilespmem:v4+s0+$0x0] =	vst.idx.msk $0xffff, v7;
	v5 =	vand.u32 $0x7F, v5  }
0x1e5: {  	v4 =	vld [tilespmem:s18+$0xFFFFFFF0];
	v6 =	vadd.s32 v0, v5  }
0x1e6: {  	v7 =	vld [tilespmem:s5+$0xFFFFFFF0];
	v8 =	vadd.s32 v1, v5;
	_ =	sdelay $0x3  }
0x1e7: {  	[tilespmem:v6+s0+$0x0] =	vst.idx.msk $0xffff, v4  }
0x1e8: {  	[tilespmem:v8+s0+$0x0] =	vst.idx.msk $0xffff, v7  }
0x1e9: {  	v8 =	vadd.s32 v2, v5;
	v7 =	vld [tilespmem:s18+$0x0]  }
0x1ea: {  	v5 =	vadd.s32 v3, v5;
	v4 =	vld [tilespmem:s5+$0x0];
	_ =	sdelay $0x2  }
0x1eb: {  	s8 =	simm.s32 $0x4  }
0x1ec: {  	s9 =	simm.s32 $0x2;
	v6 =	vmov s8;
	[tilespmem:v8+s0+$0x0] =	vst.idx.msk $0xffff, v7  }
.LBB2_16:
0x1ed: {  	s9 =	sadd.s32 $0x2, s9;
	v6 =	vand.u32 $0x7C, v6;
	[tilespmem:v5+s0+$0x0] =	vst.idx.msk $0xffff, v4;
	s5 =	sadd.s32 $0x80, s5;
	s18 =	sadd.s32 $0x80, s18  }
0x1ee: {  	p1 =	slt.u32 s9, $0x3E;
	v4 =	vld [tilespmem:s18+$0xFFFFFF90];
	v5 =	vadd.s32 v0, v6  }
0x1ef: {  	v8 =	vadd.s32 v1, v6;
	v7 =	vld [tilespmem:s5+$0xFFFFFF90];
	_ =	sdelay $0x3  }
0x1f0: {  	[tilespmem:v5+s0+$0x0] =	vst.idx.msk $0xffff, v4  }
0x1f1: {  	[tilespmem:v8+s0+$0x0] =	vst.idx.msk $0xffff, v7  }
0x1f2: {  	v5 =	vadd.s32 v2, v6;
	v4 =	vld [tilespmem:s18+$0xFFFFFFA0]  }
0x1f3: {  	v6 =	vadd.s32 v3, v6;
	v7 =	vld [tilespmem:s5+$0xFFFFFFA0];
	_ =	sdelay $0x2  }
0x1f4: {  	s10 =	sadd.s32 $0x1, s8  }
0x1f5: {  	[tilespmem:v5+s0+$0x0] =	vst.idx.msk $0xffff, v4;
	v4 =	vmov s10  }
0x1f6: {  	[tilespmem:v6+s0+$0x0] =	vst.idx.msk $0xffff, v7;
	v4 =	vand.u32 $0x7D, v4  }
0x1f7: {  	v5 =	vld [tilespmem:s18+$0xFFFFFFB0];
	v6 =	vadd.s32 v0, v4  }
0x1f8: {  	v8 =	vadd.s32 v1, v4;
	v7 =	vld [tilespmem:s5+$0xFFFFFFB0];
	_ =	sdelay $0x3  }
0x1f9: {  	[tilespmem:v6+s0+$0x0] =	vst.idx.msk $0xffff, v5  }
0x1fa: {  	[tilespmem:v8+s0+$0x0] =	vst.idx.msk $0xffff, v7  }
0x1fb: {  	v6 =	vadd.s32 v2, v4;
	v5 =	vld [tilespmem:s18+$0xFFFFFFC0]  }
0x1fc: {  	v4 =	vadd.s32 v3, v4;
	v7 =	vld [tilespmem:s5+$0xFFFFFFC0];
	_ =	sdelay $0x2  }
0x1fd: {  	s10 =	sadd.s32 $0x2, s8  }
0x1fe: {  	[tilespmem:v6+s0+$0x0] =	vst.idx.msk $0xffff, v5;
	v5 =	vmov s10  }
0x1ff: {  	[tilespmem:v4+s0+$0x0] =	vst.idx.msk $0xffff, v7;
	v4 =	vand.u32 $0x7E, v5  }
0x200: {  	v5 =	vld [tilespmem:s18+$0xFFFFFFD0];
	v6 =	vadd.s32 v0, v4  }
0x201: {  	v8 =	vadd.s32 v1, v4;
	v7 =	vld [tilespmem:s5+$0xFFFFFFD0];
	_ =	sdelay $0x3  }
0x202: {  	[tilespmem:v6+s0+$0x0] =	vst.idx.msk $0xffff, v5  }
0x203: {  	[tilespmem:v8+s0+$0x0] =	vst.idx.msk $0xffff, v7  }
0x204: {  	v6 =	vadd.s32 v2, v4;
	v5 =	vld [tilespmem:s18+$0xFFFFFFE0]  }
0x205: {  	v4 =	vadd.s32 v3, v4;
	v7 =	vld [tilespmem:s5+$0xFFFFFFE0];
	_ =	sdelay $0x2  }
0x206: {  	s10 =	sadd.s32 $0x3, s8  }
0x207: {  	[tilespmem:v6+s0+$0x0] =	vst.idx.msk $0xffff, v5;
	v5 =	vmov s10  }
0x208: {  	[tilespmem:v4+s0+$0x0] =	vst.idx.msk $0xffff, v7;
	v5 =	vand.u32 $0x7F, v5  }
0x209: {  	v4 =	vld [tilespmem:s18+$0xFFFFFFF0];
	v6 =	vadd.s32 v0, v5  }
0x20a: {  	v8 =	vadd.s32 v1, v5;
	v7 =	vld [tilespmem:s5+$0xFFFFFFF0];
	_ =	sdelay $0x3  }
0x20b: {  	[tilespmem:v6+s0+$0x0] =	vst.idx.msk $0xffff, v4  }
0x20c: {  	[tilespmem:v8+s0+$0x0] =	vst.idx.msk $0xffff, v7  }
0x20d: {  	v8 =	vadd.s32 v2, v5;
	v7 =	vld [tilespmem:s18+$0x0]  }
.Ltmp6:
0x20e: {  	v5 =	vadd.s32 v3, v5;
	v4 =	vld [tilespmem:s5+$0x0];
	(pc) =	sbr.rel @p1 .LBB2_16-.Ltmp6, $3  }
0x20f: {  	_ =	sdelay $0x1  }
0x210: {  	s8 =	sadd.s32 $0x4, s8  }
0x211: {  	v6 =	vmov s8;
	[tilespmem:v8+s0+$0x0] =	vst.idx.msk $0xffff, v7  }
0x212: {  	_ =	sdelay $0x3  }
0x213: {  	v6 =	vand.u32 $0x7C, v6;
	[tilespmem:v5+s0+$0x0] =	vst.idx.msk $0xffff, v4;
	s9 =	sadd.s32 $0x80, s18  }
0x214: {  	s5 =	sadd.s32 $0x80, s5;
	v4 =	vld [tilespmem:s9+$0xFFFFFF90];
	v5 =	vadd.s32 v0, v6  }
0x215: {  	v7 =	vld [tilespmem:s5+$0xFFFFFF90];
	v8 =	vadd.s32 v1, v6;
	_ =	sdelay $0x3  }
0x216: {  	[tilespmem:v5+s0+$0x0] =	vst.idx.msk $0xffff, v4  }
0x217: {  	[tilespmem:v8+s0+$0x0] =	vst.idx.msk $0xffff, v7  }
0x218: {  	v5 =	vadd.s32 v2, v6;
	v4 =	vld [tilespmem:s9+$0xFFFFFFA0]  }
0x219: {  	v6 =	vadd.s32 v3, v6;
	v7 =	vld [tilespmem:s5+$0xFFFFFFA0];
	_ =	sdelay $0x2  }
0x21a: {  	s10 =	sadd.s32 $0x1, s8  }
0x21b: {  	[tilespmem:v5+s0+$0x0] =	vst.idx.msk $0xffff, v4;
	v4 =	vmov s10  }
0x21c: {  	[tilespmem:v6+s0+$0x0] =	vst.idx.msk $0xffff, v7;
	v4 =	vand.u32 $0x7D, v4  }
0x21d: {  	v5 =	vld [tilespmem:s9+$0xFFFFFFB0];
	v55 =	vadd.s32 v0, v4  }
0x21e: {  	v7 =	vld [tilespmem:s5+$0xFFFFFFB0];
	v56 =	vadd.s32 v1, v4;
	_ =	sdelay $0x3  }
0x21f: {  	[tilespmem:v55+s0+$0x0] =	vst.idx.msk $0xffff, v5  }
0x220: {  	[tilespmem:v56+s0+$0x0] =	vst.idx.msk $0xffff, v7  }
0x221: {  	v57 =	vadd.s32 v2, v4;
	v5 =	vld [tilespmem:s9+$0xFFFFFFC0]  }
0x222: {  	v4 =	vadd.s32 v3, v4;
	v7 =	vld [tilespmem:s5+$0xFFFFFFC0];
	_ =	sdelay $0x2  }
0x223: {  	s18 =	sadd.s32 $0x2, s8  }
0x224: {  	[tilespmem:v57+s0+$0x0] =	vst.idx.msk $0xffff, v5;
	v5 =	vmov s18  }
0x225: {  	[tilespmem:v4+s0+$0x0] =	vst.idx.msk $0xffff, v7;
	v4 =	vand.u32 $0x7E, v5  }
0x226: {  	v5 =	vld [tilespmem:s9+$0xFFFFFFD0];
	v58 =	vadd.s32 v0, v4  }
0x227: {  	v7 =	vld [tilespmem:s5+$0xFFFFFFD0];
	v59 =	vadd.s32 v1, v4;
	_ =	sdelay $0x3  }
0x228: {  	[tilespmem:v58+s0+$0x0] =	vst.idx.msk $0xffff, v5  }
0x229: {  	[tilespmem:v59+s0+$0x0] =	vst.idx.msk $0xffff, v7  }
0x22a: {  	v60 =	vadd.s32 v2, v4;
	v5 =	vld [tilespmem:s9+$0xFFFFFFE0]  }
0x22b: {  	v4 =	vadd.s32 v3, v4;
	v7 =	vld [tilespmem:s5+$0xFFFFFFE0];
	_ =	sdelay $0x2  }
0x22c: {  	s11 =	sadd.s32 $0x3, s8  }
0x22d: {  	[tilespmem:v60+s0+$0x0] =	vst.idx.msk $0xffff, v5;
	v5 =	vmov s11  }
0x22e: {  	[tilespmem:v4+s0+$0x0] =	vst.idx.msk $0xffff, v7;
	v4 =	vand.u32 $0x7F, v5  }
0x22f: {  	v5 =	vld [tilespmem:s9+$0xFFFFFFF0];
	v61 =	vadd.s32 v0, v4  }
0x230: {  	v7 =	vld [tilespmem:s5+$0xFFFFFFF0];
	v62 =	vadd.s32 v1, v4;
	_ =	sdelay $0x3  }
0x231: {  	[tilespmem:v61+s0+$0x0] =	vst.idx.msk $0xffff, v5  }
0x232: {  	[tilespmem:v62+s0+$0x0] =	vst.idx.msk $0xffff, v7  }
0x233: {  	v63 =	vadd.s32 v2, v4;
	v5 =	vld [tilespmem:s9+$0x0]  }
0x234: {  	v4 =	vadd.s32 v3, v4;
	v7 =	vld [tilespmem:s5+$0x0];
	_ =	sdelay $0x3  }
0x235: {  	[tilespmem:v63+s0+$0x0] =	vst.idx.msk $0xffff, v5  }
0x236: {  	s8 =	simm.s32 @!p0 $0x80;
	s5 =	sxor.u32 @!p0 $0x580, s31;
	s9 =	simm.s32 @!p0 $0x3800;
	[tilespmem:v4+s0+$0x0] =	vst.idx.msk $0xffff, v7  }
0x237: {  	[tilespmem:s9], [sflag:$0x6] =	stream.indirect.gather @!p0 [hbm4b:s2+s8], $0x20, s5, s8, $0xb8;
	[tilespmem:$0x14A00] =	vst v63  }
0x238: {  	s18 =	rddreg [dreg:$0x9];
	s9 =	simm.s32 @!p0 $0xB800  }
0x239: {  	[tilespmem:s9], [sflag:$0x6] =	stream.indirect.gather @!p0 [hbm4b:s4+s8], $0x20, s5, s8, $0xb8;
	[tilespmem:$0x14A00] =	vst v63  }
0x23a: {  	s10 =	simm.s32 $0x12A08;
	s5 =	sadd.s32 s20, s18  }
0x23b: {  	s8 =	simm.s32 $0x12900;
	s9 =	simm.s32 $0x400;
	s18 =	sadd.s32 $0x0, s5  }
.LBB2_18:
0x23c: {  	[hbm4b:s18+s3] =	stream.linear.scatter [tilespmem:s8], [sflag:$0xC], $0x100, $0x38;
	[tilespmem:$0x14A00] =	vst v63  }
0x23d: {  	s18 =	smov.u32 s9;
	s8 =	smov.u32 s10;
	p1 =	sne.s32 s9, $0x7C00  }
.Ltmp7:
0x23e: {  	s9 =	sadd.s32 $0x400, s9;
	(pc) =	sbr.rel @p1 .LBB2_18-.Ltmp7, $2  }
0x23f: {  	_ =	sdelay $0x2  }
0x240: {  	s10 =	sadd.s32 $0x108, s10;
	s18 =	sadd.s32 s18, s5  }
0x241: {  	[hbm4b:s18+s3] =	stream.linear.scatter [tilespmem:s8], [sflag:$0xC], $0x100, $0x38;
	[tilespmem:$0x14A00] =	vst v63  }
0x242: {  	_ =	swait.ge [sflag:s29], $0x1000  }
0x243: {  	[sflag:s29] =	ssyncset.done $0x0  }
0x244: {  	[sflag:s29] =	ssyncadd.s32 $0xFFFFF000  }
0x245: {  	_ =	swait.ge [sflag:s29], $0x1000  }
0x246: {  	[sflag:s29] =	ssyncset.done $0x0  }
0x247: {  	[sflag:s29] =	ssyncadd.s32 $0xFFFFF000  }
0x248: {  	s5 =	simm.s32 $0x0;
	_ =	swait.ge [sflag:s23], $0x2000  }
0x249: {  	v4 =	vmov s5;
	[sflag:s23] =	ssyncset.done $0x0  }
0x24a: {  	s9 =	simm.s32 $0x0;
	v4 =	vand.u32 $0x7C, v4;
	[sflag:s23] =	ssyncadd.s32 $0xFFFFE000  }
0x24b: {  	v6 =	vadd.s32 v0, v4;
	v5 =	vld [tilespmem:s9+$0x4800]  }
0x24c: {  	v8 =	vadd.s32 v1, v4;
	v7 =	vld [tilespmem:s9+$0xC800];
	_ =	sdelay $0x3  }
0x24d: {  	[tilespmem:v6+s28+$0x0] =	vst.idx.msk $0xffff, v5  }
0x24e: {  	[tilespmem:v8+s28+$0x0] =	vst.idx.msk $0xffff, v7  }
0x24f: {  	v6 =	vadd.s32 v2, v4;
	v5 =	vld [tilespmem:s9+$0x4810]  }
0x250: {  	v4 =	vadd.s32 v3, v4;
	v7 =	vld [tilespmem:s9+$0xC810];
	_ =	sdelay $0x2  }
0x251: {  	s10 =	simm.s32 $0x1  }
0x252: {  	[tilespmem:v6+s28+$0x0] =	vst.idx.msk $0xffff, v5;
	v5 =	vmov s10  }
0x253: {  	[tilespmem:v4+s28+$0x0] =	vst.idx.msk $0xffff, v7;
	v4 =	vand.u32 $0x7D, v5  }
0x254: {  	v5 =	vld [tilespmem:s9+$0x4820];
	v6 =	vadd.s32 v0, v4  }
0x255: {  	v7 =	vld [tilespmem:s9+$0xC820];
	v8 =	vadd.s32 v1, v4;
	_ =	sdelay $0x3  }
0x256: {  	[tilespmem:v6+s28+$0x0] =	vst.idx.msk $0xffff, v5  }
0x257: {  	[tilespmem:v8+s28+$0x0] =	vst.idx.msk $0xffff, v7  }
0x258: {  	v6 =	vadd.s32 v2, v4;
	v5 =	vld [tilespmem:s9+$0x4830]  }
0x259: {  	v4 =	vadd.s32 v3, v4;
	v7 =	vld [tilespmem:s9+$0xC830];
	_ =	sdelay $0x2  }
0x25a: {  	s11 =	simm.s32 $0x2  }
0x25b: {  	[tilespmem:v6+s28+$0x0] =	vst.idx.msk $0xffff, v5;
	v5 =	vmov s11  }
0x25c: {  	[tilespmem:v4+s28+$0x0] =	vst.idx.msk $0xffff, v7;
	v4 =	vand.u32 $0x7E, v5  }
0x25d: {  	v5 =	vld [tilespmem:s9+$0x4840];
	v6 =	vadd.s32 v0, v4  }
0x25e: {  	v7 =	vld [tilespmem:s9+$0xC840];
	v8 =	vadd.s32 v1, v4;
	_ =	sdelay $0x3  }
0x25f: {  	[tilespmem:v6+s28+$0x0] =	vst.idx.msk $0xffff, v5  }
0x260: {  	[tilespmem:v8+s28+$0x0] =	vst.idx.msk $0xffff, v7  }
0x261: {  	v6 =	vadd.s32 v2, v4;
	v5 =	vld [tilespmem:s9+$0x4850]  }
0x262: {  	v4 =	vadd.s32 v3, v4;
	v7 =	vld [tilespmem:s9+$0xC850];
	_ =	sdelay $0x2  }
0x263: {  	s18 =	simm.s32 $0x3  }
0x264: {  	[tilespmem:v6+s28+$0x0] =	vst.idx.msk $0xffff, v5;
	v5 =	vmov s18  }
0x265: {  	[tilespmem:v4+s28+$0x0] =	vst.idx.msk $0xffff, v7;
	v5 =	vand.u32 $0x7F, v5  }
0x266: {  	v4 =	vld [tilespmem:s9+$0x4860];
	v6 =	vadd.s32 v0, v5  }
0x267: {  	v7 =	vld [tilespmem:s9+$0xC860];
	v8 =	vadd.s32 v1, v5;
	_ =	sdelay $0x3  }
0x268: {  	[tilespmem:v6+s28+$0x0] =	vst.idx.msk $0xffff, v4  }
0x269: {  	[tilespmem:v8+s28+$0x0] =	vst.idx.msk $0xffff, v7  }
0x26a: {  	v8 =	vadd.s32 v2, v5;
	v7 =	vld [tilespmem:s9+$0x4870]  }
0x26b: {  	v5 =	vadd.s32 v3, v5;
	v4 =	vld [tilespmem:s9+$0xC870];
	_ =	sdelay $0x2  }
0x26c: {  	s18 =	simm.s32 $0x4  }
0x26d: {  	s8 =	simm.s32 $0x2;
	s5 =	simm.s32 $0x80;
	v6 =	vmov s18;
	s9 =	simm.s32 $0x400;
	[tilespmem:v8+s28+$0x0] =	vst.idx.msk $0xffff, v7  }
.LBB2_20:
0x26e: {  	s10 =	sshra.s32 s9, $0x2;
	s8 =	sadd.s32 $0x2, s8;
	v6 =	vand.u32 $0x7C, v6;
	[tilespmem:v5+s28+$0x0] =	vst.idx.msk $0xffff, v4  }
0x26f: {  	p1 =	slt.u32 s8, $0x3E;
	v4 =	vld [tilespmem:s5+$0x4800];
	v5 =	vadd.s32 v0, v6  }
0x270: {  	v8 =	vadd.s32 v1, v6;
	v7 =	vld [tilespmem:s5+$0xC800];
	_ =	sdelay $0x3  }
0x271: {  	[tilespmem:v5+s28+$0x0] =	vst.idx.msk $0xffff, v4  }
0x272: {  	[tilespmem:v8+s28+$0x0] =	vst.idx.msk $0xffff, v7  }
0x273: {  	v5 =	vadd.s32 v2, v6;
	v4 =	vld [tilespmem:s5+$0x4810]  }
0x274: {  	v6 =	vadd.s32 v3, v6;
	v7 =	vld [tilespmem:s5+$0xC810];
	_ =	sdelay $0x2  }
0x275: {  	s11 =	sadd.s32 $0x1, s18  }
0x276: {  	[tilespmem:v5+s28+$0x0] =	vst.idx.msk $0xffff, v4;
	v4 =	vmov s11  }
0x277: {  	[tilespmem:v6+s28+$0x0] =	vst.idx.msk $0xffff, v7;
	v4 =	vand.u32 $0x7D, v4  }
0x278: {  	v5 =	vld [tilespmem:s5+$0x4820];
	v6 =	vadd.s32 v0, v4  }
0x279: {  	v8 =	vadd.s32 v1, v4;
	v7 =	vld [tilespmem:s5+$0xC820];
	_ =	sdelay $0x3  }
0x27a: {  	[tilespmem:v6+s28+$0x0] =	vst.idx.msk $0xffff, v5  }
0x27b: {  	[tilespmem:v8+s28+$0x0] =	vst.idx.msk $0xffff, v7  }
0x27c: {  	v6 =	vadd.s32 v2, v4;
	v5 =	vld [tilespmem:s5+$0x4830]  }
0x27d: {  	v4 =	vadd.s32 v3, v4;
	v7 =	vld [tilespmem:s5+$0xC830];
	_ =	sdelay $0x2  }
0x27e: {  	s11 =	sadd.s32 $0x2, s18  }
0x27f: {  	[tilespmem:v6+s28+$0x0] =	vst.idx.msk $0xffff, v5;
	v5 =	vmov s11  }
0x280: {  	[tilespmem:v4+s28+$0x0] =	vst.idx.msk $0xffff, v7;
	v4 =	vand.u32 $0x7E, v5  }
0x281: {  	v5 =	vld [tilespmem:s5+$0x4840];
	v6 =	vadd.s32 v0, v4  }
0x282: {  	v8 =	vadd.s32 v1, v4;
	v7 =	vld [tilespmem:s5+$0xC840];
	_ =	sdelay $0x3  }
0x283: {  	[tilespmem:v6+s28+$0x0] =	vst.idx.msk $0xffff, v5  }
0x284: {  	[tilespmem:v8+s28+$0x0] =	vst.idx.msk $0xffff, v7  }
0x285: {  	v6 =	vadd.s32 v2, v4;
	v5 =	vld [tilespmem:s5+$0x4850]  }
0x286: {  	v4 =	vadd.s32 v3, v4;
	v7 =	vld [tilespmem:s5+$0xC850];
	_ =	sdelay $0x2  }
0x287: {  	s11 =	sadd.s32 $0x3, s18  }
0x288: {  	[tilespmem:v6+s28+$0x0] =	vst.idx.msk $0xffff, v5;
	v5 =	vmov s11  }
0x289: {  	[tilespmem:v4+s28+$0x0] =	vst.idx.msk $0xffff, v7;
	v5 =	vand.u32 $0x7F, v5  }
0x28a: {  	v4 =	vld [tilespmem:s5+$0x4860];
	v6 =	vadd.s32 v0, v5  }
0x28b: {  	v8 =	vadd.s32 v1, v5;
	v7 =	vld [tilespmem:s5+$0xC860];
	_ =	sdelay $0x3  }
0x28c: {  	[tilespmem:v6+s28+$0x0] =	vst.idx.msk $0xffff, v4  }
0x28d: {  	[tilespmem:v8+s28+$0x0] =	vst.idx.msk $0xffff, v7  }
0x28e: {  	v8 =	vadd.s32 v2, v5;
	v7 =	vld [tilespmem:s5+$0x4870]  }
.Ltmp8:
0x28f: {  	v5 =	vadd.s32 v3, v5;
	v4 =	vld [tilespmem:s5+$0xC870];
	s5 =	smov.u32 s10;
	(pc) =	sbr.rel @p1 .LBB2_20-.Ltmp8, $3  }
0x290: {  	_ =	sdelay $0x1  }
0x291: {  	s18 =	sadd.s32 $0x4, s18  }
0x292: {  	s9 =	sadd.s32 $0x200, s9;
	v6 =	vmov s18;
	[tilespmem:v8+s28+$0x0] =	vst.idx.msk $0xffff, v7  }
0x293: {  	_ =	sdelay $0x3  }
0x294: {  	v6 =	vand.u32 $0x7C, v6;
	[tilespmem:v5+s28+$0x0] =	vst.idx.msk $0xffff, v4  }
0x295: {  	v4 =	vld [tilespmem:s5+$0x4800];
	v5 =	vadd.s32 v0, v6  }
0x296: {  	v7 =	vld [tilespmem:s5+$0xC800];
	v8 =	vadd.s32 v1, v6;
	_ =	sdelay $0x3  }
0x297: {  	[tilespmem:v5+s28+$0x0] =	vst.idx.msk $0xffff, v4  }
0x298: {  	[tilespmem:v8+s28+$0x0] =	vst.idx.msk $0xffff, v7  }
0x299: {  	v5 =	vadd.s32 v2, v6;
	v4 =	vld [tilespmem:s5+$0x4810]  }
0x29a: {  	v6 =	vadd.s32 v3, v6;
	v7 =	vld [tilespmem:s5+$0xC810];
	_ =	sdelay $0x2  }
0x29b: {  	s8 =	sadd.s32 $0x1, s18  }
0x29c: {  	[tilespmem:v5+s28+$0x0] =	vst.idx.msk $0xffff, v4;
	v4 =	vmov s8  }
0x29d: {  	[tilespmem:v6+s28+$0x0] =	vst.idx.msk $0xffff, v7;
	v4 =	vand.u32 $0x7D, v4  }
0x29e: {  	v5 =	vld [tilespmem:s5+$0x4820];
	v55 =	vadd.s32 v0, v4  }
0x29f: {  	v7 =	vld [tilespmem:s5+$0xC820];
	v56 =	vadd.s32 v1, v4;
	_ =	sdelay $0x3  }
0x2a0: {  	[tilespmem:v55+s28+$0x0] =	vst.idx.msk $0xffff, v5  }
0x2a1: {  	[tilespmem:v56+s28+$0x0] =	vst.idx.msk $0xffff, v7  }
0x2a2: {  	v57 =	vadd.s32 v2, v4;
	v5 =	vld [tilespmem:s5+$0x4830]  }
0x2a3: {  	v4 =	vadd.s32 v3, v4;
	v7 =	vld [tilespmem:s5+$0xC830];
	_ =	sdelay $0x2  }
0x2a4: {  	s11 =	sadd.s32 $0x2, s18  }
0x2a5: {  	[tilespmem:v57+s28+$0x0] =	vst.idx.msk $0xffff, v5;
	v5 =	vmov s11  }
0x2a6: {  	[tilespmem:v4+s28+$0x0] =	vst.idx.msk $0xffff, v7;
	v4 =	vand.u32 $0x7E, v5  }
0x2a7: {  	v5 =	vld [tilespmem:s5+$0x4840];
	v58 =	vadd.s32 v0, v4  }
0x2a8: {  	v7 =	vld [tilespmem:s5+$0xC840];
	v59 =	vadd.s32 v1, v4;
	_ =	sdelay $0x3  }
0x2a9: {  	[tilespmem:v58+s28+$0x0] =	vst.idx.msk $0xffff, v5  }
0x2aa: {  	[tilespmem:v59+s28+$0x0] =	vst.idx.msk $0xffff, v7  }
0x2ab: {  	v60 =	vadd.s32 v2, v4;
	v5 =	vld [tilespmem:s5+$0x4850]  }
0x2ac: {  	v4 =	vadd.s32 v3, v4;
	v7 =	vld [tilespmem:s5+$0xC850];
	_ =	sdelay $0x2  }
0x2ad: {  	s18 =	sadd.s32 $0x3, s18  }
0x2ae: {  	[tilespmem:v60+s28+$0x0] =	vst.idx.msk $0xffff, v5;
	v5 =	vmov s18  }
0x2af: {  	[tilespmem:v4+s28+$0x0] =	vst.idx.msk $0xffff, v7;
	v4 =	vand.u32 $0x7F, v5  }
0x2b0: {  	v5 =	vld [tilespmem:s5+$0x4860];
	v61 =	vadd.s32 v0, v4  }
0x2b1: {  	v7 =	vld [tilespmem:s5+$0xC860];
	v62 =	vadd.s32 v1, v4;
	_ =	sdelay $0x3  }
0x2b2: {  	[tilespmem:v61+s28+$0x0] =	vst.idx.msk $0xffff, v5  }
0x2b3: {  	[tilespmem:v62+s28+$0x0] =	vst.idx.msk $0xffff, v7  }
0x2b4: {  	v63 =	vadd.s32 v2, v4;
	v5 =	vld [tilespmem:s5+$0x4870]  }
0x2b5: {  	v4 =	vadd.s32 v3, v4;
	v7 =	vld [tilespmem:s5+$0xC870];
	_ =	sdelay $0x3  }
0x2b6: {  	[tilespmem:v63+s28+$0x0] =	vst.idx.msk $0xffff, v5  }
0x2b7: {  	s9 =	simm.s32 @!p0 $0x4800;
	s8 =	simm.s32 @!p0 $0x80;
	s5 =	sxor.u32 @!p0 $0x600, s31;
	[tilespmem:v4+s28+$0x0] =	vst.idx.msk $0xffff, v7  }
0x2b8: {  	[tilespmem:s9], [sflag:$0x7] =	stream.indirect.gather @!p0 [hbm4b:s2+s8], $0x20, s5, s8, $0xb8;
	[tilespmem:$0x14A00] =	vst v63  }
0x2b9: {  	s9 =	simm.s32 @!p0 $0xC800  }
0x2ba: {  	[tilespmem:s9], [sflag:$0x7] =	stream.indirect.gather @!p0 [hbm4b:s4+s8], $0x20, s5, s8, $0xb8;
	[tilespmem:$0x14A00] =	vst v63  }
0x2bb: {  	s10 =	simm.s32 $0x10908;
	s5 =	sadd.s32 s20, s12  }
0x2bc: {  	s8 =	simm.s32 $0x10800;
	s9 =	simm.s32 $0x400;
	s18 =	sadd.s32 $0x0, s5  }
.LBB2_22:
0x2bd: {  	[hbm4b:s18+s3] =	stream.linear.scatter [tilespmem:s8], [sflag:$0xB], $0x100, $0x38;
	[tilespmem:$0x14A00] =	vst v63  }
0x2be: {  	s11 =	smov.u32 s9;
	s8 =	smov.u32 s10;
	p1 =	sne.s32 s9, $0x7C00  }
.Ltmp9:
0x2bf: {  	s9 =	sadd.s32 $0x400, s9;
	(pc) =	sbr.rel @p1 .LBB2_22-.Ltmp9, $2  }
0x2c0: {  	_ =	sdelay $0x2  }
0x2c1: {  	s10 =	sadd.s32 $0x108, s10;
	s18 =	sadd.s32 s11, s5  }
0x2c2: {  	[hbm4b:s18+s3] =	stream.linear.scatter [tilespmem:s8], [sflag:$0xB], $0x100, $0x38;
	[tilespmem:$0x14A00] =	vst v63  }
0x2c3: {  	_ =	swait.ge [sflag:s1], $0x1000  }
0x2c4: {  	[sflag:s1] =	ssyncset.done $0x0  }
0x2c5: {  	[sflag:s1] =	ssyncadd.s32 $0xFFFFF000  }
0x2c6: {  	_ =	swait.ge [sflag:s1], $0x1000  }
0x2c7: {  	[sflag:s1] =	ssyncset.done $0x0  }
0x2c8: {  	[sflag:s1] =	ssyncadd.s32 $0xFFFFF000  }
0x2c9: {  	s5 =	simm.s32 $0x0;
	_ =	swait.ge [sflag:s25], $0x2000  }
0x2ca: {  	v4 =	vmov s5;
	[sflag:s25] =	ssyncset.done $0x0  }
0x2cb: {  	s9 =	simm.s32 $0x0;
	v4 =	vand.u32 $0x7C, v4;
	[sflag:s25] =	ssyncadd.s32 $0xFFFFE000  }
0x2cc: {  	v6 =	vadd.s32 v0, v4;
	v5 =	vld [tilespmem:s9+$0x5800]  }
0x2cd: {  	v8 =	vadd.s32 v1, v4;
	v7 =	vld [tilespmem:s9+$0xD800];
	_ =	sdelay $0x3  }
0x2ce: {  	[tilespmem:v6+s0+$0x0] =	vst.idx.msk $0xffff, v5  }
0x2cf: {  	[tilespmem:v8+s0+$0x0] =	vst.idx.msk $0xffff, v7  }
0x2d0: {  	v6 =	vadd.s32 v2, v4;
	v5 =	vld [tilespmem:s9+$0x5810]  }
0x2d1: {  	v4 =	vadd.s32 v3, v4;
	v7 =	vld [tilespmem:s9+$0xD810];
	_ =	sdelay $0x2  }
0x2d2: {  	s10 =	simm.s32 $0x1  }
0x2d3: {  	[tilespmem:v6+s0+$0x0] =	vst.idx.msk $0xffff, v5;
	v5 =	vmov s10  }
0x2d4: {  	[tilespmem:v4+s0+$0x0] =	vst.idx.msk $0xffff, v7;
	v4 =	vand.u32 $0x7D, v5  }
0x2d5: {  	v5 =	vld [tilespmem:s9+$0x5820];
	v6 =	vadd.s32 v0, v4  }
0x2d6: {  	v7 =	vld [tilespmem:s9+$0xD820];
	v8 =	vadd.s32 v1, v4;
	_ =	sdelay $0x3  }
0x2d7: {  	[tilespmem:v6+s0+$0x0] =	vst.idx.msk $0xffff, v5  }
0x2d8: {  	[tilespmem:v8+s0+$0x0] =	vst.idx.msk $0xffff, v7  }
0x2d9: {  	v6 =	vadd.s32 v2, v4;
	v5 =	vld [tilespmem:s9+$0x5830]  }
0x2da: {  	v4 =	vadd.s32 v3, v4;
	v7 =	vld [tilespmem:s9+$0xD830];
	_ =	sdelay $0x2  }
0x2db: {  	s11 =	simm.s32 $0x2  }
0x2dc: {  	[tilespmem:v6+s0+$0x0] =	vst.idx.msk $0xffff, v5;
	v5 =	vmov s11  }
0x2dd: {  	[tilespmem:v4+s0+$0x0] =	vst.idx.msk $0xffff, v7;
	v4 =	vand.u32 $0x7E, v5  }
0x2de: {  	v5 =	vld [tilespmem:s9+$0x5840];
	v6 =	vadd.s32 v0, v4  }
0x2df: {  	v7 =	vld [tilespmem:s9+$0xD840];
	v8 =	vadd.s32 v1, v4;
	_ =	sdelay $0x3  }
0x2e0: {  	[tilespmem:v6+s0+$0x0] =	vst.idx.msk $0xffff, v5  }
0x2e1: {  	[tilespmem:v8+s0+$0x0] =	vst.idx.msk $0xffff, v7  }
0x2e2: {  	v6 =	vadd.s32 v2, v4;
	v5 =	vld [tilespmem:s9+$0x5850]  }
0x2e3: {  	v4 =	vadd.s32 v3, v4;
	v7 =	vld [tilespmem:s9+$0xD850];
	_ =	sdelay $0x2  }
0x2e4: {  	s18 =	simm.s32 $0x3  }
0x2e5: {  	[tilespmem:v6+s0+$0x0] =	vst.idx.msk $0xffff, v5;
	v5 =	vmov s18  }
0x2e6: {  	[tilespmem:v4+s0+$0x0] =	vst.idx.msk $0xffff, v7;
	v5 =	vand.u32 $0x7F, v5  }
0x2e7: {  	v4 =	vld [tilespmem:s9+$0x5860];
	v6 =	vadd.s32 v0, v5  }
0x2e8: {  	v7 =	vld [tilespmem:s9+$0xD860];
	v8 =	vadd.s32 v1, v5;
	_ =	sdelay $0x3  }
0x2e9: {  	[tilespmem:v6+s0+$0x0] =	vst.idx.msk $0xffff, v4  }
0x2ea: {  	[tilespmem:v8+s0+$0x0] =	vst.idx.msk $0xffff, v7  }
0x2eb: {  	v8 =	vadd.s32 v2, v5;
	v7 =	vld [tilespmem:s9+$0x5870]  }
0x2ec: {  	v5 =	vadd.s32 v3, v5;
	v4 =	vld [tilespmem:s9+$0xD870];
	_ =	sdelay $0x2  }
0x2ed: {  	s18 =	simm.s32 $0x4  }
0x2ee: {  	s8 =	simm.s32 $0x2;
	s5 =	simm.s32 $0x80;
	v6 =	vmov s18;
	s9 =	simm.s32 $0x400;
	[tilespmem:v8+s0+$0x0] =	vst.idx.msk $0xffff, v7  }
.LBB2_24:
0x2ef: {  	s10 =	sshra.s32 s9, $0x2;
	s8 =	sadd.s32 $0x2, s8;
	v6 =	vand.u32 $0x7C, v6;
	[tilespmem:v5+s0+$0x0] =	vst.idx.msk $0xffff, v4  }
0x2f0: {  	p1 =	slt.u32 s8, $0x3E;
	v4 =	vld [tilespmem:s5+$0x5800];
	v5 =	vadd.s32 v0, v6  }
0x2f1: {  	v8 =	vadd.s32 v1, v6;
	v7 =	vld [tilespmem:s5+$0xD800];
	_ =	sdelay $0x3  }
0x2f2: {  	[tilespmem:v5+s0+$0x0] =	vst.idx.msk $0xffff, v4  }
0x2f3: {  	[tilespmem:v8+s0+$0x0] =	vst.idx.msk $0xffff, v7  }
0x2f4: {  	v5 =	vadd.s32 v2, v6;
	v4 =	vld [tilespmem:s5+$0x5810]  }
0x2f5: {  	v6 =	vadd.s32 v3, v6;
	v7 =	vld [tilespmem:s5+$0xD810];
	_ =	sdelay $0x2  }
0x2f6: {  	s11 =	sadd.s32 $0x1, s18  }
0x2f7: {  	[tilespmem:v5+s0+$0x0] =	vst.idx.msk $0xffff, v4;
	v4 =	vmov s11  }
0x2f8: {  	[tilespmem:v6+s0+$0x0] =	vst.idx.msk $0xffff, v7;
	v4 =	vand.u32 $0x7D, v4  }
0x2f9: {  	v5 =	vld [tilespmem:s5+$0x5820];
	v6 =	vadd.s32 v0, v4  }
0x2fa: {  	v8 =	vadd.s32 v1, v4;
	v7 =	vld [tilespmem:s5+$0xD820];
	_ =	sdelay $0x3  }
0x2fb: {  	[tilespmem:v6+s0+$0x0] =	vst.idx.msk $0xffff, v5  }
0x2fc: {  	[tilespmem:v8+s0+$0x0] =	vst.idx.msk $0xffff, v7  }
0x2fd: {  	v6 =	vadd.s32 v2, v4;
	v5 =	vld [tilespmem:s5+$0x5830]  }
0x2fe: {  	v4 =	vadd.s32 v3, v4;
	v7 =	vld [tilespmem:s5+$0xD830];
	_ =	sdelay $0x2  }
0x2ff: {  	s11 =	sadd.s32 $0x2, s18  }
0x300: {  	[tilespmem:v6+s0+$0x0] =	vst.idx.msk $0xffff, v5;
	v5 =	vmov s11  }
0x301: {  	[tilespmem:v4+s0+$0x0] =	vst.idx.msk $0xffff, v7;
	v4 =	vand.u32 $0x7E, v5  }
0x302: {  	v5 =	vld [tilespmem:s5+$0x5840];
	v6 =	vadd.s32 v0, v4  }
0x303: {  	v8 =	vadd.s32 v1, v4;
	v7 =	vld [tilespmem:s5+$0xD840];
	_ =	sdelay $0x3  }
0x304: {  	[tilespmem:v6+s0+$0x0] =	vst.idx.msk $0xffff, v5  }
0x305: {  	[tilespmem:v8+s0+$0x0] =	vst.idx.msk $0xffff, v7  }
0x306: {  	v6 =	vadd.s32 v2, v4;
	v5 =	vld [tilespmem:s5+$0x5850]  }
0x307: {  	v4 =	vadd.s32 v3, v4;
	v7 =	vld [tilespmem:s5+$0xD850];
	_ =	sdelay $0x2  }
0x308: {  	s11 =	sadd.s32 $0x3, s18  }
0x309: {  	[tilespmem:v6+s0+$0x0] =	vst.idx.msk $0xffff, v5;
	v5 =	vmov s11  }
0x30a: {  	[tilespmem:v4+s0+$0x0] =	vst.idx.msk $0xffff, v7;
	v5 =	vand.u32 $0x7F, v5  }
0x30b: {  	v4 =	vld [tilespmem:s5+$0x5860];
	v6 =	vadd.s32 v0, v5  }
0x30c: {  	v8 =	vadd.s32 v1, v5;
	v7 =	vld [tilespmem:s5+$0xD860];
	_ =	sdelay $0x3  }
0x30d: {  	[tilespmem:v6+s0+$0x0] =	vst.idx.msk $0xffff, v4  }
0x30e: {  	[tilespmem:v8+s0+$0x0] =	vst.idx.msk $0xffff, v7  }
0x30f: {  	v8 =	vadd.s32 v2, v5;
	v7 =	vld [tilespmem:s5+$0x5870]  }
.Ltmp10:
0x310: {  	v5 =	vadd.s32 v3, v5;
	v4 =	vld [tilespmem:s5+$0xD870];
	s5 =	smov.u32 s10;
	(pc) =	sbr.rel @p1 .LBB2_24-.Ltmp10, $3  }
0x311: {  	_ =	sdelay $0x1  }
0x312: {  	s18 =	sadd.s32 $0x4, s18  }
0x313: {  	s9 =	sadd.s32 $0x200, s9;
	v6 =	vmov s18;
	[tilespmem:v8+s0+$0x0] =	vst.idx.msk $0xffff, v7  }
0x314: {  	_ =	sdelay $0x3  }
0x315: {  	v6 =	vand.u32 $0x7C, v6;
	[tilespmem:v5+s0+$0x0] =	vst.idx.msk $0xffff, v4  }
0x316: {  	v4 =	vld [tilespmem:s5+$0x5800];
	v5 =	vadd.s32 v0, v6  }
0x317: {  	v7 =	vld [tilespmem:s5+$0xD800];
	v8 =	vadd.s32 v1, v6;
	_ =	sdelay $0x3  }
0x318: {  	[tilespmem:v5+s0+$0x0] =	vst.idx.msk $0xffff, v4  }
0x319: {  	[tilespmem:v8+s0+$0x0] =	vst.idx.msk $0xffff, v7  }
0x31a: {  	v5 =	vadd.s32 v2, v6;
	v4 =	vld [tilespmem:s5+$0x5810]  }
0x31b: {  	v6 =	vadd.s32 v3, v6;
	v7 =	vld [tilespmem:s5+$0xD810];
	_ =	sdelay $0x2  }
0x31c: {  	s8 =	sadd.s32 $0x1, s18  }
0x31d: {  	[tilespmem:v5+s0+$0x0] =	vst.idx.msk $0xffff, v4;
	v4 =	vmov s8  }
0x31e: {  	[tilespmem:v6+s0+$0x0] =	vst.idx.msk $0xffff, v7;
	v4 =	vand.u32 $0x7D, v4  }
0x31f: {  	v5 =	vld [tilespmem:s5+$0x5820];
	v55 =	vadd.s32 v0, v4  }
0x320: {  	v7 =	vld [tilespmem:s5+$0xD820];
	v56 =	vadd.s32 v1, v4;
	_ =	sdelay $0x3  }
0x321: {  	[tilespmem:v55+s0+$0x0] =	vst.idx.msk $0xffff, v5  }
0x322: {  	[tilespmem:v56+s0+$0x0] =	vst.idx.msk $0xffff, v7  }
0x323: {  	v57 =	vadd.s32 v2, v4;
	v5 =	vld [tilespmem:s5+$0x5830]  }
0x324: {  	v4 =	vadd.s32 v3, v4;
	v7 =	vld [tilespmem:s5+$0xD830];
	_ =	sdelay $0x2  }
0x325: {  	s11 =	sadd.s32 $0x2, s18  }
0x326: {  	[tilespmem:v57+s0+$0x0] =	vst.idx.msk $0xffff, v5;
	v5 =	vmov s11  }
0x327: {  	[tilespmem:v4+s0+$0x0] =	vst.idx.msk $0xffff, v7;
	v4 =	vand.u32 $0x7E, v5  }
0x328: {  	v5 =	vld [tilespmem:s5+$0x5840];
	v58 =	vadd.s32 v0, v4  }
0x329: {  	v7 =	vld [tilespmem:s5+$0xD840];
	v59 =	vadd.s32 v1, v4;
	_ =	sdelay $0x3  }
0x32a: {  	[tilespmem:v58+s0+$0x0] =	vst.idx.msk $0xffff, v5  }
0x32b: {  	[tilespmem:v59+s0+$0x0] =	vst.idx.msk $0xffff, v7  }
0x32c: {  	v60 =	vadd.s32 v2, v4;
	v5 =	vld [tilespmem:s5+$0x5850]  }
0x32d: {  	v4 =	vadd.s32 v3, v4;
	v7 =	vld [tilespmem:s5+$0xD850];
	_ =	sdelay $0x2  }
0x32e: {  	s18 =	sadd.s32 $0x3, s18  }
0x32f: {  	[tilespmem:v60+s0+$0x0] =	vst.idx.msk $0xffff, v5;
	v5 =	vmov s18  }
0x330: {  	[tilespmem:v4+s0+$0x0] =	vst.idx.msk $0xffff, v7;
	v4 =	vand.u32 $0x7F, v5  }
0x331: {  	v5 =	vld [tilespmem:s5+$0x5860];
	v61 =	vadd.s32 v0, v4  }
0x332: {  	v7 =	vld [tilespmem:s5+$0xD860];
	v62 =	vadd.s32 v1, v4;
	_ =	sdelay $0x3  }
0x333: {  	[tilespmem:v61+s0+$0x0] =	vst.idx.msk $0xffff, v5  }
0x334: {  	[tilespmem:v62+s0+$0x0] =	vst.idx.msk $0xffff, v7  }
0x335: {  	v63 =	vadd.s32 v2, v4;
	v5 =	vld [tilespmem:s5+$0x5870]  }
0x336: {  	v4 =	vadd.s32 v3, v4;
	v7 =	vld [tilespmem:s5+$0xD870];
	_ =	sdelay $0x3  }
0x337: {  	[tilespmem:v63+s0+$0x0] =	vst.idx.msk $0xffff, v5  }
0x338: {  	s9 =	simm.s32 @!p0 $0x5800;
	s8 =	simm.s32 @!p0 $0x80;
	s5 =	sxor.u32 @!p0 $0x680, s31;
	[tilespmem:v4+s0+$0x0] =	vst.idx.msk $0xffff, v7  }
0x339: {  	[tilespmem:s9], [sflag:$0x8] =	stream.indirect.gather @!p0 [hbm4b:s2+s8], $0x20, s5, s8, $0xb8;
	[tilespmem:$0x14A00] =	vst v63  }
0x33a: {  	s9 =	simm.s32 @!p0 $0xD800  }
0x33b: {  	[tilespmem:s9], [sflag:$0x8] =	stream.indirect.gather @!p0 [hbm4b:s4+s8], $0x20, s5, s8, $0xb8;
	[tilespmem:$0x14A00] =	vst v63  }
0x33c: {  	s10 =	simm.s32 $0x12A08;
	s5 =	sadd.s32 s20, s13  }
0x33d: {  	s8 =	simm.s32 $0x12900;
	s9 =	simm.s32 $0x400;
	s18 =	sadd.s32 $0x0, s5  }
.LBB2_26:
0x33e: {  	[hbm4b:s18+s3] =	stream.linear.scatter [tilespmem:s8], [sflag:$0xC], $0x100, $0x38;
	[tilespmem:$0x14A00] =	vst v63  }
0x33f: {  	s11 =	smov.u32 s9;
	s8 =	smov.u32 s10;
	p1 =	sne.s32 s9, $0x7C00  }
.Ltmp11:
0x340: {  	s9 =	sadd.s32 $0x400, s9;
	(pc) =	sbr.rel @p1 .LBB2_26-.Ltmp11, $2  }
0x341: {  	_ =	sdelay $0x2  }
0x342: {  	s10 =	sadd.s32 $0x108, s10;
	s18 =	sadd.s32 s11, s5  }
0x343: {  	[hbm4b:s18+s3] =	stream.linear.scatter [tilespmem:s8], [sflag:$0xC], $0x100, $0x38;
	[tilespmem:$0x14A00] =	vst v63  }
0x344: {  	_ =	swait.ge [sflag:s22], $0x1000  }
0x345: {  	[sflag:s22] =	ssyncset.done $0x0  }
0x346: {  	[sflag:s22] =	ssyncadd.s32 $0xFFFFF000  }
0x347: {  	_ =	swait.ge [sflag:s22], $0x1000  }
0x348: {  	[sflag:s22] =	ssyncset.done $0x0  }
0x349: {  	[sflag:s22] =	ssyncadd.s32 $0xFFFFF000  }
0x34a: {  	s5 =	simm.s32 $0x0;
	_ =	swait.ge [sflag:s23], $0x2000  }
0x34b: {  	v4 =	vmov s5;
	[sflag:s23] =	ssyncset.done $0x0  }
0x34c: {  	s9 =	simm.s32 $0x0;
	v4 =	vand.u32 $0x7C, v4;
	[sflag:s23] =	ssyncadd.s32 $0xFFFFE000  }
0x34d: {  	v6 =	vadd.s32 v0, v4;
	v5 =	vld [tilespmem:s9+$0x6800]  }
0x34e: {  	v8 =	vadd.s32 v1, v4;
	v7 =	vld [tilespmem:s9+$0xE800];
	_ =	sdelay $0x3  }
0x34f: {  	[tilespmem:v6+s28+$0x0] =	vst.idx.msk $0xffff, v5  }
0x350: {  	[tilespmem:v8+s28+$0x0] =	vst.idx.msk $0xffff, v7  }
0x351: {  	v6 =	vadd.s32 v2, v4;
	v5 =	vld [tilespmem:s9+$0x6810]  }
0x352: {  	v4 =	vadd.s32 v3, v4;
	v7 =	vld [tilespmem:s9+$0xE810];
	_ =	sdelay $0x2  }
0x353: {  	s10 =	simm.s32 $0x1  }
0x354: {  	[tilespmem:v6+s28+$0x0] =	vst.idx.msk $0xffff, v5;
	v5 =	vmov s10  }
0x355: {  	[tilespmem:v4+s28+$0x0] =	vst.idx.msk $0xffff, v7;
	v4 =	vand.u32 $0x7D, v5  }
0x356: {  	v5 =	vld [tilespmem:s9+$0x6820];
	v6 =	vadd.s32 v0, v4  }
0x357: {  	v7 =	vld [tilespmem:s9+$0xE820];
	v8 =	vadd.s32 v1, v4;
	_ =	sdelay $0x3  }
0x358: {  	[tilespmem:v6+s28+$0x0] =	vst.idx.msk $0xffff, v5  }
0x359: {  	[tilespmem:v8+s28+$0x0] =	vst.idx.msk $0xffff, v7  }
0x35a: {  	v6 =	vadd.s32 v2, v4;
	v5 =	vld [tilespmem:s9+$0x6830]  }
0x35b: {  	v4 =	vadd.s32 v3, v4;
	v7 =	vld [tilespmem:s9+$0xE830];
	_ =	sdelay $0x2  }
0x35c: {  	s11 =	simm.s32 $0x2  }
0x35d: {  	[tilespmem:v6+s28+$0x0] =	vst.idx.msk $0xffff, v5;
	v5 =	vmov s11  }
0x35e: {  	[tilespmem:v4+s28+$0x0] =	vst.idx.msk $0xffff, v7;
	v4 =	vand.u32 $0x7E, v5  }
0x35f: {  	v5 =	vld [tilespmem:s9+$0x6840];
	v6 =	vadd.s32 v0, v4  }
0x360: {  	v7 =	vld [tilespmem:s9+$0xE840];
	v8 =	vadd.s32 v1, v4;
	_ =	sdelay $0x3  }
0x361: {  	[tilespmem:v6+s28+$0x0] =	vst.idx.msk $0xffff, v5  }
0x362: {  	[tilespmem:v8+s28+$0x0] =	vst.idx.msk $0xffff, v7  }
0x363: {  	v6 =	vadd.s32 v2, v4;
	v5 =	vld [tilespmem:s9+$0x6850]  }
0x364: {  	v4 =	vadd.s32 v3, v4;
	v7 =	vld [tilespmem:s9+$0xE850];
	_ =	sdelay $0x2  }
0x365: {  	s18 =	simm.s32 $0x3  }
0x366: {  	[tilespmem:v6+s28+$0x0] =	vst.idx.msk $0xffff, v5;
	v5 =	vmov s18  }
0x367: {  	[tilespmem:v4+s28+$0x0] =	vst.idx.msk $0xffff, v7;
	v5 =	vand.u32 $0x7F, v5  }
0x368: {  	v4 =	vld [tilespmem:s9+$0x6860];
	v6 =	vadd.s32 v0, v5  }
0x369: {  	v7 =	vld [tilespmem:s9+$0xE860];
	v8 =	vadd.s32 v1, v5;
	_ =	sdelay $0x3  }
0x36a: {  	[tilespmem:v6+s28+$0x0] =	vst.idx.msk $0xffff, v4  }
0x36b: {  	[tilespmem:v8+s28+$0x0] =	vst.idx.msk $0xffff, v7  }
0x36c: {  	v8 =	vadd.s32 v2, v5;
	v7 =	vld [tilespmem:s9+$0x6870]  }
0x36d: {  	v5 =	vadd.s32 v3, v5;
	v4 =	vld [tilespmem:s9+$0xE870];
	_ =	sdelay $0x2  }
0x36e: {  	s18 =	simm.s32 $0x4  }
0x36f: {  	s8 =	simm.s32 $0x2;
	s5 =	simm.s32 $0x80;
	v6 =	vmov s18;
	s9 =	simm.s32 $0x400;
	[tilespmem:v8+s28+$0x0] =	vst.idx.msk $0xffff, v7  }
.LBB2_28:
0x370: {  	s10 =	sshra.s32 s9, $0x2;
	s8 =	sadd.s32 $0x2, s8;
	v6 =	vand.u32 $0x7C, v6;
	[tilespmem:v5+s28+$0x0] =	vst.idx.msk $0xffff, v4  }
0x371: {  	p1 =	slt.u32 s8, $0x3E;
	v4 =	vld [tilespmem:s5+$0x6800];
	v5 =	vadd.s32 v0, v6  }
0x372: {  	v8 =	vadd.s32 v1, v6;
	v7 =	vld [tilespmem:s5+$0xE800];
	_ =	sdelay $0x3  }
0x373: {  	[tilespmem:v5+s28+$0x0] =	vst.idx.msk $0xffff, v4  }
0x374: {  	[tilespmem:v8+s28+$0x0] =	vst.idx.msk $0xffff, v7  }
0x375: {  	v5 =	vadd.s32 v2, v6;
	v4 =	vld [tilespmem:s5+$0x6810]  }
0x376: {  	v6 =	vadd.s32 v3, v6;
	v7 =	vld [tilespmem:s5+$0xE810];
	_ =	sdelay $0x2  }
0x377: {  	s11 =	sadd.s32 $0x1, s18  }
0x378: {  	[tilespmem:v5+s28+$0x0] =	vst.idx.msk $0xffff, v4;
	v4 =	vmov s11  }
0x379: {  	[tilespmem:v6+s28+$0x0] =	vst.idx.msk $0xffff, v7;
	v4 =	vand.u32 $0x7D, v4  }
0x37a: {  	v5 =	vld [tilespmem:s5+$0x6820];
	v6 =	vadd.s32 v0, v4  }
0x37b: {  	v8 =	vadd.s32 v1, v4;
	v7 =	vld [tilespmem:s5+$0xE820];
	_ =	sdelay $0x3  }
0x37c: {  	[tilespmem:v6+s28+$0x0] =	vst.idx.msk $0xffff, v5  }
0x37d: {  	[tilespmem:v8+s28+$0x0] =	vst.idx.msk $0xffff, v7  }
0x37e: {  	v6 =	vadd.s32 v2, v4;
	v5 =	vld [tilespmem:s5+$0x6830]  }
0x37f: {  	v4 =	vadd.s32 v3, v4;
	v7 =	vld [tilespmem:s5+$0xE830];
	_ =	sdelay $0x2  }
0x380: {  	s11 =	sadd.s32 $0x2, s18  }
0x381: {  	[tilespmem:v6+s28+$0x0] =	vst.idx.msk $0xffff, v5;
	v5 =	vmov s11  }
0x382: {  	[tilespmem:v4+s28+$0x0] =	vst.idx.msk $0xffff, v7;
	v4 =	vand.u32 $0x7E, v5  }
0x383: {  	v5 =	vld [tilespmem:s5+$0x6840];
	v6 =	vadd.s32 v0, v4  }
0x384: {  	v8 =	vadd.s32 v1, v4;
	v7 =	vld [tilespmem:s5+$0xE840];
	_ =	sdelay $0x3  }
0x385: {  	[tilespmem:v6+s28+$0x0] =	vst.idx.msk $0xffff, v5  }
0x386: {  	[tilespmem:v8+s28+$0x0] =	vst.idx.msk $0xffff, v7  }
0x387: {  	v6 =	vadd.s32 v2, v4;
	v5 =	vld [tilespmem:s5+$0x6850]  }
0x388: {  	v4 =	vadd.s32 v3, v4;
	v7 =	vld [tilespmem:s5+$0xE850];
	_ =	sdelay $0x2  }
0x389: {  	s11 =	sadd.s32 $0x3, s18  }
0x38a: {  	[tilespmem:v6+s28+$0x0] =	vst.idx.msk $0xffff, v5;
	v5 =	vmov s11  }
0x38b: {  	[tilespmem:v4+s28+$0x0] =	vst.idx.msk $0xffff, v7;
	v5 =	vand.u32 $0x7F, v5  }
0x38c: {  	v4 =	vld [tilespmem:s5+$0x6860];
	v6 =	vadd.s32 v0, v5  }
0x38d: {  	v8 =	vadd.s32 v1, v5;
	v7 =	vld [tilespmem:s5+$0xE860];
	_ =	sdelay $0x3  }
0x38e: {  	[tilespmem:v6+s28+$0x0] =	vst.idx.msk $0xffff, v4  }
0x38f: {  	[tilespmem:v8+s28+$0x0] =	vst.idx.msk $0xffff, v7  }
0x390: {  	v8 =	vadd.s32 v2, v5;
	v7 =	vld [tilespmem:s5+$0x6870]  }
.Ltmp12:
0x391: {  	v5 =	vadd.s32 v3, v5;
	v4 =	vld [tilespmem:s5+$0xE870];
	s5 =	smov.u32 s10;
	(pc) =	sbr.rel @p1 .LBB2_28-.Ltmp12, $3  }
0x392: {  	_ =	sdelay $0x1  }
0x393: {  	s18 =	sadd.s32 $0x4, s18  }
0x394: {  	s9 =	sadd.s32 $0x200, s9;
	v6 =	vmov s18;
	[tilespmem:v8+s28+$0x0] =	vst.idx.msk $0xffff, v7  }
0x395: {  	_ =	sdelay $0x3  }
0x396: {  	v6 =	vand.u32 $0x7C, v6;
	[tilespmem:v5+s28+$0x0] =	vst.idx.msk $0xffff, v4  }
0x397: {  	v4 =	vld [tilespmem:s5+$0x6800];
	v5 =	vadd.s32 v0, v6  }
0x398: {  	v7 =	vld [tilespmem:s5+$0xE800];
	v8 =	vadd.s32 v1, v6;
	_ =	sdelay $0x3  }
0x399: {  	[tilespmem:v5+s28+$0x0] =	vst.idx.msk $0xffff, v4  }
0x39a: {  	[tilespmem:v8+s28+$0x0] =	vst.idx.msk $0xffff, v7  }
0x39b: {  	v5 =	vadd.s32 v2, v6;
	v4 =	vld [tilespmem:s5+$0x6810]  }
0x39c: {  	v6 =	vadd.s32 v3, v6;
	v7 =	vld [tilespmem:s5+$0xE810];
	_ =	sdelay $0x2  }
0x39d: {  	s8 =	sadd.s32 $0x1, s18  }
0x39e: {  	[tilespmem:v5+s28+$0x0] =	vst.idx.msk $0xffff, v4;
	v4 =	vmov s8  }
0x39f: {  	[tilespmem:v6+s28+$0x0] =	vst.idx.msk $0xffff, v7;
	v4 =	vand.u32 $0x7D, v4  }
0x3a0: {  	v5 =	vld [tilespmem:s5+$0x6820];
	v55 =	vadd.s32 v0, v4  }
0x3a1: {  	v7 =	vld [tilespmem:s5+$0xE820];
	v56 =	vadd.s32 v1, v4;
	_ =	sdelay $0x3  }
0x3a2: {  	[tilespmem:v55+s28+$0x0] =	vst.idx.msk $0xffff, v5  }
0x3a3: {  	[tilespmem:v56+s28+$0x0] =	vst.idx.msk $0xffff, v7  }
0x3a4: {  	v57 =	vadd.s32 v2, v4;
	v5 =	vld [tilespmem:s5+$0x6830]  }
0x3a5: {  	v4 =	vadd.s32 v3, v4;
	v7 =	vld [tilespmem:s5+$0xE830];
	_ =	sdelay $0x2  }
0x3a6: {  	s11 =	sadd.s32 $0x2, s18  }
0x3a7: {  	[tilespmem:v57+s28+$0x0] =	vst.idx.msk $0xffff, v5;
	v5 =	vmov s11  }
0x3a8: {  	[tilespmem:v4+s28+$0x0] =	vst.idx.msk $0xffff, v7;
	v4 =	vand.u32 $0x7E, v5  }
0x3a9: {  	v5 =	vld [tilespmem:s5+$0x6840];
	v58 =	vadd.s32 v0, v4  }
0x3aa: {  	v7 =	vld [tilespmem:s5+$0xE840];
	v59 =	vadd.s32 v1, v4;
	_ =	sdelay $0x3  }
0x3ab: {  	[tilespmem:v58+s28+$0x0] =	vst.idx.msk $0xffff, v5  }
0x3ac: {  	[tilespmem:v59+s28+$0x0] =	vst.idx.msk $0xffff, v7  }
0x3ad: {  	v60 =	vadd.s32 v2, v4;
	v5 =	vld [tilespmem:s5+$0x6850]  }
0x3ae: {  	v4 =	vadd.s32 v3, v4;
	v7 =	vld [tilespmem:s5+$0xE850];
	_ =	sdelay $0x2  }
0x3af: {  	s18 =	sadd.s32 $0x3, s18  }
0x3b0: {  	[tilespmem:v60+s28+$0x0] =	vst.idx.msk $0xffff, v5;
	v5 =	vmov s18  }
0x3b1: {  	[tilespmem:v4+s28+$0x0] =	vst.idx.msk $0xffff, v7;
	v4 =	vand.u32 $0x7F, v5  }
0x3b2: {  	v5 =	vld [tilespmem:s5+$0x6860];
	v61 =	vadd.s32 v0, v4  }
0x3b3: {  	v7 =	vld [tilespmem:s5+$0xE860];
	v62 =	vadd.s32 v1, v4;
	_ =	sdelay $0x3  }
0x3b4: {  	[tilespmem:v61+s28+$0x0] =	vst.idx.msk $0xffff, v5  }
0x3b5: {  	[tilespmem:v62+s28+$0x0] =	vst.idx.msk $0xffff, v7  }
0x3b6: {  	v63 =	vadd.s32 v2, v4;
	v5 =	vld [tilespmem:s5+$0x6870]  }
0x3b7: {  	v4 =	vadd.s32 v3, v4;
	v7 =	vld [tilespmem:s5+$0xE870];
	_ =	sdelay $0x3  }
0x3b8: {  	[tilespmem:v63+s28+$0x0] =	vst.idx.msk $0xffff, v5  }
0x3b9: {  	s9 =	simm.s32 @!p0 $0x6800;
	s8 =	simm.s32 @!p0 $0x80;
	s5 =	sxor.u32 @!p0 $0x700, s31;
	[tilespmem:v4+s28+$0x0] =	vst.idx.msk $0xffff, v7  }
0x3ba: {  	[tilespmem:s9], [sflag:$0x9] =	stream.indirect.gather @!p0 [hbm4b:s2+s8], $0x20, s5, s8, $0xb8;
	[tilespmem:$0x14A00] =	vst v63  }
0x3bb: {  	s9 =	simm.s32 @!p0 $0xE800  }
0x3bc: {  	[tilespmem:s9], [sflag:$0x9] =	stream.indirect.gather @!p0 [hbm4b:s4+s8], $0x20, s5, s8, $0xb8;
	[tilespmem:$0x14A00] =	vst v63  }
0x3bd: {  	s10 =	simm.s32 $0x10908;
	s5 =	sadd.s32 s20, s14  }
0x3be: {  	s8 =	simm.s32 $0x10800;
	s9 =	simm.s32 $0x400;
	s18 =	sadd.s32 $0x0, s5  }
.LBB2_30:
0x3bf: {  	[hbm4b:s18+s3] =	stream.linear.scatter [tilespmem:s8], [sflag:$0xB], $0x100, $0x38;
	[tilespmem:$0x14A00] =	vst v63  }
0x3c0: {  	s11 =	smov.u32 s9;
	s8 =	smov.u32 s10;
	p1 =	sne.s32 s9, $0x7C00  }
.Ltmp13:
0x3c1: {  	s9 =	sadd.s32 $0x400, s9;
	(pc) =	sbr.rel @p1 .LBB2_30-.Ltmp13, $2  }
0x3c2: {  	_ =	sdelay $0x2  }
0x3c3: {  	s10 =	sadd.s32 $0x108, s10;
	s18 =	sadd.s32 s11, s5  }
0x3c4: {  	[hbm4b:s18+s3] =	stream.linear.scatter [tilespmem:s8], [sflag:$0xB], $0x100, $0x38;
	[tilespmem:$0x14A00] =	vst v63  }
0x3c5: {  	_ =	swait.ge [sflag:s26], $0x1000  }
0x3c6: {  	[sflag:s26] =	ssyncset.done $0x0  }
0x3c7: {  	[sflag:s26] =	ssyncadd.s32 $0xFFFFF000  }
0x3c8: {  	_ =	swait.ge [sflag:s26], $0x1000  }
0x3c9: {  	[sflag:s26] =	ssyncset.done $0x0  }
0x3ca: {  	[sflag:s26] =	ssyncadd.s32 $0xFFFFF000  }
0x3cb: {  	s5 =	simm.s32 $0x0;
	_ =	swait.ge [sflag:s25], $0x2000  }
0x3cc: {  	v4 =	vmov s5;
	[sflag:s25] =	ssyncset.done $0x0  }
0x3cd: {  	s9 =	simm.s32 $0x0;
	v4 =	vand.u32 $0x7C, v4;
	[sflag:s25] =	ssyncadd.s32 $0xFFFFE000  }
0x3ce: {  	v6 =	vadd.s32 v0, v4;
	v5 =	vld [tilespmem:s9+$0x7800]  }
0x3cf: {  	v8 =	vadd.s32 v1, v4;
	v7 =	vld [tilespmem:s9+$0xF800];
	_ =	sdelay $0x3  }
0x3d0: {  	[tilespmem:v6+s0+$0x0] =	vst.idx.msk $0xffff, v5  }
0x3d1: {  	[tilespmem:v8+s0+$0x0] =	vst.idx.msk $0xffff, v7  }
0x3d2: {  	v6 =	vadd.s32 v2, v4;
	v5 =	vld [tilespmem:s9+$0x7810]  }
0x3d3: {  	v4 =	vadd.s32 v3, v4;
	v7 =	vld [tilespmem:s9+$0xF810];
	_ =	sdelay $0x2  }
0x3d4: {  	s10 =	simm.s32 $0x1  }
0x3d5: {  	[tilespmem:v6+s0+$0x0] =	vst.idx.msk $0xffff, v5;
	v5 =	vmov s10  }
0x3d6: {  	[tilespmem:v4+s0+$0x0] =	vst.idx.msk $0xffff, v7;
	v4 =	vand.u32 $0x7D, v5  }
0x3d7: {  	v5 =	vld [tilespmem:s9+$0x7820];
	v6 =	vadd.s32 v0, v4  }
0x3d8: {  	v7 =	vld [tilespmem:s9+$0xF820];
	v8 =	vadd.s32 v1, v4;
	_ =	sdelay $0x3  }
0x3d9: {  	[tilespmem:v6+s0+$0x0] =	vst.idx.msk $0xffff, v5  }
0x3da: {  	[tilespmem:v8+s0+$0x0] =	vst.idx.msk $0xffff, v7  }
0x3db: {  	v6 =	vadd.s32 v2, v4;
	v5 =	vld [tilespmem:s9+$0x7830]  }
0x3dc: {  	v4 =	vadd.s32 v3, v4;
	v7 =	vld [tilespmem:s9+$0xF830];
	_ =	sdelay $0x2  }
0x3dd: {  	s11 =	simm.s32 $0x2  }
0x3de: {  	[tilespmem:v6+s0+$0x0] =	vst.idx.msk $0xffff, v5;
	v5 =	vmov s11  }
0x3df: {  	[tilespmem:v4+s0+$0x0] =	vst.idx.msk $0xffff, v7;
	v4 =	vand.u32 $0x7E, v5  }
0x3e0: {  	v5 =	vld [tilespmem:s9+$0x7840];
	v6 =	vadd.s32 v0, v4  }
0x3e1: {  	v7 =	vld [tilespmem:s9+$0xF840];
	v8 =	vadd.s32 v1, v4;
	_ =	sdelay $0x3  }
0x3e2: {  	[tilespmem:v6+s0+$0x0] =	vst.idx.msk $0xffff, v5  }
0x3e3: {  	[tilespmem:v8+s0+$0x0] =	vst.idx.msk $0xffff, v7  }
0x3e4: {  	v6 =	vadd.s32 v2, v4;
	v5 =	vld [tilespmem:s9+$0x7850]  }
0x3e5: {  	v4 =	vadd.s32 v3, v4;
	v7 =	vld [tilespmem:s9+$0xF850];
	_ =	sdelay $0x2  }
0x3e6: {  	s18 =	simm.s32 $0x3  }
0x3e7: {  	[tilespmem:v6+s0+$0x0] =	vst.idx.msk $0xffff, v5;
	v5 =	vmov s18  }
0x3e8: {  	[tilespmem:v4+s0+$0x0] =	vst.idx.msk $0xffff, v7;
	v5 =	vand.u32 $0x7F, v5  }
0x3e9: {  	v4 =	vld [tilespmem:s9+$0x7860];
	v6 =	vadd.s32 v0, v5  }
0x3ea: {  	v7 =	vld [tilespmem:s9+$0xF860];
	v8 =	vadd.s32 v1, v5;
	_ =	sdelay $0x3  }
0x3eb: {  	[tilespmem:v6+s0+$0x0] =	vst.idx.msk $0xffff, v4  }
0x3ec: {  	[tilespmem:v8+s0+$0x0] =	vst.idx.msk $0xffff, v7  }
0x3ed: {  	v8 =	vadd.s32 v2, v5;
	v7 =	vld [tilespmem:s9+$0x7870]  }
0x3ee: {  	v5 =	vadd.s32 v3, v5;
	v4 =	vld [tilespmem:s9+$0xF870];
	_ =	sdelay $0x2  }
0x3ef: {  	s18 =	simm.s32 $0x4  }
0x3f0: {  	s8 =	simm.s32 $0x2;
	s5 =	simm.s32 $0x80;
	v6 =	vmov s18;
	s9 =	simm.s32 $0x400;
	[tilespmem:v8+s0+$0x0] =	vst.idx.msk $0xffff, v7  }
.LBB2_32:
0x3f1: {  	s10 =	sshra.s32 s9, $0x2;
	s8 =	sadd.s32 $0x2, s8;
	v6 =	vand.u32 $0x7C, v6;
	[tilespmem:v5+s0+$0x0] =	vst.idx.msk $0xffff, v4  }
0x3f2: {  	p1 =	slt.u32 s8, $0x3E;
	v4 =	vld [tilespmem:s5+$0x7800];
	v5 =	vadd.s32 v0, v6  }
0x3f3: {  	v8 =	vadd.s32 v1, v6;
	v7 =	vld [tilespmem:s5+$0xF800];
	_ =	sdelay $0x3  }
0x3f4: {  	[tilespmem:v5+s0+$0x0] =	vst.idx.msk $0xffff, v4  }
0x3f5: {  	[tilespmem:v8+s0+$0x0] =	vst.idx.msk $0xffff, v7  }
0x3f6: {  	v5 =	vadd.s32 v2, v6;
	v4 =	vld [tilespmem:s5+$0x7810]  }
0x3f7: {  	v6 =	vadd.s32 v3, v6;
	v7 =	vld [tilespmem:s5+$0xF810];
	_ =	sdelay $0x2  }
0x3f8: {  	s11 =	sadd.s32 $0x1, s18  }
0x3f9: {  	[tilespmem:v5+s0+$0x0] =	vst.idx.msk $0xffff, v4;
	v4 =	vmov s11  }
0x3fa: {  	[tilespmem:v6+s0+$0x0] =	vst.idx.msk $0xffff, v7;
	v4 =	vand.u32 $0x7D, v4  }
0x3fb: {  	v5 =	vld [tilespmem:s5+$0x7820];
	v6 =	vadd.s32 v0, v4  }
0x3fc: {  	v8 =	vadd.s32 v1, v4;
	v7 =	vld [tilespmem:s5+$0xF820];
	_ =	sdelay $0x3  }
0x3fd: {  	[tilespmem:v6+s0+$0x0] =	vst.idx.msk $0xffff, v5  }
0x3fe: {  	[tilespmem:v8+s0+$0x0] =	vst.idx.msk $0xffff, v7  }
0x3ff: {  	v6 =	vadd.s32 v2, v4;
	v5 =	vld [tilespmem:s5+$0x7830]  }
0x400: {  	v4 =	vadd.s32 v3, v4;
	v7 =	vld [tilespmem:s5+$0xF830];
	_ =	sdelay $0x2  }
0x401: {  	s11 =	sadd.s32 $0x2, s18  }
0x402: {  	[tilespmem:v6+s0+$0x0] =	vst.idx.msk $0xffff, v5;
	v5 =	vmov s11  }
0x403: {  	[tilespmem:v4+s0+$0x0] =	vst.idx.msk $0xffff, v7;
	v4 =	vand.u32 $0x7E, v5  }
0x404: {  	v5 =	vld [tilespmem:s5+$0x7840];
	v6 =	vadd.s32 v0, v4  }
0x405: {  	v8 =	vadd.s32 v1, v4;
	v7 =	vld [tilespmem:s5+$0xF840];
	_ =	sdelay $0x3  }
0x406: {  	[tilespmem:v6+s0+$0x0] =	vst.idx.msk $0xffff, v5  }
0x407: {  	[tilespmem:v8+s0+$0x0] =	vst.idx.msk $0xffff, v7  }
0x408: {  	v6 =	vadd.s32 v2, v4;
	v5 =	vld [tilespmem:s5+$0x7850]  }
0x409: {  	v4 =	vadd.s32 v3, v4;
	v7 =	vld [tilespmem:s5+$0xF850];
	_ =	sdelay $0x2  }
0x40a: {  	s11 =	sadd.s32 $0x3, s18  }
0x40b: {  	[tilespmem:v6+s0+$0x0] =	vst.idx.msk $0xffff, v5;
	v5 =	vmov s11  }
0x40c: {  	[tilespmem:v4+s0+$0x0] =	vst.idx.msk $0xffff, v7;
	v5 =	vand.u32 $0x7F, v5  }
0x40d: {  	v4 =	vld [tilespmem:s5+$0x7860];
	v6 =	vadd.s32 v0, v5  }
0x40e: {  	v8 =	vadd.s32 v1, v5;
	v7 =	vld [tilespmem:s5+$0xF860];
	_ =	sdelay $0x3  }
0x40f: {  	[tilespmem:v6+s0+$0x0] =	vst.idx.msk $0xffff, v4  }
0x410: {  	[tilespmem:v8+s0+$0x0] =	vst.idx.msk $0xffff, v7  }
0x411: {  	v8 =	vadd.s32 v2, v5;
	v7 =	vld [tilespmem:s5+$0x7870]  }
.Ltmp14:
0x412: {  	v5 =	vadd.s32 v3, v5;
	v4 =	vld [tilespmem:s5+$0xF870];
	s5 =	smov.u32 s10;
	(pc) =	sbr.rel @p1 .LBB2_32-.Ltmp14, $3  }
0x413: {  	_ =	sdelay $0x1  }
0x414: {  	s18 =	sadd.s32 $0x4, s18  }
0x415: {  	s9 =	sadd.s32 $0x200, s9;
	v6 =	vmov s18;
	[tilespmem:v8+s0+$0x0] =	vst.idx.msk $0xffff, v7  }
0x416: {  	_ =	sdelay $0x3  }
0x417: {  	v6 =	vand.u32 $0x7C, v6;
	[tilespmem:v5+s0+$0x0] =	vst.idx.msk $0xffff, v4  }
0x418: {  	v4 =	vld [tilespmem:s5+$0x7800];
	v5 =	vadd.s32 v0, v6  }
0x419: {  	v7 =	vld [tilespmem:s5+$0xF800];
	v8 =	vadd.s32 v1, v6;
	_ =	sdelay $0x3  }
0x41a: {  	[tilespmem:v5+s0+$0x0] =	vst.idx.msk $0xffff, v4  }
0x41b: {  	[tilespmem:v8+s0+$0x0] =	vst.idx.msk $0xffff, v7  }
0x41c: {  	v5 =	vadd.s32 v2, v6;
	v4 =	vld [tilespmem:s5+$0x7810]  }
0x41d: {  	v6 =	vadd.s32 v3, v6;
	v7 =	vld [tilespmem:s5+$0xF810];
	_ =	sdelay $0x2  }
0x41e: {  	s8 =	sadd.s32 $0x1, s18  }
0x41f: {  	[tilespmem:v5+s0+$0x0] =	vst.idx.msk $0xffff, v4;
	v4 =	vmov s8  }
0x420: {  	[tilespmem:v6+s0+$0x0] =	vst.idx.msk $0xffff, v7;
	v4 =	vand.u32 $0x7D, v4  }
0x421: {  	v5 =	vld [tilespmem:s5+$0x7820];
	v55 =	vadd.s32 v0, v4  }
0x422: {  	v7 =	vld [tilespmem:s5+$0xF820];
	v56 =	vadd.s32 v1, v4;
	_ =	sdelay $0x3  }
0x423: {  	[tilespmem:v55+s0+$0x0] =	vst.idx.msk $0xffff, v5  }
0x424: {  	[tilespmem:v56+s0+$0x0] =	vst.idx.msk $0xffff, v7  }
0x425: {  	v57 =	vadd.s32 v2, v4;
	v5 =	vld [tilespmem:s5+$0x7830]  }
0x426: {  	v4 =	vadd.s32 v3, v4;
	v7 =	vld [tilespmem:s5+$0xF830];
	_ =	sdelay $0x2  }
0x427: {  	s11 =	sadd.s32 $0x2, s18  }
0x428: {  	[tilespmem:v57+s0+$0x0] =	vst.idx.msk $0xffff, v5;
	v5 =	vmov s11  }
0x429: {  	[tilespmem:v4+s0+$0x0] =	vst.idx.msk $0xffff, v7;
	v4 =	vand.u32 $0x7E, v5  }
0x42a: {  	v5 =	vld [tilespmem:s5+$0x7840];
	v58 =	vadd.s32 v0, v4  }
0x42b: {  	v7 =	vld [tilespmem:s5+$0xF840];
	v59 =	vadd.s32 v1, v4;
	_ =	sdelay $0x3  }
0x42c: {  	[tilespmem:v58+s0+$0x0] =	vst.idx.msk $0xffff, v5  }
0x42d: {  	[tilespmem:v59+s0+$0x0] =	vst.idx.msk $0xffff, v7  }
0x42e: {  	v60 =	vadd.s32 v2, v4;
	v5 =	vld [tilespmem:s5+$0x7850]  }
0x42f: {  	v4 =	vadd.s32 v3, v4;
	v7 =	vld [tilespmem:s5+$0xF850];
	_ =	sdelay $0x2  }
0x430: {  	s18 =	sadd.s32 $0x3, s18  }
0x431: {  	[tilespmem:v60+s0+$0x0] =	vst.idx.msk $0xffff, v5;
	v5 =	vmov s18  }
0x432: {  	[tilespmem:v4+s0+$0x0] =	vst.idx.msk $0xffff, v7;
	v4 =	vand.u32 $0x7F, v5  }
0x433: {  	v5 =	vld [tilespmem:s5+$0x7860];
	v61 =	vadd.s32 v0, v4  }
0x434: {  	v7 =	vld [tilespmem:s5+$0xF860];
	v62 =	vadd.s32 v1, v4;
	_ =	sdelay $0x3  }
0x435: {  	[tilespmem:v61+s0+$0x0] =	vst.idx.msk $0xffff, v5  }
0x436: {  	[tilespmem:v62+s0+$0x0] =	vst.idx.msk $0xffff, v7  }
0x437: {  	v63 =	vadd.s32 v2, v4;
	v5 =	vld [tilespmem:s5+$0x7870]  }
0x438: {  	v4 =	vadd.s32 v3, v4;
	v7 =	vld [tilespmem:s5+$0xF870];
	_ =	sdelay $0x3  }
0x439: {  	[tilespmem:v63+s0+$0x0] =	vst.idx.msk $0xffff, v5  }
0x43a: {  	s9 =	simm.s32 @!p0 $0x7800;
	s8 =	simm.s32 @!p0 $0x80;
	s5 =	sxor.u32 @!p0 $0x780, s31;
	[tilespmem:v4+s0+$0x0] =	vst.idx.msk $0xffff, v7  }
0x43b: {  	[tilespmem:s9], [sflag:$0xA] =	stream.indirect.gather @!p0 [hbm4b:s2+s8], $0x20, s5, s8, $0xb8;
	[tilespmem:$0x14A00] =	vst v63  }
0x43c: {  	p1 =	sgt.u32 @!p0 s6, $0x16;
	s9 =	simm.s32 @!p0 $0xF800  }
0x43d: {  	[tilespmem:s9], [sflag:$0xA] =	stream.indirect.gather @!p0 [hbm4b:s4+s8], $0x20, s5, s8, $0xb8;
	[tilespmem:$0x14A00] =	vst v63  }
0x43e: {  	p0 =	por p1, p0  }
0x43f: {  	s5 =	sshll.u32 @!p0 s6, $0xC;
	s6 =	sshll.u32 @!p0 s7, $0xA;
	s7 =	sadd.s32 @!p0 $0x1, s7  }
0x440: {  	s8 =	simm.s32 @!p0 $0x80;
	s9 =	simm.s32 @!p0 $0x1000;
	s5 =	sadd.s32 @!p0 s5, s15  }
0x441: {  	[tilespmem:s6], [sflag:s7] =	stream.strided.gather @!p0 [hbm4b:s5+s8], $0x400, s9, s8, $0x38;
	[tilespmem:$0x14A00] =	vst v63  }
0x442: {  	s5 =	sadd.s32 s20, s16;
	s6 =	simm.s32 $0x12900  }
0x443: {  	s7 =	simm.s32 $0x400;
	s8 =	simm.s32 $0x12A08;
	s9 =	sadd.s32 $0x0, s5  }
.LBB2_34:
0x444: {  	[hbm4b:s9+s3] =	stream.linear.scatter [tilespmem:s6], [sflag:$0xC], $0x100, $0x38;
	[tilespmem:$0x14A00] =	vst v63  }
0x445: {  	s9 =	smov.u32 s7;
	s6 =	smov.u32 s8;
	p0 =	seq.s32 s7, $0x7C00  }
.Ltmp15:
0x446: {  	s7 =	sadd.s32 $0x400, s7;
	(pc) =	sbr.rel @!p0 .LBB2_34-.Ltmp15, $2  }
0x447: {  	_ =	sdelay $0x2  }
0x448: {  	s8 =	sadd.s32 $0x108, s8;
	s9 =	sadd.s32 s9, s5  }
0x449: {  	[hbm4b:s9+s3] =	stream.linear.scatter [tilespmem:s6], [sflag:$0xC], $0x100, $0x38;
	[tilespmem:$0x14A00] =	vst v63  }
0x44a: {  	p0 =	seq.s32 s17, $0x19  }
.Ltmp16:
0x44b: {  	_ = 	snop;
	(pc) =	sbr.rel @!p0 .LBB2_3-.Ltmp16, $1  }
0x44c: {  	_ =	sdelay $0x3  }
0x44d: {  	_ =	swait.ge [sflag:s23], $0x2000  }
0x44e: {  	[sflag:s23] =	ssyncset.done $0x0  }
0x44f: {  	[sflag:s23] =	ssyncadd.s32 $0xFFFFE000  }
0x450: {  	_ =	swait.ge [sflag:s25], $0x2000  }
0x451: {  	s6 =	rddreg [dreg:$0xb]  }
0x452: {  	s5 =	rddreg [dreg:$0xa];
	s6 =	sadd.s32 $0x1, s6  }
0x453: {  	p0 =	sne.s32 s6, s5  }
.Ltmp17:
0x454: {  	_ = 	snop;
	(pc) =	sbr.rel @p0 .LBB2_1-.Ltmp17, $3  }
0x455: {  	_ =	sdelay $0x1  }
0x456: {  	[sflag:s25] =	ssyncset.done $0x0  }
0x457: {  	[sflag:s25] =	ssyncadd.s32 $0xFFFFE000  }
0x458: {  	_ =	sfence.sel $0x180000  }
0x459: {  	[bflag:$0x0] =	sbarrier.arrive $0xFFFF  }
0x45a: {  	_ =	strace $0x90000047  }
0x45b: {  	s0 =	stileid.u32;
	[bflag:$0x2] =	sbarrier.arrive $0xFFFF  }
0x45c: {  	p0 =	sne.s32 s0, $0x0;
	s0 =	rddreg [dreg:$0x2]  }
0x45d: {  	s0 =	sadd.s32 @!p0 $0x100000, s0  }
0x45e: {  	[sflag:s0] =	ssyncadd.tile.s32 @!p0 $0x1;
	_ =	shalt  }
.Lfunc_end2:
_tile_overlayer_lowered:
.L_overlay_start_2:
0x45f: {  	(tag) =	ssettag $0x2  }
0x460: {  	s0 =	rddreg [dreg:$0x0];
	s2 =	stileid.u32  }
0x461: {  	s1 =	rddreg [dreg:$0x1];
	p0 =	sne.s32 s2, $0x0  }
0x462: {  	s3 =	rddreg [dreg:$0x2];
	[bflag:$0x3] =	sbarrier.arrive $0xFFFF;
	s2 =	simm.s32 @!p0 $0x1C0D  }
0x463: {  	[timem:s3], [sflag:s2] =	dma.local @!p0 [hbm:s0], s1  }
0x464: {  	s0 =	simm.s32 @!p0 $0xD  }
0x465: {  	_ =	swait.ge @!p0 [sflag:s0], s1  }
0x466: {  	s1 =	ssub.s32 @!p0 $0x0, s1;
	[sflag:s0] =	ssyncset.done @!p0 $0x0  }
0x467: {  	[sflag:s0] =	ssyncadd.s32 @!p0 s1  }
0x468: {  	[bflag:$0x3] =	sbarrier.arrive $0xFFFF  }
0x469: {  	_ =	shalt  }

</sc_bundles>
